<compile_context>
chip_gen: v7x
topology: tpu7x:2x2x1
jax: 0.10.2.dev20260603
libtpu: 0.0.44.dev20260713+nightly
codegen_flags: <defaults>
</compile_context>

<pallas_src>
import functools
import math

import jax
import jax.numpy as jnp
from jax import lax
from jax.experimental import pallas as pl
from jax.experimental.pallas import tpu as pltpu
from jax.experimental.pallas import tpu_sc as plsc

N = 10000
E = 320000
H = 128
HEADS = 4
B = 64

NCORE = 2
NSUB = 16
NT = NCORE * NSUB
CH = 128
NJUNK = 112
NACC = N + NJUNK
ZROWS = NACC // NSUB


def _pad_edges(idx, pad, junk_base):
    npad = pad - idx.shape[0]
    fill_mod = N if junk_base is None else NJUNK
    base = 0 if junk_base is None else junk_base
    fill = base + (jnp.arange(npad, dtype=jnp.int32) * 97) % fill_mod
    out = jnp.concatenate([idx, fill])
    return out.reshape(NT, -1, CH)



def _gin_sc_agg(h, idx_gin, zrows):
    nchunk = idx_gin.shape[1]
    mesh = plsc.VectorSubcoreMesh(core_axis_name="c", subcore_axis_name="s")

    @functools.partial(
        pl.kernel,
        out_type=jax.ShapeDtypeStruct((NCORE, N, H), jnp.float32),
        mesh=mesh,
        compiler_params=pltpu.CompilerParams(needs_layout_passes=False),
        scratch_types=[
            pltpu.VMEM_SHARED((NACC, H), jnp.float32),
            pltpu.VMEM((2, CH), jnp.int32),
            pltpu.VMEM((2, CH), jnp.int32),
            pltpu.VMEM((CH, H), jnp.float32),
            pltpu.VMEM((CH, H), jnp.float32),
            pltpu.SemaphoreType.DMA,
            pltpu.SemaphoreType.DMA,
            pltpu.SemaphoreType.DMA,
            pltpu.SemaphoreType.DMA,
        ],
    )
    def k(h_hbm, idx_hbm, z_hbm, out_hbm, acc, idx0, idx1, rows0, rows1,
          gsem0, gsem1, ssem0, ssem1):
        c = lax.axis_index("c")
        s = lax.axis_index("s")
        wid = c * NSUB + s

        pltpu.sync_copy(z_hbm, acc.at[pl.ds(s * ZROWS, ZROWS)])
        plsc.subcore_barrier()

        pltpu.sync_copy(idx_hbm.at[wid, 0], idx0)
        pltpu.async_copy(h_hbm.at[idx0.at[0]], rows0, gsem0)

        def half(j, idx_c, rows_c, gsem_c, ssem_c, idx_n, rows_n,
                 gsem_n, ssem_n):
            pltpu.make_async_copy(h_hbm.at[idx_c.at[0]], rows_c,
                                  gsem_c).wait()

            @pl.when(j < nchunk - 1)
            def _():
                @pl.when(j >= 1)
                def _():
                    pltpu.make_async_copy(rows_n, acc.at[idx_n.at[1]],
                                          ssem_n).wait()
                pltpu.sync_copy(idx_hbm.at[wid, j + 1], idx_n)
                pltpu.async_copy(h_hbm.at[idx_n.at[0]], rows_n, gsem_n)

            pltpu.async_copy(rows_c, acc.at[idx_c.at[1]], add=True,
                             sem=ssem_c)

        def body(p, _):
            j = p * 2
            half(j, idx0, rows0, gsem0, ssem0, idx1, rows1, gsem1, ssem1)
            half(j + 1, idx1, rows1, gsem1, ssem1, idx0, rows0, gsem0, ssem0)
            return 0

        lax.fori_loop(0, nchunk // 2, body, 0)
        if nchunk % 2 == 1:
            half(jnp.int32(nchunk - 1), idx0, rows0, gsem0, ssem0,
                 idx1, rows1, gsem1, ssem1)
            pltpu.make_async_copy(rows0, acc.at[idx0.at[1]], ssem0).wait()
            pltpu.make_async_copy(rows1, acc.at[idx1.at[1]], ssem1).wait()
        else:
            pltpu.make_async_copy(rows0, acc.at[idx0.at[1]], ssem0).wait()
            pltpu.make_async_copy(rows1, acc.at[idx1.at[1]], ssem1).wait()
        plsc.subcore_barrier()

        @pl.when(s < NSUB - 1)
        def _():
            pltpu.sync_copy(acc.at[pl.ds(s * ZROWS, ZROWS)],
                            out_hbm.at[c, pl.ds(s * ZROWS, ZROWS)])

        @pl.when(s == NSUB - 1)
        def _():
            last = N - (NSUB - 1) * ZROWS
            pltpu.sync_copy(acc.at[pl.ds((NSUB - 1) * ZROWS, last)],
                            out_hbm.at[c, pl.ds((NSUB - 1) * ZROWS, last)])

    return k(h, idx_gin, zrows)



HW = 144


def _gat_sc(xp_flat, ad8, idx_gat, zrows_hw):
    nc = idx_gat.shape[2]
    mesh = plsc.VectorSubcoreMesh(core_axis_name="c", subcore_axis_name="s")

    @functools.partial(
        pl.kernel,
        out_type=jax.ShapeDtypeStruct((HEADS, N, HW), jnp.float32),
        mesh=mesh,
        compiler_params=pltpu.CompilerParams(needs_layout_passes=False,
                                             use_tc_tiling_on_sc=False),
        scratch_types=[
            pltpu.VMEM_SHARED((NACC, HW), jnp.float32),
            pltpu.VMEM((3, CH), jnp.int32),
            pltpu.VMEM((3, CH), jnp.int32),
            pltpu.VMEM((CH, 8), jnp.float32),
            pltpu.VMEM((CH + 16,), jnp.float32),
            pltpu.VMEM((CH, HW), jnp.float32),
            pltpu.VMEM((CH, HW), jnp.float32),
            pltpu.SemaphoreType.DMA,
            pltpu.SemaphoreType.DMA,
            pltpu.SemaphoreType.DMA,
            pltpu.SemaphoreType.DMA,
        ],
    )
    def k(xp_hbm, ad_hbm, idx_hbm, z_hbm, out_hbm,
          acc, idx0, idx1, adb, wbuf, rows0, rows1, gsem0, gsem1,
          ssem0, ssem1):
        c = lax.axis_index("c")
        s = lax.axis_index("s")
        col_as = jnp.full((16,), H + 1, jnp.int32)
        col0 = jnp.zeros((16,), jnp.int32)

        def head_pass(hp, _):
            head = c * (HEADS // NCORE) + hp
            pltpu.sync_copy(z_hbm, acc.at[pl.ds(s * ZROWS, ZROWS)])
            plsc.subcore_barrier()

            pltpu.sync_copy(idx_hbm.at[head, s, 0], idx0)
            pltpu.async_copy(xp_hbm.at[idx0.at[0]], rows0, gsem0)
            pltpu.async_copy(ad_hbm.at[idx0.at[1]], adb, gsem0)

            def half(j, idx_c, rows_c, gsem_c, ssem_c, idx_n, rows_n,
                     gsem_n, ssem_n):
                pltpu.make_async_copy(ad_hbm.at[idx_c.at[1]], adb,
                                      gsem_c).wait()
                pltpu.make_async_copy(xp_hbm.at[idx_c.at[0]], rows_c,
                                      gsem_c).wait()
                for i in range(CH // 16):
                    e16 = lax.iota(jnp.int32, 16) + (i * 16)
                    logit = (plsc.load_gather(rows_c, [e16, col_as])
                             + plsc.load_gather(adb, [e16, col0]))
                    logit = jnp.maximum(logit, 0.2 * logit)
                    wbuf[pl.ds(i * 16, 16)] = jnp.exp(logit)

                @pl.when(j < nc - 1)
                def _():
                    @pl.when(j >= 1)
                    def _():
                        pltpu.make_async_copy(rows_n, acc.at[idx_n.at[2]],
                                              ssem_n).wait()
                    pltpu.sync_copy(idx_hbm.at[head, s, j + 1], idx_n)
                    pltpu.async_copy(xp_hbm.at[idx_n.at[0]], rows_n, gsem_n)
                    pltpu.async_copy(ad_hbm.at[idx_n.at[1]], adb, gsem_n)

                def scale(p2, _):
                    e = p2 * 2
                    w0 = wbuf[pl.ds(e, 16)][0]
                    w1 = wbuf[pl.ds(e + 1, 16)][0]
                    for q in range(HW // 16):
                        rows_c[e, pl.ds(q * 16, 16)] = (
                            rows_c[e, pl.ds(q * 16, 16)] * w0)
                    for q in range(HW // 16):
                        rows_c[e + 1, pl.ds(q * 16, 16)] = (
                            rows_c[e + 1, pl.ds(q * 16, 16)] * w1)
                    return 0

                lax.fori_loop(0, CH // 2, scale, 0)
                pltpu.async_copy(rows_c, acc.at[idx_c.at[2]], add=True,
                                 sem=ssem_c)

            def chunk_pair(p, _):
                j = p * 2
                half(j, idx0, rows0, gsem0, ssem0, idx1, rows1, gsem1, ssem1)
                half(j + 1, idx1, rows1, gsem1, ssem1, idx0, rows0, gsem0,
                     ssem0)
                return 0

            lax.fori_loop(0, nc // 2, chunk_pair, 0)
            pltpu.make_async_copy(rows0, acc.at[idx0.at[2]], ssem0).wait()
            pltpu.make_async_copy(rows1, acc.at[idx1.at[2]], ssem1).wait()
            plsc.subcore_barrier()

            @pl.when(s < NSUB - 1)
            def _():
                pltpu.sync_copy(acc.at[pl.ds(s * ZROWS, ZROWS)],
                                out_hbm.at[head, pl.ds(s * ZROWS, ZROWS)])

            @pl.when(s == NSUB - 1)
            def _():
                last = N - (NSUB - 1) * ZROWS
                pltpu.sync_copy(acc.at[pl.ds((NSUB - 1) * ZROWS, last)],
                                out_hbm.at[head, pl.ds((NSUB - 1) * ZROWS,
                                                       last)])
            plsc.subcore_barrier()
            return 0

        lax.fori_loop(0, HEADS // NCORE, head_pass, 0)

    return k(xp_flat, ad8, idx_gat, zrows_hw)



_BBN = 1000


def _gat_build_kernel(x_ref, w_ref, as_ref, ad_ref, aug_ref, ad_o):
    xp = x_ref[...] @ w_ref[...]
    a_s = jnp.sum(xp * as_ref[0], axis=-1)
    aug_ref[0] = jnp.concatenate(
        [xp, jnp.ones((N, 1), jnp.float32), a_s[:, None],
         jnp.zeros((N, HW - H - 2), jnp.float32)], axis=1)
    ad_o[0, 0] = jnp.sum(xp * ad_ref[0], axis=-1)


def _gat_build_tc(x, W, a_src, a_dst):
    f = x.shape[1]
    aug, a_d3 = pl.pallas_call(
        _gat_build_kernel,
        grid=(HEADS,),
        in_specs=[
            pl.BlockSpec((N, f), lambda h: (0, 0)),
            pl.BlockSpec((f, H), lambda h: (0, h)),
            pl.BlockSpec((1, 1, H), lambda h: (h, 0, 0)),
            pl.BlockSpec((1, 1, H), lambda h: (h, 0, 0)),
        ],
        out_specs=[
            pl.BlockSpec((1, N, HW), lambda h: (h, 0, 0)),
            pl.BlockSpec((1, 1, N), lambda h: (h, 0, 0)),
        ],
        out_shape=[
            jax.ShapeDtypeStruct((HEADS, N, HW), jnp.float32),
            jax.ShapeDtypeStruct((HEADS, 1, N), jnp.float32),
        ],
    )(x, W, a_src.reshape(HEADS, 1, H), a_dst.reshape(HEADS, 1, H))
    return aug, a_d3


def _gat_finish_kernel(g_ref, bg_ref, out_ref):
    acc4 = g_ref[...]
    num = acc4[:, :, :H]
    den = acc4[:, :, H:H + 1]
    out_ref[...] = jnp.maximum((num / den).mean(0) + bg_ref[...], 0.0)


def _gat_finish_tc(gacc, bg):
    return pl.pallas_call(
        _gat_finish_kernel,
        grid=(N // _BBN,),
        in_specs=[
            pl.BlockSpec((HEADS, _BBN, HW), lambda i: (0, i, 0)),
            pl.BlockSpec((H,), lambda i: (0,)),
        ],
        out_specs=pl.BlockSpec((_BBN, H), lambda i: (i, 0)),
        out_shape=jax.ShapeDtypeStruct((N, H), jnp.float32),
    )(gacc, bg)


def _gat_sc_full(x, W, a_src, a_dst, bg, idx_gat, zrows_hw):
    aug, a_d3 = _gat_build_tc(x, W, a_src, a_dst)
    a_dp = jnp.pad(a_d3.reshape(HEADS, N), ((0, 0), (0, NJUNK)))
    ad8 = jnp.pad(a_dp.reshape(HEADS * NACC, 1), ((0, 0), (0, 7)))
    gacc = _gat_sc(aug.reshape(HEADS * N, HW), ad8, idx_gat, zrows_hw)
    return _gat_finish_tc(gacc, bg)



_GBN = 1000


def _gin_block_kernel(h_ref, p_ref, w1_ref, b1_ref, w2_ref, b2_ref,
                      g_ref, bb_ref, out_ref):
    h = h_ref[...]
    agg = p_ref[0] + p_ref[1]
    t = h + agg
    t = jnp.maximum(t @ w1_ref[...] + b1_ref[...], 0.0)
    t = h + (t @ w2_ref[...] + b2_ref[...])
    m = t.mean(-1, keepdims=True)
    v = ((t - m) ** 2).mean(-1, keepdims=True)
    out_ref[...] = (t - m) / jnp.sqrt(v + 1e-5) * g_ref[...] + bb_ref[...]


def _gin_block_tc(h, partials, w1, b1, w2, b2, g, b):
    return pl.pallas_call(
        _gin_block_kernel,
        grid=(N // _GBN,),
        in_specs=[
            pl.BlockSpec((_GBN, H), lambda i: (i, 0)),
            pl.BlockSpec((NCORE, _GBN, H), lambda i: (0, i, 0)),
            pl.BlockSpec((H, H), lambda i: (0, 0)),
            pl.BlockSpec((H,), lambda i: (0,)),
            pl.BlockSpec((H, H), lambda i: (0, 0)),
            pl.BlockSpec((H,), lambda i: (0,)),
            pl.BlockSpec((H,), lambda i: (0,)),
            pl.BlockSpec((H,), lambda i: (0,)),
        ],
        out_specs=pl.BlockSpec((_GBN, H), lambda i: (i, 0)),
        out_shape=jax.ShapeDtypeStruct((N, H), jnp.float32),
    )(h, partials, w1, b1, w2, b2, g, b)



_BN = 1000


def _pool_kernel(h2_ref, bat_ref, gw1_ref, gb1_ref, gw2_ref, gb2_ref,
                 pooled_ref, s_ref):
    i = pl.program_id(0)

    h2 = h2_ref[...]
    g = jnp.maximum(h2 @ gw1_ref[...] + gb1_ref[...], 0.0)
    logit = g @ gw2_ref[...] + gb2_ref[...]
    e = jnp.exp(logit[:, 0])

    bat = bat_ref[...]
    onehot = (bat == lax.broadcasted_iota(jnp.int32, (1, B), 1)).astype(
        jnp.float32)

    pooled_blk = onehot.T @ (e[:, None] * h2)
    s_blk = onehot.T @ e[:, None]

    @pl.when(i == 0)
    def _():
        pooled_ref[...] = jnp.zeros_like(pooled_ref)
        s_ref[...] = jnp.zeros_like(s_ref)

    pooled_ref[...] += pooled_blk
    s_ref[...] += s_blk


def _final_kernel(pooled_ref, s_ref, l1w_ref, l1b_ref, lnfg_ref, lnfb_ref,
                  l2w_ref, l2b_ref, out_ref):
    pooled = pooled_ref[...] / (s_ref[...] + 1e-16)
    z = pooled @ l1w_ref[...] + l1b_ref[...]
    m = z.mean(-1, keepdims=True)
    v = ((z - m) ** 2).mean(-1, keepdims=True)
    z = (z - m) / jnp.sqrt(v + 1e-5) * lnfg_ref[...] + lnfb_ref[...]
    z = jnp.maximum(z, 0.0)
    out_ref[...] = z @ l2w_ref[...] + l2b_ref[...]


def _pool_and_head(h2, batch, gw1, gb1, gw2, gb2, l1w, l1b, lnfg, lnfb,
                   l2w, l2b):
    bat2 = batch[:, None]
    pooled, s = pl.pallas_call(
        _pool_kernel,
        grid=(N // _BN,),
        in_specs=[
            pl.BlockSpec((_BN, H), lambda i: (i, 0)),
            pl.BlockSpec((_BN, 1), lambda i: (i, 0)),
            pl.BlockSpec((H, H), lambda i: (0, 0)),
            pl.BlockSpec((H,), lambda i: (0,)),
            pl.BlockSpec((H, 1), lambda i: (0, 0)),
            pl.BlockSpec((1,), lambda i: (0,)),
        ],
        out_specs=[
            pl.BlockSpec((B, H), lambda i: (0, 0)),
            pl.BlockSpec((B, 1), lambda i: (0, 0)),
        ],
        out_shape=[
            jax.ShapeDtypeStruct((B, H), jnp.float32),
            jax.ShapeDtypeStruct((B, 1), jnp.float32),
        ],
    )(h2, bat2, gw1, gb1, gw2, gb2)

    out = pl.pallas_call(
        _final_kernel,
        out_shape=jax.ShapeDtypeStruct((B, 6), jnp.float32),
    )(pooled, s, l1w, l1b, lnfg, lnfb, l2w, l2b)
    return out


def kernel(x, edge_index, batch, W1, as1, ad1, bg1, g1w1, g1b1, g1w2, g1b2,
           ln1g, ln1b, W2, as2, ad2, bg2, g2w1, g2b1, g2w2, g2b2, ln2g, ln2b,
           gw1, gb1, gw2, gb2, l1w, l1b, lnfg, lnfb, l2w, l2b):
    src0, dst0 = edge_index[0], edge_index[1]
    loop = jnp.arange(N, dtype=edge_index.dtype)
    src = jnp.concatenate([src0, loop])
    dst = jnp.concatenate([dst0, loop])

    e_pad = NT * CH * math.ceil(E / (NT * CH))
    srcp = _pad_edges(src0, e_pad, None)
    dstp = _pad_edges(dst0, e_pad, N)
    idx_gin = jnp.stack([srcp, dstp], axis=2)
    zrows = jnp.zeros((ZROWS, H), jnp.float32)
    zrows_hw = jnp.zeros((ZROWS, HW), jnp.float32)

    eg_pad = NSUB * CH * math.ceil((E + N) / (NSUB * CH))
    npad_g = eg_pad - (E + N)
    src_g = jnp.concatenate(
        [src, (jnp.arange(npad_g, dtype=jnp.int32) * 97) % N])
    dst_g = jnp.concatenate(
        [dst, N + (jnp.arange(npad_g, dtype=jnp.int32) * 97) % NJUNK])
    src_t = src_g.reshape(NSUB, -1, CH)
    dst_t = dst_g.reshape(NSUB, -1, CH)
    idx_gat = jnp.stack(
        [jnp.stack([src_t + hd * N, dst_t + hd * NACC, dst_t], axis=2)
         for hd in range(HEADS)], axis=0)

    h = _gat_sc_full(x, W1, as1, ad1, bg1, idx_gat, zrows_hw)
    h = _gin_block_tc(h, _gin_sc_agg(h, idx_gin, zrows),
                      g1w1, g1b1, g1w2, g1b2, ln1g, ln1b)
    h2 = _gat_sc_full(h, W2, as2, ad2, bg2, idx_gat, zrows_hw)
    h2 = _gin_block_tc(h2, _gin_sc_agg(h2, idx_gin, zrows),
                       g2w1, g2b1, g2w2, g2b2, ln2g, ln2b)

    return _pool_and_head(h2, batch, gw1, gb1, gw2, gb2, l1w, l1b,
                          lnfg, lnfb, l2w, l2b)

# --- scband reference (transcript-rebuilt; emitter-appended) ---
"""Pipeline reference for scband-gat-ginmulti-label-18803366822477 (READ-ONLY COPY).

The authoritative reference and input builder live on the scoring server;
editing this copy changes nothing except your own understanding.
"""

import jax, jax.numpy as jnp
import numpy as np

N = 10000
E = 320000
F_IN = 28
H = 128
HEADS = 4
B = 64

def _layer_norm(x, g, b):
    m = x.mean(-1, keepdims=True)
    v = ((x - m) ** 2).mean(-1, keepdims=True)
    return (x - m) / jnp.sqrt(v + 1e-5) * g + b

def _seg_softmax(logits, segs, num):
    mx = jax.ops.segment_max(logits, segs, num_segments=num)
    mx = jnp.where(jnp.isfinite(mx), mx, 0.0)
    e = jnp.exp(logits - mx[segs])
    s = jax.ops.segment_sum(e, segs, num_segments=num)
    return e / (s[segs] + 1e-16)

def _gat(x, src, dst, W, a_src, a_dst, bias):
    # PyG GATConv, heads=4, concat=False (mean over heads), add_self_loops handled by caller
    xp = (x @ W).reshape(N, HEADS, H)
    a_s = jnp.sum(xp * a_src[None], -1)
    a_d = jnp.sum(xp * a_dst[None], -1)
    alpha = jax.nn.leaky_relu(a_s[src] + a_d[dst], 0.2)
    alpha = _seg_softmax(alpha, dst, N)
    out = jax.ops.segment_sum(xp[src] * alpha[..., None], dst, num_segments=N)
    return out.mean(1) + bias

def _gin(x, src, dst, w1, b1, w2, b2):
    # PyG GINConv, eps=0: mlp((1+0)*x + sum_neighbors)
    agg = jax.ops.segment_sum(x[src], dst, num_segments=N)
    h = x + agg
    h = jax.nn.relu(h @ w1 + b1)
    return h @ w2 + b2

def setup_inputs(seed: int = 0):
    key = jax.random.key(seed)
    ks = jax.random.split(key, 40)
    p = lambda i, shape, s=0.05: jax.random.normal(ks[i], shape, dtype=jnp.float32) * s
    inp = {}
    inp["x"] = jax.random.normal(ks[0], (N, F_IN), dtype=jnp.float32)
    inp["edge_index"] = jax.random.randint(ks[1], (2, E), 0, N, dtype=jnp.int32)
    inp["batch"] = jnp.sort(jax.random.randint(ks[2], (N,), 0, B, dtype=jnp.int32))
    inp["W1"] = p(3, (F_IN, HEADS * H)); inp["as1"] = p(4, (HEADS, H)); inp["ad1"] = p(5, (HEADS, H)); inp["bg1"] = jnp.zeros((H,), jnp.float32)
    inp["g1w1"] = p(6, (H, H)); inp["g1b1"] = jnp.zeros((H,), jnp.float32); inp["g1w2"] = p(7, (H, H)); inp["g1b2"] = jnp.zeros((H,), jnp.float32)
    inp["ln1g"] = jnp.ones((H,), jnp.float32); inp["ln1b"] = jnp.zeros((H,), jnp.float32)
    inp["W2"] = p(8, (H, HEADS * H)); inp["as2"] = p(9, (HEADS, H)); inp["ad2"] = p(10, (HEADS, H)); inp["bg2"] = jnp.zeros((H,), jnp.float32)
    inp["g2w1"] = p(11, (H, H)); inp["g2b1"] = jnp.zeros((H,), jnp.float32); inp["g2w2"] = p(12, (H, H)); inp["g2b2"] = jnp.zeros((H,), jnp.float32)
    inp["ln2g"] = jnp.ones((H,), jnp.float32); inp["ln2b"] = jnp.zeros((H,), jnp.float32)
    inp["gw1"] = p(13, (H, H)); inp["gb1"] = jnp.zeros((H,), jnp.float32); inp["gw2"] = p(14, (H, 1)); inp["gb2"] = jnp.zeros((1,), jnp.float32)
    inp["l1w"] = p(15, (H, 2 * H)); inp["l1b"] = jnp.zeros((2 * H,), jnp.float32)
    inp["lnfg"] = jnp.ones((2 * H,), jnp.float32); inp["lnfb"] = jnp.zeros((2 * H,), jnp.float32)
    inp["l2w"] = p(16, (2 * H, 6)); inp["l2b"] = jnp.zeros((6,), jnp.float32)
    return inp

def reference(x, edge_index, batch, W1, as1, ad1, bg1, g1w1, g1b1, g1w2, g1b2, ln1g, ln1b, W2, as2, ad2, bg2, g2w1, g2b1, g2w2, g2b2, ln2g, ln2b, gw1, gb1, gw2, gb2, l1w, l1b, lnfg, lnfb, l2w, l2b):
    src0, dst0 = edge_index[0], edge_index[1]
    loop = jnp.arange(N, dtype=edge_index.dtype)
    src = jnp.concatenate([src0, loop]); dst = jnp.concatenate([dst0, loop])
    # block 1: GAT -> relu -> GIN residual (dropout is identity in eval) -> LN
    h = jax.nn.relu(_gat(x, src, dst, W1, as1, ad1, bg1))
    h = _layer_norm(h + _gin(h, src0, dst0, g1w1, g1b1, g1w2, g1b2), ln1g, ln1b)
    # block 2
    h2 = jax.nn.relu(_gat(h, src, dst, W2, as2, ad2, bg2))
    h2 = _layer_norm(h2 + _gin(h2, src0, dst0, g2w1, g2b1, g2w2, g2b2), ln2g, ln2b)
    # GlobalAttention pooling over graphs
    gate = jax.nn.relu(h2 @ gw1 + gb1) @ gw2 + gb2
    gate = _seg_softmax(gate[:, 0], batch, B)
    pooled = jax.ops.segment_sum(gate[:, None] * h2, batch, num_segments=B)
    z = jax.nn.relu(_layer_norm(pooled @ l1w + l1b, lnfg, lnfb))
    return z @ l2w + l2b

if __name__ == "__main__":
    import jax
    _d = setup_inputs()
    print(jax.jit(kernel)(*tuple(_d.values())))

</pallas_src>

<mosaic_0001>
#map = affine_map<(d0, d1) -> (0, 0)>
#map1 = affine_map<(d0, d1) -> (0, 0, 0, 0)>
#map2 = affine_map<(d0, d1) -> (0, 0, 0)>
module attributes {stable_mosaic.version = 14 : i64} {
  func.func @k(%arg0: i32, %arg1: i32, %arg2: memref<10000x128xf32, #tpu.memory_space<hbm>>, %arg3: memref<32x79x2x128xi32, #tpu.memory_space<hbm>>, %arg4: memref<632x128xf32, #tpu.memory_space<hbm>>, %arg5: memref<2x10000x128xf32, #tpu.memory_space<hbm>>, %arg6: memref<10112x128xf32, #tpu.memory_space<vmem_shared>>, %arg7: memref<2x128xi32, #tpu.memory_space<vmem>>, %arg8: memref<2x128xi32, #tpu.memory_space<vmem>>, %arg9: memref<128x128xf32, #tpu.memory_space<vmem>>, %arg10: memref<128x128xf32, #tpu.memory_space<vmem>>, %arg11: memref<!tpu.dma_semaphore, #tpu.memory_space<semaphore_mem>>, %arg12: memref<!tpu.dma_semaphore, #tpu.memory_space<semaphore_mem>>, %arg13: memref<!tpu.dma_semaphore, #tpu.memory_space<semaphore_mem>>, %arg14: memref<!tpu.dma_semaphore, #tpu.memory_space<semaphore_mem>>) attributes {dimension_semantics = [#tpu.dimension_semantics<core_parallel>, #tpu.dimension_semantics<subcore_parallel>], iteration_bounds = array<i64: 2, 16>, scalar_prefetch = 0 : i64, scratch_operands = 9 : i64, tpu.core_type = #tpu.core_type<sc_vector_subcore>, window_params = [{transform_indices = #map}, {transform_indices = #map1}, {transform_indices = #map}, {transform_indices = #map2}]} {
    %mul3A = arith.constant 16 : i32
    %mul3A_0 = arith.muli %arg0, %mul3A : i32
    %add3A = arith.addi %mul3A_0, %arg1 : i32
    %mul3A_1 = arith.constant 632 : i32
    %mul3A_2 = arith.muli %arg1, %mul3A_1 : i32
    "tpu.region"() ({
      %run_scoped3A_56 = tpu.sem_alloc : memref<!tpu.dma_semaphore, #tpu.memory_space<semaphore_mem>>
      %dma_start3A_57 = arith.constant 0 : i32
      %dma_start3A_58 = tpu.memref_slice %arg6[%mul3A_2, %dma_start3A_57] : memref<10112x128xf32, #tpu.memory_space<vmem_shared>> -> memref<632x128xf32, #tpu.memory_space<vmem_shared>>
      tpu.enqueue_dma source(%arg4 : memref<632x128xf32, #tpu.memory_space<hbm>>) target(%dma_start3A_58 : memref<632x128xf32, #tpu.memory_space<vmem_shared>>) target_semaphore(%run_scoped3A_56 : memref<!tpu.dma_semaphore, #tpu.memory_space<semaphore_mem>>)
      %dma_wait3A_59 = arith.constant 0 : i32
      %dma_wait3A_60 = tpu.memref_slice %arg6[%mul3A_2, %dma_wait3A_59] : memref<10112x128xf32, #tpu.memory_space<vmem_shared>> -> memref<632x128xf32, #tpu.memory_space<vmem_shared>>
      tpu.wait_dma2 semaphore(%run_scoped3A_56 : memref<!tpu.dma_semaphore, #tpu.memory_space<semaphore_mem>>) src(%arg4 : memref<632x128xf32, #tpu.memory_space<hbm>>) dst(%dma_wait3A_60 : memref<632x128xf32, #tpu.memory_space<vmem_shared>>)
      tpu.yield
    }) : () -> ()
    %barrier3A = arith.constant 0 : index
    tpu.barrier barrier_id(%barrier3A)
    %run_scoped3A = arith.constant 0 : i32
    "tpu.region"() ({
      %run_scoped3A_56 = tpu.sem_alloc : memref<!tpu.dma_semaphore, #tpu.memory_space<semaphore_mem>>
      %dma_start3A_57 = arith.constant 0 : i32
      %dma_start3A_58 = arith.constant 0 : i32
      %dma_start3A_59 = tpu.memref_slice %arg3[%add3A, %run_scoped3A, %dma_start3A_57, %dma_start3A_58] : memref<32x79x2x128xi32, #tpu.memory_space<hbm>> -> memref<1x1x2x128xi32, #tpu.memory_space<hbm>>
      %dma_start3A_60 = tpu.memref_squeeze %dma_start3A_59 : memref<1x1x2x128xi32, #tpu.memory_space<hbm>> -> memref<2x128xi32, #tpu.memory_space<hbm>>
      %dma_start3A_61 = arith.constant 0 : i32
      %dma_start3A_62 = arith.constant 0 : i32
      %dma_start3A_63 = tpu.memref_slice %arg3[%add3A, %run_scoped3A, %dma_start3A_61, %dma_start3A_62] : memref<32x79x2x128xi32, #tpu.memory_space<hbm>> -> memref<1x1x2x128xi32, #tpu.memory_space<hbm>>
      %dma_start3A_64 = tpu.memref_squeeze %dma_start3A_63 : memref<1x1x2x128xi32, #tpu.memory_space<hbm>> -> memref<2x128xi32, #tpu.memory_space<hbm>>
      tpu.enqueue_dma source(%dma_start3A_64 : memref<2x128xi32, #tpu.memory_space<hbm>>) target(%arg7 : memref<2x128xi32, #tpu.memory_space<vmem>>) target_semaphore(%run_scoped3A_56 : memref<!tpu.dma_semaphore, #tpu.memory_space<semaphore_mem>>)
      %dma_wait3A_65 = arith.constant 0 : i32
      %dma_wait3A_66 = arith.constant 0 : i32
      %dma_wait3A_67 = tpu.memref_slice %arg3[%add3A, %run_scoped3A, %dma_wait3A_65, %dma_wait3A_66] : memref<32x79x2x128xi32, #tpu.memory_space<hbm>> -> memref<1x1x2x128xi32, #tpu.memory_space<hbm>>
      %dma_wait3A_68 = tpu.memref_squeeze %dma_wait3A_67 : memref<1x1x2x128xi32, #tpu.memory_space<hbm>> -> memref<2x128xi32, #tpu.memory_space<hbm>>
      %dma_wait3A_69 = arith.constant 0 : i32
      %dma_wait3A_70 = arith.constant 0 : i32
      %dma_wait3A_71 = tpu.memref_slice %arg3[%add3A, %run_scoped3A, %dma_wait3A_69, %dma_wait3A_70] : memref<32x79x2x128xi32, #tpu.memory_space<hbm>> -> memref<1x1x2x128xi32, #tpu.memory_space<hbm>>
      %dma_wait3A_72 = tpu.memref_squeeze %dma_wait3A_71 : memref<1x1x2x128xi32, #tpu.memory_space<hbm>> -> memref<2x128xi32, #tpu.memory_space<hbm>>
      tpu.wait_dma2 semaphore(%run_scoped3A_56 : memref<!tpu.dma_semaphore, #tpu.memory_space<semaphore_mem>>) src(%dma_wait3A_72 : memref<2x128xi32, #tpu.memory_space<hbm>>) dst(%arg7 : memref<2x128xi32, #tpu.memory_space<vmem>>)
      tpu.yield
    }) : () -> ()
    %dma_start3A = arith.constant 0 : i32
    %dma_start3A_3 = arith.constant 0 : i32
    %dma_start3A_4 = tpu.memref_slice %arg7[%dma_start3A, %dma_start3A_3] : memref<2x128xi32, #tpu.memory_space<vmem>> -> memref<1x128xi32, #tpu.memory_space<vmem>>
    %dma_start3A_5 = tpu.memref_squeeze %dma_start3A_4 : memref<1x128xi32, #tpu.memory_space<vmem>> -> memref<128xi32, #tpu.memory_space<vmem>>
    %dma_start3A_6 = arith.constant 0 : i32
    %dma_start3A_7 = arith.constant 0 : i32
    %dma_start3A_8 = tpu.memref_slice %arg2[%dma_start3A_6, %dma_start3A_7] : memref<10000x128xf32, #tpu.memory_space<hbm>> -> memref<10000x128xf32, #tpu.memory_space<hbm>>
    tpu.enqueue_indirect_dma source(%dma_start3A_8 : memref<10000x128xf32, #tpu.memory_space<hbm>>) target(%arg9 : memref<128x128xf32, #tpu.memory_space<vmem>>) offsets(%dma_start3A_5 : memref<128xi32, #tpu.memory_space<vmem>>) semaphore(%arg11 : memref<!tpu.dma_semaphore, #tpu.memory_space<semaphore_mem>>)
    %scan3A = arith.constant 0 : i32
    %scan3A_9 = arith.constant 0 : i32
    %scan3A_10 = arith.constant 39 : i32
    %scan3A_11 = arith.addi %scan3A_9, %scan3A_10 : i32
    %scan3A_12 = arith.constant 1 : i32
    %scan3A_13 = scf.for %scan3A_56 = %scan3A_9 to %scan3A_11 step %scan3A_12 iter_args(%scan3A_57 = %scan3A) -> (i32)  : i32 {
      %mul3A_58 = arith.constant 2 : i32
      %mul3A_59 = arith.muli %scan3A_56, %mul3A_58 : i32
      %dma_wait3A_60 = arith.constant 0 : i32
      %dma_wait3A_61 = arith.constant 0 : i32
      %dma_wait3A_62 = tpu.memref_slice %arg7[%dma_wait3A_60, %dma_wait3A_61] : memref<2x128xi32, #tpu.memory_space<vmem>> -> memref<1x128xi32, #tpu.memory_space<vmem>>
      %dma_wait3A_63 = tpu.memref_squeeze %dma_wait3A_62 : memref<1x128xi32, #tpu.memory_space<vmem>> -> memref<128xi32, #tpu.memory_space<vmem>>
      %dma_wait3A_64 = arith.constant 0 : i32
      %dma_wait3A_65 = arith.constant 0 : i32
      %dma_wait3A_66 = tpu.memref_slice %arg2[%dma_wait3A_64, %dma_wait3A_65] : memref<10000x128xf32, #tpu.memory_space<hbm>> -> memref<10000x128xf32, #tpu.memory_space<hbm>>
      tpu.wait_indirect_dma semaphore(%arg11 : memref<!tpu.dma_semaphore, #tpu.memory_space<semaphore_mem>>) src(%dma_wait3A_66 : memref<10000x128xf32, #tpu.memory_space<hbm>>) dst(%arg9 : memref<128x128xf32, #tpu.memory_space<vmem>>)
      %lt3A_67 = arith.constant 78 : i32
      %lt3A_68 = arith.cmpi slt, %mul3A_59, %lt3A_67 : i32
      %convert_element_type3A_69 = arith.extui %lt3A_68 : i1 to i32
      %cond3A_70 = arith.constant 0 : i32
      %cond3A_71 = arith.cmpi ne, %convert_element_type3A_69, %cond3A_70 : i32
      scf.if %cond3A_71 {
        %ge3A = arith.constant 1 : i32
        %ge3A_101 = arith.cmpi sge, %mul3A_59, %ge3A : i32
        %convert_element_type3A_102 = arith.extui %ge3A_101 : i1 to i32
        %cond3A_103 = arith.constant 0 : i32
        %cond3A_104 = arith.cmpi ne, %convert_element_type3A_102, %cond3A_103 : i32
        scf.if %cond3A_104 {
          %dma_wait3A_114 = arith.constant 1 : i32
          %dma_wait3A_115 = arith.constant 0 : i32
          %dma_wait3A_116 = tpu.memref_slice %arg8[%dma_wait3A_114, %dma_wait3A_115] : memref<2x128xi32, #tpu.memory_space<vmem>> -> memref<1x128xi32, #tpu.memory_space<vmem>>
          %dma_wait3A_117 = tpu.memref_squeeze %dma_wait3A_116 : memref<1x128xi32, #tpu.memory_space<vmem>> -> memref<128xi32, #tpu.memory_space<vmem>>
          %dma_wait3A_118 = arith.constant 0 : i32
          %dma_wait3A_119 = arith.constant 0 : i32
          %dma_wait3A_120 = tpu.memref_slice %arg6[%dma_wait3A_118, %dma_wait3A_119] : memref<10112x128xf32, #tpu.memory_space<vmem_shared>> -> memref<10112x128xf32, #tpu.memory_space<vmem_shared>>
          tpu.wait_indirect_dma semaphore(%arg14 : memref<!tpu.dma_semaphore, #tpu.memory_space<semaphore_mem>>) src(%arg10 : memref<128x128xf32, #tpu.memory_space<vmem>>) dst(%dma_wait3A_120 : memref<10112x128xf32, #tpu.memory_space<vmem_shared>>)
        } else {
        }
        %add3A_105 = arith.constant 1 : i32
        %add3A_106 = arith.addi %mul3A_59, %add3A_105 : i32
        "tpu.region"() ({
          %run_scoped3A_114 = tpu.sem_alloc : memref<!tpu.dma_semaphore, #tpu.memory_space<semaphore_mem>>
          %dma_start3A_115 = arith.constant 0 : i32
          %dma_start3A_116 = arith.constant 0 : i32
          %dma_start3A_117 = tpu.memref_slice %arg3[%add3A, %add3A_106, %dma_start3A_115, %dma_start3A_116] : memref<32x79x2x128xi32, #tpu.memory_space<hbm>> -> memref<1x1x2x128xi32, #tpu.memory_space<hbm>>
          %dma_start3A_118 = tpu.memref_squeeze %dma_start3A_117 : memref<1x1x2x128xi32, #tpu.memory_space<hbm>> -> memref<2x128xi32, #tpu.memory_space<hbm>>
          %dma_start3A_119 = arith.constant 0 : i32
          %dma_start3A_120 = arith.constant 0 : i32
          %dma_start3A_121 = tpu.memref_slice %arg3[%add3A, %add3A_106, %dma_start3A_119, %dma_start3A_120] : memref<32x79x2x128xi32, #tpu.memory_space<hbm>> -> memref<1x1x2x128xi32, #tpu.memory_space<hbm>>
          %dma_start3A_122 = tpu.memref_squeeze %dma_start3A_121 : memref<1x1x2x128xi32, #tpu.memory_space<hbm>> -> memref<2x128xi32, #tpu.memory_space<hbm>>
          tpu.enqueue_dma source(%dma_start3A_122 : memref<2x128xi32, #tpu.memory_space<hbm>>) target(%arg8 : memref<2x128xi32, #tpu.memory_space<vmem>>) target_semaphore(%run_scoped3A_114 : memref<!tpu.dma_semaphore, #tpu.memory_space<semaphore_mem>>)
          %dma_wait3A_123 = arith.constant 0 : i32
          %dma_wait3A_124 = arith.constant 0 : i32
          %dma_wait3A_125 = tpu.memref_slice %arg3[%add3A, %add3A_106, %dma_wait3A_123, %dma_wait3A_124] : memref<32x79x2x128xi32, #tpu.memory_space<hbm>> -> memref<1x1x2x128xi32, #tpu.memory_space<hbm>>
          %dma_wait3A_126 = tpu.memref_squeeze %dma_wait3A_125 : memref<1x1x2x128xi32, #tpu.memory_space<hbm>> -> memref<2x128xi32, #tpu.memory_space<hbm>>
          %dma_wait3A_127 = arith.constant 0 : i32
          %dma_wait3A_128 = arith.constant 0 : i32
          %dma_wait3A_129 = tpu.memref_slice %arg3[%add3A, %add3A_106, %dma_wait3A_127, %dma_wait3A_128] : memref<32x79x2x128xi32, #tpu.memory_space<hbm>> -> memref<1x1x2x128xi32, #tpu.memory_space<hbm>>
          %dma_wait3A_130 = tpu.memref_squeeze %dma_wait3A_129 : memref<1x1x2x128xi32, #tpu.memory_space<hbm>> -> memref<2x128xi32, #tpu.memory_space<hbm>>
          tpu.wait_dma2 semaphore(%run_scoped3A_114 : memref<!tpu.dma_semaphore, #tpu.memory_space<semaphore_mem>>) src(%dma_wait3A_130 : memref<2x128xi32, #tpu.memory_space<hbm>>) dst(%arg8 : memref<2x128xi32, #tpu.memory_space<vmem>>)
          tpu.yield
        }) : () -> ()
        %dma_start3A_107 = arith.constant 0 : i32
        %dma_start3A_108 = arith.constant 0 : i32
        %dma_start3A_109 = tpu.memref_slice %arg8[%dma_start3A_107, %dma_start3A_108] : memref<2x128xi32, #tpu.memory_space<vmem>> -> memref<1x128xi32, #tpu.memory_space<vmem>>
        %dma_start3A_110 = tpu.memref_squeeze %dma_start3A_109 : memref<1x128xi32, #tpu.memory_space<vmem>> -> memref<128xi32, #tpu.memory_space<vmem>>
        %dma_start3A_111 = arith.constant 0 : i32
        %dma_start3A_112 = arith.constant 0 : i32
        %dma_start3A_113 = tpu.memref_slice %arg2[%dma_start3A_111, %dma_start3A_112] : memref<10000x128xf32, #tpu.memory_space<hbm>> -> memref<10000x128xf32, #tpu.memory_space<hbm>>
        tpu.enqueue_indirect_dma source(%dma_start3A_113 : memref<10000x128xf32, #tpu.memory_space<hbm>>) target(%arg10 : memref<128x128xf32, #tpu.memory_space<vmem>>) offsets(%dma_start3A_110 : memref<128xi32, #tpu.memory_space<vmem>>) semaphore(%arg12 : memref<!tpu.dma_semaphore, #tpu.memory_space<semaphore_mem>>)
      } else {
      }
      %dma_start3A_72 = arith.constant 1 : i32
      %dma_start3A_73 = arith.constant 0 : i32
      %dma_start3A_74 = tpu.memref_slice %arg7[%dma_start3A_72, %dma_start3A_73] : memref<2x128xi32, #tpu.memory_space<vmem>> -> memref<1x128xi32, #tpu.memory_space<vmem>>
      %dma_start3A_75 = tpu.memref_squeeze %dma_start3A_74 : memref<1x128xi32, #tpu.memory_space<vmem>> -> memref<128xi32, #tpu.memory_space<vmem>>
      %dma_start3A_76 = arith.constant 0 : i32
      %dma_start3A_77 = arith.constant 0 : i32
      %dma_start3A_78 = tpu.memref_slice %arg6[%dma_start3A_76, %dma_start3A_77] : memref<10112x128xf32, #tpu.memory_space<vmem_shared>> -> memref<10112x128xf32, #tpu.memory_space<vmem_shared>>
      tpu.enqueue_indirect_dma source(%arg9 : memref<128x128xf32, #tpu.memory_space<vmem>>) target(%dma_start3A_78 : memref<10112x128xf32, #tpu.memory_space<vmem_shared>>) offsets(%dma_start3A_75 : memref<128xi32, #tpu.memory_space<vmem>>) semaphore(%arg13 : memref<!tpu.dma_semaphore, #tpu.memory_space<semaphore_mem>>) {add = true}
      %add3A_79 = arith.constant 1 : i32
      %add3A_80 = arith.addi %mul3A_59, %add3A_79 : i32
      %dma_wait3A_81 = arith.constant 0 : i32
      %dma_wait3A_82 = arith.constant 0 : i32
      %dma_wait3A_83 = tpu.memref_slice %arg8[%dma_wait3A_81, %dma_wait3A_82] : memref<2x128xi32, #tpu.memory_space<vmem>> -> memref<1x128xi32, #tpu.memory_space<vmem>>
      %dma_wait3A_84 = tpu.memref_squeeze %dma_wait3A_83 : memref<1x128xi32, #tpu.memory_space<vmem>> -> memref<128xi32, #tpu.memory_space<vmem>>
      %dma_wait3A_85 = arith.constant 0 : i32
      %dma_wait3A_86 = arith.constant 0 : i32
      %dma_wait3A_87 = tpu.memref_slice %arg2[%dma_wait3A_85, %dma_wait3A_86] : memref<10000x128xf32, #tpu.memory_space<hbm>> -> memref<10000x128xf32, #tpu.memory_space<hbm>>
      tpu.wait_indirect_dma semaphore(%arg12 : memref<!tpu.dma_semaphore, #tpu.memory_space<semaphore_mem>>) src(%dma_wait3A_87 : memref<10000x128xf32, #tpu.memory_space<hbm>>) dst(%arg10 : memref<128x128xf32, #tpu.memory_space<vmem>>)
      %lt3A_88 = arith.constant 78 : i32
      %lt3A_89 = arith.cmpi slt, %add3A_80, %lt3A_88 : i32
      %convert_element_type3A_90 = arith.extui %lt3A_89 : i1 to i32
      %cond3A_91 = arith.constant 0 : i32
      %cond3A_92 = arith.cmpi ne, %convert_element_type3A_90, %cond3A_91 : i32
      scf.if %cond3A_92 {
        %ge3A = arith.constant 1 : i32
        %ge3A_101 = arith.cmpi sge, %add3A_80, %ge3A : i32
        %convert_element_type3A_102 = arith.extui %ge3A_101 : i1 to i32
        %cond3A_103 = arith.constant 0 : i32
        %cond3A_104 = arith.cmpi ne, %convert_element_type3A_102, %cond3A_103 : i32
        scf.if %cond3A_104 {
          %dma_wait3A_114 = arith.constant 1 : i32
          %dma_wait3A_115 = arith.constant 0 : i32
          %dma_wait3A_116 = tpu.memref_slice %arg7[%dma_wait3A_114, %dma_wait3A_115] : memref<2x128xi32, #tpu.memory_space<vmem>> -> memref<1x128xi32, #tpu.memory_space<vmem>>
          %dma_wait3A_117 = tpu.memref_squeeze %dma_wait3A_116 : memref<1x128xi32, #tpu.memory_space<vmem>> -> memref<128xi32, #tpu.memory_space<vmem>>
          %dma_wait3A_118 = arith.constant 0 : i32
          %dma_wait3A_119 = arith.constant 0 : i32
          %dma_wait3A_120 = tpu.memref_slice %arg6[%dma_wait3A_118, %dma_wait3A_119] : memref<10112x128xf32, #tpu.memory_space<vmem_shared>> -> memref<10112x128xf32, #tpu.memory_space<vmem_shared>>
          tpu.wait_indirect_dma semaphore(%arg13 : memref<!tpu.dma_semaphore, #tpu.memory_space<semaphore_mem>>) src(%arg9 : memref<128x128xf32, #tpu.memory_space<vmem>>) dst(%dma_wait3A_120 : memref<10112x128xf32, #tpu.memory_space<vmem_shared>>)
        } else {
        }
        %add3A_105 = arith.constant 1 : i32
        %add3A_106 = arith.addi %add3A_80, %add3A_105 : i32
        "tpu.region"() ({
          %run_scoped3A_114 = tpu.sem_alloc : memref<!tpu.dma_semaphore, #tpu.memory_space<semaphore_mem>>
          %dma_start3A_115 = arith.constant 0 : i32
          %dma_start3A_116 = arith.constant 0 : i32
          %dma_start3A_117 = tpu.memref_slice %arg3[%add3A, %add3A_106, %dma_start3A_115, %dma_start3A_116] : memref<32x79x2x128xi32, #tpu.memory_space<hbm>> -> memref<1x1x2x128xi32, #tpu.memory_space<hbm>>
          %dma_start3A_118 = tpu.memref_squeeze %dma_start3A_117 : memref<1x1x2x128xi32, #tpu.memory_space<hbm>> -> memref<2x128xi32, #tpu.memory_space<hbm>>
          %dma_start3A_119 = arith.constant 0 : i32
          %dma_start3A_120 = arith.constant 0 : i32
          %dma_start3A_121 = tpu.memref_slice %arg3[%add3A, %add3A_106, %dma_start3A_119, %dma_start3A_120] : memref<32x79x2x128xi32, #tpu.memory_space<hbm>> -> memref<1x1x2x128xi32, #tpu.memory_space<hbm>>
          %dma_start3A_122 = tpu.memref_squeeze %dma_start3A_121 : memref<1x1x2x128xi32, #tpu.memory_space<hbm>> -> memref<2x128xi32, #tpu.memory_space<hbm>>
          tpu.enqueue_dma source(%dma_start3A_122 : memref<2x128xi32, #tpu.memory_space<hbm>>) target(%arg7 : memref<2x128xi32, #tpu.memory_space<vmem>>) target_semaphore(%run_scoped3A_114 : memref<!tpu.dma_semaphore, #tpu.memory_space<semaphore_mem>>)
          %dma_wait3A_123 = arith.constant 0 : i32
          %dma_wait3A_124 = arith.constant 0 : i32
          %dma_wait3A_125 = tpu.memref_slice %arg3[%add3A, %add3A_106, %dma_wait3A_123, %dma_wait3A_124] : memref<32x79x2x128xi32, #tpu.memory_space<hbm>> -> memref<1x1x2x128xi32, #tpu.memory_space<hbm>>
          %dma_wait3A_126 = tpu.memref_squeeze %dma_wait3A_125 : memref<1x1x2x128xi32, #tpu.memory_space<hbm>> -> memref<2x128xi32, #tpu.memory_space<hbm>>
          %dma_wait3A_127 = arith.constant 0 : i32
          %dma_wait3A_128 = arith.constant 0 : i32
          %dma_wait3A_129 = tpu.memref_slice %arg3[%add3A, %add3A_106, %dma_wait3A_127, %dma_wait3A_128] : memref<32x79x2x128xi32, #tpu.memory_space<hbm>> -> memref<1x1x2x128xi32, #tpu.memory_space<hbm>>
          %dma_wait3A_130 = tpu.memref_squeeze %dma_wait3A_129 : memref<1x1x2x128xi32, #tpu.memory_space<hbm>> -> memref<2x128xi32, #tpu.memory_space<hbm>>
          tpu.wait_dma2 semaphore(%run_scoped3A_114 : memref<!tpu.dma_semaphore, #tpu.memory_space<semaphore_mem>>) src(%dma_wait3A_130 : memref<2x128xi32, #tpu.memory_space<hbm>>) dst(%arg7 : memref<2x128xi32, #tpu.memory_space<vmem>>)
          tpu.yield
        }) : () -> ()
        %dma_start3A_107 = arith.constant 0 : i32
        %dma_start3A_108 = arith.constant 0 : i32
        %dma_start3A_109 = tpu.memref_slice %arg7[%dma_start3A_107, %dma_start3A_108] : memref<2x128xi32, #tpu.memory_space<vmem>> -> memref<1x128xi32, #tpu.memory_space<vmem>>
        %dma_start3A_110 = tpu.memref_squeeze %dma_start3A_109 : memref<1x128xi32, #tpu.memory_space<vmem>> -> memref<128xi32, #tpu.memory_space<vmem>>
        %dma_start3A_111 = arith.constant 0 : i32
        %dma_start3A_112 = arith.constant 0 : i32
        %dma_start3A_113 = tpu.memref_slice %arg2[%dma_start3A_111, %dma_start3A_112] : memref<10000x128xf32, #tpu.memory_space<hbm>> -> memref<10000x128xf32, #tpu.memory_space<hbm>>
        tpu.enqueue_indirect_dma source(%dma_start3A_113 : memref<10000x128xf32, #tpu.memory_space<hbm>>) target(%arg9 : memref<128x128xf32, #tpu.memory_space<vmem>>) offsets(%dma_start3A_110 : memref<128xi32, #tpu.memory_space<vmem>>) semaphore(%arg11 : memref<!tpu.dma_semaphore, #tpu.memory_space<semaphore_mem>>)
      } else {
      }
      %dma_start3A_93 = arith.constant 1 : i32
      %dma_start3A_94 = arith.constant 0 : i32
      %dma_start3A_95 = tpu.memref_slice %arg8[%dma_start3A_93, %dma_start3A_94] : memref<2x128xi32, #tpu.memory_space<vmem>> -> memref<1x128xi32, #tpu.memory_space<vmem>>
      %dma_start3A_96 = tpu.memref_squeeze %dma_start3A_95 : memref<1x128xi32, #tpu.memory_space<vmem>> -> memref<128xi32, #tpu.memory_space<vmem>>
      %dma_start3A_97 = arith.constant 0 : i32
      %dma_start3A_98 = arith.constant 0 : i32
      %dma_start3A_99 = tpu.memref_slice %arg6[%dma_start3A_97, %dma_start3A_98] : memref<10112x128xf32, #tpu.memory_space<vmem_shared>> -> memref<10112x128xf32, #tpu.memory_space<vmem_shared>>
      tpu.enqueue_indirect_dma source(%arg10 : memref<128x128xf32, #tpu.memory_space<vmem>>) target(%dma_start3A_99 : memref<10112x128xf32, #tpu.memory_space<vmem_shared>>) offsets(%dma_start3A_96 : memref<128xi32, #tpu.memory_space<vmem>>) semaphore(%arg14 : memref<!tpu.dma_semaphore, #tpu.memory_space<semaphore_mem>>) {add = true}
      %scan3A_100 = arith.constant 0 : i32
      scf.yield %scan3A_100 : i32
    }
    %scan3A_14 = arith.constant 39 : i32
    %dma_wait3A = arith.constant 0 : i32
    %dma_wait3A_15 = arith.constant 0 : i32
    %dma_wait3A_16 = tpu.memref_slice %arg7[%dma_wait3A, %dma_wait3A_15] : memref<2x128xi32, #tpu.memory_space<vmem>> -> memref<1x128xi32, #tpu.memory_space<vmem>>
    %dma_wait3A_17 = tpu.memref_squeeze %dma_wait3A_16 : memref<1x128xi32, #tpu.memory_space<vmem>> -> memref<128xi32, #tpu.memory_space<vmem>>
    %dma_wait3A_18 = arith.constant 0 : i32
    %dma_wait3A_19 = arith.constant 0 : i32
    %dma_wait3A_20 = tpu.memref_slice %arg2[%dma_wait3A_18, %dma_wait3A_19] : memref<10000x128xf32, #tpu.memory_space<hbm>> -> memref<10000x128xf32, #tpu.memory_space<hbm>>
    tpu.wait_indirect_dma semaphore(%arg11 : memref<!tpu.dma_semaphore, #tpu.memory_space<semaphore_mem>>) src(%dma_wait3A_20 : memref<10000x128xf32, #tpu.memory_space<hbm>>) dst(%arg9 : memref<128x128xf32, #tpu.memory_space<vmem>>)
    %lt3A = arith.constant 78 : i32
    %lt3A_21 = arith.constant 78 : i32
    %lt3A_22 = arith.cmpi slt, %lt3A, %lt3A_21 : i32
    %convert_element_type3A = arith.extui %lt3A_22 : i1 to i32
    %cond3A = arith.constant 78 : i32
    %cond3A_23 = arith.constant 0 : i32
    %cond3A_24 = arith.cmpi ne, %convert_element_type3A, %cond3A_23 : i32
    scf.if %cond3A_24 {
      %ge3A = arith.constant 1 : i32
      %ge3A_56 = arith.cmpi sge, %cond3A, %ge3A : i32
      %convert_element_type3A_57 = arith.extui %ge3A_56 : i1 to i32
      %cond3A_58 = arith.constant 0 : i32
      %cond3A_59 = arith.cmpi ne, %convert_element_type3A_57, %cond3A_58 : i32
      scf.if %cond3A_59 {
        %dma_wait3A_69 = arith.constant 1 : i32
        %dma_wait3A_70 = arith.constant 0 : i32
        %dma_wait3A_71 = tpu.memref_slice %arg8[%dma_wait3A_69, %dma_wait3A_70] : memref<2x128xi32, #tpu.memory_space<vmem>> -> memref<1x128xi32, #tpu.memory_space<vmem>>
        %dma_wait3A_72 = tpu.memref_squeeze %dma_wait3A_71 : memref<1x128xi32, #tpu.memory_space<vmem>> -> memref<128xi32, #tpu.memory_space<vmem>>
        %dma_wait3A_73 = arith.constant 0 : i32
        %dma_wait3A_74 = arith.constant 0 : i32
        %dma_wait3A_75 = tpu.memref_slice %arg6[%dma_wait3A_73, %dma_wait3A_74] : memref<10112x128xf32, #tpu.memory_space<vmem_shared>> -> memref<10112x128xf32, #tpu.memory_space<vmem_shared>>
        tpu.wait_indirect_dma semaphore(%arg14 : memref<!tpu.dma_semaphore, #tpu.memory_space<semaphore_mem>>) src(%arg10 : memref<128x128xf32, #tpu.memory_space<vmem>>) dst(%dma_wait3A_75 : memref<10112x128xf32, #tpu.memory_space<vmem_shared>>)
      } else {
      }
      %add3A_60 = arith.constant 1 : i32
      %add3A_61 = arith.addi %cond3A, %add3A_60 : i32
      "tpu.region"() ({
        %run_scoped3A_69 = tpu.sem_alloc : memref<!tpu.dma_semaphore, #tpu.memory_space<semaphore_mem>>
        %dma_start3A_70 = arith.constant 0 : i32
        %dma_start3A_71 = arith.constant 0 : i32
        %dma_start3A_72 = tpu.memref_slice %arg3[%add3A, %add3A_61, %dma_start3A_70, %dma_start3A_71] : memref<32x79x2x128xi32, #tpu.memory_space<hbm>> -> memref<1x1x2x128xi32, #tpu.memory_space<hbm>>
        %dma_start3A_73 = tpu.memref_squeeze %dma_start3A_72 : memref<1x1x2x128xi32, #tpu.memory_space<hbm>> -> memref<2x128xi32, #tpu.memory_space<hbm>>
        %dma_start3A_74 = arith.constant 0 : i32
        %dma_start3A_75 = arith.constant 0 : i32
        %dma_start3A_76 = tpu.memref_slice %arg3[%add3A, %add3A_61, %dma_start3A_74, %dma_start3A_75] : memref<32x79x2x128xi32, #tpu.memory_space<hbm>> -> memref<1x1x2x128xi32, #tpu.memory_space<hbm>>
        %dma_start3A_77 = tpu.memref_squeeze %dma_start3A_76 : memref<1x1x2x128xi32, #tpu.memory_space<hbm>> -> memref<2x128xi32, #tpu.memory_space<hbm>>
        tpu.enqueue_dma source(%dma_start3A_77 : memref<2x128xi32, #tpu.memory_space<hbm>>) target(%arg8 : memref<2x128xi32, #tpu.memory_space<vmem>>) target_semaphore(%run_scoped3A_69 : memref<!tpu.dma_semaphore, #tpu.memory_space<semaphore_mem>>)
        %dma_wait3A_78 = arith.constant 0 : i32
        %dma_wait3A_79 = arith.constant 0 : i32
        %dma_wait3A_80 = tpu.memref_slice %arg3[%add3A, %add3A_61, %dma_wait3A_78, %dma_wait3A_79] : memref<32x79x2x128xi32, #tpu.memory_space<hbm>> -> memref<1x1x2x128xi32, #tpu.memory_space<hbm>>
        %dma_wait3A_81 = tpu.memref_squeeze %dma_wait3A_80 : memref<1x1x2x128xi32, #tpu.memory_space<hbm>> -> memref<2x128xi32, #tpu.memory_space<hbm>>
        %dma_wait3A_82 = arith.constant 0 : i32
        %dma_wait3A_83 = arith.constant 0 : i32
        %dma_wait3A_84 = tpu.memref_slice %arg3[%add3A, %add3A_61, %dma_wait3A_82, %dma_wait3A_83] : memref<32x79x2x128xi32, #tpu.memory_space<hbm>> -> memref<1x1x2x128xi32, #tpu.memory_space<hbm>>
        %dma_wait3A_85 = tpu.memref_squeeze %dma_wait3A_84 : memref<1x1x2x128xi32, #tpu.memory_space<hbm>> -> memref<2x128xi32, #tpu.memory_space<hbm>>
        tpu.wait_dma2 semaphore(%run_scoped3A_69 : memref<!tpu.dma_semaphore, #tpu.memory_space<semaphore_mem>>) src(%dma_wait3A_85 : memref<2x128xi32, #tpu.memory_space<hbm>>) dst(%arg8 : memref<2x128xi32, #tpu.memory_space<vmem>>)
        tpu.yield
      }) : () -> ()
      %dma_start3A_62 = arith.constant 0 : i32
      %dma_start3A_63 = arith.constant 0 : i32
      %dma_start3A_64 = tpu.memref_slice %arg8[%dma_start3A_62, %dma_start3A_63] : memref<2x128xi32, #tpu.memory_space<vmem>> -> memref<1x128xi32, #tpu.memory_space<vmem>>
      %dma_start3A_65 = tpu.memref_squeeze %dma_start3A_64 : memref<1x128xi32, #tpu.memory_space<vmem>> -> memref<128xi32, #tpu.memory_space<vmem>>
      %dma_start3A_66 = arith.constant 0 : i32
      %dma_start3A_67 = arith.constant 0 : i32
      %dma_start3A_68 = tpu.memref_slice %arg2[%dma_start3A_66, %dma_start3A_67] : memref<10000x128xf32, #tpu.memory_space<hbm>> -> memref<10000x128xf32, #tpu.memory_space<hbm>>
      tpu.enqueue_indirect_dma source(%dma_start3A_68 : memref<10000x128xf32, #tpu.memory_space<hbm>>) target(%arg10 : memref<128x128xf32, #tpu.memory_space<vmem>>) offsets(%dma_start3A_65 : memref<128xi32, #tpu.memory_space<vmem>>) semaphore(%arg12 : memref<!tpu.dma_semaphore, #tpu.memory_space<semaphore_mem>>)
    } else {
    }
    %dma_start3A_25 = arith.constant 1 : i32
    %dma_start3A_26 = arith.constant 0 : i32
    %dma_start3A_27 = tpu.memref_slice %arg7[%dma_start3A_25, %dma_start3A_26] : memref<2x128xi32, #tpu.memory_space<vmem>> -> memref<1x128xi32, #tpu.memory_space<vmem>>
    %dma_start3A_28 = tpu.memref_squeeze %dma_start3A_27 : memref<1x128xi32, #tpu.memory_space<vmem>> -> memref<128xi32, #tpu.memory_space<vmem>>
    %dma_start3A_29 = arith.constant 0 : i32
    %dma_start3A_30 = arith.constant 0 : i32
    %dma_start3A_31 = tpu.memref_slice %arg6[%dma_start3A_29, %dma_start3A_30] : memref<10112x128xf32, #tpu.memory_space<vmem_shared>> -> memref<10112x128xf32, #tpu.memory_space<vmem_shared>>
    tpu.enqueue_indirect_dma source(%arg9 : memref<128x128xf32, #tpu.memory_space<vmem>>) target(%dma_start3A_31 : memref<10112x128xf32, #tpu.memory_space<vmem_shared>>) offsets(%dma_start3A_28 : memref<128xi32, #tpu.memory_space<vmem>>) semaphore(%arg13 : memref<!tpu.dma_semaphore, #tpu.memory_space<semaphore_mem>>) {add = true}
    %dma_wait3A_32 = arith.constant 1 : i32
    %dma_wait3A_33 = arith.constant 0 : i32
    %dma_wait3A_34 = tpu.memref_slice %arg7[%dma_wait3A_32, %dma_wait3A_33] : memref<2x128xi32, #tpu.memory_space<vmem>> -> memref<1x128xi32, #tpu.memory_space<vmem>>
    %dma_wait3A_35 = tpu.memref_squeeze %dma_wait3A_34 : memref<1x128xi32, #tpu.memory_space<vmem>> -> memref<128xi32, #tpu.memory_space<vmem>>
    %dma_wait3A_36 = arith.constant 0 : i32
    %dma_wait3A_37 = arith.constant 0 : i32
    %dma_wait3A_38 = tpu.memref_slice %arg6[%dma_wait3A_36, %dma_wait3A_37] : memref<10112x128xf32, #tpu.memory_space<vmem_shared>> -> memref<10112x128xf32, #tpu.memory_space<vmem_shared>>
    tpu.wait_indirect_dma semaphore(%arg13 : memref<!tpu.dma_semaphore, #tpu.memory_space<semaphore_mem>>) src(%arg9 : memref<128x128xf32, #tpu.memory_space<vmem>>) dst(%dma_wait3A_38 : memref<10112x128xf32, #tpu.memory_space<vmem_shared>>)
    %dma_wait3A_39 = arith.constant 1 : i32
    %dma_wait3A_40 = arith.constant 0 : i32
    %dma_wait3A_41 = tpu.memref_slice %arg8[%dma_wait3A_39, %dma_wait3A_40] : memref<2x128xi32, #tpu.memory_space<vmem>> -> memref<1x128xi32, #tpu.memory_space<vmem>>
    %dma_wait3A_42 = tpu.memref_squeeze %dma_wait3A_41 : memref<1x128xi32, #tpu.memory_space<vmem>> -> memref<128xi32, #tpu.memory_space<vmem>>
    %dma_wait3A_43 = arith.constant 0 : i32
    %dma_wait3A_44 = arith.constant 0 : i32
    %dma_wait3A_45 = tpu.memref_slice %arg6[%dma_wait3A_43, %dma_wait3A_44] : memref<10112x128xf32, #tpu.memory_space<vmem_shared>> -> memref<10112x128xf32, #tpu.memory_space<vmem_shared>>
    tpu.wait_indirect_dma semaphore(%arg14 : memref<!tpu.dma_semaphore, #tpu.memory_space<semaphore_mem>>) src(%arg10 : memref<128x128xf32, #tpu.memory_space<vmem>>) dst(%dma_wait3A_45 : memref<10112x128xf32, #tpu.memory_space<vmem_shared>>)
    %barrier3A_46 = arith.constant 0 : index
    tpu.barrier barrier_id(%barrier3A_46)
    %lt3A_47 = arith.constant 15 : i32
    %lt3A_48 = arith.cmpi slt, %arg1, %lt3A_47 : i32
    %convert_element_type3A_49 = arith.extui %lt3A_48 : i1 to i32
    %cond3A_50 = arith.constant 0 : i32
    %cond3A_51 = arith.cmpi ne, %convert_element_type3A_49, %cond3A_50 : i32
    scf.if %cond3A_51 {
      %mul3A_56 = arith.constant 632 : i32
      %mul3A_57 = arith.muli %arg1, %mul3A_56 : i32
      %mul3A_58 = arith.constant 632 : i32
      %mul3A_59 = arith.muli %arg1, %mul3A_58 : i32
      "tpu.region"() ({
        %run_scoped3A_60 = tpu.sem_alloc : memref<!tpu.dma_semaphore, #tpu.memory_space<semaphore_mem>>
        %dma_start3A_61 = arith.constant 0 : i32
        %dma_start3A_62 = tpu.memref_slice %arg5[%arg0, %mul3A_59, %dma_start3A_61] : memref<2x10000x128xf32, #tpu.memory_space<hbm>> -> memref<1x632x128xf32, #tpu.memory_space<hbm>>
        %dma_start3A_63 = tpu.memref_squeeze %dma_start3A_62 : memref<1x632x128xf32, #tpu.memory_space<hbm>> -> memref<632x128xf32, #tpu.memory_space<hbm>>
        %dma_start3A_64 = arith.constant 0 : i32
        %dma_start3A_65 = tpu.memref_slice %arg6[%mul3A_57, %dma_start3A_64] : memref<10112x128xf32, #tpu.memory_space<vmem_shared>> -> memref<632x128xf32, #tpu.memory_space<vmem_shared>>
        tpu.enqueue_dma source(%dma_start3A_65 : memref<632x128xf32, #tpu.memory_space<vmem_shared>>) target(%dma_start3A_63 : memref<632x128xf32, #tpu.memory_space<hbm>>) target_semaphore(%run_scoped3A_60 : memref<!tpu.dma_semaphore, #tpu.memory_space<semaphore_mem>>)
        %dma_wait3A_66 = arith.constant 0 : i32
        %dma_wait3A_67 = tpu.memref_slice %arg5[%arg0, %mul3A_59, %dma_wait3A_66] : memref<2x10000x128xf32, #tpu.memory_space<hbm>> -> memref<1x632x128xf32, #tpu.memory_space<hbm>>
        %dma_wait3A_68 = tpu.memref_squeeze %dma_wait3A_67 : memref<1x632x128xf32, #tpu.memory_space<hbm>> -> memref<632x128xf32, #tpu.memory_space<hbm>>
        %dma_wait3A_69 = arith.constant 0 : i32
        %dma_wait3A_70 = tpu.memref_slice %arg6[%mul3A_57, %dma_wait3A_69] : memref<10112x128xf32, #tpu.memory_space<vmem_shared>> -> memref<632x128xf32, #tpu.memory_space<vmem_shared>>
        tpu.wait_dma2 semaphore(%run_scoped3A_60 : memref<!tpu.dma_semaphore, #tpu.memory_space<semaphore_mem>>) src(%dma_wait3A_70 : memref<632x128xf32, #tpu.memory_space<vmem_shared>>) dst(%dma_wait3A_68 : memref<632x128xf32, #tpu.memory_space<hbm>>)
        tpu.yield
      }) : () -> ()
    } else {
    }
    %eq3A = arith.constant 15 : i32
    %eq3A_52 = arith.cmpi eq, %arg1, %eq3A : i32
    %convert_element_type3A_53 = arith.extui %eq3A_52 : i1 to i32
    %cond3A_54 = arith.constant 0 : i32
    %cond3A_55 = arith.cmpi ne, %convert_element_type3A_53, %cond3A_54 : i32
    scf.if %cond3A_55 {
      "tpu.region"() ({
        %run_scoped3A_56 = tpu.sem_alloc : memref<!tpu.dma_semaphore, #tpu.memory_space<semaphore_mem>>
        %dma_start3A_57 = arith.constant 9480 : i32
        %dma_start3A_58 = arith.constant 0 : i32
        %dma_start3A_59 = tpu.memref_slice %arg5[%arg0, %dma_start3A_57, %dma_start3A_58] : memref<2x10000x128xf32, #tpu.memory_space<hbm>> -> memref<1x520x128xf32, #tpu.memory_space<hbm>>
        %dma_start3A_60 = tpu.memref_squeeze %dma_start3A_59 : memref<1x520x128xf32, #tpu.memory_space<hbm>> -> memref<520x128xf32, #tpu.memory_space<hbm>>
        %dma_start3A_61 = arith.constant 9480 : i32
        %dma_start3A_62 = arith.constant 0 : i32
        %dma_start3A_63 = tpu.memref_slice %arg6[%dma_start3A_61, %dma_start3A_62] : memref<10112x128xf32, #tpu.memory_space<vmem_shared>> -> memref<520x128xf32, #tpu.memory_space<vmem_shared>>
        tpu.enqueue_dma source(%dma_start3A_63 : memref<520x128xf32, #tpu.memory_space<vmem_shared>>) target(%dma_start3A_60 : memref<520x128xf32, #tpu.memory_space<hbm>>) target_semaphore(%run_scoped3A_56 : memref<!tpu.dma_semaphore, #tpu.memory_space<semaphore_mem>>)
        %dma_wait3A_64 = arith.constant 9480 : i32
        %dma_wait3A_65 = arith.constant 0 : i32
        %dma_wait3A_66 = tpu.memref_slice %arg5[%arg0, %dma_wait3A_64, %dma_wait3A_65] : memref<2x10000x128xf32, #tpu.memory_space<hbm>> -> memref<1x520x128xf32, #tpu.memory_space<hbm>>
        %dma_wait3A_67 = tpu.memref_squeeze %dma_wait3A_66 : memref<1x520x128xf32, #tpu.memory_space<hbm>> -> memref<520x128xf32, #tpu.memory_space<hbm>>
        %dma_wait3A_68 = arith.constant 9480 : i32
        %dma_wait3A_69 = arith.constant 0 : i32
        %dma_wait3A_70 = tpu.memref_slice %arg6[%dma_wait3A_68, %dma_wait3A_69] : memref<10112x128xf32, #tpu.memory_space<vmem_shared>> -> memref<520x128xf32, #tpu.memory_space<vmem_shared>>
        tpu.wait_dma2 semaphore(%run_scoped3A_56 : memref<!tpu.dma_semaphore, #tpu.memory_space<semaphore_mem>>) src(%dma_wait3A_70 : memref<520x128xf32, #tpu.memory_space<vmem_shared>>) dst(%dma_wait3A_67 : memref<520x128xf32, #tpu.memory_space<hbm>>)
        tpu.yield
      }) : () -> ()
    } else {
    }
    return
  }
}

#map = affine_map<(d0, d1) -> (0, 0)>
#map1 = affine_map<(d0, d1) -> (0, 0, 0, 0, 0)>
#map2 = affine_map<(d0, d1) -> (0, 0, 0)>
module attributes {stable_mosaic.version = 14 : i64} {
  func.func @k(%arg0: i32, %arg1: i32, %arg2: memref<40000x144xf32, #tpu.memory_space<hbm>>, %arg3: memref<40448x8xf32, #tpu.memory_space<hbm>>, %arg4: memref<4x16x162x3x128xi32, #tpu.memory_space<hbm>>, %arg5: memref<632x144xf32, #tpu.memory_space<hbm>>, %arg6: memref<4x10000x144xf32, #tpu.memory_space<hbm>>, %arg7: memref<10112x144xf32, #tpu.memory_space<vmem_shared>>, %arg8: memref<3x128xi32, #tpu.memory_space<vmem>>, %arg9: memref<3x128xi32, #tpu.memory_space<vmem>>, %arg10: memref<128x8xf32, #tpu.memory_space<vmem>>, %arg11: memref<144xf32, #tpu.memory_space<vmem>>, %arg12: memref<128x144xf32, #tpu.memory_space<vmem>>, %arg13: memref<128x144xf32, #tpu.memory_space<vmem>>, %arg14: memref<!tpu.dma_semaphore, #tpu.memory_space<semaphore_mem>>, %arg15: memref<!tpu.dma_semaphore, #tpu.memory_space<semaphore_mem>>, %arg16: memref<!tpu.dma_semaphore, #tpu.memory_space<semaphore_mem>>, %arg17: memref<!tpu.dma_semaphore, #tpu.memory_space<semaphore_mem>>) attributes {dimension_semantics = [#tpu.dimension_semantics<core_parallel>, #tpu.dimension_semantics<subcore_parallel>], iteration_bounds = array<i64: 2, 16>, scalar_prefetch = 0 : i64, scratch_operands = 11 : i64, tpu.core_type = #tpu.core_type<sc_vector_subcore>, window_params = [{transform_indices = #map}, {transform_indices = #map}, {transform_indices = #map1}, {transform_indices = #map}, {transform_indices = #map2}]} {
    %broadcast_in_dim3A = arith.constant 129 : i32
    %broadcast_in_dim3A_0 = vector.broadcast %broadcast_in_dim3A : i32 to vector<16xi32>
    %broadcast_in_dim3A_1 = arith.constant 0 : i32
    %broadcast_in_dim3A_2 = vector.broadcast %broadcast_in_dim3A_1 : i32 to vector<16xi32>
    %scan3A = arith.constant 0 : i32
    %scan3A_3 = arith.constant 0 : i32
    %scan3A_4 = arith.constant 2 : i32
    %scan3A_5 = arith.addi %scan3A_3, %scan3A_4 : i32
    %scan3A_6 = arith.constant 1 : i32
    %scan3A_7 = scf.for %scan3A_9 = %scan3A_3 to %scan3A_5 step %scan3A_6 iter_args(%scan3A_10 = %scan3A) -> (i32)  : i32 {
      %mul3A = arith.constant 2 : i32
      %mul3A_11 = arith.muli %arg0, %mul3A : i32
      %add3A = arith.addi %mul3A_11, %scan3A_9 : i32
      %mul3A_12 = arith.constant 632 : i32
      %mul3A_13 = arith.muli %arg1, %mul3A_12 : i32
      "tpu.region"() ({
        %run_scoped3A_56 = tpu.sem_alloc : memref<!tpu.dma_semaphore, #tpu.memory_space<semaphore_mem>>
        %dma_start3A_57 = arith.constant 0 : i32
        %dma_start3A_58 = tpu.memref_slice %arg7[%mul3A_13, %dma_start3A_57] : memref<10112x144xf32, #tpu.memory_space<vmem_shared>> -> memref<632x144xf32, #tpu.memory_space<vmem_shared>>
        tpu.enqueue_dma source(%arg5 : memref<632x144xf32, #tpu.memory_space<hbm>>) target(%dma_start3A_58 : memref<632x144xf32, #tpu.memory_space<vmem_shared>>) target_semaphore(%run_scoped3A_56 : memref<!tpu.dma_semaphore, #tpu.memory_space<semaphore_mem>>)
        %dma_wait3A_59 = arith.constant 0 : i32
        %dma_wait3A_60 = tpu.memref_slice %arg7[%mul3A_13, %dma_wait3A_59] : memref<10112x144xf32, #tpu.memory_space<vmem_shared>> -> memref<632x144xf32, #tpu.memory_space<vmem_shared>>
        tpu.wait_dma2 semaphore(%run_scoped3A_56 : memref<!tpu.dma_semaphore, #tpu.memory_space<semaphore_mem>>) src(%arg5 : memref<632x144xf32, #tpu.memory_space<hbm>>) dst(%dma_wait3A_60 : memref<632x144xf32, #tpu.memory_space<vmem_shared>>)
        tpu.yield
      }) : () -> ()
      %barrier3A = arith.constant 0 : index
      tpu.barrier barrier_id(%barrier3A)
      %run_scoped3A = arith.constant 0 : i32
      "tpu.region"() ({
        %run_scoped3A_56 = tpu.sem_alloc : memref<!tpu.dma_semaphore, #tpu.memory_space<semaphore_mem>>
        %dma_start3A_57 = arith.constant 0 : i32
        %dma_start3A_58 = arith.constant 0 : i32
        %dma_start3A_59 = tpu.memref_slice %arg4[%add3A, %arg1, %run_scoped3A, %dma_start3A_57, %dma_start3A_58] : memref<4x16x162x3x128xi32, #tpu.memory_space<hbm>> -> memref<1x1x1x3x128xi32, #tpu.memory_space<hbm>>
        %dma_start3A_60 = tpu.memref_squeeze %dma_start3A_59 : memref<1x1x1x3x128xi32, #tpu.memory_space<hbm>> -> memref<3x128xi32, #tpu.memory_space<hbm>>
        %dma_start3A_61 = arith.constant 0 : i32
        %dma_start3A_62 = arith.constant 0 : i32
        %dma_start3A_63 = tpu.memref_slice %arg4[%add3A, %arg1, %run_scoped3A, %dma_start3A_61, %dma_start3A_62] : memref<4x16x162x3x128xi32, #tpu.memory_space<hbm>> -> memref<1x1x1x3x128xi32, #tpu.memory_space<hbm>>
        %dma_start3A_64 = tpu.memref_squeeze %dma_start3A_63 : memref<1x1x1x3x128xi32, #tpu.memory_space<hbm>> -> memref<3x128xi32, #tpu.memory_space<hbm>>
        tpu.enqueue_dma source(%dma_start3A_64 : memref<3x128xi32, #tpu.memory_space<hbm>>) target(%arg8 : memref<3x128xi32, #tpu.memory_space<vmem>>) target_semaphore(%run_scoped3A_56 : memref<!tpu.dma_semaphore, #tpu.memory_space<semaphore_mem>>)
        %dma_wait3A_65 = arith.constant 0 : i32
        %dma_wait3A_66 = arith.constant 0 : i32
        %dma_wait3A_67 = tpu.memref_slice %arg4[%add3A, %arg1, %run_scoped3A, %dma_wait3A_65, %dma_wait3A_66] : memref<4x16x162x3x128xi32, #tpu.memory_space<hbm>> -> memref<1x1x1x3x128xi32, #tpu.memory_space<hbm>>
        %dma_wait3A_68 = tpu.memref_squeeze %dma_wait3A_67 : memref<1x1x1x3x128xi32, #tpu.memory_space<hbm>> -> memref<3x128xi32, #tpu.memory_space<hbm>>
        %dma_wait3A_69 = arith.constant 0 : i32
        %dma_wait3A_70 = arith.constant 0 : i32
        %dma_wait3A_71 = tpu.memref_slice %arg4[%add3A, %arg1, %run_scoped3A, %dma_wait3A_69, %dma_wait3A_70] : memref<4x16x162x3x128xi32, #tpu.memory_space<hbm>> -> memref<1x1x1x3x128xi32, #tpu.memory_space<hbm>>
        %dma_wait3A_72 = tpu.memref_squeeze %dma_wait3A_71 : memref<1x1x1x3x128xi32, #tpu.memory_space<hbm>> -> memref<3x128xi32, #tpu.memory_space<hbm>>
        tpu.wait_dma2 semaphore(%run_scoped3A_56 : memref<!tpu.dma_semaphore, #tpu.memory_space<semaphore_mem>>) src(%dma_wait3A_72 : memref<3x128xi32, #tpu.memory_space<hbm>>) dst(%arg8 : memref<3x128xi32, #tpu.memory_space<vmem>>)
        tpu.yield
      }) : () -> ()
      %dma_start3A = arith.constant 0 : i32
      %dma_start3A_14 = arith.constant 0 : i32
      %dma_start3A_15 = tpu.memref_slice %arg8[%dma_start3A, %dma_start3A_14] : memref<3x128xi32, #tpu.memory_space<vmem>> -> memref<1x128xi32, #tpu.memory_space<vmem>>
      %dma_start3A_16 = tpu.memref_squeeze %dma_start3A_15 : memref<1x128xi32, #tpu.memory_space<vmem>> -> memref<128xi32, #tpu.memory_space<vmem>>
      %dma_start3A_17 = arith.constant 0 : i32
      %dma_start3A_18 = arith.constant 0 : i32
      %dma_start3A_19 = tpu.memref_slice %arg2[%dma_start3A_17, %dma_start3A_18] : memref<40000x144xf32, #tpu.memory_space<hbm>> -> memref<40000x144xf32, #tpu.memory_space<hbm>>
      tpu.enqueue_indirect_dma source(%dma_start3A_19 : memref<40000x144xf32, #tpu.memory_space<hbm>>) target(%arg12 : memref<128x144xf32, #tpu.memory_space<vmem>>) offsets(%dma_start3A_16 : memref<128xi32, #tpu.memory_space<vmem>>) semaphore(%arg14 : memref<!tpu.dma_semaphore, #tpu.memory_space<semaphore_mem>>)
      %dma_start3A_20 = arith.constant 1 : i32
      %dma_start3A_21 = arith.constant 0 : i32
      %dma_start3A_22 = tpu.memref_slice %arg8[%dma_start3A_20, %dma_start3A_21] : memref<3x128xi32, #tpu.memory_space<vmem>> -> memref<1x128xi32, #tpu.memory_space<vmem>>
      %dma_start3A_23 = tpu.memref_squeeze %dma_start3A_22 : memref<1x128xi32, #tpu.memory_space<vmem>> -> memref<128xi32, #tpu.memory_space<vmem>>
      %dma_start3A_24 = arith.constant 0 : i32
      %dma_start3A_25 = arith.constant 0 : i32
      %dma_start3A_26 = tpu.memref_slice %arg3[%dma_start3A_24, %dma_start3A_25] : memref<40448x8xf32, #tpu.memory_space<hbm>> -> memref<40448x8xf32, #tpu.memory_space<hbm>>
      tpu.enqueue_indirect_dma source(%dma_start3A_26 : memref<40448x8xf32, #tpu.memory_space<hbm>>) target(%arg10 : memref<128x8xf32, #tpu.memory_space<vmem>>) offsets(%dma_start3A_23 : memref<128xi32, #tpu.memory_space<vmem>>) semaphore(%arg14 : memref<!tpu.dma_semaphore, #tpu.memory_space<semaphore_mem>>)
      %scan3A_27 = arith.constant 0 : i32
      %scan3A_28 = arith.constant 0 : i32
      %scan3A_29 = arith.constant 81 : i32
      %scan3A_30 = arith.addi %scan3A_28, %scan3A_29 : i32
      %scan3A_31 = arith.constant 1 : i32
      %scan3A_32 = scf.for %scan3A_56 = %scan3A_28 to %scan3A_30 step %scan3A_31 iter_args(%scan3A_57 = %scan3A_27) -> (i32)  : i32 {
        %mul3A_58 = arith.constant 2 : i32
        %mul3A_59 = arith.muli %scan3A_56, %mul3A_58 : i32
        %dma_wait3A_60 = arith.constant 1 : i32
        %dma_wait3A_61 = arith.constant 0 : i32
        %dma_wait3A_62 = tpu.memref_slice %arg8[%dma_wait3A_60, %dma_wait3A_61] : memref<3x128xi32, #tpu.memory_space<vmem>> -> memref<1x128xi32, #tpu.memory_space<vmem>>
        %dma_wait3A_63 = tpu.memref_squeeze %dma_wait3A_62 : memref<1x128xi32, #tpu.memory_space<vmem>> -> memref<128xi32, #tpu.memory_space<vmem>>
        %dma_wait3A_64 = arith.constant 0 : i32
        %dma_wait3A_65 = arith.constant 0 : i32
        %dma_wait3A_66 = tpu.memref_slice %arg3[%dma_wait3A_64, %dma_wait3A_65] : memref<40448x8xf32, #tpu.memory_space<hbm>> -> memref<40448x8xf32, #tpu.memory_space<hbm>>
        tpu.wait_indirect_dma semaphore(%arg14 : memref<!tpu.dma_semaphore, #tpu.memory_space<semaphore_mem>>) src(%dma_wait3A_66 : memref<40448x8xf32, #tpu.memory_space<hbm>>) dst(%arg10 : memref<128x8xf32, #tpu.memory_space<vmem>>)
        %dma_wait3A_67 = arith.constant 0 : i32
        %dma_wait3A_68 = arith.constant 0 : i32
        %dma_wait3A_69 = tpu.memref_slice %arg8[%dma_wait3A_67, %dma_wait3A_68] : memref<3x128xi32, #tpu.memory_space<vmem>> -> memref<1x128xi32, #tpu.memory_space<vmem>>
        %dma_wait3A_70 = tpu.memref_squeeze %dma_wait3A_69 : memref<1x128xi32, #tpu.memory_space<vmem>> -> memref<128xi32, #tpu.memory_space<vmem>>
        %dma_wait3A_71 = arith.constant 0 : i32
        %dma_wait3A_72 = arith.constant 0 : i32
        %dma_wait3A_73 = tpu.memref_slice %arg2[%dma_wait3A_71, %dma_wait3A_72] : memref<40000x144xf32, #tpu.memory_space<hbm>> -> memref<40000x144xf32, #tpu.memory_space<hbm>>
        tpu.wait_indirect_dma semaphore(%arg14 : memref<!tpu.dma_semaphore, #tpu.memory_space<semaphore_mem>>) src(%dma_wait3A_73 : memref<40000x144xf32, #tpu.memory_space<hbm>>) dst(%arg12 : memref<128x144xf32, #tpu.memory_space<vmem>>)
        %iota3A = tpu.iota {dimensions = array<i32: 0>} : vector<16xi32>
        %add3A_74 = arith.constant 0 : i32
        %add3A_75 = vector.broadcast %add3A_74 : i32 to vector<16xi32>
        %add3A_76 = arith.addi %iota3A, %add3A_75 : vector<16xi32>
        %gather3A = tpu.vector_load_idx %arg12[%add3A_76, %broadcast_in_dim3A_0] : memref<128x144xf32, #tpu.memory_space<vmem>>[vector<16xi32>, vector<16xi32>], vector<16xf32>,
        %gather3A_77 = tpu.vector_load_idx %arg10[%add3A_76, %broadcast_in_dim3A_2] : memref<128x8xf32, #tpu.memory_space<vmem>>[vector<16xi32>, vector<16xi32>], vector<16xf32>,
        %add3A_78 = arith.addf %gather3A, %gather3A_77 : vector<16xf32>
        %mul3A_79 = arith.constant 2.000000e-01 : f32
        %mul3A_80 = vector.broadcast %mul3A_79 : f32 to vector<16xf32>
        %mul3A_81 = arith.mulf %mul3A_80, %add3A_78 : vector<16xf32>
        %max3A = arith.maximumf %add3A_78, %mul3A_81 : vector<16xf32>
        %exp3A = math.exp %max3A : vector<16xf32>
        %swap3A = arith.constant 0 : index
        %swap3A_82 = tpu.vector_load %arg11[%swap3A] {strides = array<i32>} : memref<144xf32, #tpu.memory_space<vmem>>, vector<16xf32>,
        tpu.vector_store %arg11[%swap3A], %exp3A {strides = array<i32>} : memref<144xf32, #tpu.memory_space<vmem>>, vector<16xf32>,
        %iota3A_83 = tpu.iota {dimensions = array<i32: 0>} : vector<16xi32>
        %add3A_84 = arith.constant 16 : i32
        %add3A_85 = vector.broadcast %add3A_84 : i32 to vector<16xi32>
        %add3A_86 = arith.addi %iota3A_83, %add3A_85 : vector<16xi32>
        %gather3A_87 = tpu.vector_load_idx %arg12[%add3A_86, %broadcast_in_dim3A_0] : memref<128x144xf32, #tpu.memory_space<vmem>>[vector<16xi32>, vector<16xi32>], vector<16xf32>,
        %gather3A_88 = tpu.vector_load_idx %arg10[%add3A_86, %broadcast_in_dim3A_2] : memref<128x8xf32, #tpu.memory_space<vmem>>[vector<16xi32>, vector<16xi32>], vector<16xf32>,
        %add3A_89 = arith.addf %gather3A_87, %gather3A_88 : vector<16xf32>
        %mul3A_90 = arith.constant 2.000000e-01 : f32
        %mul3A_91 = vector.broadcast %mul3A_90 : f32 to vector<16xf32>
        %mul3A_92 = arith.mulf %mul3A_91, %add3A_89 : vector<16xf32>
        %max3A_93 = arith.maximumf %add3A_89, %mul3A_92 : vector<16xf32>
        %exp3A_94 = math.exp %max3A_93 : vector<16xf32>
        %swap3A_95 = arith.constant 16 : index
        %swap3A_96 = tpu.vector_load %arg11[%swap3A_95] {strides = array<i32>} : memref<144xf32, #tpu.memory_space<vmem>>, vector<16xf32>,
        tpu.vector_store %arg11[%swap3A_95], %exp3A_94 {strides = array<i32>} : memref<144xf32, #tpu.memory_space<vmem>>, vector<16xf32>,
        %iota3A_97 = tpu.iota {dimensions = array<i32: 0>} : vector<16xi32>
        %add3A_98 = arith.constant 32 : i32
        %add3A_99 = vector.broadcast %add3A_98 : i32 to vector<16xi32>
        %add3A_100 = arith.addi %iota3A_97, %add3A_99 : vector<16xi32>
        %gather3A_101 = tpu.vector_load_idx %arg12[%add3A_100, %broadcast_in_dim3A_0] : memref<128x144xf32, #tpu.memory_space<vmem>>[vector<16xi32>, vector<16xi32>], vector<16xf32>,
        %gather3A_102 = tpu.vector_load_idx %arg10[%add3A_100, %broadcast_in_dim3A_2] : memref<128x8xf32, #tpu.memory_space<vmem>>[vector<16xi32>, vector<16xi32>], vector<16xf32>,
        %add3A_103 = arith.addf %gather3A_101, %gather3A_102 : vector<16xf32>
        %mul3A_104 = arith.constant 2.000000e-01 : f32
        %mul3A_105 = vector.broadcast %mul3A_104 : f32 to vector<16xf32>
        %mul3A_106 = arith.mulf %mul3A_105, %add3A_103 : vector<16xf32>
        %max3A_107 = arith.maximumf %add3A_103, %mul3A_106 : vector<16xf32>
        %exp3A_108 = math.exp %max3A_107 : vector<16xf32>
        %swap3A_109 = arith.constant 32 : index
        %swap3A_110 = tpu.vector_load %arg11[%swap3A_109] {strides = array<i32>} : memref<144xf32, #tpu.memory_space<vmem>>, vector<16xf32>,
        tpu.vector_store %arg11[%swap3A_109], %exp3A_108 {strides = array<i32>} : memref<144xf32, #tpu.memory_space<vmem>>, vector<16xf32>,
        %iota3A_111 = tpu.iota {dimensions = array<i32: 0>} : vector<16xi32>
        %add3A_112 = arith.constant 48 : i32
        %add3A_113 = vector.broadcast %add3A_112 : i32 to vector<16xi32>
        %add3A_114 = arith.addi %iota3A_111, %add3A_113 : vector<16xi32>
        %gather3A_115 = tpu.vector_load_idx %arg12[%add3A_114, %broadcast_in_dim3A_0] : memref<128x144xf32, #tpu.memory_space<vmem>>[vector<16xi32>, vector<16xi32>], vector<16xf32>,
        %gather3A_116 = tpu.vector_load_idx %arg10[%add3A_114, %broadcast_in_dim3A_2] : memref<128x8xf32, #tpu.memory_space<vmem>>[vector<16xi32>, vector<16xi32>], vector<16xf32>,
        %add3A_117 = arith.addf %gather3A_115, %gather3A_116 : vector<16xf32>
        %mul3A_118 = arith.constant 2.000000e-01 : f32
        %mul3A_119 = vector.broadcast %mul3A_118 : f32 to vector<16xf32>
        %mul3A_120 = arith.mulf %mul3A_119, %add3A_117 : vector<16xf32>
        %max3A_121 = arith.maximumf %add3A_117, %mul3A_120 : vector<16xf32>
        %exp3A_122 = math.exp %max3A_121 : vector<16xf32>
        %swap3A_123 = arith.constant 48 : index
        %swap3A_124 = tpu.vector_load %arg11[%swap3A_123] {strides = array<i32>} : memref<144xf32, #tpu.memory_space<vmem>>, vector<16xf32>,
        tpu.vector_store %arg11[%swap3A_123], %exp3A_122 {strides = array<i32>} : memref<144xf32, #tpu.memory_space<vmem>>, vector<16xf32>,
        %iota3A_125 = tpu.iota {dimensions = array<i32: 0>} : vector<16xi32>
        %add3A_126 = arith.constant 64 : i32
        %add3A_127 = vector.broadcast %add3A_126 : i32 to vector<16xi32>
        %add3A_128 = arith.addi %iota3A_125, %add3A_127 : vector<16xi32>
        %gather3A_129 = tpu.vector_load_idx %arg12[%add3A_128, %broadcast_in_dim3A_0] : memref<128x144xf32, #tpu.memory_space<vmem>>[vector<16xi32>, vector<16xi32>], vector<16xf32>,
        %gather3A_130 = tpu.vector_load_idx %arg10[%add3A_128, %broadcast_in_dim3A_2] : memref<128x8xf32, #tpu.memory_space<vmem>>[vector<16xi32>, vector<16xi32>], vector<16xf32>,
        %add3A_131 = arith.addf %gather3A_129, %gather3A_130 : vector<16xf32>
        %mul3A_132 = arith.constant 2.000000e-01 : f32
        %mul3A_133 = vector.broadcast %mul3A_132 : f32 to vector<16xf32>
        %mul3A_134 = arith.mulf %mul3A_133, %add3A_131 : vector<16xf32>
        %max3A_135 = arith.maximumf %add3A_131, %mul3A_134 : vector<16xf32>
        %exp3A_136 = math.exp %max3A_135 : vector<16xf32>
        %swap3A_137 = arith.constant 64 : index
        %swap3A_138 = tpu.vector_load %arg11[%swap3A_137] {strides = array<i32>} : memref<144xf32, #tpu.memory_space<vmem>>, vector<16xf32>,
        tpu.vector_store %arg11[%swap3A_137], %exp3A_136 {strides = array<i32>} : memref<144xf32, #tpu.memory_space<vmem>>, vector<16xf32>,
        %iota3A_139 = tpu.iota {dimensions = array<i32: 0>} : vector<16xi32>
        %add3A_140 = arith.constant 80 : i32
        %add3A_141 = vector.broadcast %add3A_140 : i32 to vector<16xi32>
        %add3A_142 = arith.addi %iota3A_139, %add3A_141 : vector<16xi32>
        %gather3A_143 = tpu.vector_load_idx %arg12[%add3A_142, %broadcast_in_dim3A_0] : memref<128x144xf32, #tpu.memory_space<vmem>>[vector<16xi32>, vector<16xi32>], vector<16xf32>,
        %gather3A_144 = tpu.vector_load_idx %arg10[%add3A_142, %broadcast_in_dim3A_2] : memref<128x8xf32, #tpu.memory_space<vmem>>[vector<16xi32>, vector<16xi32>], vector<16xf32>,
        %add3A_145 = arith.addf %gather3A_143, %gather3A_144 : vector<16xf32>
        %mul3A_146 = arith.constant 2.000000e-01 : f32
        %mul3A_147 = vector.broadcast %mul3A_146 : f32 to vector<16xf32>
        %mul3A_148 = arith.mulf %mul3A_147, %add3A_145 : vector<16xf32>
        %max3A_149 = arith.maximumf %add3A_145, %mul3A_148 : vector<16xf32>
        %exp3A_150 = math.exp %max3A_149 : vector<16xf32>
        %swap3A_151 = arith.constant 80 : index
        %swap3A_152 = tpu.vector_load %arg11[%swap3A_151] {strides = array<i32>} : memref<144xf32, #tpu.memory_space<vmem>>, vector<16xf32>,
        tpu.vector_store %arg11[%swap3A_151], %exp3A_150 {strides = array<i32>} : memref<144xf32, #tpu.memory_space<vmem>>, vector<16xf32>,
        %iota3A_153 = tpu.iota {dimensions = array<i32: 0>} : vector<16xi32>
        %add3A_154 = arith.constant 96 : i32
        %add3A_155 = vector.broadcast %add3A_154 : i32 to vector<16xi32>
        %add3A_156 = arith.addi %iota3A_153, %add3A_155 : vector<16xi32>
        %gather3A_157 = tpu.vector_load_idx %arg12[%add3A_156, %broadcast_in_dim3A_0] : memref<128x144xf32, #tpu.memory_space<vmem>>[vector<16xi32>, vector<16xi32>], vector<16xf32>,
        %gather3A_158 = tpu.vector_load_idx %arg10[%add3A_156, %broadcast_in_dim3A_2] : memref<128x8xf32, #tpu.memory_space<vmem>>[vector<16xi32>, vector<16xi32>], vector<16xf32>,
        %add3A_159 = arith.addf %gather3A_157, %gather3A_158 : vector<16xf32>
        %mul3A_160 = arith.constant 2.000000e-01 : f32
        %mul3A_161 = vector.broadcast %mul3A_160 : f32 to vector<16xf32>
        %mul3A_162 = arith.mulf %mul3A_161, %add3A_159 : vector<16xf32>
        %max3A_163 = arith.maximumf %add3A_159, %mul3A_162 : vector<16xf32>
        %exp3A_164 = math.exp %max3A_163 : vector<16xf32>
        %swap3A_165 = arith.constant 96 : index
        %swap3A_166 = tpu.vector_load %arg11[%swap3A_165] {strides = array<i32>} : memref<144xf32, #tpu.memory_space<vmem>>, vector<16xf32>,
        tpu.vector_store %arg11[%swap3A_165], %exp3A_164 {strides = array<i32>} : memref<144xf32, #tpu.memory_space<vmem>>, vector<16xf32>,
        %iota3A_167 = tpu.iota {dimensions = array<i32: 0>} : vector<16xi32>
        %add3A_168 = arith.constant 112 : i32
        %add3A_169 = vector.broadcast %add3A_168 : i32 to vector<16xi32>
        %add3A_170 = arith.addi %iota3A_167, %add3A_169 : vector<16xi32>
        %gather3A_171 = tpu.vector_load_idx %arg12[%add3A_170, %broadcast_in_dim3A_0] : memref<128x144xf32, #tpu.memory_space<vmem>>[vector<16xi32>, vector<16xi32>], vector<16xf32>,
        %gather3A_172 = tpu.vector_load_idx %arg10[%add3A_170, %broadcast_in_dim3A_2] : memref<128x8xf32, #tpu.memory_space<vmem>>[vector<16xi32>, vector<16xi32>], vector<16xf32>,
        %add3A_173 = arith.addf %gather3A_171, %gather3A_172 : vector<16xf32>
        %mul3A_174 = arith.constant 2.000000e-01 : f32
        %mul3A_175 = vector.broadcast %mul3A_174 : f32 to vector<16xf32>
        %mul3A_176 = arith.mulf %mul3A_175, %add3A_173 : vector<16xf32>
        %max3A_177 = arith.maximumf %add3A_173, %mul3A_176 : vector<16xf32>
        %exp3A_178 = math.exp %max3A_177 : vector<16xf32>
        %swap3A_179 = arith.constant 112 : index
        %swap3A_180 = tpu.vector_load %arg11[%swap3A_179] {strides = array<i32>} : memref<144xf32, #tpu.memory_space<vmem>>, vector<16xf32>,
        tpu.vector_store %arg11[%swap3A_179], %exp3A_178 {strides = array<i32>} : memref<144xf32, #tpu.memory_space<vmem>>, vector<16xf32>,
        %lt3A_181 = arith.constant 161 : i32
        %lt3A_182 = arith.cmpi slt, %mul3A_59, %lt3A_181 : i32
        %convert_element_type3A_183 = arith.extui %lt3A_182 : i1 to i32
        %cond3A_184 = arith.constant 0 : i32
        %cond3A_185 = arith.cmpi ne, %convert_element_type3A_183, %cond3A_184 : i32
        scf.if %cond3A_185 {
          %ge3A = arith.constant 1 : i32
          %ge3A_348 = arith.cmpi sge, %mul3A_59, %ge3A : i32
          %convert_element_type3A_349 = arith.extui %ge3A_348 : i1 to i32
          %cond3A_350 = arith.constant 0 : i32
          %cond3A_351 = arith.cmpi ne, %convert_element_type3A_349, %cond3A_350 : i32
          scf.if %cond3A_351 {
            %dma_wait3A_368 = arith.constant 2 : i32
            %dma_wait3A_369 = arith.constant 0 : i32
            %dma_wait3A_370 = tpu.memref_slice %arg9[%dma_wait3A_368, %dma_wait3A_369] : memref<3x128xi32, #tpu.memory_space<vmem>> -> memref<1x128xi32, #tpu.memory_space<vmem>>
            %dma_wait3A_371 = tpu.memref_squeeze %dma_wait3A_370 : memref<1x128xi32, #tpu.memory_space<vmem>> -> memref<128xi32, #tpu.memory_space<vmem>>
            %dma_wait3A_372 = arith.constant 0 : i32
            %dma_wait3A_373 = arith.constant 0 : i32
            %dma_wait3A_374 = tpu.memref_slice %arg7[%dma_wait3A_372, %dma_wait3A_373] : memref<10112x144xf32, #tpu.memory_space<vmem_shared>> -> memref<10112x144xf32, #tpu.memory_space<vmem_shared>>
            tpu.wait_indirect_dma semaphore(%arg17 : memref<!tpu.dma_semaphore, #tpu.memory_space<semaphore_mem>>) src(%arg13 : memref<128x144xf32, #tpu.memory_space<vmem>>) dst(%dma_wait3A_374 : memref<10112x144xf32, #tpu.memory_space<vmem_shared>>)
          } else {
          }
          %add3A_352 = arith.constant 1 : i32
          %add3A_353 = arith.addi %mul3A_59, %add3A_352 : i32
          "tpu.region"() ({
            %run_scoped3A_368 = tpu.sem_alloc : memref<!tpu.dma_semaphore, #tpu.memory_space<semaphore_mem>>
            %dma_start3A_369 = arith.constant 0 : i32
            %dma_start3A_370 = arith.constant 0 : i32
            %dma_start3A_371 = tpu.memref_slice %arg4[%add3A, %arg1, %add3A_353, %dma_start3A_369, %dma_start3A_370] : memref<4x16x162x3x128xi32, #tpu.memory_space<hbm>> -> memref<1x1x1x3x128xi32, #tpu.memory_space<hbm>>
            %dma_start3A_372 = tpu.memref_squeeze %dma_start3A_371 : memref<1x1x1x3x128xi32, #tpu.memory_space<hbm>> -> memref<3x128xi32, #tpu.memory_space<hbm>>
            %dma_start3A_373 = arith.constant 0 : i32
            %dma_start3A_374 = arith.constant 0 : i32
            %dma_start3A_375 = tpu.memref_slice %arg4[%add3A, %arg1, %add3A_353, %dma_start3A_373, %dma_start3A_374] : memref<4x16x162x3x128xi32, #tpu.memory_space<hbm>> -> memref<1x1x1x3x128xi32, #tpu.memory_space<hbm>>
            %dma_start3A_376 = tpu.memref_squeeze %dma_start3A_375 : memref<1x1x1x3x128xi32, #tpu.memory_space<hbm>> -> memref<3x128xi32, #tpu.memory_space<hbm>>
            tpu.enqueue_dma source(%dma_start3A_376 : memref<3x128xi32, #tpu.memory_space<hbm>>) target(%arg9 : memref<3x128xi32, #tpu.memory_space<vmem>>) target_semaphore(%run_scoped3A_368 : memref<!tpu.dma_semaphore, #tpu.memory_space<semaphore_mem>>)
            %dma_wait3A_377 = arith.constant 0 : i32
            %dma_wait3A_378 = arith.constant 0 : i32
            %dma_wait3A_379 = tpu.memref_slice %arg4[%add3A, %arg1, %add3A_353, %dma_wait3A_377, %dma_wait3A_378] : memref<4x16x162x3x128xi32, #tpu.memory_space<hbm>> -> memref<1x1x1x3x128xi32, #tpu.memory_space<hbm>>
            %dma_wait3A_380 = tpu.memref_squeeze %dma_wait3A_379 : memref<1x1x1x3x128xi32, #tpu.memory_space<hbm>> -> memref<3x128xi32, #tpu.memory_space<hbm>>
            %dma_wait3A_381 = arith.constant 0 : i32
            %dma_wait3A_382 = arith.constant 0 : i32
            %dma_wait3A_383 = tpu.memref_slice %arg4[%add3A, %arg1, %add3A_353, %dma_wait3A_381, %dma_wait3A_382] : memref<4x16x162x3x128xi32, #tpu.memory_space<hbm>> -> memref<1x1x1x3x128xi32, #tpu.memory_space<hbm>>
            %dma_wait3A_384 = tpu.memref_squeeze %dma_wait3A_383 : memref<1x1x1x3x128xi32, #tpu.memory_space<hbm>> -> memref<3x128xi32, #tpu.memory_space<hbm>>
            tpu.wait_dma2 semaphore(%run_scoped3A_368 : memref<!tpu.dma_semaphore, #tpu.memory_space<semaphore_mem>>) src(%dma_wait3A_384 : memref<3x128xi32, #tpu.memory_space<hbm>>) dst(%arg9 : memref<3x128xi32, #tpu.memory_space<vmem>>)
            tpu.yield
          }) : () -> ()
          %dma_start3A_354 = arith.constant 0 : i32
          %dma_start3A_355 = arith.constant 0 : i32
          %dma_start3A_356 = tpu.memref_slice %arg9[%dma_start3A_354, %dma_start3A_355] : memref<3x128xi32, #tpu.memory_space<vmem>> -> memref<1x128xi32, #tpu.memory_space<vmem>>
          %dma_start3A_357 = tpu.memref_squeeze %dma_start3A_356 : memref<1x128xi32, #tpu.memory_space<vmem>> -> memref<128xi32, #tpu.memory_space<vmem>>
          %dma_start3A_358 = arith.constant 0 : i32
          %dma_start3A_359 = arith.constant 0 : i32
          %dma_start3A_360 = tpu.memref_slice %arg2[%dma_start3A_358, %dma_start3A_359] : memref<40000x144xf32, #tpu.memory_space<hbm>> -> memref<40000x144xf32, #tpu.memory_space<hbm>>
          tpu.enqueue_indirect_dma source(%dma_start3A_360 : memref<40000x144xf32, #tpu.memory_space<hbm>>) target(%arg13 : memref<128x144xf32, #tpu.memory_space<vmem>>) offsets(%dma_start3A_357 : memref<128xi32, #tpu.memory_space<vmem>>) semaphore(%arg15 : memref<!tpu.dma_semaphore, #tpu.memory_space<semaphore_mem>>)
          %dma_start3A_361 = arith.constant 1 : i32
          %dma_start3A_362 = arith.constant 0 : i32
          %dma_start3A_363 = tpu.memref_slice %arg9[%dma_start3A_361, %dma_start3A_362] : memref<3x128xi32, #tpu.memory_space<vmem>> -> memref<1x128xi32, #tpu.memory_space<vmem>>
          %dma_start3A_364 = tpu.memref_squeeze %dma_start3A_363 : memref<1x128xi32, #tpu.memory_space<vmem>> -> memref<128xi32, #tpu.memory_space<vmem>>
          %dma_start3A_365 = arith.constant 0 : i32
          %dma_start3A_366 = arith.constant 0 : i32
          %dma_start3A_367 = tpu.memref_slice %arg3[%dma_start3A_365, %dma_start3A_366] : memref<40448x8xf32, #tpu.memory_space<hbm>> -> memref<40448x8xf32, #tpu.memory_space<hbm>>
          tpu.enqueue_indirect_dma source(%dma_start3A_367 : memref<40448x8xf32, #tpu.memory_space<hbm>>) target(%arg10 : memref<128x8xf32, #tpu.memory_space<vmem>>) offsets(%dma_start3A_364 : memref<128xi32, #tpu.memory_space<vmem>>) semaphore(%arg15 : memref<!tpu.dma_semaphore, #tpu.memory_space<semaphore_mem>>)
        } else {
        }
        %scan3A_186 = arith.constant 0 : i32
        %scan3A_187 = arith.constant 0 : i32
        %scan3A_188 = arith.constant 64 : i32
        %scan3A_189 = arith.addi %scan3A_187, %scan3A_188 : i32
        %scan3A_190 = arith.constant 1 : i32
        %scan3A_191 = scf.for %scan3A_348 = %scan3A_187 to %scan3A_189 step %scan3A_190 iter_args(%scan3A_349 = %scan3A_186) -> (i32)  : i32 {
          %mul3A_350 = arith.constant 2 : i32
          %mul3A_351 = arith.muli %scan3A_348, %mul3A_350 : i32
          %get3A = arith.index_cast %mul3A_351 : i32 to index
          %get3A_352 = tpu.vector_load %arg11[%get3A] {strides = array<i32>} : memref<144xf32, #tpu.memory_space<vmem>>, vector<16xf32>,
          %slice3A = vector.extract_strided_slice %get3A_352 {offsets = [0], sizes = [1], strides = [1]} : vector<16xf32> to vector<1xf32>
          %squeeze3A = vector.extract %slice3A[0] : f32 from vector<1xf32>
          %add3A_353 = arith.constant 1 : i32
          %add3A_354 = arith.addi %mul3A_351, %add3A_353 : i32
          %get3A_355 = arith.index_cast %add3A_354 : i32 to index
          %get3A_356 = tpu.vector_load %arg11[%get3A_355] {strides = array<i32>} : memref<144xf32, #tpu.memory_space<vmem>>, vector<16xf32>,
          %slice3A_357 = vector.extract_strided_slice %get3A_356 {offsets = [0], sizes = [1], strides = [1]} : vector<16xf32> to vector<1xf32>
          %squeeze3A_358 = vector.extract %slice3A_357[0] : f32 from vector<1xf32>
          %get3A_359 = arith.index_cast %mul3A_351 : i32 to index
          %get3A_360 = arith.constant 0 : index
          %get3A_361 = tpu.vector_load %arg12[%get3A_359, %get3A_360] {strides = array<i32>} : memref<128x144xf32, #tpu.memory_space<vmem>>, vector<16xf32>,
          %mul3A_362 = vector.broadcast %squeeze3A : f32 to vector<16xf32>
          %mul3A_363 = arith.mulf %get3A_361, %mul3A_362 : vector<16xf32>
          %swap3A_364 = arith.index_cast %mul3A_351 : i32 to index
          %swap3A_365 = arith.constant 0 : index
          %swap3A_366 = tpu.vector_load %arg12[%swap3A_364, %swap3A_365] {strides = array<i32>} : memref<128x144xf32, #tpu.memory_space<vmem>>, vector<16xf32>,
          tpu.vector_store %arg12[%swap3A_364, %swap3A_365], %mul3A_363 {strides = array<i32>} : memref<128x144xf32, #tpu.memory_space<vmem>>, vector<16xf32>,
          %get3A_367 = arith.index_cast %mul3A_351 : i32 to index
          %get3A_368 = arith.constant 16 : index
          %get3A_369 = tpu.vector_load %arg12[%get3A_367, %get3A_368] {strides = array<i32>} : memref<128x144xf32, #tpu.memory_space<vmem>>, vector<16xf32>,
          %mul3A_370 = vector.broadcast %squeeze3A : f32 to vector<16xf32>
          %mul3A_371 = arith.mulf %get3A_369, %mul3A_370 : vector<16xf32>
          %swap3A_372 = arith.index_cast %mul3A_351 : i32 to index
          %swap3A_373 = arith.constant 16 : index
          %swap3A_374 = tpu.vector_load %arg12[%swap3A_372, %swap3A_373] {strides = array<i32>} : memref<128x144xf32, #tpu.memory_space<vmem>>, vector<16xf32>,
          tpu.vector_store %arg12[%swap3A_372, %swap3A_373], %mul3A_371 {strides = array<i32>} : memref<128x144xf32, #tpu.memory_space<vmem>>, vector<16xf32>,
          %get3A_375 = arith.index_cast %mul3A_351 : i32 to index
          %get3A_376 = arith.constant 32 : index
          %get3A_377 = tpu.vector_load %arg12[%get3A_375, %get3A_376] {strides = array<i32>} : memref<128x144xf32, #tpu.memory_space<vmem>>, vector<16xf32>,
          %mul3A_378 = vector.broadcast %squeeze3A : f32 to vector<16xf32>
          %mul3A_379 = arith.mulf %get3A_377, %mul3A_378 : vector<16xf32>
          %swap3A_380 = arith.index_cast %mul3A_351 : i32 to index
          %swap3A_381 = arith.constant 32 : index
          %swap3A_382 = tpu.vector_load %arg12[%swap3A_380, %swap3A_381] {strides = array<i32>} : memref<128x144xf32, #tpu.memory_space<vmem>>, vector<16xf32>,
          tpu.vector_store %arg12[%swap3A_380, %swap3A_381], %mul3A_379 {strides = array<i32>} : memref<128x144xf32, #tpu.memory_space<vmem>>, vector<16xf32>,
          %get3A_383 = arith.index_cast %mul3A_351 : i32 to index
          %get3A_384 = arith.constant 48 : index
          %get3A_385 = tpu.vector_load %arg12[%get3A_383, %get3A_384] {strides = array<i32>} : memref<128x144xf32, #tpu.memory_space<vmem>>, vector<16xf32>,
          %mul3A_386 = vector.broadcast %squeeze3A : f32 to vector<16xf32>
          %mul3A_387 = arith.mulf %get3A_385, %mul3A_386 : vector<16xf32>
          %swap3A_388 = arith.index_cast %mul3A_351 : i32 to index
          %swap3A_389 = arith.constant 48 : index
          %swap3A_390 = tpu.vector_load %arg12[%swap3A_388, %swap3A_389] {strides = array<i32>} : memref<128x144xf32, #tpu.memory_space<vmem>>, vector<16xf32>,
          tpu.vector_store %arg12[%swap3A_388, %swap3A_389], %mul3A_387 {strides = array<i32>} : memref<128x144xf32, #tpu.memory_space<vmem>>, vector<16xf32>,
          %get3A_391 = arith.index_cast %mul3A_351 : i32 to index
          %get3A_392 = arith.constant 64 : index
          %get3A_393 = tpu.vector_load %arg12[%get3A_391, %get3A_392] {strides = array<i32>} : memref<128x144xf32, #tpu.memory_space<vmem>>, vector<16xf32>,
          %mul3A_394 = vector.broadcast %squeeze3A : f32 to vector<16xf32>
          %mul3A_395 = arith.mulf %get3A_393, %mul3A_394 : vector<16xf32>
          %swap3A_396 = arith.index_cast %mul3A_351 : i32 to index
          %swap3A_397 = arith.constant 64 : index
          %swap3A_398 = tpu.vector_load %arg12[%swap3A_396, %swap3A_397] {strides = array<i32>} : memref<128x144xf32, #tpu.memory_space<vmem>>, vector<16xf32>,
          tpu.vector_store %arg12[%swap3A_396, %swap3A_397], %mul3A_395 {strides = array<i32>} : memref<128x144xf32, #tpu.memory_space<vmem>>, vector<16xf32>,
          %get3A_399 = arith.index_cast %mul3A_351 : i32 to index
          %get3A_400 = arith.constant 80 : index
          %get3A_401 = tpu.vector_load %arg12[%get3A_399, %get3A_400] {strides = array<i32>} : memref<128x144xf32, #tpu.memory_space<vmem>>, vector<16xf32>,
          %mul3A_402 = vector.broadcast %squeeze3A : f32 to vector<16xf32>
          %mul3A_403 = arith.mulf %get3A_401, %mul3A_402 : vector<16xf32>
          %swap3A_404 = arith.index_cast %mul3A_351 : i32 to index
          %swap3A_405 = arith.constant 80 : index
          %swap3A_406 = tpu.vector_load %arg12[%swap3A_404, %swap3A_405] {strides = array<i32>} : memref<128x144xf32, #tpu.memory_space<vmem>>, vector<16xf32>,
          tpu.vector_store %arg12[%swap3A_404, %swap3A_405], %mul3A_403 {strides = array<i32>} : memref<128x144xf32, #tpu.memory_space<vmem>>, vector<16xf32>,
          %get3A_407 = arith.index_cast %mul3A_351 : i32 to index
          %get3A_408 = arith.constant 96 : index
          %get3A_409 = tpu.vector_load %arg12[%get3A_407, %get3A_408] {strides = array<i32>} : memref<128x144xf32, #tpu.memory_space<vmem>>, vector<16xf32>,
          %mul3A_410 = vector.broadcast %squeeze3A : f32 to vector<16xf32>
          %mul3A_411 = arith.mulf %get3A_409, %mul3A_410 : vector<16xf32>
          %swap3A_412 = arith.index_cast %mul3A_351 : i32 to index
          %swap3A_413 = arith.constant 96 : index
          %swap3A_414 = tpu.vector_load %arg12[%swap3A_412, %swap3A_413] {strides = array<i32>} : memref<128x144xf32, #tpu.memory_space<vmem>>, vector<16xf32>,
          tpu.vector_store %arg12[%swap3A_412, %swap3A_413], %mul3A_411 {strides = array<i32>} : memref<128x144xf32, #tpu.memory_space<vmem>>, vector<16xf32>,
          %get3A_415 = arith.index_cast %mul3A_351 : i32 to index
          %get3A_416 = arith.constant 112 : index
          %get3A_417 = tpu.vector_load %arg12[%get3A_415, %get3A_416] {strides = array<i32>} : memref<128x144xf32, #tpu.memory_space<vmem>>, vector<16xf32>,
          %mul3A_418 = vector.broadcast %squeeze3A : f32 to vector<16xf32>
          %mul3A_419 = arith.mulf %get3A_417, %mul3A_418 : vector<16xf32>
          %swap3A_420 = arith.index_cast %mul3A_351 : i32 to index
          %swap3A_421 = arith.constant 112 : index
          %swap3A_422 = tpu.vector_load %arg12[%swap3A_420, %swap3A_421] {strides = array<i32>} : memref<128x144xf32, #tpu.memory_space<vmem>>, vector<16xf32>,
          tpu.vector_store %arg12[%swap3A_420, %swap3A_421], %mul3A_419 {strides = array<i32>} : memref<128x144xf32, #tpu.memory_space<vmem>>, vector<16xf32>,
          %get3A_423 = arith.index_cast %mul3A_351 : i32 to index
          %get3A_424 = arith.constant 128 : index
          %get3A_425 = tpu.vector_load %arg12[%get3A_423, %get3A_424] {strides = array<i32>} : memref<128x144xf32, #tpu.memory_space<vmem>>, vector<16xf32>,
          %mul3A_426 = vector.broadcast %squeeze3A : f32 to vector<16xf32>
          %mul3A_427 = arith.mulf %get3A_425, %mul3A_426 : vector<16xf32>
          %swap3A_428 = arith.index_cast %mul3A_351 : i32 to index
          %swap3A_429 = arith.constant 128 : index
          %swap3A_430 = tpu.vector_load %arg12[%swap3A_428, %swap3A_429] {strides = array<i32>} : memref<128x144xf32, #tpu.memory_space<vmem>>, vector<16xf32>,
          tpu.vector_store %arg12[%swap3A_428, %swap3A_429], %mul3A_427 {strides = array<i32>} : memref<128x144xf32, #tpu.memory_space<vmem>>, vector<16xf32>,
          %add3A_431 = arith.constant 1 : i32
          %add3A_432 = arith.addi %mul3A_351, %add3A_431 : i32
          %get3A_433 = arith.index_cast %add3A_432 : i32 to index
          %get3A_434 = arith.constant 0 : index
          %get3A_435 = tpu.vector_load %arg12[%get3A_433, %get3A_434] {strides = array<i32>} : memref<128x144xf32, #tpu.memory_space<vmem>>, vector<16xf32>,
          %mul3A_436 = vector.broadcast %squeeze3A_358 : f32 to vector<16xf32>
          %mul3A_437 = arith.mulf %get3A_435, %mul3A_436 : vector<16xf32>
          %add3A_438 = arith.constant 1 : i32
          %add3A_439 = arith.addi %mul3A_351, %add3A_438 : i32
          %swap3A_440 = arith.index_cast %add3A_439 : i32 to index
          %swap3A_441 = arith.constant 0 : index
          %swap3A_442 = tpu.vector_load %arg12[%swap3A_440, %swap3A_441] {strides = array<i32>} : memref<128x144xf32, #tpu.memory_space<vmem>>, vector<16xf32>,
          tpu.vector_store %arg12[%swap3A_440, %swap3A_441], %mul3A_437 {strides = array<i32>} : memref<128x144xf32, #tpu.memory_space<vmem>>, vector<16xf32>,
          %add3A_443 = arith.constant 1 : i32
          %add3A_444 = arith.addi %mul3A_351, %add3A_443 : i32
          %get3A_445 = arith.index_cast %add3A_444 : i32 to index
          %get3A_446 = arith.constant 16 : index
          %get3A_447 = tpu.vector_load %arg12[%get3A_445, %get3A_446] {strides = array<i32>} : memref<128x144xf32, #tpu.memory_space<vmem>>, vector<16xf32>,
          %mul3A_448 = vector.broadcast %squeeze3A_358 : f32 to vector<16xf32>
          %mul3A_449 = arith.mulf %get3A_447, %mul3A_448 : vector<16xf32>
          %add3A_450 = arith.constant 1 : i32
          %add3A_451 = arith.addi %mul3A_351, %add3A_450 : i32
          %swap3A_452 = arith.index_cast %add3A_451 : i32 to index
          %swap3A_453 = arith.constant 16 : index
          %swap3A_454 = tpu.vector_load %arg12[%swap3A_452, %swap3A_453] {strides = array<i32>} : memref<128x144xf32, #tpu.memory_space<vmem>>, vector<16xf32>,
          tpu.vector_store %arg12[%swap3A_452, %swap3A_453], %mul3A_449 {strides = array<i32>} : memref<128x144xf32, #tpu.memory_space<vmem>>, vector<16xf32>,
          %add3A_455 = arith.constant 1 : i32
          %add3A_456 = arith.addi %mul3A_351, %add3A_455 : i32
          %get3A_457 = arith.index_cast %add3A_456 : i32 to index
          %get3A_458 = arith.constant 32 : index
          %get3A_459 = tpu.vector_load %arg12[%get3A_457, %get3A_458] {strides = array<i32>} : memref<128x144xf32, #tpu.memory_space<vmem>>, vector<16xf32>,
          %mul3A_460 = vector.broadcast %squeeze3A_358 : f32 to vector<16xf32>
          %mul3A_461 = arith.mulf %get3A_459, %mul3A_460 : vector<16xf32>
          %add3A_462 = arith.constant 1 : i32
          %add3A_463 = arith.addi %mul3A_351, %add3A_462 : i32
          %swap3A_464 = arith.index_cast %add3A_463 : i32 to index
          %swap3A_465 = arith.constant 32 : index
          %swap3A_466 = tpu.vector_load %arg12[%swap3A_464, %swap3A_465] {strides = array<i32>} : memref<128x144xf32, #tpu.memory_space<vmem>>, vector<16xf32>,
          tpu.vector_store %arg12[%swap3A_464, %swap3A_465], %mul3A_461 {strides = array<i32>} : memref<128x144xf32, #tpu.memory_space<vmem>>, vector<16xf32>,
          %add3A_467 = arith.constant 1 : i32
          %add3A_468 = arith.addi %mul3A_351, %add3A_467 : i32
          %get3A_469 = arith.index_cast %add3A_468 : i32 to index
          %get3A_470 = arith.constant 48 : index
          %get3A_471 = tpu.vector_load %arg12[%get3A_469, %get3A_470] {strides = array<i32>} : memref<128x144xf32, #tpu.memory_space<vmem>>, vector<16xf32>,
          %mul3A_472 = vector.broadcast %squeeze3A_358 : f32 to vector<16xf32>
          %mul3A_473 = arith.mulf %get3A_471, %mul3A_472 : vector<16xf32>
          %add3A_474 = arith.constant 1 : i32
          %add3A_475 = arith.addi %mul3A_351, %add3A_474 : i32
          %swap3A_476 = arith.index_cast %add3A_475 : i32 to index
          %swap3A_477 = arith.constant 48 : index
          %swap3A_478 = tpu.vector_load %arg12[%swap3A_476, %swap3A_477] {strides = array<i32>} : memref<128x144xf32, #tpu.memory_space<vmem>>, vector<16xf32>,
          tpu.vector_store %arg12[%swap3A_476, %swap3A_477], %mul3A_473 {strides = array<i32>} : memref<128x144xf32, #tpu.memory_space<vmem>>, vector<16xf32>,
          %add3A_479 = arith.constant 1 : i32
          %add3A_480 = arith.addi %mul3A_351, %add3A_479 : i32
          %get3A_481 = arith.index_cast %add3A_480 : i32 to index
          %get3A_482 = arith.constant 64 : index
          %get3A_483 = tpu.vector_load %arg12[%get3A_481, %get3A_482] {strides = array<i32>} : memref<128x144xf32, #tpu.memory_space<vmem>>, vector<16xf32>,
          %mul3A_484 = vector.broadcast %squeeze3A_358 : f32 to vector<16xf32>
          %mul3A_485 = arith.mulf %get3A_483, %mul3A_484 : vector<16xf32>
          %add3A_486 = arith.constant 1 : i32
          %add3A_487 = arith.addi %mul3A_351, %add3A_486 : i32
          %swap3A_488 = arith.index_cast %add3A_487 : i32 to index
          %swap3A_489 = arith.constant 64 : index
          %swap3A_490 = tpu.vector_load %arg12[%swap3A_488, %swap3A_489] {strides = array<i32>} : memref<128x144xf32, #tpu.memory_space<vmem>>, vector<16xf32>,
          tpu.vector_store %arg12[%swap3A_488, %swap3A_489], %mul3A_485 {strides = array<i32>} : memref<128x144xf32, #tpu.memory_space<vmem>>, vector<16xf32>,
          %add3A_491 = arith.constant 1 : i32
          %add3A_492 = arith.addi %mul3A_351, %add3A_491 : i32
          %get3A_493 = arith.index_cast %add3A_492 : i32 to index
          %get3A_494 = arith.constant 80 : index
          %get3A_495 = tpu.vector_load %arg12[%get3A_493, %get3A_494] {strides = array<i32>} : memref<128x144xf32, #tpu.memory_space<vmem>>, vector<16xf32>,
          %mul3A_496 = vector.broadcast %squeeze3A_358 : f32 to vector<16xf32>
          %mul3A_497 = arith.mulf %get3A_495, %mul3A_496 : vector<16xf32>
          %add3A_498 = arith.constant 1 : i32
          %add3A_499 = arith.addi %mul3A_351, %add3A_498 : i32
          %swap3A_500 = arith.index_cast %add3A_499 : i32 to index
          %swap3A_501 = arith.constant 80 : index
          %swap3A_502 = tpu.vector_load %arg12[%swap3A_500, %swap3A_501] {strides = array<i32>} : memref<128x144xf32, #tpu.memory_space<vmem>>, vector<16xf32>,
          tpu.vector_store %arg12[%swap3A_500, %swap3A_501], %mul3A_497 {strides = array<i32>} : memref<128x144xf32, #tpu.memory_space<vmem>>, vector<16xf32>,
          %add3A_503 = arith.constant 1 : i32
          %add3A_504 = arith.addi %mul3A_351, %add3A_503 : i32
          %get3A_505 = arith.index_cast %add3A_504 : i32 to index
          %get3A_506 = arith.constant 96 : index
          %get3A_507 = tpu.vector_load %arg12[%get3A_505, %get3A_506] {strides = array<i32>} : memref<128x144xf32, #tpu.memory_space<vmem>>, vector<16xf32>,
          %mul3A_508 = vector.broadcast %squeeze3A_358 : f32 to vector<16xf32>
          %mul3A_509 = arith.mulf %get3A_507, %mul3A_508 : vector<16xf32>
          %add3A_510 = arith.constant 1 : i32
          %add3A_511 = arith.addi %mul3A_351, %add3A_510 : i32
          %swap3A_512 = arith.index_cast %add3A_511 : i32 to index
          %swap3A_513 = arith.constant 96 : index
          %swap3A_514 = tpu.vector_load %arg12[%swap3A_512, %swap3A_513] {strides = array<i32>} : memref<128x144xf32, #tpu.memory_space<vmem>>, vector<16xf32>,
          tpu.vector_store %arg12[%swap3A_512, %swap3A_513], %mul3A_509 {strides = array<i32>} : memref<128x144xf32, #tpu.memory_space<vmem>>, vector<16xf32>,
          %add3A_515 = arith.constant 1 : i32
          %add3A_516 = arith.addi %mul3A_351, %add3A_515 : i32
          %get3A_517 = arith.index_cast %add3A_516 : i32 to index
          %get3A_518 = arith.constant 112 : index
          %get3A_519 = tpu.vector_load %arg12[%get3A_517, %get3A_518] {strides = array<i32>} : memref<128x144xf32, #tpu.memory_space<vmem>>, vector<16xf32>,
          %mul3A_520 = vector.broadcast %squeeze3A_358 : f32 to vector<16xf32>
          %mul3A_521 = arith.mulf %get3A_519, %mul3A_520 : vector<16xf32>
          %add3A_522 = arith.constant 1 : i32
          %add3A_523 = arith.addi %mul3A_351, %add3A_522 : i32
          %swap3A_524 = arith.index_cast %add3A_523 : i32 to index
          %swap3A_525 = arith.constant 112 : index
          %swap3A_526 = tpu.vector_load %arg12[%swap3A_524, %swap3A_525] {strides = array<i32>} : memref<128x144xf32, #tpu.memory_space<vmem>>, vector<16xf32>,
          tpu.vector_store %arg12[%swap3A_524, %swap3A_525], %mul3A_521 {strides = array<i32>} : memref<128x144xf32, #tpu.memory_space<vmem>>, vector<16xf32>,
          %add3A_527 = arith.constant 1 : i32
          %add3A_528 = arith.addi %mul3A_351, %add3A_527 : i32
          %get3A_529 = arith.index_cast %add3A_528 : i32 to index
          %get3A_530 = arith.constant 128 : index
          %get3A_531 = tpu.vector_load %arg12[%get3A_529, %get3A_530] {strides = array<i32>} : memref<128x144xf32, #tpu.memory_space<vmem>>, vector<16xf32>,
          %mul3A_532 = vector.broadcast %squeeze3A_358 : f32 to vector<16xf32>
          %mul3A_533 = arith.mulf %get3A_531, %mul3A_532 : vector<16xf32>
          %add3A_534 = arith.constant 1 : i32
          %add3A_535 = arith.addi %mul3A_351, %add3A_534 : i32
          %swap3A_536 = arith.index_cast %add3A_535 : i32 to index
          %swap3A_537 = arith.constant 128 : index
          %swap3A_538 = tpu.vector_load %arg12[%swap3A_536, %swap3A_537] {strides = array<i32>} : memref<128x144xf32, #tpu.memory_space<vmem>>, vector<16xf32>,
          tpu.vector_store %arg12[%swap3A_536, %swap3A_537], %mul3A_533 {strides = array<i32>} : memref<128x144xf32, #tpu.memory_space<vmem>>, vector<16xf32>,
          %scan3A_539 = arith.constant 0 : i32
          scf.yield %scan3A_539 : i32
        }
        %scan3A_192 = arith.constant 64 : i32
        %dma_start3A_193 = arith.constant 2 : i32
        %dma_start3A_194 = arith.constant 0 : i32
        %dma_start3A_195 = tpu.memref_slice %arg8[%dma_start3A_193, %dma_start3A_194] : memref<3x128xi32, #tpu.memory_space<vmem>> -> memref<1x128xi32, #tpu.memory_space<vmem>>
        %dma_start3A_196 = tpu.memref_squeeze %dma_start3A_195 : memref<1x128xi32, #tpu.memory_space<vmem>> -> memref<128xi32, #tpu.memory_space<vmem>>
        %dma_start3A_197 = arith.constant 0 : i32
        %dma_start3A_198 = arith.constant 0 : i32
        %dma_start3A_199 = tpu.memref_slice %arg7[%dma_start3A_197, %dma_start3A_198] : memref<10112x144xf32, #tpu.memory_space<vmem_shared>> -> memref<10112x144xf32, #tpu.memory_space<vmem_shared>>
        tpu.enqueue_indirect_dma source(%arg12 : memref<128x144xf32, #tpu.memory_space<vmem>>) target(%dma_start3A_199 : memref<10112x144xf32, #tpu.memory_space<vmem_shared>>) offsets(%dma_start3A_196 : memref<128xi32, #tpu.memory_space<vmem>>) semaphore(%arg16 : memref<!tpu.dma_semaphore, #tpu.memory_space<semaphore_mem>>) {add = true}
        %add3A_200 = arith.constant 1 : i32
        %add3A_201 = arith.addi %mul3A_59, %add3A_200 : i32
        %dma_wait3A_202 = arith.constant 1 : i32
        %dma_wait3A_203 = arith.constant 0 : i32
        %dma_wait3A_204 = tpu.memref_slice %arg9[%dma_wait3A_202, %dma_wait3A_203] : memref<3x128xi32, #tpu.memory_space<vmem>> -> memref<1x128xi32, #tpu.memory_space<vmem>>
        %dma_wait3A_205 = tpu.memref_squeeze %dma_wait3A_204 : memref<1x128xi32, #tpu.memory_space<vmem>> -> memref<128xi32, #tpu.memory_space<vmem>>
        %dma_wait3A_206 = arith.constant 0 : i32
        %dma_wait3A_207 = arith.constant 0 : i32
        %dma_wait3A_208 = tpu.memref_slice %arg3[%dma_wait3A_206, %dma_wait3A_207] : memref<40448x8xf32, #tpu.memory_space<hbm>> -> memref<40448x8xf32, #tpu.memory_space<hbm>>
        tpu.wait_indirect_dma semaphore(%arg15 : memref<!tpu.dma_semaphore, #tpu.memory_space<semaphore_mem>>) src(%dma_wait3A_208 : memref<40448x8xf32, #tpu.memory_space<hbm>>) dst(%arg10 : memref<128x8xf32, #tpu.memory_space<vmem>>)
        %dma_wait3A_209 = arith.constant 0 : i32
        %dma_wait3A_210 = arith.constant 0 : i32
        %dma_wait3A_211 = tpu.memref_slice %arg9[%dma_wait3A_209, %dma_wait3A_210] : memref<3x128xi32, #tpu.memory_space<vmem>> -> memref<1x128xi32, #tpu.memory_space<vmem>>
        %dma_wait3A_212 = tpu.memref_squeeze %dma_wait3A_211 : memref<1x128xi32, #tpu.memory_space<vmem>> -> memref<128xi32, #tpu.memory_space<vmem>>
        %dma_wait3A_213 = arith.constant 0 : i32
        %dma_wait3A_214 = arith.constant 0 : i32
        %dma_wait3A_215 = tpu.memref_slice %arg2[%dma_wait3A_213, %dma_wait3A_214] : memref<40000x144xf32, #tpu.memory_space<hbm>> -> memref<40000x144xf32, #tpu.memory_space<hbm>>
        tpu.wait_indirect_dma semaphore(%arg15 : memref<!tpu.dma_semaphore, #tpu.memory_space<semaphore_mem>>) src(%dma_wait3A_215 : memref<40000x144xf32, #tpu.memory_space<hbm>>) dst(%arg13 : memref<128x144xf32, #tpu.memory_space<vmem>>)
        %iota3A_216 = tpu.iota {dimensions = array<i32: 0>} : vector<16xi32>
        %add3A_217 = arith.constant 0 : i32
        %add3A_218 = vector.broadcast %add3A_217 : i32 to vector<16xi32>
        %add3A_219 = arith.addi %iota3A_216, %add3A_218 : vector<16xi32>
        %gather3A_220 = tpu.vector_load_idx %arg13[%add3A_219, %broadcast_in_dim3A_0] : memref<128x144xf32, #tpu.memory_space<vmem>>[vector<16xi32>, vector<16xi32>], vector<16xf32>,
        %gather3A_221 = tpu.vector_load_idx %arg10[%add3A_219, %broadcast_in_dim3A_2] : memref<128x8xf32, #tpu.memory_space<vmem>>[vector<16xi32>, vector<16xi32>], vector<16xf32>,
        %add3A_222 = arith.addf %gather3A_220, %gather3A_221 : vector<16xf32>
        %mul3A_223 = arith.constant 2.000000e-01 : f32
        %mul3A_224 = vector.broadcast %mul3A_223 : f32 to vector<16xf32>
        %mul3A_225 = arith.mulf %mul3A_224, %add3A_222 : vector<16xf32>
        %max3A_226 = arith.maximumf %add3A_222, %mul3A_225 : vector<16xf32>
        %exp3A_227 = math.exp %max3A_226 : vector<16xf32>
        %swap3A_228 = arith.constant 0 : index
        %swap3A_229 = tpu.vector_load %arg11[%swap3A_228] {strides = array<i32>} : memref<144xf32, #tpu.memory_space<vmem>>, vector<16xf32>,
        tpu.vector_store %arg11[%swap3A_228], %exp3A_227 {strides = array<i32>} : memref<144xf32, #tpu.memory_space<vmem>>, vector<16xf32>,
        %iota3A_230 = tpu.iota {dimensions = array<i32: 0>} : vector<16xi32>
        %add3A_231 = arith.constant 16 : i32
        %add3A_232 = vector.broadcast %add3A_231 : i32 to vector<16xi32>
        %add3A_233 = arith.addi %iota3A_230, %add3A_232 : vector<16xi32>
        %gather3A_234 = tpu.vector_load_idx %arg13[%add3A_233, %broadcast_in_dim3A_0] : memref<128x144xf32, #tpu.memory_space<vmem>>[vector<16xi32>, vector<16xi32>], vector<16xf32>,
        %gather3A_235 = tpu.vector_load_idx %arg10[%add3A_233, %broadcast_in_dim3A_2] : memref<128x8xf32, #tpu.memory_space<vmem>>[vector<16xi32>, vector<16xi32>], vector<16xf32>,
        %add3A_236 = arith.addf %gather3A_234, %gather3A_235 : vector<16xf32>
        %mul3A_237 = arith.constant 2.000000e-01 : f32
        %mul3A_238 = vector.broadcast %mul3A_237 : f32 to vector<16xf32>
        %mul3A_239 = arith.mulf %mul3A_238, %add3A_236 : vector<16xf32>
        %max3A_240 = arith.maximumf %add3A_236, %mul3A_239 : vector<16xf32>
        %exp3A_241 = math.exp %max3A_240 : vector<16xf32>
        %swap3A_242 = arith.constant 16 : index
        %swap3A_243 = tpu.vector_load %arg11[%swap3A_242] {strides = array<i32>} : memref<144xf32, #tpu.memory_space<vmem>>, vector<16xf32>,
        tpu.vector_store %arg11[%swap3A_242], %exp3A_241 {strides = array<i32>} : memref<144xf32, #tpu.memory_space<vmem>>, vector<16xf32>,
        %iota3A_244 = tpu.iota {dimensions = array<i32: 0>} : vector<16xi32>
        %add3A_245 = arith.constant 32 : i32
        %add3A_246 = vector.broadcast %add3A_245 : i32 to vector<16xi32>
        %add3A_247 = arith.addi %iota3A_244, %add3A_246 : vector<16xi32>
        %gather3A_248 = tpu.vector_load_idx %arg13[%add3A_247, %broadcast_in_dim3A_0] : memref<128x144xf32, #tpu.memory_space<vmem>>[vector<16xi32>, vector<16xi32>], vector<16xf32>,
        %gather3A_249 = tpu.vector_load_idx %arg10[%add3A_247, %broadcast_in_dim3A_2] : memref<128x8xf32, #tpu.memory_space<vmem>>[vector<16xi32>, vector<16xi32>], vector<16xf32>,
        %add3A_250 = arith.addf %gather3A_248, %gather3A_249 : vector<16xf32>
        %mul3A_251 = arith.constant 2.000000e-01 : f32
        %mul3A_252 = vector.broadcast %mul3A_251 : f32 to vector<16xf32>
        %mul3A_253 = arith.mulf %mul3A_252, %add3A_250 : vector<16xf32>
        %max3A_254 = arith.maximumf %add3A_250, %mul3A_253 : vector<16xf32>
        %exp3A_255 = math.exp %max3A_254 : vector<16xf32>
        %swap3A_256 = arith.constant 32 : index
        %swap3A_257 = tpu.vector_load %arg11[%swap3A_256] {strides = array<i32>} : memref<144xf32, #tpu.memory_space<vmem>>, vector<16xf32>,
        tpu.vector_store %arg11[%swap3A_256], %exp3A_255 {strides = array<i32>} : memref<144xf32, #tpu.memory_space<vmem>>, vector<16xf32>,
        %iota3A_258 = tpu.iota {dimensions = array<i32: 0>} : vector<16xi32>
        %add3A_259 = arith.constant 48 : i32
        %add3A_260 = vector.broadcast %add3A_259 : i32 to vector<16xi32>
        %add3A_261 = arith.addi %iota3A_258, %add3A_260 : vector<16xi32>
        %gather3A_262 = tpu.vector_load_idx %arg13[%add3A_261, %broadcast_in_dim3A_0] : memref<128x144xf32, #tpu.memory_space<vmem>>[vector<16xi32>, vector<16xi32>], vector<16xf32>,
        %gather3A_263 = tpu.vector_load_idx %arg10[%add3A_261, %broadcast_in_dim3A_2] : memref<128x8xf32, #tpu.memory_space<vmem>>[vector<16xi32>, vector<16xi32>], vector<16xf32>,
        %add3A_264 = arith.addf %gather3A_262, %gather3A_263 : vector<16xf32>
        %mul3A_265 = arith.constant 2.000000e-01 : f32
        %mul3A_266 = vector.broadcast %mul3A_265 : f32 to vector<16xf32>
        %mul3A_267 = arith.mulf %mul3A_266, %add3A_264 : vector<16xf32>
        %max3A_268 = arith.maximumf %add3A_264, %mul3A_267 : vector<16xf32>
        %exp3A_269 = math.exp %max3A_268 : vector<16xf32>
        %swap3A_270 = arith.constant 48 : index
        %swap3A_271 = tpu.vector_load %arg11[%swap3A_270] {strides = array<i32>} : memref<144xf32, #tpu.memory_space<vmem>>, vector<16xf32>,
        tpu.vector_store %arg11[%swap3A_270], %exp3A_269 {strides = array<i32>} : memref<144xf32, #tpu.memory_space<vmem>>, vector<16xf32>,
        %iota3A_272 = tpu.iota {dimensions = array<i32: 0>} : vector<16xi32>
        %add3A_273 = arith.constant 64 : i32
        %add3A_274 = vector.broadcast %add3A_273 : i32 to vector<16xi32>
        %add3A_275 = arith.addi %iota3A_272, %add3A_274 : vector<16xi32>
        %gather3A_276 = tpu.vector_load_idx %arg13[%add3A_275, %broadcast_in_dim3A_0] : memref<128x144xf32, #tpu.memory_space<vmem>>[vector<16xi32>, vector<16xi32>], vector<16xf32>,
        %gather3A_277 = tpu.vector_load_idx %arg10[%add3A_275, %broadcast_in_dim3A_2] : memref<128x8xf32, #tpu.memory_space<vmem>>[vector<16xi32>, vector<16xi32>], vector<16xf32>,
        %add3A_278 = arith.addf %gather3A_276, %gather3A_277 : vector<16xf32>
        %mul3A_279 = arith.constant 2.000000e-01 : f32
        %mul3A_280 = vector.broadcast %mul3A_279 : f32 to vector<16xf32>
        %mul3A_281 = arith.mulf %mul3A_280, %add3A_278 : vector<16xf32>
        %max3A_282 = arith.maximumf %add3A_278, %mul3A_281 : vector<16xf32>
        %exp3A_283 = math.exp %max3A_282 : vector<16xf32>
        %swap3A_284 = arith.constant 64 : index
        %swap3A_285 = tpu.vector_load %arg11[%swap3A_284] {strides = array<i32>} : memref<144xf32, #tpu.memory_space<vmem>>, vector<16xf32>,
        tpu.vector_store %arg11[%swap3A_284], %exp3A_283 {strides = array<i32>} : memref<144xf32, #tpu.memory_space<vmem>>, vector<16xf32>,
        %iota3A_286 = tpu.iota {dimensions = array<i32: 0>} : vector<16xi32>
        %add3A_287 = arith.constant 80 : i32
        %add3A_288 = vector.broadcast %add3A_287 : i32 to vector<16xi32>
        %add3A_289 = arith.addi %iota3A_286, %add3A_288 : vector<16xi32>
        %gather3A_290 = tpu.vector_load_idx %arg13[%add3A_289, %broadcast_in_dim3A_0] : memref<128x144xf32, #tpu.memory_space<vmem>>[vector<16xi32>, vector<16xi32>], vector<16xf32>,
        %gather3A_291 = tpu.vector_load_idx %arg10[%add3A_289, %broadcast_in_dim3A_2] : memref<128x8xf32, #tpu.memory_space<vmem>>[vector<16xi32>, vector<16xi32>], vector<16xf32>,
        %add3A_292 = arith.addf %gather3A_290, %gather3A_291 : vector<16xf32>
        %mul3A_293 = arith.constant 2.000000e-01 : f32
        %mul3A_294 = vector.broadcast %mul3A_293 : f32 to vector<16xf32>
        %mul3A_295 = arith.mulf %mul3A_294, %add3A_292 : vector<16xf32>
        %max3A_296 = arith.maximumf %add3A_292, %mul3A_295 : vector<16xf32>
        %exp3A_297 = math.exp %max3A_296 : vector<16xf32>
        %swap3A_298 = arith.constant 80 : index
        %swap3A_299 = tpu.vector_load %arg11[%swap3A_298] {strides = array<i32>} : memref<144xf32, #tpu.memory_space<vmem>>, vector<16xf32>,
        tpu.vector_store %arg11[%swap3A_298], %exp3A_297 {strides = array<i32>} : memref<144xf32, #tpu.memory_space<vmem>>, vector<16xf32>,
        %iota3A_300 = tpu.iota {dimensions = array<i32: 0>} : vector<16xi32>
        %add3A_301 = arith.constant 96 : i32
        %add3A_302 = vector.broadcast %add3A_301 : i32 to vector<16xi32>
        %add3A_303 = arith.addi %iota3A_300, %add3A_302 : vector<16xi32>
        %gather3A_304 = tpu.vector_load_idx %arg13[%add3A_303, %broadcast_in_dim3A_0] : memref<128x144xf32, #tpu.memory_space<vmem>>[vector<16xi32>, vector<16xi32>], vector<16xf32>,
        %gather3A_305 = tpu.vector_load_idx %arg10[%add3A_303, %broadcast_in_dim3A_2] : memref<128x8xf32, #tpu.memory_space<vmem>>[vector<16xi32>, vector<16xi32>], vector<16xf32>,
        %add3A_306 = arith.addf %gather3A_304, %gather3A_305 : vector<16xf32>
        %mul3A_307 = arith.constant 2.000000e-01 : f32
        %mul3A_308 = vector.broadcast %mul3A_307 : f32 to vector<16xf32>
        %mul3A_309 = arith.mulf %mul3A_308, %add3A_306 : vector<16xf32>
        %max3A_310 = arith.maximumf %add3A_306, %mul3A_309 : vector<16xf32>
        %exp3A_311 = math.exp %max3A_310 : vector<16xf32>
        %swap3A_312 = arith.constant 96 : index
        %swap3A_313 = tpu.vector_load %arg11[%swap3A_312] {strides = array<i32>} : memref<144xf32, #tpu.memory_space<vmem>>, vector<16xf32>,
        tpu.vector_store %arg11[%swap3A_312], %exp3A_311 {strides = array<i32>} : memref<144xf32, #tpu.memory_space<vmem>>, vector<16xf32>,
        %iota3A_314 = tpu.iota {dimensions = array<i32: 0>} : vector<16xi32>
        %add3A_315 = arith.constant 112 : i32
        %add3A_316 = vector.broadcast %add3A_315 : i32 to vector<16xi32>
        %add3A_317 = arith.addi %iota3A_314, %add3A_316 : vector<16xi32>
        %gather3A_318 = tpu.vector_load_idx %arg13[%add3A_317, %broadcast_in_dim3A_0] : memref<128x144xf32, #tpu.memory_space<vmem>>[vector<16xi32>, vector<16xi32>], vector<16xf32>,
        %gather3A_319 = tpu.vector_load_idx %arg10[%add3A_317, %broadcast_in_dim3A_2] : memref<128x8xf32, #tpu.memory_space<vmem>>[vector<16xi32>, vector<16xi32>], vector<16xf32>,
        %add3A_320 = arith.addf %gather3A_318, %gather3A_319 : vector<16xf32>
        %mul3A_321 = arith.constant 2.000000e-01 : f32
        %mul3A_322 = vector.broadcast %mul3A_321 : f32 to vector<16xf32>
        %mul3A_323 = arith.mulf %mul3A_322, %add3A_320 : vector<16xf32>
        %max3A_324 = arith.maximumf %add3A_320, %mul3A_323 : vector<16xf32>
        %exp3A_325 = math.exp %max3A_324 : vector<16xf32>
        %swap3A_326 = arith.constant 112 : index
        %swap3A_327 = tpu.vector_load %arg11[%swap3A_326] {strides = array<i32>} : memref<144xf32, #tpu.memory_space<vmem>>, vector<16xf32>,
        tpu.vector_store %arg11[%swap3A_326], %exp3A_325 {strides = array<i32>} : memref<144xf32, #tpu.memory_space<vmem>>, vector<16xf32>,
        %lt3A_328 = arith.constant 161 : i32
        %lt3A_329 = arith.cmpi slt, %add3A_201, %lt3A_328 : i32
        %convert_element_type3A_330 = arith.extui %lt3A_329 : i1 to i32
        %cond3A_331 = arith.constant 0 : i32
        %cond3A_332 = arith.cmpi ne, %convert_element_type3A_330, %cond3A_331 : i32
        scf.if %cond3A_332 {
          %ge3A = arith.constant 1 : i32
          %ge3A_348 = arith.cmpi sge, %add3A_201, %ge3A : i32
          %convert_element_type3A_349 = arith.extui %ge3A_348 : i1 to i32
          %cond3A_350 = arith.constant 0 : i32
          %cond3A_351 = arith.cmpi ne, %convert_element_type3A_349, %cond3A_350 : i32
          scf.if %cond3A_351 {
            %dma_wait3A_368 = arith.constant 2 : i32
            %dma_wait3A_369 = arith.constant 0 : i32
            %dma_wait3A_370 = tpu.memref_slice %arg8[%dma_wait3A_368, %dma_wait3A_369] : memref<3x128xi32, #tpu.memory_space<vmem>> -> memref<1x128xi32, #tpu.memory_space<vmem>>
            %dma_wait3A_371 = tpu.memref_squeeze %dma_wait3A_370 : memref<1x128xi32, #tpu.memory_space<vmem>> -> memref<128xi32, #tpu.memory_space<vmem>>
            %dma_wait3A_372 = arith.constant 0 : i32
            %dma_wait3A_373 = arith.constant 0 : i32
            %dma_wait3A_374 = tpu.memref_slice %arg7[%dma_wait3A_372, %dma_wait3A_373] : memref<10112x144xf32, #tpu.memory_space<vmem_shared>> -> memref<10112x144xf32, #tpu.memory_space<vmem_shared>>
            tpu.wait_indirect_dma semaphore(%arg16 : memref<!tpu.dma_semaphore, #tpu.memory_space<semaphore_mem>>) src(%arg12 : memref<128x144xf32, #tpu.memory_space<vmem>>) dst(%dma_wait3A_374 : memref<10112x144xf32, #tpu.memory_space<vmem_shared>>)
          } else {
          }
          %add3A_352 = arith.constant 1 : i32
          %add3A_353 = arith.addi %add3A_201, %add3A_352 : i32
          "tpu.region"() ({
            %run_scoped3A_368 = tpu.sem_alloc : memref<!tpu.dma_semaphore, #tpu.memory_space<semaphore_mem>>
            %dma_start3A_369 = arith.constant 0 : i32
            %dma_start3A_370 = arith.constant 0 : i32
            %dma_start3A_371 = tpu.memref_slice %arg4[%add3A, %arg1, %add3A_353, %dma_start3A_369, %dma_start3A_370] : memref<4x16x162x3x128xi32, #tpu.memory_space<hbm>> -> memref<1x1x1x3x128xi32, #tpu.memory_space<hbm>>
            %dma_start3A_372 = tpu.memref_squeeze %dma_start3A_371 : memref<1x1x1x3x128xi32, #tpu.memory_space<hbm>> -> memref<3x128xi32, #tpu.memory_space<hbm>>
            %dma_start3A_373 = arith.constant 0 : i32
            %dma_start3A_374 = arith.constant 0 : i32
            %dma_start3A_375 = tpu.memref_slice %arg4[%add3A, %arg1, %add3A_353, %dma_start3A_373, %dma_start3A_374] : memref<4x16x162x3x128xi32, #tpu.memory_space<hbm>> -> memref<1x1x1x3x128xi32, #tpu.memory_space<hbm>>
            %dma_start3A_376 = tpu.memref_squeeze %dma_start3A_375 : memref<1x1x1x3x128xi32, #tpu.memory_space<hbm>> -> memref<3x128xi32, #tpu.memory_space<hbm>>
            tpu.enqueue_dma source(%dma_start3A_376 : memref<3x128xi32, #tpu.memory_space<hbm>>) target(%arg8 : memref<3x128xi32, #tpu.memory_space<vmem>>) target_semaphore(%run_scoped3A_368 : memref<!tpu.dma_semaphore, #tpu.memory_space<semaphore_mem>>)
            %dma_wait3A_377 = arith.constant 0 : i32
            %dma_wait3A_378 = arith.constant 0 : i32
            %dma_wait3A_379 = tpu.memref_slice %arg4[%add3A, %arg1, %add3A_353, %dma_wait3A_377, %dma_wait3A_378] : memref<4x16x162x3x128xi32, #tpu.memory_space<hbm>> -> memref<1x1x1x3x128xi32, #tpu.memory_space<hbm>>
            %dma_wait3A_380 = tpu.memref_squeeze %dma_wait3A_379 : memref<1x1x1x3x128xi32, #tpu.memory_space<hbm>> -> memref<3x128xi32, #tpu.memory_space<hbm>>
            %dma_wait3A_381 = arith.constant 0 : i32
            %dma_wait3A_382 = arith.constant 0 : i32
            %dma_wait3A_383 = tpu.memref_slice %arg4[%add3A, %arg1, %add3A_353, %dma_wait3A_381, %dma_wait3A_382] : memref<4x16x162x3x128xi32, #tpu.memory_space<hbm>> -> memref<1x1x1x3x128xi32, #tpu.memory_space<hbm>>
            %dma_wait3A_384 = tpu.memref_squeeze %dma_wait3A_383 : memref<1x1x1x3x128xi32, #tpu.memory_space<hbm>> -> memref<3x128xi32, #tpu.memory_space<hbm>>
            tpu.wait_dma2 semaphore(%run_scoped3A_368 : memref<!tpu.dma_semaphore, #tpu.memory_space<semaphore_mem>>) src(%dma_wait3A_384 : memref<3x128xi32, #tpu.memory_space<hbm>>) dst(%arg8 : memref<3x128xi32, #tpu.memory_space<vmem>>)
            tpu.yield
          }) : () -> ()
          %dma_start3A_354 = arith.constant 0 : i32
          %dma_start3A_355 = arith.constant 0 : i32
          %dma_start3A_356 = tpu.memref_slice %arg8[%dma_start3A_354, %dma_start3A_355] : memref<3x128xi32, #tpu.memory_space<vmem>> -> memref<1x128xi32, #tpu.memory_space<vmem>>
          %dma_start3A_357 = tpu.memref_squeeze %dma_start3A_356 : memref<1x128xi32, #tpu.memory_space<vmem>> -> memref<128xi32, #tpu.memory_space<vmem>>
          %dma_start3A_358 = arith.constant 0 : i32
          %dma_start3A_359 = arith.constant 0 : i32
          %dma_start3A_360 = tpu.memref_slice %arg2[%dma_start3A_358, %dma_start3A_359] : memref<40000x144xf32, #tpu.memory_space<hbm>> -> memref<40000x144xf32, #tpu.memory_space<hbm>>
          tpu.enqueue_indirect_dma source(%dma_start3A_360 : memref<40000x144xf32, #tpu.memory_space<hbm>>) target(%arg12 : memref<128x144xf32, #tpu.memory_space<vmem>>) offsets(%dma_start3A_357 : memref<128xi32, #tpu.memory_space<vmem>>) semaphore(%arg14 : memref<!tpu.dma_semaphore, #tpu.memory_space<semaphore_mem>>)
          %dma_start3A_361 = arith.constant 1 : i32
          %dma_start3A_362 = arith.constant 0 : i32
          %dma_start3A_363 = tpu.memref_slice %arg8[%dma_start3A_361, %dma_start3A_362] : memref<3x128xi32, #tpu.memory_space<vmem>> -> memref<1x128xi32, #tpu.memory_space<vmem>>
          %dma_start3A_364 = tpu.memref_squeeze %dma_start3A_363 : memref<1x128xi32, #tpu.memory_space<vmem>> -> memref<128xi32, #tpu.memory_space<vmem>>
          %dma_start3A_365 = arith.constant 0 : i32
          %dma_start3A_366 = arith.constant 0 : i32
          %dma_start3A_367 = tpu.memref_slice %arg3[%dma_start3A_365, %dma_start3A_366] : memref<40448x8xf32, #tpu.memory_space<hbm>> -> memref<40448x8xf32, #tpu.memory_space<hbm>>
          tpu.enqueue_indirect_dma source(%dma_start3A_367 : memref<40448x8xf32, #tpu.memory_space<hbm>>) target(%arg10 : memref<128x8xf32, #tpu.memory_space<vmem>>) offsets(%dma_start3A_364 : memref<128xi32, #tpu.memory_space<vmem>>) semaphore(%arg14 : memref<!tpu.dma_semaphore, #tpu.memory_space<semaphore_mem>>)
        } else {
        }
        %scan3A_333 = arith.constant 0 : i32
        %scan3A_334 = arith.constant 0 : i32
        %scan3A_335 = arith.constant 64 : i32
        %scan3A_336 = arith.addi %scan3A_334, %scan3A_335 : i32
        %scan3A_337 = arith.constant 1 : i32
        %scan3A_338 = scf.for %scan3A_348 = %scan3A_334 to %scan3A_336 step %scan3A_337 iter_args(%scan3A_349 = %scan3A_333) -> (i32)  : i32 {
          %mul3A_350 = arith.constant 2 : i32
          %mul3A_351 = arith.muli %scan3A_348, %mul3A_350 : i32
          %get3A = arith.index_cast %mul3A_351 : i32 to index
          %get3A_352 = tpu.vector_load %arg11[%get3A] {strides = array<i32>} : memref<144xf32, #tpu.memory_space<vmem>>, vector<16xf32>,
          %slice3A = vector.extract_strided_slice %get3A_352 {offsets = [0], sizes = [1], strides = [1]} : vector<16xf32> to vector<1xf32>
          %squeeze3A = vector.extract %slice3A[0] : f32 from vector<1xf32>
          %add3A_353 = arith.constant 1 : i32
          %add3A_354 = arith.addi %mul3A_351, %add3A_353 : i32
          %get3A_355 = arith.index_cast %add3A_354 : i32 to index
          %get3A_356 = tpu.vector_load %arg11[%get3A_355] {strides = array<i32>} : memref<144xf32, #tpu.memory_space<vmem>>, vector<16xf32>,
          %slice3A_357 = vector.extract_strided_slice %get3A_356 {offsets = [0], sizes = [1], strides = [1]} : vector<16xf32> to vector<1xf32>
          %squeeze3A_358 = vector.extract %slice3A_357[0] : f32 from vector<1xf32>
          %get3A_359 = arith.index_cast %mul3A_351 : i32 to index
          %get3A_360 = arith.constant 0 : index
          %get3A_361 = tpu.vector_load %arg13[%get3A_359, %get3A_360] {strides = array<i32>} : memref<128x144xf32, #tpu.memory_space<vmem>>, vector<16xf32>,
          %mul3A_362 = vector.broadcast %squeeze3A : f32 to vector<16xf32>
          %mul3A_363 = arith.mulf %get3A_361, %mul3A_362 : vector<16xf32>
          %swap3A_364 = arith.index_cast %mul3A_351 : i32 to index
          %swap3A_365 = arith.constant 0 : index
          %swap3A_366 = tpu.vector_load %arg13[%swap3A_364, %swap3A_365] {strides = array<i32>} : memref<128x144xf32, #tpu.memory_space<vmem>>, vector<16xf32>,
          tpu.vector_store %arg13[%swap3A_364, %swap3A_365], %mul3A_363 {strides = array<i32>} : memref<128x144xf32, #tpu.memory_space<vmem>>, vector<16xf32>,
          %get3A_367 = arith.index_cast %mul3A_351 : i32 to index
          %get3A_368 = arith.constant 16 : index
          %get3A_369 = tpu.vector_load %arg13[%get3A_367, %get3A_368] {strides = array<i32>} : memref<128x144xf32, #tpu.memory_space<vmem>>, vector<16xf32>,
          %mul3A_370 = vector.broadcast %squeeze3A : f32 to vector<16xf32>
          %mul3A_371 = arith.mulf %get3A_369, %mul3A_370 : vector<16xf32>
          %swap3A_372 = arith.index_cast %mul3A_351 : i32 to index
          %swap3A_373 = arith.constant 16 : index
          %swap3A_374 = tpu.vector_load %arg13[%swap3A_372, %swap3A_373] {strides = array<i32>} : memref<128x144xf32, #tpu.memory_space<vmem>>, vector<16xf32>,
          tpu.vector_store %arg13[%swap3A_372, %swap3A_373], %mul3A_371 {strides = array<i32>} : memref<128x144xf32, #tpu.memory_space<vmem>>, vector<16xf32>,
          %get3A_375 = arith.index_cast %mul3A_351 : i32 to index
          %get3A_376 = arith.constant 32 : index
          %get3A_377 = tpu.vector_load %arg13[%get3A_375, %get3A_376] {strides = array<i32>} : memref<128x144xf32, #tpu.memory_space<vmem>>, vector<16xf32>,
          %mul3A_378 = vector.broadcast %squeeze3A : f32 to vector<16xf32>
          %mul3A_379 = arith.mulf %get3A_377, %mul3A_378 : vector<16xf32>
          %swap3A_380 = arith.index_cast %mul3A_351 : i32 to index
          %swap3A_381 = arith.constant 32 : index
          %swap3A_382 = tpu.vector_load %arg13[%swap3A_380, %swap3A_381] {strides = array<i32>} : memref<128x144xf32, #tpu.memory_space<vmem>>, vector<16xf32>,
          tpu.vector_store %arg13[%swap3A_380, %swap3A_381], %mul3A_379 {strides = array<i32>} : memref<128x144xf32, #tpu.memory_space<vmem>>, vector<16xf32>,
          %get3A_383 = arith.index_cast %mul3A_351 : i32 to index
          %get3A_384 = arith.constant 48 : index
          %get3A_385 = tpu.vector_load %arg13[%get3A_383, %get3A_384] {strides = array<i32>} : memref<128x144xf32, #tpu.memory_space<vmem>>, vector<16xf32>,
          %mul3A_386 = vector.broadcast %squeeze3A : f32 to vector<16xf32>
          %mul3A_387 = arith.mulf %get3A_385, %mul3A_386 : vector<16xf32>
          %swap3A_388 = arith.index_cast %mul3A_351 : i32 to index
          %swap3A_389 = arith.constant 48 : index
          %swap3A_390 = tpu.vector_load %arg13[%swap3A_388, %swap3A_389] {strides = array<i32>} : memref<128x144xf32, #tpu.memory_space<vmem>>, vector<16xf32>,
          tpu.vector_store %arg13[%swap3A_388, %swap3A_389], %mul3A_387 {strides = array<i32>} : memref<128x144xf32, #tpu.memory_space<vmem>>, vector<16xf32>,
          %get3A_391 = arith.index_cast %mul3A_351 : i32 to index
          %get3A_392 = arith.constant 64 : index
          %get3A_393 = tpu.vector_load %arg13[%get3A_391, %get3A_392] {strides = array<i32>} : memref<128x144xf32, #tpu.memory_space<vmem>>, vector<16xf32>,
          %mul3A_394 = vector.broadcast %squeeze3A : f32 to vector<16xf32>
          %mul3A_395 = arith.mulf %get3A_393, %mul3A_394 : vector<16xf32>
          %swap3A_396 = arith.index_cast %mul3A_351 : i32 to index
          %swap3A_397 = arith.constant 64 : index
          %swap3A_398 = tpu.vector_load %arg13[%swap3A_396, %swap3A_397] {strides = array<i32>} : memref<128x144xf32, #tpu.memory_space<vmem>>, vector<16xf32>,
          tpu.vector_store %arg13[%swap3A_396, %swap3A_397], %mul3A_395 {strides = array<i32>} : memref<128x144xf32, #tpu.memory_space<vmem>>, vector<16xf32>,
          %get3A_399 = arith.index_cast %mul3A_351 : i32 to index
          %get3A_400 = arith.constant 80 : index
          %get3A_401 = tpu.vector_load %arg13[%get3A_399, %get3A_400] {strides = array<i32>} : memref<128x144xf32, #tpu.memory_space<vmem>>, vector<16xf32>,
          %mul3A_402 = vector.broadcast %squeeze3A : f32 to vector<16xf32>
          %mul3A_403 = arith.mulf %get3A_401, %mul3A_402 : vector<16xf32>
          %swap3A_404 = arith.index_cast %mul3A_351 : i32 to index
          %swap3A_405 = arith.constant 80 : index
          %swap3A_406 = tpu.vector_load %arg13[%swap3A_404, %swap3A_405] {strides = array<i32>} : memref<128x144xf32, #tpu.memory_space<vmem>>, vector<16xf32>,
          tpu.vector_store %arg13[%swap3A_404, %swap3A_405], %mul3A_403 {strides = array<i32>} : memref<128x144xf32, #tpu.memory_space<vmem>>, vector<16xf32>,
          %get3A_407 = arith.index_cast %mul3A_351 : i32 to index
          %get3A_408 = arith.constant 96 : index
          %get3A_409 = tpu.vector_load %arg13[%get3A_407, %get3A_408] {strides = array<i32>} : memref<128x144xf32, #tpu.memory_space<vmem>>, vector<16xf32>,
          %mul3A_410 = vector.broadcast %squeeze3A : f32 to vector<16xf32>
          %mul3A_411 = arith.mulf %get3A_409, %mul3A_410 : vector<16xf32>
          %swap3A_412 = arith.index_cast %mul3A_351 : i32 to index
          %swap3A_413 = arith.constant 96 : index
          %swap3A_414 = tpu.vector_load %arg13[%swap3A_412, %swap3A_413] {strides = array<i32>} : memref<128x144xf32, #tpu.memory_space<vmem>>, vector<16xf32>,
          tpu.vector_store %arg13[%swap3A_412, %swap3A_413], %mul3A_411 {strides = array<i32>} : memref<128x144xf32, #tpu.memory_space<vmem>>, vector<16xf32>,
          %get3A_415 = arith.index_cast %mul3A_351 : i32 to index
          %get3A_416 = arith.constant 112 : index
          %get3A_417 = tpu.vector_load %arg13[%get3A_415, %get3A_416] {strides = array<i32>} : memref<128x144xf32, #tpu.memory_space<vmem>>, vector<16xf32>,
          %mul3A_418 = vector.broadcast %squeeze3A : f32 to vector<16xf32>
          %mul3A_419 = arith.mulf %get3A_417, %mul3A_418 : vector<16xf32>
          %swap3A_420 = arith.index_cast %mul3A_351 : i32 to index
          %swap3A_421 = arith.constant 112 : index
          %swap3A_422 = tpu.vector_load %arg13[%swap3A_420, %swap3A_421] {strides = array<i32>} : memref<128x144xf32, #tpu.memory_space<vmem>>, vector<16xf32>,
          tpu.vector_store %arg13[%swap3A_420, %swap3A_421], %mul3A_419 {strides = array<i32>} : memref<128x144xf32, #tpu.memory_space<vmem>>, vector<16xf32>,
          %get3A_423 = arith.index_cast %mul3A_351 : i32 to index
          %get3A_424 = arith.constant 128 : index
          %get3A_425 = tpu.vector_load %arg13[%get3A_423, %get3A_424] {strides = array<i32>} : memref<128x144xf32, #tpu.memory_space<vmem>>, vector<16xf32>,
          %mul3A_426 = vector.broadcast %squeeze3A : f32 to vector<16xf32>
          %mul3A_427 = arith.mulf %get3A_425, %mul3A_426 : vector<16xf32>
          %swap3A_428 = arith.index_cast %mul3A_351 : i32 to index
          %swap3A_429 = arith.constant 128 : index
          %swap3A_430 = tpu.vector_load %arg13[%swap3A_428, %swap3A_429] {strides = array<i32>} : memref<128x144xf32, #tpu.memory_space<vmem>>, vector<16xf32>,
          tpu.vector_store %arg13[%swap3A_428, %swap3A_429], %mul3A_427 {strides = array<i32>} : memref<128x144xf32, #tpu.memory_space<vmem>>, vector<16xf32>,
          %add3A_431 = arith.constant 1 : i32
          %add3A_432 = arith.addi %mul3A_351, %add3A_431 : i32
          %get3A_433 = arith.index_cast %add3A_432 : i32 to index
          %get3A_434 = arith.constant 0 : index
          %get3A_435 = tpu.vector_load %arg13[%get3A_433, %get3A_434] {strides = array<i32>} : memref<128x144xf32, #tpu.memory_space<vmem>>, vector<16xf32>,
          %mul3A_436 = vector.broadcast %squeeze3A_358 : f32 to vector<16xf32>
          %mul3A_437 = arith.mulf %get3A_435, %mul3A_436 : vector<16xf32>
          %add3A_438 = arith.constant 1 : i32
          %add3A_439 = arith.addi %mul3A_351, %add3A_438 : i32
          %swap3A_440 = arith.index_cast %add3A_439 : i32 to index
          %swap3A_441 = arith.constant 0 : index
          %swap3A_442 = tpu.vector_load %arg13[%swap3A_440, %swap3A_441] {strides = array<i32>} : memref<128x144xf32, #tpu.memory_space<vmem>>, vector<16xf32>,
          tpu.vector_store %arg13[%swap3A_440, %swap3A_441], %mul3A_437 {strides = array<i32>} : memref<128x144xf32, #tpu.memory_space<vmem>>, vector<16xf32>,
          %add3A_443 = arith.constant 1 : i32
          %add3A_444 = arith.addi %mul3A_351, %add3A_443 : i32
          %get3A_445 = arith.index_cast %add3A_444 : i32 to index
          %get3A_446 = arith.constant 16 : index
          %get3A_447 = tpu.vector_load %arg13[%get3A_445, %get3A_446] {strides = array<i32>} : memref<128x144xf32, #tpu.memory_space<vmem>>, vector<16xf32>,
          %mul3A_448 = vector.broadcast %squeeze3A_358 : f32 to vector<16xf32>
          %mul3A_449 = arith.mulf %get3A_447, %mul3A_448 : vector<16xf32>
          %add3A_450 = arith.constant 1 : i32
          %add3A_451 = arith.addi %mul3A_351, %add3A_450 : i32
          %swap3A_452 = arith.index_cast %add3A_451 : i32 to index
          %swap3A_453 = arith.constant 16 : index
          %swap3A_454 = tpu.vector_load %arg13[%swap3A_452, %swap3A_453] {strides = array<i32>} : memref<128x144xf32, #tpu.memory_space<vmem>>, vector<16xf32>,
          tpu.vector_store %arg13[%swap3A_452, %swap3A_453], %mul3A_449 {strides = array<i32>} : memref<128x144xf32, #tpu.memory_space<vmem>>, vector<16xf32>,
          %add3A_455 = arith.constant 1 : i32
          %add3A_456 = arith.addi %mul3A_351, %add3A_455 : i32
          %get3A_457 = arith.index_cast %add3A_456 : i32 to index
          %get3A_458 = arith.constant 32 : index
          %get3A_459 = tpu.vector_load %arg13[%get3A_457, %get3A_458] {strides = array<i32>} : memref<128x144xf32, #tpu.memory_space<vmem>>, vector<16xf32>,
          %mul3A_460 = vector.broadcast %squeeze3A_358 : f32 to vector<16xf32>
          %mul3A_461 = arith.mulf %get3A_459, %mul3A_460 : vector<16xf32>
          %add3A_462 = arith.constant 1 : i32
          %add3A_463 = arith.addi %mul3A_351, %add3A_462 : i32
          %swap3A_464 = arith.index_cast %add3A_463 : i32 to index
          %swap3A_465 = arith.constant 32 : index
          %swap3A_466 = tpu.vector_load %arg13[%swap3A_464, %swap3A_465] {strides = array<i32>} : memref<128x144xf32, #tpu.memory_space<vmem>>, vector<16xf32>,
          tpu.vector_store %arg13[%swap3A_464, %swap3A_465], %mul3A_461 {strides = array<i32>} : memref<128x144xf32, #tpu.memory_space<vmem>>, vector<16xf32>,
          %add3A_467 = arith.constant 1 : i32
          %add3A_468 = arith.addi %mul3A_351, %add3A_467 : i32
          %get3A_469 = arith.index_cast %add3A_468 : i32 to index
          %get3A_470 = arith.constant 48 : index
          %get3A_471 = tpu.vector_load %arg13[%get3A_469, %get3A_470] {strides = array<i32>} : memref<128x144xf32, #tpu.memory_space<vmem>>, vector<16xf32>,
          %mul3A_472 = vector.broadcast %squeeze3A_358 : f32 to vector<16xf32>
          %mul3A_473 = arith.mulf %get3A_471, %mul3A_472 : vector<16xf32>
          %add3A_474 = arith.constant 1 : i32
          %add3A_475 = arith.addi %mul3A_351, %add3A_474 : i32
          %swap3A_476 = arith.index_cast %add3A_475 : i32 to index
          %swap3A_477 = arith.constant 48 : index
          %swap3A_478 = tpu.vector_load %arg13[%swap3A_476, %swap3A_477] {strides = array<i32>} : memref<128x144xf32, #tpu.memory_space<vmem>>, vector<16xf32>,
          tpu.vector_store %arg13[%swap3A_476, %swap3A_477], %mul3A_473 {strides = array<i32>} : memref<128x144xf32, #tpu.memory_space<vmem>>, vector<16xf32>,
          %add3A_479 = arith.constant 1 : i32
          %add3A_480 = arith.addi %mul3A_351, %add3A_479 : i32
          %get3A_481 = arith.index_cast %add3A_480 : i32 to index
          %get3A_482 = arith.constant 64 : index
          %get3A_483 = tpu.vector_load %arg13[%get3A_481, %get3A_482] {strides = array<i32>} : memref<128x144xf32, #tpu.memory_space<vmem>>, vector<16xf32>,
          %mul3A_484 = vector.broadcast %squeeze3A_358 : f32 to vector<16xf32>
          %mul3A_485 = arith.mulf %get3A_483, %mul3A_484 : vector<16xf32>
          %add3A_486 = arith.constant 1 : i32
          %add3A_487 = arith.addi %mul3A_351, %add3A_486 : i32
          %swap3A_488 = arith.index_cast %add3A_487 : i32 to index
          %swap3A_489 = arith.constant 64 : index
          %swap3A_490 = tpu.vector_load %arg13[%swap3A_488, %swap3A_489] {strides = array<i32>} : memref<128x144xf32, #tpu.memory_space<vmem>>, vector<16xf32>,
          tpu.vector_store %arg13[%swap3A_488, %swap3A_489], %mul3A_485 {strides = array<i32>} : memref<128x144xf32, #tpu.memory_space<vmem>>, vector<16xf32>,
          %add3A_491 = arith.constant 1 : i32
          %add3A_492 = arith.addi %mul3A_351, %add3A_491 : i32
          %get3A_493 = arith.index_cast %add3A_492 : i32 to index
          %get3A_494 = arith.constant 80 : index
          %get3A_495 = tpu.vector_load %arg13[%get3A_493, %get3A_494] {strides = array<i32>} : memref<128x144xf32, #tpu.memory_space<vmem>>, vector<16xf32>,
          %mul3A_496 = vector.broadcast %squeeze3A_358 : f32 to vector<16xf32>
          %mul3A_497 = arith.mulf %get3A_495, %mul3A_496 : vector<16xf32>
          %add3A_498 = arith.constant 1 : i32
          %add3A_499 = arith.addi %mul3A_351, %add3A_498 : i32
          %swap3A_500 = arith.index_cast %add3A_499 : i32 to index
          %swap3A_501 = arith.constant 80 : index
          %swap3A_502 = tpu.vector_load %arg13[%swap3A_500, %swap3A_501] {strides = array<i32>} : memref<128x144xf32, #tpu.memory_space<vmem>>, vector<16xf32>,
          tpu.vector_store %arg13[%swap3A_500, %swap3A_501], %mul3A_497 {strides = array<i32>} : memref<128x144xf32, #tpu.memory_space<vmem>>, vector<16xf32>,
          %add3A_503 = arith.constant 1 : i32
          %add3A_504 = arith.addi %mul3A_351, %add3A_503 : i32
          %get3A_505 = arith.index_cast %add3A_504 : i32 to index
          %get3A_506 = arith.constant 96 : index
          %get3A_507 = tpu.vector_load %arg13[%get3A_505, %get3A_506] {strides = array<i32>} : memref<128x144xf32, #tpu.memory_space<vmem>>, vector<16xf32>,
          %mul3A_508 = vector.broadcast %squeeze3A_358 : f32 to vector<16xf32>
          %mul3A_509 = arith.mulf %get3A_507, %mul3A_508 : vector<16xf32>
          %add3A_510 = arith.constant 1 : i32
          %add3A_511 = arith.addi %mul3A_351, %add3A_510 : i32
          %swap3A_512 = arith.index_cast %add3A_511 : i32 to index
          %swap3A_513 = arith.constant 96 : index
          %swap3A_514 = tpu.vector_load %arg13[%swap3A_512, %swap3A_513] {strides = array<i32>} : memref<128x144xf32, #tpu.memory_space<vmem>>, vector<16xf32>,
          tpu.vector_store %arg13[%swap3A_512, %swap3A_513], %mul3A_509 {strides = array<i32>} : memref<128x144xf32, #tpu.memory_space<vmem>>, vector<16xf32>,
          %add3A_515 = arith.constant 1 : i32
          %add3A_516 = arith.addi %mul3A_351, %add3A_515 : i32
          %get3A_517 = arith.index_cast %add3A_516 : i32 to index
          %get3A_518 = arith.constant 112 : index
          %get3A_519 = tpu.vector_load %arg13[%get3A_517, %get3A_518] {strides = array<i32>} : memref<128x144xf32, #tpu.memory_space<vmem>>, vector<16xf32>,
          %mul3A_520 = vector.broadcast %squeeze3A_358 : f32 to vector<16xf32>
          %mul3A_521 = arith.mulf %get3A_519, %mul3A_520 : vector<16xf32>
          %add3A_522 = arith.constant 1 : i32
          %add3A_523 = arith.addi %mul3A_351, %add3A_522 : i32
          %swap3A_524 = arith.index_cast %add3A_523 : i32 to index
          %swap3A_525 = arith.constant 112 : index
          %swap3A_526 = tpu.vector_load %arg13[%swap3A_524, %swap3A_525] {strides = array<i32>} : memref<128x144xf32, #tpu.memory_space<vmem>>, vector<16xf32>,
          tpu.vector_store %arg13[%swap3A_524, %swap3A_525], %mul3A_521 {strides = array<i32>} : memref<128x144xf32, #tpu.memory_space<vmem>>, vector<16xf32>,
          %add3A_527 = arith.constant 1 : i32
          %add3A_528 = arith.addi %mul3A_351, %add3A_527 : i32
          %get3A_529 = arith.index_cast %add3A_528 : i32 to index
          %get3A_530 = arith.constant 128 : index
          %get3A_531 = tpu.vector_load %arg13[%get3A_529, %get3A_530] {strides = array<i32>} : memref<128x144xf32, #tpu.memory_space<vmem>>, vector<16xf32>,
          %mul3A_532 = vector.broadcast %squeeze3A_358 : f32 to vector<16xf32>
          %mul3A_533 = arith.mulf %get3A_531, %mul3A_532 : vector<16xf32>
          %add3A_534 = arith.constant 1 : i32
          %add3A_535 = arith.addi %mul3A_351, %add3A_534 : i32
          %swap3A_536 = arith.index_cast %add3A_535 : i32 to index
          %swap3A_537 = arith.constant 128 : index
          %swap3A_538 = tpu.vector_load %arg13[%swap3A_536, %swap3A_537] {strides = array<i32>} : memref<128x144xf32, #tpu.memory_space<vmem>>, vector<16xf32>,
          tpu.vector_store %arg13[%swap3A_536, %swap3A_537], %mul3A_533 {strides = array<i32>} : memref<128x144xf32, #tpu.memory_space<vmem>>, vector<16xf32>,
          %scan3A_539 = arith.constant 0 : i32
          scf.yield %scan3A_539 : i32
        }
        %scan3A_339 = arith.constant 64 : i32
        %dma_start3A_340 = arith.constant 2 : i32
        %dma_start3A_341 = arith.constant 0 : i32
        %dma_start3A_342 = tpu.memref_slice %arg9[%dma_start3A_340, %dma_start3A_341] : memref<3x128xi32, #tpu.memory_space<vmem>> -> memref<1x128xi32, #tpu.memory_space<vmem>>
        %dma_start3A_343 = tpu.memref_squeeze %dma_start3A_342 : memref<1x128xi32, #tpu.memory_space<vmem>> -> memref<128xi32, #tpu.memory_space<vmem>>
        %dma_start3A_344 = arith.constant 0 : i32
        %dma_start3A_345 = arith.constant 0 : i32
        %dma_start3A_346 = tpu.memref_slice %arg7[%dma_start3A_344, %dma_start3A_345] : memref<10112x144xf32, #tpu.memory_space<vmem_shared>> -> memref<10112x144xf32, #tpu.memory_space<vmem_shared>>
        tpu.enqueue_indirect_dma source(%arg13 : memref<128x144xf32, #tpu.memory_space<vmem>>) target(%dma_start3A_346 : memref<10112x144xf32, #tpu.memory_space<vmem_shared>>) offsets(%dma_start3A_343 : memref<128xi32, #tpu.memory_space<vmem>>) semaphore(%arg17 : memref<!tpu.dma_semaphore, #tpu.memory_space<semaphore_mem>>) {add = true}
        %scan3A_347 = arith.constant 0 : i32
        scf.yield %scan3A_347 : i32
      }
      %scan3A_33 = arith.constant 81 : i32
      %dma_wait3A = arith.constant 2 : i32
      %dma_wait3A_34 = arith.constant 0 : i32
      %dma_wait3A_35 = tpu.memref_slice %arg8[%dma_wait3A, %dma_wait3A_34] : memref<3x128xi32, #tpu.memory_space<vmem>> -> memref<1x128xi32, #tpu.memory_space<vmem>>
      %dma_wait3A_36 = tpu.memref_squeeze %dma_wait3A_35 : memref<1x128xi32, #tpu.memory_space<vmem>> -> memref<128xi32, #tpu.memory_space<vmem>>
      %dma_wait3A_37 = arith.constant 0 : i32
      %dma_wait3A_38 = arith.constant 0 : i32
      %dma_wait3A_39 = tpu.memref_slice %arg7[%dma_wait3A_37, %dma_wait3A_38] : memref<10112x144xf32, #tpu.memory_space<vmem_shared>> -> memref<10112x144xf32, #tpu.memory_space<vmem_shared>>
      tpu.wait_indirect_dma semaphore(%arg16 : memref<!tpu.dma_semaphore, #tpu.memory_space<semaphore_mem>>) src(%arg12 : memref<128x144xf32, #tpu.memory_space<vmem>>) dst(%dma_wait3A_39 : memref<10112x144xf32, #tpu.memory_space<vmem_shared>>)
      %dma_wait3A_40 = arith.constant 2 : i32
      %dma_wait3A_41 = arith.constant 0 : i32
      %dma_wait3A_42 = tpu.memref_slice %arg9[%dma_wait3A_40, %dma_wait3A_41] : memref<3x128xi32, #tpu.memory_space<vmem>> -> memref<1x128xi32, #tpu.memory_space<vmem>>
      %dma_wait3A_43 = tpu.memref_squeeze %dma_wait3A_42 : memref<1x128xi32, #tpu.memory_space<vmem>> -> memref<128xi32, #tpu.memory_space<vmem>>
      %dma_wait3A_44 = arith.constant 0 : i32
      %dma_wait3A_45 = arith.constant 0 : i32
      %dma_wait3A_46 = tpu.memref_slice %arg7[%dma_wait3A_44, %dma_wait3A_45] : memref<10112x144xf32, #tpu.memory_space<vmem_shared>> -> memref<10112x144xf32, #tpu.memory_space<vmem_shared>>
      tpu.wait_indirect_dma semaphore(%arg17 : memref<!tpu.dma_semaphore, #tpu.memory_space<semaphore_mem>>) src(%arg13 : memref<128x144xf32, #tpu.memory_space<vmem>>) dst(%dma_wait3A_46 : memref<10112x144xf32, #tpu.memory_space<vmem_shared>>)
      %barrier3A_47 = arith.constant 0 : index
      tpu.barrier barrier_id(%barrier3A_47)
      %lt3A = arith.constant 15 : i32
      %lt3A_48 = arith.cmpi slt, %arg1, %lt3A : i32
      %convert_element_type3A = arith.extui %lt3A_48 : i1 to i32
      %cond3A = arith.constant 0 : i32
      %cond3A_49 = arith.cmpi ne, %convert_element_type3A, %cond3A : i32
      scf.if %cond3A_49 {
        %mul3A_56 = arith.constant 632 : i32
        %mul3A_57 = arith.muli %arg1, %mul3A_56 : i32
        %mul3A_58 = arith.constant 632 : i32
        %mul3A_59 = arith.muli %arg1, %mul3A_58 : i32
        "tpu.region"() ({
          %run_scoped3A_60 = tpu.sem_alloc : memref<!tpu.dma_semaphore, #tpu.memory_space<semaphore_mem>>
          %dma_start3A_61 = arith.constant 0 : i32
          %dma_start3A_62 = tpu.memref_slice %arg6[%add3A, %mul3A_59, %dma_start3A_61] : memref<4x10000x144xf32, #tpu.memory_space<hbm>> -> memref<1x632x144xf32, #tpu.memory_space<hbm>>
          %dma_start3A_63 = tpu.memref_squeeze %dma_start3A_62 : memref<1x632x144xf32, #tpu.memory_space<hbm>> -> memref<632x144xf32, #tpu.memory_space<hbm>>
          %dma_start3A_64 = arith.constant 0 : i32
          %dma_start3A_65 = tpu.memref_slice %arg7[%mul3A_57, %dma_start3A_64] : memref<10112x144xf32, #tpu.memory_space<vmem_shared>> -> memref<632x144xf32, #tpu.memory_space<vmem_shared>>
          tpu.enqueue_dma source(%dma_start3A_65 : memref<632x144xf32, #tpu.memory_space<vmem_shared>>) target(%dma_start3A_63 : memref<632x144xf32, #tpu.memory_space<hbm>>) target_semaphore(%run_scoped3A_60 : memref<!tpu.dma_semaphore, #tpu.memory_space<semaphore_mem>>)
          %dma_wait3A_66 = arith.constant 0 : i32
          %dma_wait3A_67 = tpu.memref_slice %arg6[%add3A, %mul3A_59, %dma_wait3A_66] : memref<4x10000x144xf32, #tpu.memory_space<hbm>> -> memref<1x632x144xf32, #tpu.memory_space<hbm>>
          %dma_wait3A_68 = tpu.memref_squeeze %dma_wait3A_67 : memref<1x632x144xf32, #tpu.memory_space<hbm>> -> memref<632x144xf32, #tpu.memory_space<hbm>>
          %dma_wait3A_69 = arith.constant 0 : i32
          %dma_wait3A_70 = tpu.memref_slice %arg7[%mul3A_57, %dma_wait3A_69] : memref<10112x144xf32, #tpu.memory_space<vmem_shared>> -> memref<632x144xf32, #tpu.memory_space<vmem_shared>>
          tpu.wait_dma2 semaphore(%run_scoped3A_60 : memref<!tpu.dma_semaphore, #tpu.memory_space<semaphore_mem>>) src(%dma_wait3A_70 : memref<632x144xf32, #tpu.memory_space<vmem_shared>>) dst(%dma_wait3A_68 : memref<632x144xf32, #tpu.memory_space<hbm>>)
          tpu.yield
        }) : () -> ()
      } else {
      }
      %eq3A = arith.constant 15 : i32
      %eq3A_50 = arith.cmpi eq, %arg1, %eq3A : i32
      %convert_element_type3A_51 = arith.extui %eq3A_50 : i1 to i32
      %cond3A_52 = arith.constant 0 : i32
      %cond3A_53 = arith.cmpi ne, %convert_element_type3A_51, %cond3A_52 : i32
      scf.if %cond3A_53 {
        "tpu.region"() ({
          %run_scoped3A_56 = tpu.sem_alloc : memref<!tpu.dma_semaphore, #tpu.memory_space<semaphore_mem>>
          %dma_start3A_57 = arith.constant 9480 : i32
          %dma_start3A_58 = arith.constant 0 : i32
          %dma_start3A_59 = tpu.memref_slice %arg6[%add3A, %dma_start3A_57, %dma_start3A_58] : memref<4x10000x144xf32, #tpu.memory_space<hbm>> -> memref<1x520x144xf32, #tpu.memory_space<hbm>>
          %dma_start3A_60 = tpu.memref_squeeze %dma_start3A_59 : memref<1x520x144xf32, #tpu.memory_space<hbm>> -> memref<520x144xf32, #tpu.memory_space<hbm>>
          %dma_start3A_61 = arith.constant 9480 : i32
          %dma_start3A_62 = arith.constant 0 : i32
          %dma_start3A_63 = tpu.memref_slice %arg7[%dma_start3A_61, %dma_start3A_62] : memref<10112x144xf32, #tpu.memory_space<vmem_shared>> -> memref<520x144xf32, #tpu.memory_space<vmem_shared>>
          tpu.enqueue_dma source(%dma_start3A_63 : memref<520x144xf32, #tpu.memory_space<vmem_shared>>) target(%dma_start3A_60 : memref<520x144xf32, #tpu.memory_space<hbm>>) target_semaphore(%run_scoped3A_56 : memref<!tpu.dma_semaphore, #tpu.memory_space<semaphore_mem>>)
          %dma_wait3A_64 = arith.constant 9480 : i32
          %dma_wait3A_65 = arith.constant 0 : i32
          %dma_wait3A_66 = tpu.memref_slice %arg6[%add3A, %dma_wait3A_64, %dma_wait3A_65] : memref<4x10000x144xf32, #tpu.memory_space<hbm>> -> memref<1x520x144xf32, #tpu.memory_space<hbm>>
          %dma_wait3A_67 = tpu.memref_squeeze %dma_wait3A_66 : memref<1x520x144xf32, #tpu.memory_space<hbm>> -> memref<520x144xf32, #tpu.memory_space<hbm>>
          %dma_wait3A_68 = arith.constant 9480 : i32
          %dma_wait3A_69 = arith.constant 0 : i32
          %dma_wait3A_70 = tpu.memref_slice %arg7[%dma_wait3A_68, %dma_wait3A_69] : memref<10112x144xf32, #tpu.memory_space<vmem_shared>> -> memref<520x144xf32, #tpu.memory_space<vmem_shared>>
          tpu.wait_dma2 semaphore(%run_scoped3A_56 : memref<!tpu.dma_semaphore, #tpu.memory_space<semaphore_mem>>) src(%dma_wait3A_70 : memref<520x144xf32, #tpu.memory_space<vmem_shared>>) dst(%dma_wait3A_67 : memref<520x144xf32, #tpu.memory_space<hbm>>)
          tpu.yield
        }) : () -> ()
      } else {
      }
      %barrier3A_54 = arith.constant 0 : index
      tpu.barrier barrier_id(%barrier3A_54)
      %scan3A_55 = arith.constant 0 : i32
      scf.yield %scan3A_55 : i32
    }
    %scan3A_8 = arith.constant 2 : i32
    return
  }
}

#map = affine_map<(d0, d1) -> (0, 0)>
#map1 = affine_map<(d0, d1) -> (0, 0, 0, 0, 0)>
#map2 = affine_map<(d0, d1) -> (0, 0, 0)>
module attributes {stable_mosaic.version = 14 : i64} {
  func.func @k(%arg0: i32, %arg1: i32, %arg2: memref<40000x144xf32, #tpu.memory_space<hbm>>, %arg3: memref<40448x8xf32, #tpu.memory_space<hbm>>, %arg4: memref<4x16x162x3x128xi32, #tpu.memory_space<hbm>>, %arg5: memref<632x144xf32, #tpu.memory_space<hbm>>, %arg6: memref<4x10000x144xf32, #tpu.memory_space<hbm>>, %arg7: memref<10112x144xf32, #tpu.memory_space<vmem_shared>>, %arg8: memref<3x128xi32, #tpu.memory_space<vmem>>, %arg9: memref<3x128xi32, #tpu.memory_space<vmem>>, %arg10: memref<128x8xf32, #tpu.memory_space<vmem>>, %arg11: memref<144xf32, #tpu.memory_space<vmem>>, %arg12: memref<128x144xf32, #tpu.memory_space<vmem>>, %arg13: memref<128x144xf32, #tpu.memory_space<vmem>>, %arg14: memref<!tpu.dma_semaphore, #tpu.memory_space<semaphore_mem>>, %arg15: memref<!tpu.dma_semaphore, #tpu.memory_space<semaphore_mem>>, %arg16: memref<!tpu.dma_semaphore, #tpu.memory_space<semaphore_mem>>, %arg17: memref<!tpu.dma_semaphore, #tpu.memory_space<semaphore_mem>>) attributes {dimension_semantics = [#tpu.dimension_semantics<core_parallel>, #tpu.dimension_semantics<subcore_parallel>], iteration_bounds = array<i64: 2, 16>, scalar_prefetch = 0 : i64, scratch_operands = 11 : i64, tpu.core_type = #tpu.core_type<sc_vector_subcore>, window_params = [{transform_indices = #map}, {transform_indices = #map}, {transform_indices = #map1}, {transform_indices = #map}, {transform_indices = #map2}]} {
    %broadcast_in_dim3A = arith.constant 129 : i32
    %broadcast_in_dim3A_0 = vector.broadcast %broadcast_in_dim3A : i32 to vector<16xi32>
    %broadcast_in_dim3A_1 = arith.constant 0 : i32
    %broadcast_in_dim3A_2 = vector.broadcast %broadcast_in_dim3A_1 : i32 to vector<16xi32>
    %scan3A = arith.constant 0 : i32
    %scan3A_3 = arith.constant 0 : i32
    %scan3A_4 = arith.constant 2 : i32
    %scan3A_5 = arith.addi %scan3A_3, %scan3A_4 : i32
    %scan3A_6 = arith.constant 1 : i32
    %scan3A_7 = scf.for %scan3A_9 = %scan3A_3 to %scan3A_5 step %scan3A_6 iter_args(%scan3A_10 = %scan3A) -> (i32)  : i32 {
      %mul3A = arith.constant 2 : i32
      %mul3A_11 = arith.muli %arg0, %mul3A : i32
      %add3A = arith.addi %mul3A_11, %scan3A_9 : i32
      %mul3A_12 = arith.constant 632 : i32
      %mul3A_13 = arith.muli %arg1, %mul3A_12 : i32
      "tpu.region"() ({
        %run_scoped3A_56 = tpu.sem_alloc : memref<!tpu.dma_semaphore, #tpu.memory_space<semaphore_mem>>
        %dma_start3A_57 = arith.constant 0 : i32
        %dma_start3A_58 = tpu.memref_slice %arg7[%mul3A_13, %dma_start3A_57] : memref<10112x144xf32, #tpu.memory_space<vmem_shared>> -> memref<632x144xf32, #tpu.memory_space<vmem_shared>>
        tpu.enqueue_dma source(%arg5 : memref<632x144xf32, #tpu.memory_space<hbm>>) target(%dma_start3A_58 : memref<632x144xf32, #tpu.memory_space<vmem_shared>>) target_semaphore(%run_scoped3A_56 : memref<!tpu.dma_semaphore, #tpu.memory_space<semaphore_mem>>)
        %dma_wait3A_59 = arith.constant 0 : i32
        %dma_wait3A_60 = tpu.memref_slice %arg7[%mul3A_13, %dma_wait3A_59] : memref<10112x144xf32, #tpu.memory_space<vmem_shared>> -> memref<632x144xf32, #tpu.memory_space<vmem_shared>>
        tpu.wait_dma2 semaphore(%run_scoped3A_56 : memref<!tpu.dma_semaphore, #tpu.memory_space<semaphore_mem>>) src(%arg5 : memref<632x144xf32, #tpu.memory_space<hbm>>) dst(%dma_wait3A_60 : memref<632x144xf32, #tpu.memory_space<vmem_shared>>)
        tpu.yield
      }) : () -> ()
      %barrier3A = arith.constant 0 : index
      tpu.barrier barrier_id(%barrier3A)
      %run_scoped3A = arith.constant 0 : i32
      "tpu.region"() ({
        %run_scoped3A_56 = tpu.sem_alloc : memref<!tpu.dma_semaphore, #tpu.memory_space<semaphore_mem>>
        %dma_start3A_57 = arith.constant 0 : i32
        %dma_start3A_58 = arith.constant 0 : i32
        %dma_start3A_59 = tpu.memref_slice %arg4[%add3A, %arg1, %run_scoped3A, %dma_start3A_57, %dma_start3A_58] : memref<4x16x162x3x128xi32, #tpu.memory_space<hbm>> -> memref<1x1x1x3x128xi32, #tpu.memory_space<hbm>>
        %dma_start3A_60 = tpu.memref_squeeze %dma_start3A_59 : memref<1x1x1x3x128xi32, #tpu.memory_space<hbm>> -> memref<3x128xi32, #tpu.memory_space<hbm>>
        %dma_start3A_61 = arith.constant 0 : i32
        %dma_start3A_62 = arith.constant 0 : i32
        %dma_start3A_63 = tpu.memref_slice %arg4[%add3A, %arg1, %run_scoped3A, %dma_start3A_61, %dma_start3A_62] : memref<4x16x162x3x128xi32, #tpu.memory_space<hbm>> -> memref<1x1x1x3x128xi32, #tpu.memory_space<hbm>>
        %dma_start3A_64 = tpu.memref_squeeze %dma_start3A_63 : memref<1x1x1x3x128xi32, #tpu.memory_space<hbm>> -> memref<3x128xi32, #tpu.memory_space<hbm>>
        tpu.enqueue_dma source(%dma_start3A_64 : memref<3x128xi32, #tpu.memory_space<hbm>>) target(%arg8 : memref<3x128xi32, #tpu.memory_space<vmem>>) target_semaphore(%run_scoped3A_56 : memref<!tpu.dma_semaphore, #tpu.memory_space<semaphore_mem>>)
        %dma_wait3A_65 = arith.constant 0 : i32
        %dma_wait3A_66 = arith.constant 0 : i32
        %dma_wait3A_67 = tpu.memref_slice %arg4[%add3A, %arg1, %run_scoped3A, %dma_wait3A_65, %dma_wait3A_66] : memref<4x16x162x3x128xi32, #tpu.memory_space<hbm>> -> memref<1x1x1x3x128xi32, #tpu.memory_space<hbm>>
        %dma_wait3A_68 = tpu.memref_squeeze %dma_wait3A_67 : memref<1x1x1x3x128xi32, #tpu.memory_space<hbm>> -> memref<3x128xi32, #tpu.memory_space<hbm>>
        %dma_wait3A_69 = arith.constant 0 : i32
        %dma_wait3A_70 = arith.constant 0 : i32
        %dma_wait3A_71 = tpu.memref_slice %arg4[%add3A, %arg1, %run_scoped3A, %dma_wait3A_69, %dma_wait3A_70] : memref<4x16x162x3x128xi32, #tpu.memory_space<hbm>> -> memref<1x1x1x3x128xi32, #tpu.memory_space<hbm>>
        %dma_wait3A_72 = tpu.memref_squeeze %dma_wait3A_71 : memref<1x1x1x3x128xi32, #tpu.memory_space<hbm>> -> memref<3x128xi32, #tpu.memory_space<hbm>>
        tpu.wait_dma2 semaphore(%run_scoped3A_56 : memref<!tpu.dma_semaphore, #tpu.memory_space<semaphore_mem>>) src(%dma_wait3A_72 : memref<3x128xi32, #tpu.memory_space<hbm>>) dst(%arg8 : memref<3x128xi32, #tpu.memory_space<vmem>>)
        tpu.yield
      }) : () -> ()
      %dma_start3A = arith.constant 0 : i32
      %dma_start3A_14 = arith.constant 0 : i32
      %dma_start3A_15 = tpu.memref_slice %arg8[%dma_start3A, %dma_start3A_14] : memref<3x128xi32, #tpu.memory_space<vmem>> -> memref<1x128xi32, #tpu.memory_space<vmem>>
      %dma_start3A_16 = tpu.memref_squeeze %dma_start3A_15 : memref<1x128xi32, #tpu.memory_space<vmem>> -> memref<128xi32, #tpu.memory_space<vmem>>
      %dma_start3A_17 = arith.constant 0 : i32
      %dma_start3A_18 = arith.constant 0 : i32
      %dma_start3A_19 = tpu.memref_slice %arg2[%dma_start3A_17, %dma_start3A_18] : memref<40000x144xf32, #tpu.memory_space<hbm>> -> memref<40000x144xf32, #tpu.memory_space<hbm>>
      tpu.enqueue_indirect_dma source(%dma_start3A_19 : memref<40000x144xf32, #tpu.memory_space<hbm>>) target(%arg12 : memref<128x144xf32, #tpu.memory_space<vmem>>) offsets(%dma_start3A_16 : memref<128xi32, #tpu.memory_space<vmem>>) semaphore(%arg14 : memref<!tpu.dma_semaphore, #tpu.memory_space<semaphore_mem>>)
      %dma_start3A_20 = arith.constant 1 : i32
      %dma_start3A_21 = arith.constant 0 : i32
      %dma_start3A_22 = tpu.memref_slice %arg8[%dma_start3A_20, %dma_start3A_21] : memref<3x128xi32, #tpu.memory_space<vmem>> -> memref<1x128xi32, #tpu.memory_space<vmem>>
      %dma_start3A_23 = tpu.memref_squeeze %dma_start3A_22 : memref<1x128xi32, #tpu.memory_space<vmem>> -> memref<128xi32, #tpu.memory_space<vmem>>
      %dma_start3A_24 = arith.constant 0 : i32
      %dma_start3A_25 = arith.constant 0 : i32
      %dma_start3A_26 = tpu.memref_slice %arg3[%dma_start3A_24, %dma_start3A_25] : memref<40448x8xf32, #tpu.memory_space<hbm>> -> memref<40448x8xf32, #tpu.memory_space<hbm>>
      tpu.enqueue_indirect_dma source(%dma_start3A_26 : memref<40448x8xf32, #tpu.memory_space<hbm>>) target(%arg10 : memref<128x8xf32, #tpu.memory_space<vmem>>) offsets(%dma_start3A_23 : memref<128xi32, #tpu.memory_space<vmem>>) semaphore(%arg14 : memref<!tpu.dma_semaphore, #tpu.memory_space<semaphore_mem>>)
      %scan3A_27 = arith.constant 0 : i32
      %scan3A_28 = arith.constant 0 : i32
      %scan3A_29 = arith.constant 81 : i32
      %scan3A_30 = arith.addi %scan3A_28, %scan3A_29 : i32
      %scan3A_31 = arith.constant 1 : i32
      %scan3A_32 = scf.for %scan3A_56 = %scan3A_28 to %scan3A_30 step %scan3A_31 iter_args(%scan3A_57 = %scan3A_27) -> (i32)  : i32 {
        %mul3A_58 = arith.constant 2 : i32
        %mul3A_59 = arith.muli %scan3A_56, %mul3A_58 : i32
        %dma_wait3A_60 = arith.constant 1 : i32
        %dma_wait3A_61 = arith.constant 0 : i32
        %dma_wait3A_62 = tpu.memref_slice %arg8[%dma_wait3A_60, %dma_wait3A_61] : memref<3x128xi32, #tpu.memory_space<vmem>> -> memref<1x128xi32, #tpu.memory_space<vmem>>
        %dma_wait3A_63 = tpu.memref_squeeze %dma_wait3A_62 : memref<1x128xi32, #tpu.memory_space<vmem>> -> memref<128xi32, #tpu.memory_space<vmem>>
        %dma_wait3A_64 = arith.constant 0 : i32
        %dma_wait3A_65 = arith.constant 0 : i32
        %dma_wait3A_66 = tpu.memref_slice %arg3[%dma_wait3A_64, %dma_wait3A_65] : memref<40448x8xf32, #tpu.memory_space<hbm>> -> memref<40448x8xf32, #tpu.memory_space<hbm>>
        tpu.wait_indirect_dma semaphore(%arg14 : memref<!tpu.dma_semaphore, #tpu.memory_space<semaphore_mem>>) src(%dma_wait3A_66 : memref<40448x8xf32, #tpu.memory_space<hbm>>) dst(%arg10 : memref<128x8xf32, #tpu.memory_space<vmem>>)
        %dma_wait3A_67 = arith.constant 0 : i32
        %dma_wait3A_68 = arith.constant 0 : i32
        %dma_wait3A_69 = tpu.memref_slice %arg8[%dma_wait3A_67, %dma_wait3A_68] : memref<3x128xi32, #tpu.memory_space<vmem>> -> memref<1x128xi32, #tpu.memory_space<vmem>>
        %dma_wait3A_70 = tpu.memref_squeeze %dma_wait3A_69 : memref<1x128xi32, #tpu.memory_space<vmem>> -> memref<128xi32, #tpu.memory_space<vmem>>
        %dma_wait3A_71 = arith.constant 0 : i32
        %dma_wait3A_72 = arith.constant 0 : i32
        %dma_wait3A_73 = tpu.memref_slice %arg2[%dma_wait3A_71, %dma_wait3A_72] : memref<40000x144xf32, #tpu.memory_space<hbm>> -> memref<40000x144xf32, #tpu.memory_space<hbm>>
        tpu.wait_indirect_dma semaphore(%arg14 : memref<!tpu.dma_semaphore, #tpu.memory_space<semaphore_mem>>) src(%dma_wait3A_73 : memref<40000x144xf32, #tpu.memory_space<hbm>>) dst(%arg12 : memref<128x144xf32, #tpu.memory_space<vmem>>)
        %iota3A = tpu.iota {dimensions = array<i32: 0>} : vector<16xi32>
        %add3A_74 = arith.constant 0 : i32
        %add3A_75 = vector.broadcast %add3A_74 : i32 to vector<16xi32>
        %add3A_76 = arith.addi %iota3A, %add3A_75 : vector<16xi32>
        %gather3A = tpu.vector_load_idx %arg12[%add3A_76, %broadcast_in_dim3A_0] : memref<128x144xf32, #tpu.memory_space<vmem>>[vector<16xi32>, vector<16xi32>], vector<16xf32>,
        %gather3A_77 = tpu.vector_load_idx %arg10[%add3A_76, %broadcast_in_dim3A_2] : memref<128x8xf32, #tpu.memory_space<vmem>>[vector<16xi32>, vector<16xi32>], vector<16xf32>,
        %add3A_78 = arith.addf %gather3A, %gather3A_77 : vector<16xf32>
        %mul3A_79 = arith.constant 2.000000e-01 : f32
        %mul3A_80 = vector.broadcast %mul3A_79 : f32 to vector<16xf32>
        %mul3A_81 = arith.mulf %mul3A_80, %add3A_78 : vector<16xf32>
        %max3A = arith.maximumf %add3A_78, %mul3A_81 : vector<16xf32>
        %exp3A = math.exp %max3A : vector<16xf32>
        %swap3A = arith.constant 0 : index
        %swap3A_82 = tpu.vector_load %arg11[%swap3A] {strides = array<i32>} : memref<144xf32, #tpu.memory_space<vmem>>, vector<16xf32>,
        tpu.vector_store %arg11[%swap3A], %exp3A {strides = array<i32>} : memref<144xf32, #tpu.memory_space<vmem>>, vector<16xf32>,
        %iota3A_83 = tpu.iota {dimensions = array<i32: 0>} : vector<16xi32>
        %add3A_84 = arith.constant 16 : i32
        %add3A_85 = vector.broadcast %add3A_84 : i32 to vector<16xi32>
        %add3A_86 = arith.addi %iota3A_83, %add3A_85 : vector<16xi32>
        %gather3A_87 = tpu.vector_load_idx %arg12[%add3A_86, %broadcast_in_dim3A_0] : memref<128x144xf32, #tpu.memory_space<vmem>>[vector<16xi32>, vector<16xi32>], vector<16xf32>,
        %gather3A_88 = tpu.vector_load_idx %arg10[%add3A_86, %broadcast_in_dim3A_2] : memref<128x8xf32, #tpu.memory_space<vmem>>[vector<16xi32>, vector<16xi32>], vector<16xf32>,
        %add3A_89 = arith.addf %gather3A_87, %gather3A_88 : vector<16xf32>
        %mul3A_90 = arith.constant 2.000000e-01 : f32
        %mul3A_91 = vector.broadcast %mul3A_90 : f32 to vector<16xf32>
        %mul3A_92 = arith.mulf %mul3A_91, %add3A_89 : vector<16xf32>
        %max3A_93 = arith.maximumf %add3A_89, %mul3A_92 : vector<16xf32>
        %exp3A_94 = math.exp %max3A_93 : vector<16xf32>
        %swap3A_95 = arith.constant 16 : index
        %swap3A_96 = tpu.vector_load %arg11[%swap3A_95] {strides = array<i32>} : memref<144xf32, #tpu.memory_space<vmem>>, vector<16xf32>,
        tpu.vector_store %arg11[%swap3A_95], %exp3A_94 {strides = array<i32>} : memref<144xf32, #tpu.memory_space<vmem>>, vector<16xf32>,
        %iota3A_97 = tpu.iota {dimensions = array<i32: 0>} : vector<16xi32>
        %add3A_98 = arith.constant 32 : i32
        %add3A_99 = vector.broadcast %add3A_98 : i32 to vector<16xi32>
        %add3A_100 = arith.addi %iota3A_97, %add3A_99 : vector<16xi32>
        %gather3A_101 = tpu.vector_load_idx %arg12[%add3A_100, %broadcast_in_dim3A_0] : memref<128x144xf32, #tpu.memory_space<vmem>>[vector<16xi32>, vector<16xi32>], vector<16xf32>,
        %gather3A_102 = tpu.vector_load_idx %arg10[%add3A_100, %broadcast_in_dim3A_2] : memref<128x8xf32, #tpu.memory_space<vmem>>[vector<16xi32>, vector<16xi32>], vector<16xf32>,
        %add3A_103 = arith.addf %gather3A_101, %gather3A_102 : vector<16xf32>
        %mul3A_104 = arith.constant 2.000000e-01 : f32
        %mul3A_105 = vector.broadcast %mul3A_104 : f32 to vector<16xf32>
        %mul3A_106 = arith.mulf %mul3A_105, %add3A_103 : vector<16xf32>
        %max3A_107 = arith.maximumf %add3A_103, %mul3A_106 : vector<16xf32>
        %exp3A_108 = math.exp %max3A_107 : vector<16xf32>
        %swap3A_109 = arith.constant 32 : index
        %swap3A_110 = tpu.vector_load %arg11[%swap3A_109] {strides = array<i32>} : memref<144xf32, #tpu.memory_space<vmem>>, vector<16xf32>,
        tpu.vector_store %arg11[%swap3A_109], %exp3A_108 {strides = array<i32>} : memref<144xf32, #tpu.memory_space<vmem>>, vector<16xf32>,
        %iota3A_111 = tpu.iota {dimensions = array<i32: 0>} : vector<16xi32>
        %add3A_112 = arith.constant 48 : i32
        %add3A_113 = vector.broadcast %add3A_112 : i32 to vector<16xi32>
        %add3A_114 = arith.addi %iota3A_111, %add3A_113 : vector<16xi32>
        %gather3A_115 = tpu.vector_load_idx %arg12[%add3A_114, %broadcast_in_dim3A_0] : memref<128x144xf32, #tpu.memory_space<vmem>>[vector<16xi32>, vector<16xi32>], vector<16xf32>,
        %gather3A_116 = tpu.vector_load_idx %arg10[%add3A_114, %broadcast_in_dim3A_2] : memref<128x8xf32, #tpu.memory_space<vmem>>[vector<16xi32>, vector<16xi32>], vector<16xf32>,
        %add3A_117 = arith.addf %gather3A_115, %gather3A_116 : vector<16xf32>
        %mul3A_118 = arith.constant 2.000000e-01 : f32
        %mul3A_119 = vector.broadcast %mul3A_118 : f32 to vector<16xf32>
        %mul3A_120 = arith.mulf %mul3A_119, %add3A_117 : vector<16xf32>
        %max3A_121 = arith.maximumf %add3A_117, %mul3A_120 : vector<16xf32>
        %exp3A_122 = math.exp %max3A_121 : vector<16xf32>
        %swap3A_123 = arith.constant 48 : index
        %swap3A_124 = tpu.vector_load %arg11[%swap3A_123] {strides = array<i32>} : memref<144xf32, #tpu.memory_space<vmem>>, vector<16xf32>,
        tpu.vector_store %arg11[%swap3A_123], %exp3A_122 {strides = array<i32>} : memref<144xf32, #tpu.memory_space<vmem>>, vector<16xf32>,
        %iota3A_125 = tpu.iota {dimensions = array<i32: 0>} : vector<16xi32>
        %add3A_126 = arith.constant 64 : i32
        %add3A_127 = vector.broadcast %add3A_126 : i32 to vector<16xi32>
        %add3A_128 = arith.addi %iota3A_125, %add3A_127 : vector<16xi32>
        %gather3A_129 = tpu.vector_load_idx %arg12[%add3A_128, %broadcast_in_dim3A_0] : memref<128x144xf32, #tpu.memory_space<vmem>>[vector<16xi32>, vector<16xi32>], vector<16xf32>,
        %gather3A_130 = tpu.vector_load_idx %arg10[%add3A_128, %broadcast_in_dim3A_2] : memref<128x8xf32, #tpu.memory_space<vmem>>[vector<16xi32>, vector<16xi32>], vector<16xf32>,
        %add3A_131 = arith.addf %gather3A_129, %gather3A_130 : vector<16xf32>
        %mul3A_132 = arith.constant 2.000000e-01 : f32
        %mul3A_133 = vector.broadcast %mul3A_132 : f32 to vector<16xf32>
        %mul3A_134 = arith.mulf %mul3A_133, %add3A_131 : vector<16xf32>
        %max3A_135 = arith.maximumf %add3A_131, %mul3A_134 : vector<16xf32>
        %exp3A_136 = math.exp %max3A_135 : vector<16xf32>
        %swap3A_137 = arith.constant 64 : index
        %swap3A_138 = tpu.vector_load %arg11[%swap3A_137] {strides = array<i32>} : memref<144xf32, #tpu.memory_space<vmem>>, vector<16xf32>,
        tpu.vector_store %arg11[%swap3A_137], %exp3A_136 {strides = array<i32>} : memref<144xf32, #tpu.memory_space<vmem>>, vector<16xf32>,
        %iota3A_139 = tpu.iota {dimensions = array<i32: 0>} : vector<16xi32>
        %add3A_140 = arith.constant 80 : i32
        %add3A_141 = vector.broadcast %add3A_140 : i32 to vector<16xi32>
        %add3A_142 = arith.addi %iota3A_139, %add3A_141 : vector<16xi32>
        %gather3A_143 = tpu.vector_load_idx %arg12[%add3A_142, %broadcast_in_dim3A_0] : memref<128x144xf32, #tpu.memory_space<vmem>>[vector<16xi32>, vector<16xi32>], vector<16xf32>,
        %gather3A_144 = tpu.vector_load_idx %arg10[%add3A_142, %broadcast_in_dim3A_2] : memref<128x8xf32, #tpu.memory_space<vmem>>[vector<16xi32>, vector<16xi32>], vector<16xf32>,
        %add3A_145 = arith.addf %gather3A_143, %gather3A_144 : vector<16xf32>
        %mul3A_146 = arith.constant 2.000000e-01 : f32
        %mul3A_147 = vector.broadcast %mul3A_146 : f32 to vector<16xf32>
        %mul3A_148 = arith.mulf %mul3A_147, %add3A_145 : vector<16xf32>
        %max3A_149 = arith.maximumf %add3A_145, %mul3A_148 : vector<16xf32>
        %exp3A_150 = math.exp %max3A_149 : vector<16xf32>
        %swap3A_151 = arith.constant 80 : index
        %swap3A_152 = tpu.vector_load %arg11[%swap3A_151] {strides = array<i32>} : memref<144xf32, #tpu.memory_space<vmem>>, vector<16xf32>,
        tpu.vector_store %arg11[%swap3A_151], %exp3A_150 {strides = array<i32>} : memref<144xf32, #tpu.memory_space<vmem>>, vector<16xf32>,
        %iota3A_153 = tpu.iota {dimensions = array<i32: 0>} : vector<16xi32>
        %add3A_154 = arith.constant 96 : i32
        %add3A_155 = vector.broadcast %add3A_154 : i32 to vector<16xi32>
        %add3A_156 = arith.addi %iota3A_153, %add3A_155 : vector<16xi32>
        %gather3A_157 = tpu.vector_load_idx %arg12[%add3A_156, %broadcast_in_dim3A_0] : memref<128x144xf32, #tpu.memory_space<vmem>>[vector<16xi32>, vector<16xi32>], vector<16xf32>,
        %gather3A_158 = tpu.vector_load_idx %arg10[%add3A_156, %broadcast_in_dim3A_2] : memref<128x8xf32, #tpu.memory_space<vmem>>[vector<16xi32>, vector<16xi32>], vector<16xf32>,
        %add3A_159 = arith.addf %gather3A_157, %gather3A_158 : vector<16xf32>
        %mul3A_160 = arith.constant 2.000000e-01 : f32
        %mul3A_161 = vector.broadcast %mul3A_160 : f32 to vector<16xf32>
        %mul3A_162 = arith.mulf %mul3A_161, %add3A_159 : vector<16xf32>
        %max3A_163 = arith.maximumf %add3A_159, %mul3A_162 : vector<16xf32>
        %exp3A_164 = math.exp %max3A_163 : vector<16xf32>
        %swap3A_165 = arith.constant 96 : index
        %swap3A_166 = tpu.vector_load %arg11[%swap3A_165] {strides = array<i32>} : memref<144xf32, #tpu.memory_space<vmem>>, vector<16xf32>,
        tpu.vector_store %arg11[%swap3A_165], %exp3A_164 {strides = array<i32>} : memref<144xf32, #tpu.memory_space<vmem>>, vector<16xf32>,
        %iota3A_167 = tpu.iota {dimensions = array<i32: 0>} : vector<16xi32>
        %add3A_168 = arith.constant 112 : i32
        %add3A_169 = vector.broadcast %add3A_168 : i32 to vector<16xi32>
        %add3A_170 = arith.addi %iota3A_167, %add3A_169 : vector<16xi32>
        %gather3A_171 = tpu.vector_load_idx %arg12[%add3A_170, %broadcast_in_dim3A_0] : memref<128x144xf32, #tpu.memory_space<vmem>>[vector<16xi32>, vector<16xi32>], vector<16xf32>,
        %gather3A_172 = tpu.vector_load_idx %arg10[%add3A_170, %broadcast_in_dim3A_2] : memref<128x8xf32, #tpu.memory_space<vmem>>[vector<16xi32>, vector<16xi32>], vector<16xf32>,
        %add3A_173 = arith.addf %gather3A_171, %gather3A_172 : vector<16xf32>
        %mul3A_174 = arith.constant 2.000000e-01 : f32
        %mul3A_175 = vector.broadcast %mul3A_174 : f32 to vector<16xf32>
        %mul3A_176 = arith.mulf %mul3A_175, %add3A_173 : vector<16xf32>
        %max3A_177 = arith.maximumf %add3A_173, %mul3A_176 : vector<16xf32>
        %exp3A_178 = math.exp %max3A_177 : vector<16xf32>
        %swap3A_179 = arith.constant 112 : index
        %swap3A_180 = tpu.vector_load %arg11[%swap3A_179] {strides = array<i32>} : memref<144xf32, #tpu.memory_space<vmem>>, vector<16xf32>,
        tpu.vector_store %arg11[%swap3A_179], %exp3A_178 {strides = array<i32>} : memref<144xf32, #tpu.memory_space<vmem>>, vector<16xf32>,
        %lt3A_181 = arith.constant 161 : i32
        %lt3A_182 = arith.cmpi slt, %mul3A_59, %lt3A_181 : i32
        %convert_element_type3A_183 = arith.extui %lt3A_182 : i1 to i32
        %cond3A_184 = arith.constant 0 : i32
        %cond3A_185 = arith.cmpi ne, %convert_element_type3A_183, %cond3A_184 : i32
        scf.if %cond3A_185 {
          %ge3A = arith.constant 1 : i32
          %ge3A_348 = arith.cmpi sge, %mul3A_59, %ge3A : i32
          %convert_element_type3A_349 = arith.extui %ge3A_348 : i1 to i32
          %cond3A_350 = arith.constant 0 : i32
          %cond3A_351 = arith.cmpi ne, %convert_element_type3A_349, %cond3A_350 : i32
          scf.if %cond3A_351 {
            %dma_wait3A_368 = arith.constant 2 : i32
            %dma_wait3A_369 = arith.constant 0 : i32
            %dma_wait3A_370 = tpu.memref_slice %arg9[%dma_wait3A_368, %dma_wait3A_369] : memref<3x128xi32, #tpu.memory_space<vmem>> -> memref<1x128xi32, #tpu.memory_space<vmem>>
            %dma_wait3A_371 = tpu.memref_squeeze %dma_wait3A_370 : memref<1x128xi32, #tpu.memory_space<vmem>> -> memref<128xi32, #tpu.memory_space<vmem>>
            %dma_wait3A_372 = arith.constant 0 : i32
            %dma_wait3A_373 = arith.constant 0 : i32
            %dma_wait3A_374 = tpu.memref_slice %arg7[%dma_wait3A_372, %dma_wait3A_373] : memref<10112x144xf32, #tpu.memory_space<vmem_shared>> -> memref<10112x144xf32, #tpu.memory_space<vmem_shared>>
            tpu.wait_indirect_dma semaphore(%arg17 : memref<!tpu.dma_semaphore, #tpu.memory_space<semaphore_mem>>) src(%arg13 : memref<128x144xf32, #tpu.memory_space<vmem>>) dst(%dma_wait3A_374 : memref<10112x144xf32, #tpu.memory_space<vmem_shared>>)
          } else {
          }
          %add3A_352 = arith.constant 1 : i32
          %add3A_353 = arith.addi %mul3A_59, %add3A_352 : i32
          "tpu.region"() ({
            %run_scoped3A_368 = tpu.sem_alloc : memref<!tpu.dma_semaphore, #tpu.memory_space<semaphore_mem>>
            %dma_start3A_369 = arith.constant 0 : i32
            %dma_start3A_370 = arith.constant 0 : i32
            %dma_start3A_371 = tpu.memref_slice %arg4[%add3A, %arg1, %add3A_353, %dma_start3A_369, %dma_start3A_370] : memref<4x16x162x3x128xi32, #tpu.memory_space<hbm>> -> memref<1x1x1x3x128xi32, #tpu.memory_space<hbm>>
            %dma_start3A_372 = tpu.memref_squeeze %dma_start3A_371 : memref<1x1x1x3x128xi32, #tpu.memory_space<hbm>> -> memref<3x128xi32, #tpu.memory_space<hbm>>
            %dma_start3A_373 = arith.constant 0 : i32
            %dma_start3A_374 = arith.constant 0 : i32
            %dma_start3A_375 = tpu.memref_slice %arg4[%add3A, %arg1, %add3A_353, %dma_start3A_373, %dma_start3A_374] : memref<4x16x162x3x128xi32, #tpu.memory_space<hbm>> -> memref<1x1x1x3x128xi32, #tpu.memory_space<hbm>>
            %dma_start3A_376 = tpu.memref_squeeze %dma_start3A_375 : memref<1x1x1x3x128xi32, #tpu.memory_space<hbm>> -> memref<3x128xi32, #tpu.memory_space<hbm>>
            tpu.enqueue_dma source(%dma_start3A_376 : memref<3x128xi32, #tpu.memory_space<hbm>>) target(%arg9 : memref<3x128xi32, #tpu.memory_space<vmem>>) target_semaphore(%run_scoped3A_368 : memref<!tpu.dma_semaphore, #tpu.memory_space<semaphore_mem>>)
            %dma_wait3A_377 = arith.constant 0 : i32
            %dma_wait3A_378 = arith.constant 0 : i32
            %dma_wait3A_379 = tpu.memref_slice %arg4[%add3A, %arg1, %add3A_353, %dma_wait3A_377, %dma_wait3A_378] : memref<4x16x162x3x128xi32, #tpu.memory_space<hbm>> -> memref<1x1x1x3x128xi32, #tpu.memory_space<hbm>>
            %dma_wait3A_380 = tpu.memref_squeeze %dma_wait3A_379 : memref<1x1x1x3x128xi32, #tpu.memory_space<hbm>> -> memref<3x128xi32, #tpu.memory_space<hbm>>
            %dma_wait3A_381 = arith.constant 0 : i32
            %dma_wait3A_382 = arith.constant 0 : i32
            %dma_wait3A_383 = tpu.memref_slice %arg4[%add3A, %arg1, %add3A_353, %dma_wait3A_381, %dma_wait3A_382] : memref<4x16x162x3x128xi32, #tpu.memory_space<hbm>> -> memref<1x1x1x3x128xi32, #tpu.memory_space<hbm>>
            %dma_wait3A_384 = tpu.memref_squeeze %dma_wait3A_383 : memref<1x1x1x3x128xi32, #tpu.memory_space<hbm>> -> memref<3x128xi32, #tpu.memory_space<hbm>>
            tpu.wait_dma2 semaphore(%run_scoped3A_368 : memref<!tpu.dma_semaphore, #tpu.memory_space<semaphore_mem>>) src(%dma_wait3A_384 : memref<3x128xi32, #tpu.memory_space<hbm>>) dst(%arg9 : memref<3x128xi32, #tpu.memory_space<vmem>>)
            tpu.yield
          }) : () -> ()
          %dma_start3A_354 = arith.constant 0 : i32
          %dma_start3A_355 = arith.constant 0 : i32
          %dma_start3A_356 = tpu.memref_slice %arg9[%dma_start3A_354, %dma_start3A_355] : memref<3x128xi32, #tpu.memory_space<vmem>> -> memref<1x128xi32, #tpu.memory_space<vmem>>
          %dma_start3A_357 = tpu.memref_squeeze %dma_start3A_356 : memref<1x128xi32, #tpu.memory_space<vmem>> -> memref<128xi32, #tpu.memory_space<vmem>>
          %dma_start3A_358 = arith.constant 0 : i32
          %dma_start3A_359 = arith.constant 0 : i32
          %dma_start3A_360 = tpu.memref_slice %arg2[%dma_start3A_358, %dma_start3A_359] : memref<40000x144xf32, #tpu.memory_space<hbm>> -> memref<40000x144xf32, #tpu.memory_space<hbm>>
          tpu.enqueue_indirect_dma source(%dma_start3A_360 : memref<40000x144xf32, #tpu.memory_space<hbm>>) target(%arg13 : memref<128x144xf32, #tpu.memory_space<vmem>>) offsets(%dma_start3A_357 : memref<128xi32, #tpu.memory_space<vmem>>) semaphore(%arg15 : memref<!tpu.dma_semaphore, #tpu.memory_space<semaphore_mem>>)
          %dma_start3A_361 = arith.constant 1 : i32
          %dma_start3A_362 = arith.constant 0 : i32
          %dma_start3A_363 = tpu.memref_slice %arg9[%dma_start3A_361, %dma_start3A_362] : memref<3x128xi32, #tpu.memory_space<vmem>> -> memref<1x128xi32, #tpu.memory_space<vmem>>
          %dma_start3A_364 = tpu.memref_squeeze %dma_start3A_363 : memref<1x128xi32, #tpu.memory_space<vmem>> -> memref<128xi32, #tpu.memory_space<vmem>>
          %dma_start3A_365 = arith.constant 0 : i32
          %dma_start3A_366 = arith.constant 0 : i32
          %dma_start3A_367 = tpu.memref_slice %arg3[%dma_start3A_365, %dma_start3A_366] : memref<40448x8xf32, #tpu.memory_space<hbm>> -> memref<40448x8xf32, #tpu.memory_space<hbm>>
          tpu.enqueue_indirect_dma source(%dma_start3A_367 : memref<40448x8xf32, #tpu.memory_space<hbm>>) target(%arg10 : memref<128x8xf32, #tpu.memory_space<vmem>>) offsets(%dma_start3A_364 : memref<128xi32, #tpu.memory_space<vmem>>) semaphore(%arg15 : memref<!tpu.dma_semaphore, #tpu.memory_space<semaphore_mem>>)
        } else {
        }
        %scan3A_186 = arith.constant 0 : i32
        %scan3A_187 = arith.constant 0 : i32
        %scan3A_188 = arith.constant 64 : i32
        %scan3A_189 = arith.addi %scan3A_187, %scan3A_188 : i32
        %scan3A_190 = arith.constant 1 : i32
        %scan3A_191 = scf.for %scan3A_348 = %scan3A_187 to %scan3A_189 step %scan3A_190 iter_args(%scan3A_349 = %scan3A_186) -> (i32)  : i32 {
          %mul3A_350 = arith.constant 2 : i32
          %mul3A_351 = arith.muli %scan3A_348, %mul3A_350 : i32
          %get3A = arith.index_cast %mul3A_351 : i32 to index
          %get3A_352 = tpu.vector_load %arg11[%get3A] {strides = array<i32>} : memref<144xf32, #tpu.memory_space<vmem>>, vector<16xf32>,
          %slice3A = vector.extract_strided_slice %get3A_352 {offsets = [0], sizes = [1], strides = [1]} : vector<16xf32> to vector<1xf32>
          %squeeze3A = vector.extract %slice3A[0] : f32 from vector<1xf32>
          %add3A_353 = arith.constant 1 : i32
          %add3A_354 = arith.addi %mul3A_351, %add3A_353 : i32
          %get3A_355 = arith.index_cast %add3A_354 : i32 to index
          %get3A_356 = tpu.vector_load %arg11[%get3A_355] {strides = array<i32>} : memref<144xf32, #tpu.memory_space<vmem>>, vector<16xf32>,
          %slice3A_357 = vector.extract_strided_slice %get3A_356 {offsets = [0], sizes = [1], strides = [1]} : vector<16xf32> to vector<1xf32>
          %squeeze3A_358 = vector.extract %slice3A_357[0] : f32 from vector<1xf32>
          %get3A_359 = arith.index_cast %mul3A_351 : i32 to index
          %get3A_360 = arith.constant 0 : index
          %get3A_361 = tpu.vector_load %arg12[%get3A_359, %get3A_360] {strides = array<i32>} : memref<128x144xf32, #tpu.memory_space<vmem>>, vector<16xf32>,
          %mul3A_362 = vector.broadcast %squeeze3A : f32 to vector<16xf32>
          %mul3A_363 = arith.mulf %get3A_361, %mul3A_362 : vector<16xf32>
          %swap3A_364 = arith.index_cast %mul3A_351 : i32 to index
          %swap3A_365 = arith.constant 0 : index
          %swap3A_366 = tpu.vector_load %arg12[%swap3A_364, %swap3A_365] {strides = array<i32>} : memref<128x144xf32, #tpu.memory_space<vmem>>, vector<16xf32>,
          tpu.vector_store %arg12[%swap3A_364, %swap3A_365], %mul3A_363 {strides = array<i32>} : memref<128x144xf32, #tpu.memory_space<vmem>>, vector<16xf32>,
          %get3A_367 = arith.index_cast %mul3A_351 : i32 to index
          %get3A_368 = arith.constant 16 : index
          %get3A_369 = tpu.vector_load %arg12[%get3A_367, %get3A_368] {strides = array<i32>} : memref<128x144xf32, #tpu.memory_space<vmem>>, vector<16xf32>,
          %mul3A_370 = vector.broadcast %squeeze3A : f32 to vector<16xf32>
          %mul3A_371 = arith.mulf %get3A_369, %mul3A_370 : vector<16xf32>
          %swap3A_372 = arith.index_cast %mul3A_351 : i32 to index
          %swap3A_373 = arith.constant 16 : index
          %swap3A_374 = tpu.vector_load %arg12[%swap3A_372, %swap3A_373] {strides = array<i32>} : memref<128x144xf32, #tpu.memory_space<vmem>>, vector<16xf32>,
          tpu.vector_store %arg12[%swap3A_372, %swap3A_373], %mul3A_371 {strides = array<i32>} : memref<128x144xf32, #tpu.memory_space<vmem>>, vector<16xf32>,
          %get3A_375 = arith.index_cast %mul3A_351 : i32 to index
          %get3A_376 = arith.constant 32 : index
          %get3A_377 = tpu.vector_load %arg12[%get3A_375, %get3A_376] {strides = array<i32>} : memref<128x144xf32, #tpu.memory_space<vmem>>, vector<16xf32>,
          %mul3A_378 = vector.broadcast %squeeze3A : f32 to vector<16xf32>
          %mul3A_379 = arith.mulf %get3A_377, %mul3A_378 : vector<16xf32>
          %swap3A_380 = arith.index_cast %mul3A_351 : i32 to index
          %swap3A_381 = arith.constant 32 : index
          %swap3A_382 = tpu.vector_load %arg12[%swap3A_380, %swap3A_381] {strides = array<i32>} : memref<128x144xf32, #tpu.memory_space<vmem>>, vector<16xf32>,
          tpu.vector_store %arg12[%swap3A_380, %swap3A_381], %mul3A_379 {strides = array<i32>} : memref<128x144xf32, #tpu.memory_space<vmem>>, vector<16xf32>,
          %get3A_383 = arith.index_cast %mul3A_351 : i32 to index
          %get3A_384 = arith.constant 48 : index
          %get3A_385 = tpu.vector_load %arg12[%get3A_383, %get3A_384] {strides = array<i32>} : memref<128x144xf32, #tpu.memory_space<vmem>>, vector<16xf32>,
          %mul3A_386 = vector.broadcast %squeeze3A : f32 to vector<16xf32>
          %mul3A_387 = arith.mulf %get3A_385, %mul3A_386 : vector<16xf32>
          %swap3A_388 = arith.index_cast %mul3A_351 : i32 to index
          %swap3A_389 = arith.constant 48 : index
          %swap3A_390 = tpu.vector_load %arg12[%swap3A_388, %swap3A_389] {strides = array<i32>} : memref<128x144xf32, #tpu.memory_space<vmem>>, vector<16xf32>,
          tpu.vector_store %arg12[%swap3A_388, %swap3A_389], %mul3A_387 {strides = array<i32>} : memref<128x144xf32, #tpu.memory_space<vmem>>, vector<16xf32>,
          %get3A_391 = arith.index_cast %mul3A_351 : i32 to index
          %get3A_392 = arith.constant 64 : index
          %get3A_393 = tpu.vector_load %arg12[%get3A_391, %get3A_392] {strides = array<i32>} : memref<128x144xf32, #tpu.memory_space<vmem>>, vector<16xf32>,
          %mul3A_394 = vector.broadcast %squeeze3A : f32 to vector<16xf32>
          %mul3A_395 = arith.mulf %get3A_393, %mul3A_394 : vector<16xf32>
          %swap3A_396 = arith.index_cast %mul3A_351 : i32 to index
          %swap3A_397 = arith.constant 64 : index
          %swap3A_398 = tpu.vector_load %arg12[%swap3A_396, %swap3A_397] {strides = array<i32>} : memref<128x144xf32, #tpu.memory_space<vmem>>, vector<16xf32>,
          tpu.vector_store %arg12[%swap3A_396, %swap3A_397], %mul3A_395 {strides = array<i32>} : memref<128x144xf32, #tpu.memory_space<vmem>>, vector<16xf32>,
          %get3A_399 = arith.index_cast %mul3A_351 : i32 to index
          %get3A_400 = arith.constant 80 : index
          %get3A_401 = tpu.vector_load %arg12[%get3A_399, %get3A_400] {strides = array<i32>} : memref<128x144xf32, #tpu.memory_space<vmem>>, vector<16xf32>,
          %mul3A_402 = vector.broadcast %squeeze3A : f32 to vector<16xf32>
          %mul3A_403 = arith.mulf %get3A_401, %mul3A_402 : vector<16xf32>
          %swap3A_404 = arith.index_cast %mul3A_351 : i32 to index
          %swap3A_405 = arith.constant 80 : index
          %swap3A_406 = tpu.vector_load %arg12[%swap3A_404, %swap3A_405] {strides = array<i32>} : memref<128x144xf32, #tpu.memory_space<vmem>>, vector<16xf32>,
          tpu.vector_store %arg12[%swap3A_404, %swap3A_405], %mul3A_403 {strides = array<i32>} : memref<128x144xf32, #tpu.memory_space<vmem>>, vector<16xf32>,
          %get3A_407 = arith.index_cast %mul3A_351 : i32 to index
          %get3A_408 = arith.constant 96 : index
          %get3A_409 = tpu.vector_load %arg12[%get3A_407, %get3A_408] {strides = array<i32>} : memref<128x144xf32, #tpu.memory_space<vmem>>, vector<16xf32>,
          %mul3A_410 = vector.broadcast %squeeze3A : f32 to vector<16xf32>
          %mul3A_411 = arith.mulf %get3A_409, %mul3A_410 : vector<16xf32>
          %swap3A_412 = arith.index_cast %mul3A_351 : i32 to index
          %swap3A_413 = arith.constant 96 : index
          %swap3A_414 = tpu.vector_load %arg12[%swap3A_412, %swap3A_413] {strides = array<i32>} : memref<128x144xf32, #tpu.memory_space<vmem>>, vector<16xf32>,
          tpu.vector_store %arg12[%swap3A_412, %swap3A_413], %mul3A_411 {strides = array<i32>} : memref<128x144xf32, #tpu.memory_space<vmem>>, vector<16xf32>,
          %get3A_415 = arith.index_cast %mul3A_351 : i32 to index
          %get3A_416 = arith.constant 112 : index
          %get3A_417 = tpu.vector_load %arg12[%get3A_415, %get3A_416] {strides = array<i32>} : memref<128x144xf32, #tpu.memory_space<vmem>>, vector<16xf32>,
          %mul3A_418 = vector.broadcast %squeeze3A : f32 to vector<16xf32>
          %mul3A_419 = arith.mulf %get3A_417, %mul3A_418 : vector<16xf32>
          %swap3A_420 = arith.index_cast %mul3A_351 : i32 to index
          %swap3A_421 = arith.constant 112 : index
          %swap3A_422 = tpu.vector_load %arg12[%swap3A_420, %swap3A_421] {strides = array<i32>} : memref<128x144xf32, #tpu.memory_space<vmem>>, vector<16xf32>,
          tpu.vector_store %arg12[%swap3A_420, %swap3A_421], %mul3A_419 {strides = array<i32>} : memref<128x144xf32, #tpu.memory_space<vmem>>, vector<16xf32>,
          %get3A_423 = arith.index_cast %mul3A_351 : i32 to index
          %get3A_424 = arith.constant 128 : index
          %get3A_425 = tpu.vector_load %arg12[%get3A_423, %get3A_424] {strides = array<i32>} : memref<128x144xf32, #tpu.memory_space<vmem>>, vector<16xf32>,
          %mul3A_426 = vector.broadcast %squeeze3A : f32 to vector<16xf32>
          %mul3A_427 = arith.mulf %get3A_425, %mul3A_426 : vector<16xf32>
          %swap3A_428 = arith.index_cast %mul3A_351 : i32 to index
          %swap3A_429 = arith.constant 128 : index
          %swap3A_430 = tpu.vector_load %arg12[%swap3A_428, %swap3A_429] {strides = array<i32>} : memref<128x144xf32, #tpu.memory_space<vmem>>, vector<16xf32>,
          tpu.vector_store %arg12[%swap3A_428, %swap3A_429], %mul3A_427 {strides = array<i32>} : memref<128x144xf32, #tpu.memory_space<vmem>>, vector<16xf32>,
          %add3A_431 = arith.constant 1 : i32
          %add3A_432 = arith.addi %mul3A_351, %add3A_431 : i32
          %get3A_433 = arith.index_cast %add3A_432 : i32 to index
          %get3A_434 = arith.constant 0 : index
          %get3A_435 = tpu.vector_load %arg12[%get3A_433, %get3A_434] {strides = array<i32>} : memref<128x144xf32, #tpu.memory_space<vmem>>, vector<16xf32>,
          %mul3A_436 = vector.broadcast %squeeze3A_358 : f32 to vector<16xf32>
          %mul3A_437 = arith.mulf %get3A_435, %mul3A_436 : vector<16xf32>
          %add3A_438 = arith.constant 1 : i32
          %add3A_439 = arith.addi %mul3A_351, %add3A_438 : i32
          %swap3A_440 = arith.index_cast %add3A_439 : i32 to index
          %swap3A_441 = arith.constant 0 : index
          %swap3A_442 = tpu.vector_load %arg12[%swap3A_440, %swap3A_441] {strides = array<i32>} : memref<128x144xf32, #tpu.memory_space<vmem>>, vector<16xf32>,
          tpu.vector_store %arg12[%swap3A_440, %swap3A_441], %mul3A_437 {strides = array<i32>} : memref<128x144xf32, #tpu.memory_space<vmem>>, vector<16xf32>,
          %add3A_443 = arith.constant 1 : i32
          %add3A_444 = arith.addi %mul3A_351, %add3A_443 : i32
          %get3A_445 = arith.index_cast %add3A_444 : i32 to index
          %get3A_446 = arith.constant 16 : index
          %get3A_447 = tpu.vector_load %arg12[%get3A_445, %get3A_446] {strides = array<i32>} : memref<128x144xf32, #tpu.memory_space<vmem>>, vector<16xf32>,
          %mul3A_448 = vector.broadcast %squeeze3A_358 : f32 to vector<16xf32>
          %mul3A_449 = arith.mulf %get3A_447, %mul3A_448 : vector<16xf32>
          %add3A_450 = arith.constant 1 : i32
          %add3A_451 = arith.addi %mul3A_351, %add3A_450 : i32
          %swap3A_452 = arith.index_cast %add3A_451 : i32 to index
          %swap3A_453 = arith.constant 16 : index
          %swap3A_454 = tpu.vector_load %arg12[%swap3A_452, %swap3A_453] {strides = array<i32>} : memref<128x144xf32, #tpu.memory_space<vmem>>, vector<16xf32>,
          tpu.vector_store %arg12[%swap3A_452, %swap3A_453], %mul3A_449 {strides = array<i32>} : memref<128x144xf32, #tpu.memory_space<vmem>>, vector<16xf32>,
          %add3A_455 = arith.constant 1 : i32
          %add3A_456 = arith.addi %mul3A_351, %add3A_455 : i32
          %get3A_457 = arith.index_cast %add3A_456 : i32 to index
          %get3A_458 = arith.constant 32 : index
          %get3A_459 = tpu.vector_load %arg12[%get3A_457, %get3A_458] {strides = array<i32>} : memref<128x144xf32, #tpu.memory_space<vmem>>, vector<16xf32>,
          %mul3A_460 = vector.broadcast %squeeze3A_358 : f32 to vector<16xf32>
          %mul3A_461 = arith.mulf %get3A_459, %mul3A_460 : vector<16xf32>
          %add3A_462 = arith.constant 1 : i32
          %add3A_463 = arith.addi %mul3A_351, %add3A_462 : i32
          %swap3A_464 = arith.index_cast %add3A_463 : i32 to index
          %swap3A_465 = arith.constant 32 : index
          %swap3A_466 = tpu.vector_load %arg12[%swap3A_464, %swap3A_465] {strides = array<i32>} : memref<128x144xf32, #tpu.memory_space<vmem>>, vector<16xf32>,
          tpu.vector_store %arg12[%swap3A_464, %swap3A_465], %mul3A_461 {strides = array<i32>} : memref<128x144xf32, #tpu.memory_space<vmem>>, vector<16xf32>,
          %add3A_467 = arith.constant 1 : i32
          %add3A_468 = arith.addi %mul3A_351, %add3A_467 : i32
          %get3A_469 = arith.index_cast %add3A_468 : i32 to index
          %get3A_470 = arith.constant 48 : index
          %get3A_471 = tpu.vector_load %arg12[%get3A_469, %get3A_470] {strides = array<i32>} : memref<128x144xf32, #tpu.memory_space<vmem>>, vector<16xf32>,
          %mul3A_472 = vector.broadcast %squeeze3A_358 : f32 to vector<16xf32>
          %mul3A_473 = arith.mulf %get3A_471, %mul3A_472 : vector<16xf32>
          %add3A_474 = arith.constant 1 : i32
          %add3A_475 = arith.addi %mul3A_351, %add3A_474 : i32
          %swap3A_476 = arith.index_cast %add3A_475 : i32 to index
          %swap3A_477 = arith.constant 48 : index
          %swap3A_478 = tpu.vector_load %arg12[%swap3A_476, %swap3A_477] {strides = array<i32>} : memref<128x144xf32, #tpu.memory_space<vmem>>, vector<16xf32>,
          tpu.vector_store %arg12[%swap3A_476, %swap3A_477], %mul3A_473 {strides = array<i32>} : memref<128x144xf32, #tpu.memory_space<vmem>>, vector<16xf32>,
          %add3A_479 = arith.constant 1 : i32
          %add3A_480 = arith.addi %mul3A_351, %add3A_479 : i32
          %get3A_481 = arith.index_cast %add3A_480 : i32 to index
          %get3A_482 = arith.constant 64 : index
          %get3A_483 = tpu.vector_load %arg12[%get3A_481, %get3A_482] {strides = array<i32>} : memref<128x144xf32, #tpu.memory_space<vmem>>, vector<16xf32>,
          %mul3A_484 = vector.broadcast %squeeze3A_358 : f32 to vector<16xf32>
          %mul3A_485 = arith.mulf %get3A_483, %mul3A_484 : vector<16xf32>
          %add3A_486 = arith.constant 1 : i32
          %add3A_487 = arith.addi %mul3A_351, %add3A_486 : i32
          %swap3A_488 = arith.index_cast %add3A_487 : i32 to index
          %swap3A_489 = arith.constant 64 : index
          %swap3A_490 = tpu.vector_load %arg12[%swap3A_488, %swap3A_489] {strides = array<i32>} : memref<128x144xf32, #tpu.memory_space<vmem>>, vector<16xf32>,
          tpu.vector_store %arg12[%swap3A_488, %swap3A_489], %mul3A_485 {strides = array<i32>} : memref<128x144xf32, #tpu.memory_space<vmem>>, vector<16xf32>,
          %add3A_491 = arith.constant 1 : i32
          %add3A_492 = arith.addi %mul3A_351, %add3A_491 : i32
          %get3A_493 = arith.index_cast %add3A_492 : i32 to index
          %get3A_494 = arith.constant 80 : index
          %get3A_495 = tpu.vector_load %arg12[%get3A_493, %get3A_494] {strides = array<i32>} : memref<128x144xf32, #tpu.memory_space<vmem>>, vector<16xf32>,
          %mul3A_496 = vector.broadcast %squeeze3A_358 : f32 to vector<16xf32>
          %mul3A_497 = arith.mulf %get3A_495, %mul3A_496 : vector<16xf32>
          %add3A_498 = arith.constant 1 : i32
          %add3A_499 = arith.addi %mul3A_351, %add3A_498 : i32
          %swap3A_500 = arith.index_cast %add3A_499 : i32 to index
          %swap3A_501 = arith.constant 80 : index
          %swap3A_502 = tpu.vector_load %arg12[%swap3A_500, %swap3A_501] {strides = array<i32>} : memref<128x144xf32, #tpu.memory_space<vmem>>, vector<16xf32>,
          tpu.vector_store %arg12[%swap3A_500, %swap3A_501], %mul3A_497 {strides = array<i32>} : memref<128x144xf32, #tpu.memory_space<vmem>>, vector<16xf32>,
          %add3A_503 = arith.constant 1 : i32
          %add3A_504 = arith.addi %mul3A_351, %add3A_503 : i32
          %get3A_505 = arith.index_cast %add3A_504 : i32 to index
          %get3A_506 = arith.constant 96 : index
          %get3A_507 = tpu.vector_load %arg12[%get3A_505, %get3A_506] {strides = array<i32>} : memref<128x144xf32, #tpu.memory_space<vmem>>, vector<16xf32>,
          %mul3A_508 = vector.broadcast %squeeze3A_358 : f32 to vector<16xf32>
          %mul3A_509 = arith.mulf %get3A_507, %mul3A_508 : vector<16xf32>
          %add3A_510 = arith.constant 1 : i32
          %add3A_511 = arith.addi %mul3A_351, %add3A_510 : i32
          %swap3A_512 = arith.index_cast %add3A_511 : i32 to index
          %swap3A_513 = arith.constant 96 : index
          %swap3A_514 = tpu.vector_load %arg12[%swap3A_512, %swap3A_513] {strides = array<i32>} : memref<128x144xf32, #tpu.memory_space<vmem>>, vector<16xf32>,
          tpu.vector_store %arg12[%swap3A_512, %swap3A_513], %mul3A_509 {strides = array<i32>} : memref<128x144xf32, #tpu.memory_space<vmem>>, vector<16xf32>,
          %add3A_515 = arith.constant 1 : i32
          %add3A_516 = arith.addi %mul3A_351, %add3A_515 : i32
          %get3A_517 = arith.index_cast %add3A_516 : i32 to index
          %get3A_518 = arith.constant 112 : index
          %get3A_519 = tpu.vector_load %arg12[%get3A_517, %get3A_518] {strides = array<i32>} : memref<128x144xf32, #tpu.memory_space<vmem>>, vector<16xf32>,
          %mul3A_520 = vector.broadcast %squeeze3A_358 : f32 to vector<16xf32>
          %mul3A_521 = arith.mulf %get3A_519, %mul3A_520 : vector<16xf32>
          %add3A_522 = arith.constant 1 : i32
          %add3A_523 = arith.addi %mul3A_351, %add3A_522 : i32
          %swap3A_524 = arith.index_cast %add3A_523 : i32 to index
          %swap3A_525 = arith.constant 112 : index
          %swap3A_526 = tpu.vector_load %arg12[%swap3A_524, %swap3A_525] {strides = array<i32>} : memref<128x144xf32, #tpu.memory_space<vmem>>, vector<16xf32>,
          tpu.vector_store %arg12[%swap3A_524, %swap3A_525], %mul3A_521 {strides = array<i32>} : memref<128x144xf32, #tpu.memory_space<vmem>>, vector<16xf32>,
          %add3A_527 = arith.constant 1 : i32
          %add3A_528 = arith.addi %mul3A_351, %add3A_527 : i32
          %get3A_529 = arith.index_cast %add3A_528 : i32 to index
          %get3A_530 = arith.constant 128 : index
          %get3A_531 = tpu.vector_load %arg12[%get3A_529, %get3A_530] {strides = array<i32>} : memref<128x144xf32, #tpu.memory_space<vmem>>, vector<16xf32>,
          %mul3A_532 = vector.broadcast %squeeze3A_358 : f32 to vector<16xf32>
          %mul3A_533 = arith.mulf %get3A_531, %mul3A_532 : vector<16xf32>
          %add3A_534 = arith.constant 1 : i32
          %add3A_535 = arith.addi %mul3A_351, %add3A_534 : i32
          %swap3A_536 = arith.index_cast %add3A_535 : i32 to index
          %swap3A_537 = arith.constant 128 : index
          %swap3A_538 = tpu.vector_load %arg12[%swap3A_536, %swap3A_537] {strides = array<i32>} : memref<128x144xf32, #tpu.memory_space<vmem>>, vector<16xf32>,
          tpu.vector_store %arg12[%swap3A_536, %swap3A_537], %mul3A_533 {strides = array<i32>} : memref<128x144xf32, #tpu.memory_space<vmem>>, vector<16xf32>,
          %scan3A_539 = arith.constant 0 : i32
          scf.yield %scan3A_539 : i32
        }
        %scan3A_192 = arith.constant 64 : i32
        %dma_start3A_193 = arith.constant 2 : i32
        %dma_start3A_194 = arith.constant 0 : i32
        %dma_start3A_195 = tpu.memref_slice %arg8[%dma_start3A_193, %dma_start3A_194] : memref<3x128xi32, #tpu.memory_space<vmem>> -> memref<1x128xi32, #tpu.memory_space<vmem>>
        %dma_start3A_196 = tpu.memref_squeeze %dma_start3A_195 : memref<1x128xi32, #tpu.memory_space<vmem>> -> memref<128xi32, #tpu.memory_space<vmem>>
        %dma_start3A_197 = arith.constant 0 : i32
        %dma_start3A_198 = arith.constant 0 : i32
        %dma_start3A_199 = tpu.memref_slice %arg7[%dma_start3A_197, %dma_start3A_198] : memref<10112x144xf32, #tpu.memory_space<vmem_shared>> -> memref<10112x144xf32, #tpu.memory_space<vmem_shared>>
        tpu.enqueue_indirect_dma source(%arg12 : memref<128x144xf32, #tpu.memory_space<vmem>>) target(%dma_start3A_199 : memref<10112x144xf32, #tpu.memory_space<vmem_shared>>) offsets(%dma_start3A_196 : memref<128xi32, #tpu.memory_space<vmem>>) semaphore(%arg16 : memref<!tpu.dma_semaphore, #tpu.memory_space<semaphore_mem>>) {add = true}
        %add3A_200 = arith.constant 1 : i32
        %add3A_201 = arith.addi %mul3A_59, %add3A_200 : i32
        %dma_wait3A_202 = arith.constant 1 : i32
        %dma_wait3A_203 = arith.constant 0 : i32
        %dma_wait3A_204 = tpu.memref_slice %arg9[%dma_wait3A_202, %dma_wait3A_203] : memref<3x128xi32, #tpu.memory_space<vmem>> -> memref<1x128xi32, #tpu.memory_space<vmem>>
        %dma_wait3A_205 = tpu.memref_squeeze %dma_wait3A_204 : memref<1x128xi32, #tpu.memory_space<vmem>> -> memref<128xi32, #tpu.memory_space<vmem>>
        %dma_wait3A_206 = arith.constant 0 : i32
        %dma_wait3A_207 = arith.constant 0 : i32
        %dma_wait3A_208 = tpu.memref_slice %arg3[%dma_wait3A_206, %dma_wait3A_207] : memref<40448x8xf32, #tpu.memory_space<hbm>> -> memref<40448x8xf32, #tpu.memory_space<hbm>>
        tpu.wait_indirect_dma semaphore(%arg15 : memref<!tpu.dma_semaphore, #tpu.memory_space<semaphore_mem>>) src(%dma_wait3A_208 : memref<40448x8xf32, #tpu.memory_space<hbm>>) dst(%arg10 : memref<128x8xf32, #tpu.memory_space<vmem>>)
        %dma_wait3A_209 = arith.constant 0 : i32
        %dma_wait3A_210 = arith.constant 0 : i32
        %dma_wait3A_211 = tpu.memref_slice %arg9[%dma_wait3A_209, %dma_wait3A_210] : memref<3x128xi32, #tpu.memory_space<vmem>> -> memref<1x128xi32, #tpu.memory_space<vmem>>
        %dma_wait3A_212 = tpu.memref_squeeze %dma_wait3A_211 : memref<1x128xi32, #tpu.memory_space<vmem>> -> memref<128xi32, #tpu.memory_space<vmem>>
        %dma_wait3A_213 = arith.constant 0 : i32
        %dma_wait3A_214 = arith.constant 0 : i32
        %dma_wait3A_215 = tpu.memref_slice %arg2[%dma_wait3A_213, %dma_wait3A_214] : memref<40000x144xf32, #tpu.memory_space<hbm>> -> memref<40000x144xf32, #tpu.memory_space<hbm>>
        tpu.wait_indirect_dma semaphore(%arg15 : memref<!tpu.dma_semaphore, #tpu.memory_space<semaphore_mem>>) src(%dma_wait3A_215 : memref<40000x144xf32, #tpu.memory_space<hbm>>) dst(%arg13 : memref<128x144xf32, #tpu.memory_space<vmem>>)
        %iota3A_216 = tpu.iota {dimensions = array<i32: 0>} : vector<16xi32>
        %add3A_217 = arith.constant 0 : i32
        %add3A_218 = vector.broadcast %add3A_217 : i32 to vector<16xi32>
        %add3A_219 = arith.addi %iota3A_216, %add3A_218 : vector<16xi32>
        %gather3A_220 = tpu.vector_load_idx %arg13[%add3A_219, %broadcast_in_dim3A_0] : memref<128x144xf32, #tpu.memory_space<vmem>>[vector<16xi32>, vector<16xi32>], vector<16xf32>,
        %gather3A_221 = tpu.vector_load_idx %arg10[%add3A_219, %broadcast_in_dim3A_2] : memref<128x8xf32, #tpu.memory_space<vmem>>[vector<16xi32>, vector<16xi32>], vector<16xf32>,
        %add3A_222 = arith.addf %gather3A_220, %gather3A_221 : vector<16xf32>
        %mul3A_223 = arith.constant 2.000000e-01 : f32
        %mul3A_224 = vector.broadcast %mul3A_223 : f32 to vector<16xf32>
        %mul3A_225 = arith.mulf %mul3A_224, %add3A_222 : vector<16xf32>
        %max3A_226 = arith.maximumf %add3A_222, %mul3A_225 : vector<16xf32>
        %exp3A_227 = math.exp %max3A_226 : vector<16xf32>
        %swap3A_228 = arith.constant 0 : index
        %swap3A_229 = tpu.vector_load %arg11[%swap3A_228] {strides = array<i32>} : memref<144xf32, #tpu.memory_space<vmem>>, vector<16xf32>,
        tpu.vector_store %arg11[%swap3A_228], %exp3A_227 {strides = array<i32>} : memref<144xf32, #tpu.memory_space<vmem>>, vector<16xf32>,
        %iota3A_230 = tpu.iota {dimensions = array<i32: 0>} : vector<16xi32>
        %add3A_231 = arith.constant 16 : i32
        %add3A_232 = vector.broadcast %add3A_231 : i32 to vector<16xi32>
        %add3A_233 = arith.addi %iota3A_230, %add3A_232 : vector<16xi32>
        %gather3A_234 = tpu.vector_load_idx %arg13[%add3A_233, %broadcast_in_dim3A_0] : memref<128x144xf32, #tpu.memory_space<vmem>>[vector<16xi32>, vector<16xi32>], vector<16xf32>,
        %gather3A_235 = tpu.vector_load_idx %arg10[%add3A_233, %broadcast_in_dim3A_2] : memref<128x8xf32, #tpu.memory_space<vmem>>[vector<16xi32>, vector<16xi32>], vector<16xf32>,
        %add3A_236 = arith.addf %gather3A_234, %gather3A_235 : vector<16xf32>
        %mul3A_237 = arith.constant 2.000000e-01 : f32
        %mul3A_238 = vector.broadcast %mul3A_237 : f32 to vector<16xf32>
        %mul3A_239 = arith.mulf %mul3A_238, %add3A_236 : vector<16xf32>
        %max3A_240 = arith.maximumf %add3A_236, %mul3A_239 : vector<16xf32>
        %exp3A_241 = math.exp %max3A_240 : vector<16xf32>
        %swap3A_242 = arith.constant 16 : index
        %swap3A_243 = tpu.vector_load %arg11[%swap3A_242] {strides = array<i32>} : memref<144xf32, #tpu.memory_space<vmem>>, vector<16xf32>,
        tpu.vector_store %arg11[%swap3A_242], %exp3A_241 {strides = array<i32>} : memref<144xf32, #tpu.memory_space<vmem>>, vector<16xf32>,
        %iota3A_244 = tpu.iota {dimensions = array<i32: 0>} : vector<16xi32>
        %add3A_245 = arith.constant 32 : i32
        %add3A_246 = vector.broadcast %add3A_245 : i32 to vector<16xi32>
        %add3A_247 = arith.addi %iota3A_244, %add3A_246 : vector<16xi32>
        %gather3A_248 = tpu.vector_load_idx %arg13[%add3A_247, %broadcast_in_dim3A_0] : memref<128x144xf32, #tpu.memory_space<vmem>>[vector<16xi32>, vector<16xi32>], vector<16xf32>,
        %gather3A_249 = tpu.vector_load_idx %arg10[%add3A_247, %broadcast_in_dim3A_2] : memref<128x8xf32, #tpu.memory_space<vmem>>[vector<16xi32>, vector<16xi32>], vector<16xf32>,
        %add3A_250 = arith.addf %gather3A_248, %gather3A_249 : vector<16xf32>
        %mul3A_251 = arith.constant 2.000000e-01 : f32
        %mul3A_252 = vector.broadcast %mul3A_251 : f32 to vector<16xf32>
        %mul3A_253 = arith.mulf %mul3A_252, %add3A_250 : vector<16xf32>
        %max3A_254 = arith.maximumf %add3A_250, %mul3A_253 : vector<16xf32>
        %exp3A_255 = math.exp %max3A_254 : vector<16xf32>
        %swap3A_256 = arith.constant 32 : index
        %swap3A_257 = tpu.vector_load %arg11[%swap3A_256] {strides = array<i32>} : memref<144xf32, #tpu.memory_space<vmem>>, vector<16xf32>,
        tpu.vector_store %arg11[%swap3A_256], %exp3A_255 {strides = array<i32>} : memref<144xf32, #tpu.memory_space<vmem>>, vector<16xf32>,
        %iota3A_258 = tpu.iota {dimensions = array<i32: 0>} : vector<16xi32>
        %add3A_259 = arith.constant 48 : i32
        %add3A_260 = vector.broadcast %add3A_259 : i32 to vector<16xi32>
        %add3A_261 = arith.addi %iota3A_258, %add3A_260 : vector<16xi32>
        %gather3A_262 = tpu.vector_load_idx %arg13[%add3A_261, %broadcast_in_dim3A_0] : memref<128x144xf32, #tpu.memory_space<vmem>>[vector<16xi32>, vector<16xi32>], vector<16xf32>,
        %gather3A_263 = tpu.vector_load_idx %arg10[%add3A_261, %broadcast_in_dim3A_2] : memref<128x8xf32, #tpu.memory_space<vmem>>[vector<16xi32>, vector<16xi32>], vector<16xf32>,
        %add3A_264 = arith.addf %gather3A_262, %gather3A_263 : vector<16xf32>
        %mul3A_265 = arith.constant 2.000000e-01 : f32
        %mul3A_266 = vector.broadcast %mul3A_265 : f32 to vector<16xf32>
        %mul3A_267 = arith.mulf %mul3A_266, %add3A_264 : vector<16xf32>
        %max3A_268 = arith.maximumf %add3A_264, %mul3A_267 : vector<16xf32>
        %exp3A_269 = math.exp %max3A_268 : vector<16xf32>
        %swap3A_270 = arith.constant 48 : index
        %swap3A_271 = tpu.vector_load %arg11[%swap3A_270] {strides = array<i32>} : memref<144xf32, #tpu.memory_space<vmem>>, vector<16xf32>,
        tpu.vector_store %arg11[%swap3A_270], %exp3A_269 {strides = array<i32>} : memref<144xf32, #tpu.memory_space<vmem>>, vector<16xf32>,
        %iota3A_272 = tpu.iota {dimensions = array<i32: 0>} : vector<16xi32>
        %add3A_273 = arith.constant 64 : i32
        %add3A_274 = vector.broadcast %add3A_273 : i32 to vector<16xi32>
        %add3A_275 = arith.addi %iota3A_272, %add3A_274 : vector<16xi32>
        %gather3A_276 = tpu.vector_load_idx %arg13[%add3A_275, %broadcast_in_dim3A_0] : memref<128x144xf32, #tpu.memory_space<vmem>>[vector<16xi32>, vector<16xi32>], vector<16xf32>,
        %gather3A_277 = tpu.vector_load_idx %arg10[%add3A_275, %broadcast_in_dim3A_2] : memref<128x8xf32, #tpu.memory_space<vmem>>[vector<16xi32>, vector<16xi32>], vector<16xf32>,
        %add3A_278 = arith.addf %gather3A_276, %gather3A_277 : vector<16xf32>
        %mul3A_279 = arith.constant 2.000000e-01 : f32
        %mul3A_280 = vector.broadcast %mul3A_279 : f32 to vector<16xf32>
        %mul3A_281 = arith.mulf %mul3A_280, %add3A_278 : vector<16xf32>
        %max3A_282 = arith.maximumf %add3A_278, %mul3A_281 : vector<16xf32>
        %exp3A_283 = math.exp %max3A_282 : vector<16xf32>
        %swap3A_284 = arith.constant 64 : index
        %swap3A_285 = tpu.vector_load %arg11[%swap3A_284] {strides = array<i32>} : memref<144xf32, #tpu.memory_space<vmem>>, vector<16xf32>,
        tpu.vector_store %arg11[%swap3A_284], %exp3A_283 {strides = array<i32>} : memref<144xf32, #tpu.memory_space<vmem>>, vector<16xf32>,
        %iota3A_286 = tpu.iota {dimensions = array<i32: 0>} : vector<16xi32>
        %add3A_287 = arith.constant 80 : i32
        %add3A_288 = vector.broadcast %add3A_287 : i32 to vector<16xi32>
        %add3A_289 = arith.addi %iota3A_286, %add3A_288 : vector<16xi32>
        %gather3A_290 = tpu.vector_load_idx %arg13[%add3A_289, %broadcast_in_dim3A_0] : memref<128x144xf32, #tpu.memory_space<vmem>>[vector<16xi32>, vector<16xi32>], vector<16xf32>,
        %gather3A_291 = tpu.vector_load_idx %arg10[%add3A_289, %broadcast_in_dim3A_2] : memref<128x8xf32, #tpu.memory_space<vmem>>[vector<16xi32>, vector<16xi32>], vector<16xf32>,
        %add3A_292 = arith.addf %gather3A_290, %gather3A_291 : vector<16xf32>
        %mul3A_293 = arith.constant 2.000000e-01 : f32
        %mul3A_294 = vector.broadcast %mul3A_293 : f32 to vector<16xf32>
        %mul3A_295 = arith.mulf %mul3A_294, %add3A_292 : vector<16xf32>
        %max3A_296 = arith.maximumf %add3A_292, %mul3A_295 : vector<16xf32>
        %exp3A_297 = math.exp %max3A_296 : vector<16xf32>
        %swap3A_298 = arith.constant 80 : index
        %swap3A_299 = tpu.vector_load %arg11[%swap3A_298] {strides = array<i32>} : memref<144xf32, #tpu.memory_space<vmem>>, vector<16xf32>,
        tpu.vector_store %arg11[%swap3A_298], %exp3A_297 {strides = array<i32>} : memref<144xf32, #tpu.memory_space<vmem>>, vector<16xf32>,
        %iota3A_300 = tpu.iota {dimensions = array<i32: 0>} : vector<16xi32>
        %add3A_301 = arith.constant 96 : i32
        %add3A_302 = vector.broadcast %add3A_301 : i32 to vector<16xi32>
        %add3A_303 = arith.addi %iota3A_300, %add3A_302 : vector<16xi32>
        %gather3A_304 = tpu.vector_load_idx %arg13[%add3A_303, %broadcast_in_dim3A_0] : memref<128x144xf32, #tpu.memory_space<vmem>>[vector<16xi32>, vector<16xi32>], vector<16xf32>,
        %gather3A_305 = tpu.vector_load_idx %arg10[%add3A_303, %broadcast_in_dim3A_2] : memref<128x8xf32, #tpu.memory_space<vmem>>[vector<16xi32>, vector<16xi32>], vector<16xf32>,
        %add3A_306 = arith.addf %gather3A_304, %gather3A_305 : vector<16xf32>
        %mul3A_307 = arith.constant 2.000000e-01 : f32
        %mul3A_308 = vector.broadcast %mul3A_307 : f32 to vector<16xf32>
        %mul3A_309 = arith.mulf %mul3A_308, %add3A_306 : vector<16xf32>
        %max3A_310 = arith.maximumf %add3A_306, %mul3A_309 : vector<16xf32>
        %exp3A_311 = math.exp %max3A_310 : vector<16xf32>
        %swap3A_312 = arith.constant 96 : index
        %swap3A_313 = tpu.vector_load %arg11[%swap3A_312] {strides = array<i32>} : memref<144xf32, #tpu.memory_space<vmem>>, vector<16xf32>,
        tpu.vector_store %arg11[%swap3A_312], %exp3A_311 {strides = array<i32>} : memref<144xf32, #tpu.memory_space<vmem>>, vector<16xf32>,
        %iota3A_314 = tpu.iota {dimensions = array<i32: 0>} : vector<16xi32>
        %add3A_315 = arith.constant 112 : i32
        %add3A_316 = vector.broadcast %add3A_315 : i32 to vector<16xi32>
        %add3A_317 = arith.addi %iota3A_314, %add3A_316 : vector<16xi32>
        %gather3A_318 = tpu.vector_load_idx %arg13[%add3A_317, %broadcast_in_dim3A_0] : memref<128x144xf32, #tpu.memory_space<vmem>>[vector<16xi32>, vector<16xi32>], vector<16xf32>,
        %gather3A_319 = tpu.vector_load_idx %arg10[%add3A_317, %broadcast_in_dim3A_2] : memref<128x8xf32, #tpu.memory_space<vmem>>[vector<16xi32>, vector<16xi32>], vector<16xf32>,
        %add3A_320 = arith.addf %gather3A_318, %gather3A_319 : vector<16xf32>
        %mul3A_321 = arith.constant 2.000000e-01 : f32
        %mul3A_322 = vector.broadcast %mul3A_321 : f32 to vector<16xf32>
        %mul3A_323 = arith.mulf %mul3A_322, %add3A_320 : vector<16xf32>
        %max3A_324 = arith.maximumf %add3A_320, %mul3A_323 : vector<16xf32>
        %exp3A_325 = math.exp %max3A_324 : vector<16xf32>
        %swap3A_326 = arith.constant 112 : index
        %swap3A_327 = tpu.vector_load %arg11[%swap3A_326] {strides = array<i32>} : memref<144xf32, #tpu.memory_space<vmem>>, vector<16xf32>,
        tpu.vector_store %arg11[%swap3A_326], %exp3A_325 {strides = array<i32>} : memref<144xf32, #tpu.memory_space<vmem>>, vector<16xf32>,
        %lt3A_328 = arith.constant 161 : i32
        %lt3A_329 = arith.cmpi slt, %add3A_201, %lt3A_328 : i32
        %convert_element_type3A_330 = arith.extui %lt3A_329 : i1 to i32
        %cond3A_331 = arith.constant 0 : i32
        %cond3A_332 = arith.cmpi ne, %convert_element_type3A_330, %cond3A_331 : i32
        scf.if %cond3A_332 {
          %ge3A = arith.constant 1 : i32
          %ge3A_348 = arith.cmpi sge, %add3A_201, %ge3A : i32
          %convert_element_type3A_349 = arith.extui %ge3A_348 : i1 to i32
          %cond3A_350 = arith.constant 0 : i32
          %cond3A_351 = arith.cmpi ne, %convert_element_type3A_349, %cond3A_350 : i32
          scf.if %cond3A_351 {
            %dma_wait3A_368 = arith.constant 2 : i32
            %dma_wait3A_369 = arith.constant 0 : i32
            %dma_wait3A_370 = tpu.memref_slice %arg8[%dma_wait3A_368, %dma_wait3A_369] : memref<3x128xi32, #tpu.memory_space<vmem>> -> memref<1x128xi32, #tpu.memory_space<vmem>>
            %dma_wait3A_371 = tpu.memref_squeeze %dma_wait3A_370 : memref<1x128xi32, #tpu.memory_space<vmem>> -> memref<128xi32, #tpu.memory_space<vmem>>
            %dma_wait3A_372 = arith.constant 0 : i32
            %dma_wait3A_373 = arith.constant 0 : i32
            %dma_wait3A_374 = tpu.memref_slice %arg7[%dma_wait3A_372, %dma_wait3A_373] : memref<10112x144xf32, #tpu.memory_space<vmem_shared>> -> memref<10112x144xf32, #tpu.memory_space<vmem_shared>>
            tpu.wait_indirect_dma semaphore(%arg16 : memref<!tpu.dma_semaphore, #tpu.memory_space<semaphore_mem>>) src(%arg12 : memref<128x144xf32, #tpu.memory_space<vmem>>) dst(%dma_wait3A_374 : memref<10112x144xf32, #tpu.memory_space<vmem_shared>>)
          } else {
          }
          %add3A_352 = arith.constant 1 : i32
          %add3A_353 = arith.addi %add3A_201, %add3A_352 : i32
          "tpu.region"() ({
            %run_scoped3A_368 = tpu.sem_alloc : memref<!tpu.dma_semaphore, #tpu.memory_space<semaphore_mem>>
            %dma_start3A_369 = arith.constant 0 : i32
            %dma_start3A_370 = arith.constant 0 : i32
            %dma_start3A_371 = tpu.memref_slice %arg4[%add3A, %arg1, %add3A_353, %dma_start3A_369, %dma_start3A_370] : memref<4x16x162x3x128xi32, #tpu.memory_space<hbm>> -> memref<1x1x1x3x128xi32, #tpu.memory_space<hbm>>
            %dma_start3A_372 = tpu.memref_squeeze %dma_start3A_371 : memref<1x1x1x3x128xi32, #tpu.memory_space<hbm>> -> memref<3x128xi32, #tpu.memory_space<hbm>>
            %dma_start3A_373 = arith.constant 0 : i32
            %dma_start3A_374 = arith.constant 0 : i32
            %dma_start3A_375 = tpu.memref_slice %arg4[%add3A, %arg1, %add3A_353, %dma_start3A_373, %dma_start3A_374] : memref<4x16x162x3x128xi32, #tpu.memory_space<hbm>> -> memref<1x1x1x3x128xi32, #tpu.memory_space<hbm>>
            %dma_start3A_376 = tpu.memref_squeeze %dma_start3A_375 : memref<1x1x1x3x128xi32, #tpu.memory_space<hbm>> -> memref<3x128xi32, #tpu.memory_space<hbm>>
            tpu.enqueue_dma source(%dma_start3A_376 : memref<3x128xi32, #tpu.memory_space<hbm>>) target(%arg8 : memref<3x128xi32, #tpu.memory_space<vmem>>) target_semaphore(%run_scoped3A_368 : memref<!tpu.dma_semaphore, #tpu.memory_space<semaphore_mem>>)
            %dma_wait3A_377 = arith.constant 0 : i32
            %dma_wait3A_378 = arith.constant 0 : i32
            %dma_wait3A_379 = tpu.memref_slice %arg4[%add3A, %arg1, %add3A_353, %dma_wait3A_377, %dma_wait3A_378] : memref<4x16x162x3x128xi32, #tpu.memory_space<hbm>> -> memref<1x1x1x3x128xi32, #tpu.memory_space<hbm>>
            %dma_wait3A_380 = tpu.memref_squeeze %dma_wait3A_379 : memref<1x1x1x3x128xi32, #tpu.memory_space<hbm>> -> memref<3x128xi32, #tpu.memory_space<hbm>>
            %dma_wait3A_381 = arith.constant 0 : i32
            %dma_wait3A_382 = arith.constant 0 : i32
            %dma_wait3A_383 = tpu.memref_slice %arg4[%add3A, %arg1, %add3A_353, %dma_wait3A_381, %dma_wait3A_382] : memref<4x16x162x3x128xi32, #tpu.memory_space<hbm>> -> memref<1x1x1x3x128xi32, #tpu.memory_space<hbm>>
            %dma_wait3A_384 = tpu.memref_squeeze %dma_wait3A_383 : memref<1x1x1x3x128xi32, #tpu.memory_space<hbm>> -> memref<3x128xi32, #tpu.memory_space<hbm>>
            tpu.wait_dma2 semaphore(%run_scoped3A_368 : memref<!tpu.dma_semaphore, #tpu.memory_space<semaphore_mem>>) src(%dma_wait3A_384 : memref<3x128xi32, #tpu.memory_space<hbm>>) dst(%arg8 : memref<3x128xi32, #tpu.memory_space<vmem>>)
            tpu.yield
          }) : () -> ()
          %dma_start3A_354 = arith.constant 0 : i32
          %dma_start3A_355 = arith.constant 0 : i32
          %dma_start3A_356 = tpu.memref_slice %arg8[%dma_start3A_354, %dma_start3A_355] : memref<3x128xi32, #tpu.memory_space<vmem>> -> memref<1x128xi32, #tpu.memory_space<vmem>>
          %dma_start3A_357 = tpu.memref_squeeze %dma_start3A_356 : memref<1x128xi32, #tpu.memory_space<vmem>> -> memref<128xi32, #tpu.memory_space<vmem>>
          %dma_start3A_358 = arith.constant 0 : i32
          %dma_start3A_359 = arith.constant 0 : i32
          %dma_start3A_360 = tpu.memref_slice %arg2[%dma_start3A_358, %dma_start3A_359] : memref<40000x144xf32, #tpu.memory_space<hbm>> -> memref<40000x144xf32, #tpu.memory_space<hbm>>
          tpu.enqueue_indirect_dma source(%dma_start3A_360 : memref<40000x144xf32, #tpu.memory_space<hbm>>) target(%arg12 : memref<128x144xf32, #tpu.memory_space<vmem>>) offsets(%dma_start3A_357 : memref<128xi32, #tpu.memory_space<vmem>>) semaphore(%arg14 : memref<!tpu.dma_semaphore, #tpu.memory_space<semaphore_mem>>)
          %dma_start3A_361 = arith.constant 1 : i32
          %dma_start3A_362 = arith.constant 0 : i32
          %dma_start3A_363 = tpu.memref_slice %arg8[%dma_start3A_361, %dma_start3A_362] : memref<3x128xi32, #tpu.memory_space<vmem>> -> memref<1x128xi32, #tpu.memory_space<vmem>>
          %dma_start3A_364 = tpu.memref_squeeze %dma_start3A_363 : memref<1x128xi32, #tpu.memory_space<vmem>> -> memref<128xi32, #tpu.memory_space<vmem>>
          %dma_start3A_365 = arith.constant 0 : i32
          %dma_start3A_366 = arith.constant 0 : i32
          %dma_start3A_367 = tpu.memref_slice %arg3[%dma_start3A_365, %dma_start3A_366] : memref<40448x8xf32, #tpu.memory_space<hbm>> -> memref<40448x8xf32, #tpu.memory_space<hbm>>
          tpu.enqueue_indirect_dma source(%dma_start3A_367 : memref<40448x8xf32, #tpu.memory_space<hbm>>) target(%arg10 : memref<128x8xf32, #tpu.memory_space<vmem>>) offsets(%dma_start3A_364 : memref<128xi32, #tpu.memory_space<vmem>>) semaphore(%arg14 : memref<!tpu.dma_semaphore, #tpu.memory_space<semaphore_mem>>)
        } else {
        }
        %scan3A_333 = arith.constant 0 : i32
        %scan3A_334 = arith.constant 0 : i32
        %scan3A_335 = arith.constant 64 : i32
        %scan3A_336 = arith.addi %scan3A_334, %scan3A_335 : i32
        %scan3A_337 = arith.constant 1 : i32
        %scan3A_338 = scf.for %scan3A_348 = %scan3A_334 to %scan3A_336 step %scan3A_337 iter_args(%scan3A_349 = %scan3A_333) -> (i32)  : i32 {
          %mul3A_350 = arith.constant 2 : i32
          %mul3A_351 = arith.muli %scan3A_348, %mul3A_350 : i32
          %get3A = arith.index_cast %mul3A_351 : i32 to index
          %get3A_352 = tpu.vector_load %arg11[%get3A] {strides = array<i32>} : memref<144xf32, #tpu.memory_space<vmem>>, vector<16xf32>,
          %slice3A = vector.extract_strided_slice %get3A_352 {offsets = [0], sizes = [1], strides = [1]} : vector<16xf32> to vector<1xf32>
          %squeeze3A = vector.extract %slice3A[0] : f32 from vector<1xf32>
          %add3A_353 = arith.constant 1 : i32
          %add3A_354 = arith.addi %mul3A_351, %add3A_353 : i32
          %get3A_355 = arith.index_cast %add3A_354 : i32 to index
          %get3A_356 = tpu.vector_load %arg11[%get3A_355] {strides = array<i32>} : memref<144xf32, #tpu.memory_space<vmem>>, vector<16xf32>,
          %slice3A_357 = vector.extract_strided_slice %get3A_356 {offsets = [0], sizes = [1], strides = [1]} : vector<16xf32> to vector<1xf32>
          %squeeze3A_358 = vector.extract %slice3A_357[0] : f32 from vector<1xf32>
          %get3A_359 = arith.index_cast %mul3A_351 : i32 to index
          %get3A_360 = arith.constant 0 : index
          %get3A_361 = tpu.vector_load %arg13[%get3A_359, %get3A_360] {strides = array<i32>} : memref<128x144xf32, #tpu.memory_space<vmem>>, vector<16xf32>,
          %mul3A_362 = vector.broadcast %squeeze3A : f32 to vector<16xf32>
          %mul3A_363 = arith.mulf %get3A_361, %mul3A_362 : vector<16xf32>
          %swap3A_364 = arith.index_cast %mul3A_351 : i32 to index
          %swap3A_365 = arith.constant 0 : index
          %swap3A_366 = tpu.vector_load %arg13[%swap3A_364, %swap3A_365] {strides = array<i32>} : memref<128x144xf32, #tpu.memory_space<vmem>>, vector<16xf32>,
          tpu.vector_store %arg13[%swap3A_364, %swap3A_365], %mul3A_363 {strides = array<i32>} : memref<128x144xf32, #tpu.memory_space<vmem>>, vector<16xf32>,
          %get3A_367 = arith.index_cast %mul3A_351 : i32 to index
          %get3A_368 = arith.constant 16 : index
          %get3A_369 = tpu.vector_load %arg13[%get3A_367, %get3A_368] {strides = array<i32>} : memref<128x144xf32, #tpu.memory_space<vmem>>, vector<16xf32>,
          %mul3A_370 = vector.broadcast %squeeze3A : f32 to vector<16xf32>
          %mul3A_371 = arith.mulf %get3A_369, %mul3A_370 : vector<16xf32>
          %swap3A_372 = arith.index_cast %mul3A_351 : i32 to index
          %swap3A_373 = arith.constant 16 : index
          %swap3A_374 = tpu.vector_load %arg13[%swap3A_372, %swap3A_373] {strides = array<i32>} : memref<128x144xf32, #tpu.memory_space<vmem>>, vector<16xf32>,
          tpu.vector_store %arg13[%swap3A_372, %swap3A_373], %mul3A_371 {strides = array<i32>} : memref<128x144xf32, #tpu.memory_space<vmem>>, vector<16xf32>,
          %get3A_375 = arith.index_cast %mul3A_351 : i32 to index
          %get3A_376 = arith.constant 32 : index
          %get3A_377 = tpu.vector_load %arg13[%get3A_375, %get3A_376] {strides = array<i32>} : memref<128x144xf32, #tpu.memory_space<vmem>>, vector<16xf32>,
          %mul3A_378 = vector.broadcast %squeeze3A : f32 to vector<16xf32>
          %mul3A_379 = arith.mulf %get3A_377, %mul3A_378 : vector<16xf32>
          %swap3A_380 = arith.index_cast %mul3A_351 : i32 to index
          %swap3A_381 = arith.constant 32 : index
          %swap3A_382 = tpu.vector_load %arg13[%swap3A_380, %swap3A_381] {strides = array<i32>} : memref<128x144xf32, #tpu.memory_space<vmem>>, vector<16xf32>,
          tpu.vector_store %arg13[%swap3A_380, %swap3A_381], %mul3A_379 {strides = array<i32>} : memref<128x144xf32, #tpu.memory_space<vmem>>, vector<16xf32>,
          %get3A_383 = arith.index_cast %mul3A_351 : i32 to index
          %get3A_384 = arith.constant 48 : index
          %get3A_385 = tpu.vector_load %arg13[%get3A_383, %get3A_384] {strides = array<i32>} : memref<128x144xf32, #tpu.memory_space<vmem>>, vector<16xf32>,
          %mul3A_386 = vector.broadcast %squeeze3A : f32 to vector<16xf32>
          %mul3A_387 = arith.mulf %get3A_385, %mul3A_386 : vector<16xf32>
          %swap3A_388 = arith.index_cast %mul3A_351 : i32 to index
          %swap3A_389 = arith.constant 48 : index
          %swap3A_390 = tpu.vector_load %arg13[%swap3A_388, %swap3A_389] {strides = array<i32>} : memref<128x144xf32, #tpu.memory_space<vmem>>, vector<16xf32>,
          tpu.vector_store %arg13[%swap3A_388, %swap3A_389], %mul3A_387 {strides = array<i32>} : memref<128x144xf32, #tpu.memory_space<vmem>>, vector<16xf32>,
          %get3A_391 = arith.index_cast %mul3A_351 : i32 to index
          %get3A_392 = arith.constant 64 : index
          %get3A_393 = tpu.vector_load %arg13[%get3A_391, %get3A_392] {strides = array<i32>} : memref<128x144xf32, #tpu.memory_space<vmem>>, vector<16xf32>,
          %mul3A_394 = vector.broadcast %squeeze3A : f32 to vector<16xf32>
          %mul3A_395 = arith.mulf %get3A_393, %mul3A_394 : vector<16xf32>
          %swap3A_396 = arith.index_cast %mul3A_351 : i32 to index
          %swap3A_397 = arith.constant 64 : index
          %swap3A_398 = tpu.vector_load %arg13[%swap3A_396, %swap3A_397] {strides = array<i32>} : memref<128x144xf32, #tpu.memory_space<vmem>>, vector<16xf32>,
          tpu.vector_store %arg13[%swap3A_396, %swap3A_397], %mul3A_395 {strides = array<i32>} : memref<128x144xf32, #tpu.memory_space<vmem>>, vector<16xf32>,
          %get3A_399 = arith.index_cast %mul3A_351 : i32 to index
          %get3A_400 = arith.constant 80 : index
          %get3A_401 = tpu.vector_load %arg13[%get3A_399, %get3A_400] {strides = array<i32>} : memref<128x144xf32, #tpu.memory_space<vmem>>, vector<16xf32>,
          %mul3A_402 = vector.broadcast %squeeze3A : f32 to vector<16xf32>
          %mul3A_403 = arith.mulf %get3A_401, %mul3A_402 : vector<16xf32>
          %swap3A_404 = arith.index_cast %mul3A_351 : i32 to index
          %swap3A_405 = arith.constant 80 : index
          %swap3A_406 = tpu.vector_load %arg13[%swap3A_404, %swap3A_405] {strides = array<i32>} : memref<128x144xf32, #tpu.memory_space<vmem>>, vector<16xf32>,
          tpu.vector_store %arg13[%swap3A_404, %swap3A_405], %mul3A_403 {strides = array<i32>} : memref<128x144xf32, #tpu.memory_space<vmem>>, vector<16xf32>,
          %get3A_407 = arith.index_cast %mul3A_351 : i32 to index
          %get3A_408 = arith.constant 96 : index
          %get3A_409 = tpu.vector_load %arg13[%get3A_407, %get3A_408] {strides = array<i32>} : memref<128x144xf32, #tpu.memory_space<vmem>>, vector<16xf32>,
          %mul3A_410 = vector.broadcast %squeeze3A : f32 to vector<16xf32>
          %mul3A_411 = arith.mulf %get3A_409, %mul3A_410 : vector<16xf32>
          %swap3A_412 = arith.index_cast %mul3A_351 : i32 to index
          %swap3A_413 = arith.constant 96 : index
          %swap3A_414 = tpu.vector_load %arg13[%swap3A_412, %swap3A_413] {strides = array<i32>} : memref<128x144xf32, #tpu.memory_space<vmem>>, vector<16xf32>,
          tpu.vector_store %arg13[%swap3A_412, %swap3A_413], %mul3A_411 {strides = array<i32>} : memref<128x144xf32, #tpu.memory_space<vmem>>, vector<16xf32>,
          %get3A_415 = arith.index_cast %mul3A_351 : i32 to index
          %get3A_416 = arith.constant 112 : index
          %get3A_417 = tpu.vector_load %arg13[%get3A_415, %get3A_416] {strides = array<i32>} : memref<128x144xf32, #tpu.memory_space<vmem>>, vector<16xf32>,
          %mul3A_418 = vector.broadcast %squeeze3A : f32 to vector<16xf32>
          %mul3A_419 = arith.mulf %get3A_417, %mul3A_418 : vector<16xf32>
          %swap3A_420 = arith.index_cast %mul3A_351 : i32 to index
          %swap3A_421 = arith.constant 112 : index
          %swap3A_422 = tpu.vector_load %arg13[%swap3A_420, %swap3A_421] {strides = array<i32>} : memref<128x144xf32, #tpu.memory_space<vmem>>, vector<16xf32>,
          tpu.vector_store %arg13[%swap3A_420, %swap3A_421], %mul3A_419 {strides = array<i32>} : memref<128x144xf32, #tpu.memory_space<vmem>>, vector<16xf32>,
          %get3A_423 = arith.index_cast %mul3A_351 : i32 to index
          %get3A_424 = arith.constant 128 : index
          %get3A_425 = tpu.vector_load %arg13[%get3A_423, %get3A_424] {strides = array<i32>} : memref<128x144xf32, #tpu.memory_space<vmem>>, vector<16xf32>,
          %mul3A_426 = vector.broadcast %squeeze3A : f32 to vector<16xf32>
          %mul3A_427 = arith.mulf %get3A_425, %mul3A_426 : vector<16xf32>
          %swap3A_428 = arith.index_cast %mul3A_351 : i32 to index
          %swap3A_429 = arith.constant 128 : index
          %swap3A_430 = tpu.vector_load %arg13[%swap3A_428, %swap3A_429] {strides = array<i32>} : memref<128x144xf32, #tpu.memory_space<vmem>>, vector<16xf32>,
          tpu.vector_store %arg13[%swap3A_428, %swap3A_429], %mul3A_427 {strides = array<i32>} : memref<128x144xf32, #tpu.memory_space<vmem>>, vector<16xf32>,
          %add3A_431 = arith.constant 1 : i32
          %add3A_432 = arith.addi %mul3A_351, %add3A_431 : i32
          %get3A_433 = arith.index_cast %add3A_432 : i32 to index
          %get3A_434 = arith.constant 0 : index
          %get3A_435 = tpu.vector_load %arg13[%get3A_433, %get3A_434] {strides = array<i32>} : memref<128x144xf32, #tpu.memory_space<vmem>>, vector<16xf32>,
          %mul3A_436 = vector.broadcast %squeeze3A_358 : f32 to vector<16xf32>
          %mul3A_437 = arith.mulf %get3A_435, %mul3A_436 : vector<16xf32>
          %add3A_438 = arith.constant 1 : i32
          %add3A_439 = arith.addi %mul3A_351, %add3A_438 : i32
          %swap3A_440 = arith.index_cast %add3A_439 : i32 to index
          %swap3A_441 = arith.constant 0 : index
          %swap3A_442 = tpu.vector_load %arg13[%swap3A_440, %swap3A_441] {strides = array<i32>} : memref<128x144xf32, #tpu.memory_space<vmem>>, vector<16xf32>,
          tpu.vector_store %arg13[%swap3A_440, %swap3A_441], %mul3A_437 {strides = array<i32>} : memref<128x144xf32, #tpu.memory_space<vmem>>, vector<16xf32>,
          %add3A_443 = arith.constant 1 : i32
          %add3A_444 = arith.addi %mul3A_351, %add3A_443 : i32
          %get3A_445 = arith.index_cast %add3A_444 : i32 to index
          %get3A_446 = arith.constant 16 : index
          %get3A_447 = tpu.vector_load %arg13[%get3A_445, %get3A_446] {strides = array<i32>} : memref<128x144xf32, #tpu.memory_space<vmem>>, vector<16xf32>,
          %mul3A_448 = vector.broadcast %squeeze3A_358 : f32 to vector<16xf32>
          %mul3A_449 = arith.mulf %get3A_447, %mul3A_448 : vector<16xf32>
          %add3A_450 = arith.constant 1 : i32
          %add3A_451 = arith.addi %mul3A_351, %add3A_450 : i32
          %swap3A_452 = arith.index_cast %add3A_451 : i32 to index
          %swap3A_453 = arith.constant 16 : index
          %swap3A_454 = tpu.vector_load %arg13[%swap3A_452, %swap3A_453] {strides = array<i32>} : memref<128x144xf32, #tpu.memory_space<vmem>>, vector<16xf32>,
          tpu.vector_store %arg13[%swap3A_452, %swap3A_453], %mul3A_449 {strides = array<i32>} : memref<128x144xf32, #tpu.memory_space<vmem>>, vector<16xf32>,
          %add3A_455 = arith.constant 1 : i32
          %add3A_456 = arith.addi %mul3A_351, %add3A_455 : i32
          %get3A_457 = arith.index_cast %add3A_456 : i32 to index
          %get3A_458 = arith.constant 32 : index
          %get3A_459 = tpu.vector_load %arg13[%get3A_457, %get3A_458] {strides = array<i32>} : memref<128x144xf32, #tpu.memory_space<vmem>>, vector<16xf32>,
          %mul3A_460 = vector.broadcast %squeeze3A_358 : f32 to vector<16xf32>
          %mul3A_461 = arith.mulf %get3A_459, %mul3A_460 : vector<16xf32>
          %add3A_462 = arith.constant 1 : i32
          %add3A_463 = arith.addi %mul3A_351, %add3A_462 : i32
          %swap3A_464 = arith.index_cast %add3A_463 : i32 to index
          %swap3A_465 = arith.constant 32 : index
          %swap3A_466 = tpu.vector_load %arg13[%swap3A_464, %swap3A_465] {strides = array<i32>} : memref<128x144xf32, #tpu.memory_space<vmem>>, vector<16xf32>,
          tpu.vector_store %arg13[%swap3A_464, %swap3A_465], %mul3A_461 {strides = array<i32>} : memref<128x144xf32, #tpu.memory_space<vmem>>, vector<16xf32>,
          %add3A_467 = arith.constant 1 : i32
          %add3A_468 = arith.addi %mul3A_351, %add3A_467 : i32
          %get3A_469 = arith.index_cast %add3A_468 : i32 to index
          %get3A_470 = arith.constant 48 : index
          %get3A_471 = tpu.vector_load %arg13[%get3A_469, %get3A_470] {strides = array<i32>} : memref<128x144xf32, #tpu.memory_space<vmem>>, vector<16xf32>,
          %mul3A_472 = vector.broadcast %squeeze3A_358 : f32 to vector<16xf32>
          %mul3A_473 = arith.mulf %get3A_471, %mul3A_472 : vector<16xf32>
          %add3A_474 = arith.constant 1 : i32
          %add3A_475 = arith.addi %mul3A_351, %add3A_474 : i32
          %swap3A_476 = arith.index_cast %add3A_475 : i32 to index
          %swap3A_477 = arith.constant 48 : index
          %swap3A_478 = tpu.vector_load %arg13[%swap3A_476, %swap3A_477] {strides = array<i32>} : memref<128x144xf32, #tpu.memory_space<vmem>>, vector<16xf32>,
          tpu.vector_store %arg13[%swap3A_476, %swap3A_477], %mul3A_473 {strides = array<i32>} : memref<128x144xf32, #tpu.memory_space<vmem>>, vector<16xf32>,
          %add3A_479 = arith.constant 1 : i32
          %add3A_480 = arith.addi %mul3A_351, %add3A_479 : i32
          %get3A_481 = arith.index_cast %add3A_480 : i32 to index
          %get3A_482 = arith.constant 64 : index
          %get3A_483 = tpu.vector_load %arg13[%get3A_481, %get3A_482] {strides = array<i32>} : memref<128x144xf32, #tpu.memory_space<vmem>>, vector<16xf32>,
          %mul3A_484 = vector.broadcast %squeeze3A_358 : f32 to vector<16xf32>
          %mul3A_485 = arith.mulf %get3A_483, %mul3A_484 : vector<16xf32>
          %add3A_486 = arith.constant 1 : i32
          %add3A_487 = arith.addi %mul3A_351, %add3A_486 : i32
          %swap3A_488 = arith.index_cast %add3A_487 : i32 to index
          %swap3A_489 = arith.constant 64 : index
          %swap3A_490 = tpu.vector_load %arg13[%swap3A_488, %swap3A_489] {strides = array<i32>} : memref<128x144xf32, #tpu.memory_space<vmem>>, vector<16xf32>,
          tpu.vector_store %arg13[%swap3A_488, %swap3A_489], %mul3A_485 {strides = array<i32>} : memref<128x144xf32, #tpu.memory_space<vmem>>, vector<16xf32>,
          %add3A_491 = arith.constant 1 : i32
          %add3A_492 = arith.addi %mul3A_351, %add3A_491 : i32
          %get3A_493 = arith.index_cast %add3A_492 : i32 to index
          %get3A_494 = arith.constant 80 : index
          %get3A_495 = tpu.vector_load %arg13[%get3A_493, %get3A_494] {strides = array<i32>} : memref<128x144xf32, #tpu.memory_space<vmem>>, vector<16xf32>,
          %mul3A_496 = vector.broadcast %squeeze3A_358 : f32 to vector<16xf32>
          %mul3A_497 = arith.mulf %get3A_495, %mul3A_496 : vector<16xf32>
          %add3A_498 = arith.constant 1 : i32
          %add3A_499 = arith.addi %mul3A_351, %add3A_498 : i32
          %swap3A_500 = arith.index_cast %add3A_499 : i32 to index
          %swap3A_501 = arith.constant 80 : index
          %swap3A_502 = tpu.vector_load %arg13[%swap3A_500, %swap3A_501] {strides = array<i32>} : memref<128x144xf32, #tpu.memory_space<vmem>>, vector<16xf32>,
          tpu.vector_store %arg13[%swap3A_500, %swap3A_501], %mul3A_497 {strides = array<i32>} : memref<128x144xf32, #tpu.memory_space<vmem>>, vector<16xf32>,
          %add3A_503 = arith.constant 1 : i32
          %add3A_504 = arith.addi %mul3A_351, %add3A_503 : i32
          %get3A_505 = arith.index_cast %add3A_504 : i32 to index
          %get3A_506 = arith.constant 96 : index
          %get3A_507 = tpu.vector_load %arg13[%get3A_505, %get3A_506] {strides = array<i32>} : memref<128x144xf32, #tpu.memory_space<vmem>>, vector<16xf32>,
          %mul3A_508 = vector.broadcast %squeeze3A_358 : f32 to vector<16xf32>
          %mul3A_509 = arith.mulf %get3A_507, %mul3A_508 : vector<16xf32>
          %add3A_510 = arith.constant 1 : i32
          %add3A_511 = arith.addi %mul3A_351, %add3A_510 : i32
          %swap3A_512 = arith.index_cast %add3A_511 : i32 to index
          %swap3A_513 = arith.constant 96 : index
          %swap3A_514 = tpu.vector_load %arg13[%swap3A_512, %swap3A_513] {strides = array<i32>} : memref<128x144xf32, #tpu.memory_space<vmem>>, vector<16xf32>,
          tpu.vector_store %arg13[%swap3A_512, %swap3A_513], %mul3A_509 {strides = array<i32>} : memref<128x144xf32, #tpu.memory_space<vmem>>, vector<16xf32>,
          %add3A_515 = arith.constant 1 : i32
          %add3A_516 = arith.addi %mul3A_351, %add3A_515 : i32
          %get3A_517 = arith.index_cast %add3A_516 : i32 to index
          %get3A_518 = arith.constant 112 : index
          %get3A_519 = tpu.vector_load %arg13[%get3A_517, %get3A_518] {strides = array<i32>} : memref<128x144xf32, #tpu.memory_space<vmem>>, vector<16xf32>,
          %mul3A_520 = vector.broadcast %squeeze3A_358 : f32 to vector<16xf32>
          %mul3A_521 = arith.mulf %get3A_519, %mul3A_520 : vector<16xf32>
          %add3A_522 = arith.constant 1 : i32
          %add3A_523 = arith.addi %mul3A_351, %add3A_522 : i32
          %swap3A_524 = arith.index_cast %add3A_523 : i32 to index
          %swap3A_525 = arith.constant 112 : index
          %swap3A_526 = tpu.vector_load %arg13[%swap3A_524, %swap3A_525] {strides = array<i32>} : memref<128x144xf32, #tpu.memory_space<vmem>>, vector<16xf32>,
          tpu.vector_store %arg13[%swap3A_524, %swap3A_525], %mul3A_521 {strides = array<i32>} : memref<128x144xf32, #tpu.memory_space<vmem>>, vector<16xf32>,
          %add3A_527 = arith.constant 1 : i32
          %add3A_528 = arith.addi %mul3A_351, %add3A_527 : i32
          %get3A_529 = arith.index_cast %add3A_528 : i32 to index
          %get3A_530 = arith.constant 128 : index
          %get3A_531 = tpu.vector_load %arg13[%get3A_529, %get3A_530] {strides = array<i32>} : memref<128x144xf32, #tpu.memory_space<vmem>>, vector<16xf32>,
          %mul3A_532 = vector.broadcast %squeeze3A_358 : f32 to vector<16xf32>
          %mul3A_533 = arith.mulf %get3A_531, %mul3A_532 : vector<16xf32>
          %add3A_534 = arith.constant 1 : i32
          %add3A_535 = arith.addi %mul3A_351, %add3A_534 : i32
          %swap3A_536 = arith.index_cast %add3A_535 : i32 to index
          %swap3A_537 = arith.constant 128 : index
          %swap3A_538 = tpu.vector_load %arg13[%swap3A_536, %swap3A_537] {strides = array<i32>} : memref<128x144xf32, #tpu.memory_space<vmem>>, vector<16xf32>,
          tpu.vector_store %arg13[%swap3A_536, %swap3A_537], %mul3A_533 {strides = array<i32>} : memref<128x144xf32, #tpu.memory_space<vmem>>, vector<16xf32>,
          %scan3A_539 = arith.constant 0 : i32
          scf.yield %scan3A_539 : i32
        }
        %scan3A_339 = arith.constant 64 : i32
        %dma_start3A_340 = arith.constant 2 : i32
        %dma_start3A_341 = arith.constant 0 : i32
        %dma_start3A_342 = tpu.memref_slice %arg9[%dma_start3A_340, %dma_start3A_341] : memref<3x128xi32, #tpu.memory_space<vmem>> -> memref<1x128xi32, #tpu.memory_space<vmem>>
        %dma_start3A_343 = tpu.memref_squeeze %dma_start3A_342 : memref<1x128xi32, #tpu.memory_space<vmem>> -> memref<128xi32, #tpu.memory_space<vmem>>
        %dma_start3A_344 = arith.constant 0 : i32
        %dma_start3A_345 = arith.constant 0 : i32
        %dma_start3A_346 = tpu.memref_slice %arg7[%dma_start3A_344, %dma_start3A_345] : memref<10112x144xf32, #tpu.memory_space<vmem_shared>> -> memref<10112x144xf32, #tpu.memory_space<vmem_shared>>
        tpu.enqueue_indirect_dma source(%arg13 : memref<128x144xf32, #tpu.memory_space<vmem>>) target(%dma_start3A_346 : memref<10112x144xf32, #tpu.memory_space<vmem_shared>>) offsets(%dma_start3A_343 : memref<128xi32, #tpu.memory_space<vmem>>) semaphore(%arg17 : memref<!tpu.dma_semaphore, #tpu.memory_space<semaphore_mem>>) {add = true}
        %scan3A_347 = arith.constant 0 : i32
        scf.yield %scan3A_347 : i32
      }
      %scan3A_33 = arith.constant 81 : i32
      %dma_wait3A = arith.constant 2 : i32
      %dma_wait3A_34 = arith.constant 0 : i32
      %dma_wait3A_35 = tpu.memref_slice %arg8[%dma_wait3A, %dma_wait3A_34] : memref<3x128xi32, #tpu.memory_space<vmem>> -> memref<1x128xi32, #tpu.memory_space<vmem>>
      %dma_wait3A_36 = tpu.memref_squeeze %dma_wait3A_35 : memref<1x128xi32, #tpu.memory_space<vmem>> -> memref<128xi32, #tpu.memory_space<vmem>>
      %dma_wait3A_37 = arith.constant 0 : i32
      %dma_wait3A_38 = arith.constant 0 : i32
      %dma_wait3A_39 = tpu.memref_slice %arg7[%dma_wait3A_37, %dma_wait3A_38] : memref<10112x144xf32, #tpu.memory_space<vmem_shared>> -> memref<10112x144xf32, #tpu.memory_space<vmem_shared>>
      tpu.wait_indirect_dma semaphore(%arg16 : memref<!tpu.dma_semaphore, #tpu.memory_space<semaphore_mem>>) src(%arg12 : memref<128x144xf32, #tpu.memory_space<vmem>>) dst(%dma_wait3A_39 : memref<10112x144xf32, #tpu.memory_space<vmem_shared>>)
      %dma_wait3A_40 = arith.constant 2 : i32
      %dma_wait3A_41 = arith.constant 0 : i32
      %dma_wait3A_42 = tpu.memref_slice %arg9[%dma_wait3A_40, %dma_wait3A_41] : memref<3x128xi32, #tpu.memory_space<vmem>> -> memref<1x128xi32, #tpu.memory_space<vmem>>
      %dma_wait3A_43 = tpu.memref_squeeze %dma_wait3A_42 : memref<1x128xi32, #tpu.memory_space<vmem>> -> memref<128xi32, #tpu.memory_space<vmem>>
      %dma_wait3A_44 = arith.constant 0 : i32
      %dma_wait3A_45 = arith.constant 0 : i32
      %dma_wait3A_46 = tpu.memref_slice %arg7[%dma_wait3A_44, %dma_wait3A_45] : memref<10112x144xf32, #tpu.memory_space<vmem_shared>> -> memref<10112x144xf32, #tpu.memory_space<vmem_shared>>
      tpu.wait_indirect_dma semaphore(%arg17 : memref<!tpu.dma_semaphore, #tpu.memory_space<semaphore_mem>>) src(%arg13 : memref<128x144xf32, #tpu.memory_space<vmem>>) dst(%dma_wait3A_46 : memref<10112x144xf32, #tpu.memory_space<vmem_shared>>)
      %barrier3A_47 = arith.constant 0 : index
      tpu.barrier barrier_id(%barrier3A_47)
      %lt3A = arith.constant 15 : i32
      %lt3A_48 = arith.cmpi slt, %arg1, %lt3A : i32
      %convert_element_type3A = arith.extui %lt3A_48 : i1 to i32
      %cond3A = arith.constant 0 : i32
      %cond3A_49 = arith.cmpi ne, %convert_element_type3A, %cond3A : i32
      scf.if %cond3A_49 {
        %mul3A_56 = arith.constant 632 : i32
        %mul3A_57 = arith.muli %arg1, %mul3A_56 : i32
        %mul3A_58 = arith.constant 632 : i32
        %mul3A_59 = arith.muli %arg1, %mul3A_58 : i32
        "tpu.region"() ({
          %run_scoped3A_60 = tpu.sem_alloc : memref<!tpu.dma_semaphore, #tpu.memory_space<semaphore_mem>>
          %dma_start3A_61 = arith.constant 0 : i32
          %dma_start3A_62 = tpu.memref_slice %arg6[%add3A, %mul3A_59, %dma_start3A_61] : memref<4x10000x144xf32, #tpu.memory_space<hbm>> -> memref<1x632x144xf32, #tpu.memory_space<hbm>>
          %dma_start3A_63 = tpu.memref_squeeze %dma_start3A_62 : memref<1x632x144xf32, #tpu.memory_space<hbm>> -> memref<632x144xf32, #tpu.memory_space<hbm>>
          %dma_start3A_64 = arith.constant 0 : i32
          %dma_start3A_65 = tpu.memref_slice %arg7[%mul3A_57, %dma_start3A_64] : memref<10112x144xf32, #tpu.memory_space<vmem_shared>> -> memref<632x144xf32, #tpu.memory_space<vmem_shared>>
          tpu.enqueue_dma source(%dma_start3A_65 : memref<632x144xf32, #tpu.memory_space<vmem_shared>>) target(%dma_start3A_63 : memref<632x144xf32, #tpu.memory_space<hbm>>) target_semaphore(%run_scoped3A_60 : memref<!tpu.dma_semaphore, #tpu.memory_space<semaphore_mem>>)
          %dma_wait3A_66 = arith.constant 0 : i32
          %dma_wait3A_67 = tpu.memref_slice %arg6[%add3A, %mul3A_59, %dma_wait3A_66] : memref<4x10000x144xf32, #tpu.memory_space<hbm>> -> memref<1x632x144xf32, #tpu.memory_space<hbm>>
          %dma_wait3A_68 = tpu.memref_squeeze %dma_wait3A_67 : memref<1x632x144xf32, #tpu.memory_space<hbm>> -> memref<632x144xf32, #tpu.memory_space<hbm>>
          %dma_wait3A_69 = arith.constant 0 : i32
          %dma_wait3A_70 = tpu.memref_slice %arg7[%mul3A_57, %dma_wait3A_69] : memref<10112x144xf32, #tpu.memory_space<vmem_shared>> -> memref<632x144xf32, #tpu.memory_space<vmem_shared>>
          tpu.wait_dma2 semaphore(%run_scoped3A_60 : memref<!tpu.dma_semaphore, #tpu.memory_space<semaphore_mem>>) src(%dma_wait3A_70 : memref<632x144xf32, #tpu.memory_space<vmem_shared>>) dst(%dma_wait3A_68 : memref<632x144xf32, #tpu.memory_space<hbm>>)
          tpu.yield
        }) : () -> ()
      } else {
      }
      %eq3A = arith.constant 15 : i32
      %eq3A_50 = arith.cmpi eq, %arg1, %eq3A : i32
      %convert_element_type3A_51 = arith.extui %eq3A_50 : i1 to i32
      %cond3A_52 = arith.constant 0 : i32
      %cond3A_53 = arith.cmpi ne, %convert_element_type3A_51, %cond3A_52 : i32
      scf.if %cond3A_53 {
        "tpu.region"() ({
          %run_scoped3A_56 = tpu.sem_alloc : memref<!tpu.dma_semaphore, #tpu.memory_space<semaphore_mem>>
          %dma_start3A_57 = arith.constant 9480 : i32
          %dma_start3A_58 = arith.constant 0 : i32
          %dma_start3A_59 = tpu.memref_slice %arg6[%add3A, %dma_start3A_57, %dma_start3A_58] : memref<4x10000x144xf32, #tpu.memory_space<hbm>> -> memref<1x520x144xf32, #tpu.memory_space<hbm>>
          %dma_start3A_60 = tpu.memref_squeeze %dma_start3A_59 : memref<1x520x144xf32, #tpu.memory_space<hbm>> -> memref<520x144xf32, #tpu.memory_space<hbm>>
          %dma_start3A_61 = arith.constant 9480 : i32
          %dma_start3A_62 = arith.constant 0 : i32
          %dma_start3A_63 = tpu.memref_slice %arg7[%dma_start3A_61, %dma_start3A_62] : memref<10112x144xf32, #tpu.memory_space<vmem_shared>> -> memref<520x144xf32, #tpu.memory_space<vmem_shared>>
          tpu.enqueue_dma source(%dma_start3A_63 : memref<520x144xf32, #tpu.memory_space<vmem_shared>>) target(%dma_start3A_60 : memref<520x144xf32, #tpu.memory_space<hbm>>) target_semaphore(%run_scoped3A_56 : memref<!tpu.dma_semaphore, #tpu.memory_space<semaphore_mem>>)
          %dma_wait3A_64 = arith.constant 9480 : i32
          %dma_wait3A_65 = arith.constant 0 : i32
          %dma_wait3A_66 = tpu.memref_slice %arg6[%add3A, %dma_wait3A_64, %dma_wait3A_65] : memref<4x10000x144xf32, #tpu.memory_space<hbm>> -> memref<1x520x144xf32, #tpu.memory_space<hbm>>
          %dma_wait3A_67 = tpu.memref_squeeze %dma_wait3A_66 : memref<1x520x144xf32, #tpu.memory_space<hbm>> -> memref<520x144xf32, #tpu.memory_space<hbm>>
          %dma_wait3A_68 = arith.constant 9480 : i32
          %dma_wait3A_69 = arith.constant 0 : i32
          %dma_wait3A_70 = tpu.memref_slice %arg7[%dma_wait3A_68, %dma_wait3A_69] : memref<10112x144xf32, #tpu.memory_space<vmem_shared>> -> memref<520x144xf32, #tpu.memory_space<vmem_shared>>
          tpu.wait_dma2 semaphore(%run_scoped3A_56 : memref<!tpu.dma_semaphore, #tpu.memory_space<semaphore_mem>>) src(%dma_wait3A_70 : memref<520x144xf32, #tpu.memory_space<vmem_shared>>) dst(%dma_wait3A_67 : memref<520x144xf32, #tpu.memory_space<hbm>>)
          tpu.yield
        }) : () -> ()
      } else {
      }
      %barrier3A_54 = arith.constant 0 : index
      tpu.barrier barrier_id(%barrier3A_54)
      %scan3A_55 = arith.constant 0 : i32
      scf.yield %scan3A_55 : i32
    }
    %scan3A_8 = arith.constant 2 : i32
    return
  }
}

#map = affine_map<(d0, d1) -> (0, 0)>
#map1 = affine_map<(d0, d1) -> (0, 0, 0, 0)>
#map2 = affine_map<(d0, d1) -> (0, 0, 0)>
module attributes {stable_mosaic.version = 14 : i64} {
  func.func @k(%arg0: i32, %arg1: i32, %arg2: memref<10000x128xf32, #tpu.memory_space<hbm>>, %arg3: memref<32x79x2x128xi32, #tpu.memory_space<hbm>>, %arg4: memref<632x128xf32, #tpu.memory_space<hbm>>, %arg5: memref<2x10000x128xf32, #tpu.memory_space<hbm>>, %arg6: memref<10112x128xf32, #tpu.memory_space<vmem_shared>>, %arg7: memref<2x128xi32, #tpu.memory_space<vmem>>, %arg8: memref<2x128xi32, #tpu.memory_space<vmem>>, %arg9: memref<128x128xf32, #tpu.memory_space<vmem>>, %arg10: memref<128x128xf32, #tpu.memory_space<vmem>>, %arg11: memref<!tpu.dma_semaphore, #tpu.memory_space<semaphore_mem>>, %arg12: memref<!tpu.dma_semaphore, #tpu.memory_space<semaphore_mem>>, %arg13: memref<!tpu.dma_semaphore, #tpu.memory_space<semaphore_mem>>, %arg14: memref<!tpu.dma_semaphore, #tpu.memory_space<semaphore_mem>>) attributes {dimension_semantics = [#tpu.dimension_semantics<core_parallel>, #tpu.dimension_semantics<subcore_parallel>], iteration_bounds = array<i64: 2, 16>, scalar_prefetch = 0 : i64, scratch_operands = 9 : i64, tpu.core_type = #tpu.core_type<sc_vector_subcore>, window_params = [{transform_indices = #map}, {transform_indices = #map1}, {transform_indices = #map}, {transform_indices = #map2}]} {
    %mul3A = arith.constant 16 : i32
    %mul3A_0 = arith.muli %arg0, %mul3A : i32
    %add3A = arith.addi %mul3A_0, %arg1 : i32
    %mul3A_1 = arith.constant 632 : i32
    %mul3A_2 = arith.muli %arg1, %mul3A_1 : i32
    "tpu.region"() ({
      %run_scoped3A_56 = tpu.sem_alloc : memref<!tpu.dma_semaphore, #tpu.memory_space<semaphore_mem>>
      %dma_start3A_57 = arith.constant 0 : i32
      %dma_start3A_58 = tpu.memref_slice %arg6[%mul3A_2, %dma_start3A_57] : memref<10112x128xf32, #tpu.memory_space<vmem_shared>> -> memref<632x128xf32, #tpu.memory_space<vmem_shared>>
      tpu.enqueue_dma source(%arg4 : memref<632x128xf32, #tpu.memory_space<hbm>>) target(%dma_start3A_58 : memref<632x128xf32, #tpu.memory_space<vmem_shared>>) target_semaphore(%run_scoped3A_56 : memref<!tpu.dma_semaphore, #tpu.memory_space<semaphore_mem>>)
      %dma_wait3A_59 = arith.constant 0 : i32
      %dma_wait3A_60 = tpu.memref_slice %arg6[%mul3A_2, %dma_wait3A_59] : memref<10112x128xf32, #tpu.memory_space<vmem_shared>> -> memref<632x128xf32, #tpu.memory_space<vmem_shared>>
      tpu.wait_dma2 semaphore(%run_scoped3A_56 : memref<!tpu.dma_semaphore, #tpu.memory_space<semaphore_mem>>) src(%arg4 : memref<632x128xf32, #tpu.memory_space<hbm>>) dst(%dma_wait3A_60 : memref<632x128xf32, #tpu.memory_space<vmem_shared>>)
      tpu.yield
    }) : () -> ()
    %barrier3A = arith.constant 0 : index
    tpu.barrier barrier_id(%barrier3A)
    %run_scoped3A = arith.constant 0 : i32
    "tpu.region"() ({
      %run_scoped3A_56 = tpu.sem_alloc : memref<!tpu.dma_semaphore, #tpu.memory_space<semaphore_mem>>
      %dma_start3A_57 = arith.constant 0 : i32
      %dma_start3A_58 = arith.constant 0 : i32
      %dma_start3A_59 = tpu.memref_slice %arg3[%add3A, %run_scoped3A, %dma_start3A_57, %dma_start3A_58] : memref<32x79x2x128xi32, #tpu.memory_space<hbm>> -> memref<1x1x2x128xi32, #tpu.memory_space<hbm>>
      %dma_start3A_60 = tpu.memref_squeeze %dma_start3A_59 : memref<1x1x2x128xi32, #tpu.memory_space<hbm>> -> memref<2x128xi32, #tpu.memory_space<hbm>>
      %dma_start3A_61 = arith.constant 0 : i32
      %dma_start3A_62 = arith.constant 0 : i32
      %dma_start3A_63 = tpu.memref_slice %arg3[%add3A, %run_scoped3A, %dma_start3A_61, %dma_start3A_62] : memref<32x79x2x128xi32, #tpu.memory_space<hbm>> -> memref<1x1x2x128xi32, #tpu.memory_space<hbm>>
      %dma_start3A_64 = tpu.memref_squeeze %dma_start3A_63 : memref<1x1x2x128xi32, #tpu.memory_space<hbm>> -> memref<2x128xi32, #tpu.memory_space<hbm>>
      tpu.enqueue_dma source(%dma_start3A_64 : memref<2x128xi32, #tpu.memory_space<hbm>>) target(%arg7 : memref<2x128xi32, #tpu.memory_space<vmem>>) target_semaphore(%run_scoped3A_56 : memref<!tpu.dma_semaphore, #tpu.memory_space<semaphore_mem>>)
      %dma_wait3A_65 = arith.constant 0 : i32
      %dma_wait3A_66 = arith.constant 0 : i32
      %dma_wait3A_67 = tpu.memref_slice %arg3[%add3A, %run_scoped3A, %dma_wait3A_65, %dma_wait3A_66] : memref<32x79x2x128xi32, #tpu.memory_space<hbm>> -> memref<1x1x2x128xi32, #tpu.memory_space<hbm>>
      %dma_wait3A_68 = tpu.memref_squeeze %dma_wait3A_67 : memref<1x1x2x128xi32, #tpu.memory_space<hbm>> -> memref<2x128xi32, #tpu.memory_space<hbm>>
      %dma_wait3A_69 = arith.constant 0 : i32
      %dma_wait3A_70 = arith.constant 0 : i32
      %dma_wait3A_71 = tpu.memref_slice %arg3[%add3A, %run_scoped3A, %dma_wait3A_69, %dma_wait3A_70] : memref<32x79x2x128xi32, #tpu.memory_space<hbm>> -> memref<1x1x2x128xi32, #tpu.memory_space<hbm>>
      %dma_wait3A_72 = tpu.memref_squeeze %dma_wait3A_71 : memref<1x1x2x128xi32, #tpu.memory_space<hbm>> -> memref<2x128xi32, #tpu.memory_space<hbm>>
      tpu.wait_dma2 semaphore(%run_scoped3A_56 : memref<!tpu.dma_semaphore, #tpu.memory_space<semaphore_mem>>) src(%dma_wait3A_72 : memref<2x128xi32, #tpu.memory_space<hbm>>) dst(%arg7 : memref<2x128xi32, #tpu.memory_space<vmem>>)
      tpu.yield
    }) : () -> ()
    %dma_start3A = arith.constant 0 : i32
    %dma_start3A_3 = arith.constant 0 : i32
    %dma_start3A_4 = tpu.memref_slice %arg7[%dma_start3A, %dma_start3A_3] : memref<2x128xi32, #tpu.memory_space<vmem>> -> memref<1x128xi32, #tpu.memory_space<vmem>>
    %dma_start3A_5 = tpu.memref_squeeze %dma_start3A_4 : memref<1x128xi32, #tpu.memory_space<vmem>> -> memref<128xi32, #tpu.memory_space<vmem>>
    %dma_start3A_6 = arith.constant 0 : i32
    %dma_start3A_7 = arith.constant 0 : i32
    %dma_start3A_8 = tpu.memref_slice %arg2[%dma_start3A_6, %dma_start3A_7] : memref<10000x128xf32, #tpu.memory_space<hbm>> -> memref<10000x128xf32, #tpu.memory_space<hbm>>
    tpu.enqueue_indirect_dma source(%dma_start3A_8 : memref<10000x128xf32, #tpu.memory_space<hbm>>) target(%arg9 : memref<128x128xf32, #tpu.memory_space<vmem>>) offsets(%dma_start3A_5 : memref<128xi32, #tpu.memory_space<vmem>>) semaphore(%arg11 : memref<!tpu.dma_semaphore, #tpu.memory_space<semaphore_mem>>)
    %scan3A = arith.constant 0 : i32
    %scan3A_9 = arith.constant 0 : i32
    %scan3A_10 = arith.constant 39 : i32
    %scan3A_11 = arith.addi %scan3A_9, %scan3A_10 : i32
    %scan3A_12 = arith.constant 1 : i32
    %scan3A_13 = scf.for %scan3A_56 = %scan3A_9 to %scan3A_11 step %scan3A_12 iter_args(%scan3A_57 = %scan3A) -> (i32)  : i32 {
      %mul3A_58 = arith.constant 2 : i32
      %mul3A_59 = arith.muli %scan3A_56, %mul3A_58 : i32
      %dma_wait3A_60 = arith.constant 0 : i32
      %dma_wait3A_61 = arith.constant 0 : i32
      %dma_wait3A_62 = tpu.memref_slice %arg7[%dma_wait3A_60, %dma_wait3A_61] : memref<2x128xi32, #tpu.memory_space<vmem>> -> memref<1x128xi32, #tpu.memory_space<vmem>>
      %dma_wait3A_63 = tpu.memref_squeeze %dma_wait3A_62 : memref<1x128xi32, #tpu.memory_space<vmem>> -> memref<128xi32, #tpu.memory_space<vmem>>
      %dma_wait3A_64 = arith.constant 0 : i32
      %dma_wait3A_65 = arith.constant 0 : i32
      %dma_wait3A_66 = tpu.memref_slice %arg2[%dma_wait3A_64, %dma_wait3A_65] : memref<10000x128xf32, #tpu.memory_space<hbm>> -> memref<10000x128xf32, #tpu.memory_space<hbm>>
      tpu.wait_indirect_dma semaphore(%arg11 : memref<!tpu.dma_semaphore, #tpu.memory_space<semaphore_mem>>) src(%dma_wait3A_66 : memref<10000x128xf32, #tpu.memory_space<hbm>>) dst(%arg9 : memref<128x128xf32, #tpu.memory_space<vmem>>)
      %lt3A_67 = arith.constant 78 : i32
      %lt3A_68 = arith.cmpi slt, %mul3A_59, %lt3A_67 : i32
      %convert_element_type3A_69 = arith.extui %lt3A_68 : i1 to i32
      %cond3A_70 = arith.constant 0 : i32
      %cond3A_71 = arith.cmpi ne, %convert_element_type3A_69, %cond3A_70 : i32
      scf.if %cond3A_71 {
        %ge3A = arith.constant 1 : i32
        %ge3A_101 = arith.cmpi sge, %mul3A_59, %ge3A : i32
        %convert_element_type3A_102 = arith.extui %ge3A_101 : i1 to i32
        %cond3A_103 = arith.constant 0 : i32
        %cond3A_104 = arith.cmpi ne, %convert_element_type3A_102, %cond3A_103 : i32
        scf.if %cond3A_104 {
          %dma_wait3A_114 = arith.constant 1 : i32
          %dma_wait3A_115 = arith.constant 0 : i32
          %dma_wait3A_116 = tpu.memref_slice %arg8[%dma_wait3A_114, %dma_wait3A_115] : memref<2x128xi32, #tpu.memory_space<vmem>> -> memref<1x128xi32, #tpu.memory_space<vmem>>
          %dma_wait3A_117 = tpu.memref_squeeze %dma_wait3A_116 : memref<1x128xi32, #tpu.memory_space<vmem>> -> memref<128xi32, #tpu.memory_space<vmem>>
          %dma_wait3A_118 = arith.constant 0 : i32
          %dma_wait3A_119 = arith.constant 0 : i32
          %dma_wait3A_120 = tpu.memref_slice %arg6[%dma_wait3A_118, %dma_wait3A_119] : memref<10112x128xf32, #tpu.memory_space<vmem_shared>> -> memref<10112x128xf32, #tpu.memory_space<vmem_shared>>
          tpu.wait_indirect_dma semaphore(%arg14 : memref<!tpu.dma_semaphore, #tpu.memory_space<semaphore_mem>>) src(%arg10 : memref<128x128xf32, #tpu.memory_space<vmem>>) dst(%dma_wait3A_120 : memref<10112x128xf32, #tpu.memory_space<vmem_shared>>)
        } else {
        }
        %add3A_105 = arith.constant 1 : i32
        %add3A_106 = arith.addi %mul3A_59, %add3A_105 : i32
        "tpu.region"() ({
          %run_scoped3A_114 = tpu.sem_alloc : memref<!tpu.dma_semaphore, #tpu.memory_space<semaphore_mem>>
          %dma_start3A_115 = arith.constant 0 : i32
          %dma_start3A_116 = arith.constant 0 : i32
          %dma_start3A_117 = tpu.memref_slice %arg3[%add3A, %add3A_106, %dma_start3A_115, %dma_start3A_116] : memref<32x79x2x128xi32, #tpu.memory_space<hbm>> -> memref<1x1x2x128xi32, #tpu.memory_space<hbm>>
          %dma_start3A_118 = tpu.memref_squeeze %dma_start3A_117 : memref<1x1x2x128xi32, #tpu.memory_space<hbm>> -> memref<2x128xi32, #tpu.memory_space<hbm>>
          %dma_start3A_119 = arith.constant 0 : i32
          %dma_start3A_120 = arith.constant 0 : i32
          %dma_start3A_121 = tpu.memref_slice %arg3[%add3A, %add3A_106, %dma_start3A_119, %dma_start3A_120] : memref<32x79x2x128xi32, #tpu.memory_space<hbm>> -> memref<1x1x2x128xi32, #tpu.memory_space<hbm>>
          %dma_start3A_122 = tpu.memref_squeeze %dma_start3A_121 : memref<1x1x2x128xi32, #tpu.memory_space<hbm>> -> memref<2x128xi32, #tpu.memory_space<hbm>>
          tpu.enqueue_dma source(%dma_start3A_122 : memref<2x128xi32, #tpu.memory_space<hbm>>) target(%arg8 : memref<2x128xi32, #tpu.memory_space<vmem>>) target_semaphore(%run_scoped3A_114 : memref<!tpu.dma_semaphore, #tpu.memory_space<semaphore_mem>>)
          %dma_wait3A_123 = arith.constant 0 : i32
          %dma_wait3A_124 = arith.constant 0 : i32
          %dma_wait3A_125 = tpu.memref_slice %arg3[%add3A, %add3A_106, %dma_wait3A_123, %dma_wait3A_124] : memref<32x79x2x128xi32, #tpu.memory_space<hbm>> -> memref<1x1x2x128xi32, #tpu.memory_space<hbm>>
          %dma_wait3A_126 = tpu.memref_squeeze %dma_wait3A_125 : memref<1x1x2x128xi32, #tpu.memory_space<hbm>> -> memref<2x128xi32, #tpu.memory_space<hbm>>
          %dma_wait3A_127 = arith.constant 0 : i32
          %dma_wait3A_128 = arith.constant 0 : i32
          %dma_wait3A_129 = tpu.memref_slice %arg3[%add3A, %add3A_106, %dma_wait3A_127, %dma_wait3A_128] : memref<32x79x2x128xi32, #tpu.memory_space<hbm>> -> memref<1x1x2x128xi32, #tpu.memory_space<hbm>>
          %dma_wait3A_130 = tpu.memref_squeeze %dma_wait3A_129 : memref<1x1x2x128xi32, #tpu.memory_space<hbm>> -> memref<2x128xi32, #tpu.memory_space<hbm>>
          tpu.wait_dma2 semaphore(%run_scoped3A_114 : memref<!tpu.dma_semaphore, #tpu.memory_space<semaphore_mem>>) src(%dma_wait3A_130 : memref<2x128xi32, #tpu.memory_space<hbm>>) dst(%arg8 : memref<2x128xi32, #tpu.memory_space<vmem>>)
          tpu.yield
        }) : () -> ()
        %dma_start3A_107 = arith.constant 0 : i32
        %dma_start3A_108 = arith.constant 0 : i32
        %dma_start3A_109 = tpu.memref_slice %arg8[%dma_start3A_107, %dma_start3A_108] : memref<2x128xi32, #tpu.memory_space<vmem>> -> memref<1x128xi32, #tpu.memory_space<vmem>>
        %dma_start3A_110 = tpu.memref_squeeze %dma_start3A_109 : memref<1x128xi32, #tpu.memory_space<vmem>> -> memref<128xi32, #tpu.memory_space<vmem>>
        %dma_start3A_111 = arith.constant 0 : i32
        %dma_start3A_112 = arith.constant 0 : i32
        %dma_start3A_113 = tpu.memref_slice %arg2[%dma_start3A_111, %dma_start3A_112] : memref<10000x128xf32, #tpu.memory_space<hbm>> -> memref<10000x128xf32, #tpu.memory_space<hbm>>
        tpu.enqueue_indirect_dma source(%dma_start3A_113 : memref<10000x128xf32, #tpu.memory_space<hbm>>) target(%arg10 : memref<128x128xf32, #tpu.memory_space<vmem>>) offsets(%dma_start3A_110 : memref<128xi32, #tpu.memory_space<vmem>>) semaphore(%arg12 : memref<!tpu.dma_semaphore, #tpu.memory_space<semaphore_mem>>)
      } else {
      }
      %dma_start3A_72 = arith.constant 1 : i32
      %dma_start3A_73 = arith.constant 0 : i32
      %dma_start3A_74 = tpu.memref_slice %arg7[%dma_start3A_72, %dma_start3A_73] : memref<2x128xi32, #tpu.memory_space<vmem>> -> memref<1x128xi32, #tpu.memory_space<vmem>>
      %dma_start3A_75 = tpu.memref_squeeze %dma_start3A_74 : memref<1x128xi32, #tpu.memory_space<vmem>> -> memref<128xi32, #tpu.memory_space<vmem>>
      %dma_start3A_76 = arith.constant 0 : i32
      %dma_start3A_77 = arith.constant 0 : i32
      %dma_start3A_78 = tpu.memref_slice %arg6[%dma_start3A_76, %dma_start3A_77] : memref<10112x128xf32, #tpu.memory_space<vmem_shared>> -> memref<10112x128xf32, #tpu.memory_space<vmem_shared>>
      tpu.enqueue_indirect_dma source(%arg9 : memref<128x128xf32, #tpu.memory_space<vmem>>) target(%dma_start3A_78 : memref<10112x128xf32, #tpu.memory_space<vmem_shared>>) offsets(%dma_start3A_75 : memref<128xi32, #tpu.memory_space<vmem>>) semaphore(%arg13 : memref<!tpu.dma_semaphore, #tpu.memory_space<semaphore_mem>>) {add = true}
      %add3A_79 = arith.constant 1 : i32
      %add3A_80 = arith.addi %mul3A_59, %add3A_79 : i32
      %dma_wait3A_81 = arith.constant 0 : i32
      %dma_wait3A_82 = arith.constant 0 : i32
      %dma_wait3A_83 = tpu.memref_slice %arg8[%dma_wait3A_81, %dma_wait3A_82] : memref<2x128xi32, #tpu.memory_space<vmem>> -> memref<1x128xi32, #tpu.memory_space<vmem>>
      %dma_wait3A_84 = tpu.memref_squeeze %dma_wait3A_83 : memref<1x128xi32, #tpu.memory_space<vmem>> -> memref<128xi32, #tpu.memory_space<vmem>>
      %dma_wait3A_85 = arith.constant 0 : i32
      %dma_wait3A_86 = arith.constant 0 : i32
      %dma_wait3A_87 = tpu.memref_slice %arg2[%dma_wait3A_85, %dma_wait3A_86] : memref<10000x128xf32, #tpu.memory_space<hbm>> -> memref<10000x128xf32, #tpu.memory_space<hbm>>
      tpu.wait_indirect_dma semaphore(%arg12 : memref<!tpu.dma_semaphore, #tpu.memory_space<semaphore_mem>>) src(%dma_wait3A_87 : memref<10000x128xf32, #tpu.memory_space<hbm>>) dst(%arg10 : memref<128x128xf32, #tpu.memory_space<vmem>>)
      %lt3A_88 = arith.constant 78 : i32
      %lt3A_89 = arith.cmpi slt, %add3A_80, %lt3A_88 : i32
      %convert_element_type3A_90 = arith.extui %lt3A_89 : i1 to i32
      %cond3A_91 = arith.constant 0 : i32
      %cond3A_92 = arith.cmpi ne, %convert_element_type3A_90, %cond3A_91 : i32
      scf.if %cond3A_92 {
        %ge3A = arith.constant 1 : i32
        %ge3A_101 = arith.cmpi sge, %add3A_80, %ge3A : i32
        %convert_element_type3A_102 = arith.extui %ge3A_101 : i1 to i32
        %cond3A_103 = arith.constant 0 : i32
        %cond3A_104 = arith.cmpi ne, %convert_element_type3A_102, %cond3A_103 : i32
        scf.if %cond3A_104 {
          %dma_wait3A_114 = arith.constant 1 : i32
          %dma_wait3A_115 = arith.constant 0 : i32
          %dma_wait3A_116 = tpu.memref_slice %arg7[%dma_wait3A_114, %dma_wait3A_115] : memref<2x128xi32, #tpu.memory_space<vmem>> -> memref<1x128xi32, #tpu.memory_space<vmem>>
          %dma_wait3A_117 = tpu.memref_squeeze %dma_wait3A_116 : memref<1x128xi32, #tpu.memory_space<vmem>> -> memref<128xi32, #tpu.memory_space<vmem>>
          %dma_wait3A_118 = arith.constant 0 : i32
          %dma_wait3A_119 = arith.constant 0 : i32
          %dma_wait3A_120 = tpu.memref_slice %arg6[%dma_wait3A_118, %dma_wait3A_119] : memref<10112x128xf32, #tpu.memory_space<vmem_shared>> -> memref<10112x128xf32, #tpu.memory_space<vmem_shared>>
          tpu.wait_indirect_dma semaphore(%arg13 : memref<!tpu.dma_semaphore, #tpu.memory_space<semaphore_mem>>) src(%arg9 : memref<128x128xf32, #tpu.memory_space<vmem>>) dst(%dma_wait3A_120 : memref<10112x128xf32, #tpu.memory_space<vmem_shared>>)
        } else {
        }
        %add3A_105 = arith.constant 1 : i32
        %add3A_106 = arith.addi %add3A_80, %add3A_105 : i32
        "tpu.region"() ({
          %run_scoped3A_114 = tpu.sem_alloc : memref<!tpu.dma_semaphore, #tpu.memory_space<semaphore_mem>>
          %dma_start3A_115 = arith.constant 0 : i32
          %dma_start3A_116 = arith.constant 0 : i32
          %dma_start3A_117 = tpu.memref_slice %arg3[%add3A, %add3A_106, %dma_start3A_115, %dma_start3A_116] : memref<32x79x2x128xi32, #tpu.memory_space<hbm>> -> memref<1x1x2x128xi32, #tpu.memory_space<hbm>>
          %dma_start3A_118 = tpu.memref_squeeze %dma_start3A_117 : memref<1x1x2x128xi32, #tpu.memory_space<hbm>> -> memref<2x128xi32, #tpu.memory_space<hbm>>
          %dma_start3A_119 = arith.constant 0 : i32
          %dma_start3A_120 = arith.constant 0 : i32
          %dma_start3A_121 = tpu.memref_slice %arg3[%add3A, %add3A_106, %dma_start3A_119, %dma_start3A_120] : memref<32x79x2x128xi32, #tpu.memory_space<hbm>> -> memref<1x1x2x128xi32, #tpu.memory_space<hbm>>
          %dma_start3A_122 = tpu.memref_squeeze %dma_start3A_121 : memref<1x1x2x128xi32, #tpu.memory_space<hbm>> -> memref<2x128xi32, #tpu.memory_space<hbm>>
          tpu.enqueue_dma source(%dma_start3A_122 : memref<2x128xi32, #tpu.memory_space<hbm>>) target(%arg7 : memref<2x128xi32, #tpu.memory_space<vmem>>) target_semaphore(%run_scoped3A_114 : memref<!tpu.dma_semaphore, #tpu.memory_space<semaphore_mem>>)
          %dma_wait3A_123 = arith.constant 0 : i32
          %dma_wait3A_124 = arith.constant 0 : i32
          %dma_wait3A_125 = tpu.memref_slice %arg3[%add3A, %add3A_106, %dma_wait3A_123, %dma_wait3A_124] : memref<32x79x2x128xi32, #tpu.memory_space<hbm>> -> memref<1x1x2x128xi32, #tpu.memory_space<hbm>>
          %dma_wait3A_126 = tpu.memref_squeeze %dma_wait3A_125 : memref<1x1x2x128xi32, #tpu.memory_space<hbm>> -> memref<2x128xi32, #tpu.memory_space<hbm>>
          %dma_wait3A_127 = arith.constant 0 : i32
          %dma_wait3A_128 = arith.constant 0 : i32
          %dma_wait3A_129 = tpu.memref_slice %arg3[%add3A, %add3A_106, %dma_wait3A_127, %dma_wait3A_128] : memref<32x79x2x128xi32, #tpu.memory_space<hbm>> -> memref<1x1x2x128xi32, #tpu.memory_space<hbm>>
          %dma_wait3A_130 = tpu.memref_squeeze %dma_wait3A_129 : memref<1x1x2x128xi32, #tpu.memory_space<hbm>> -> memref<2x128xi32, #tpu.memory_space<hbm>>
          tpu.wait_dma2 semaphore(%run_scoped3A_114 : memref<!tpu.dma_semaphore, #tpu.memory_space<semaphore_mem>>) src(%dma_wait3A_130 : memref<2x128xi32, #tpu.memory_space<hbm>>) dst(%arg7 : memref<2x128xi32, #tpu.memory_space<vmem>>)
          tpu.yield
        }) : () -> ()
        %dma_start3A_107 = arith.constant 0 : i32
        %dma_start3A_108 = arith.constant 0 : i32
        %dma_start3A_109 = tpu.memref_slice %arg7[%dma_start3A_107, %dma_start3A_108] : memref<2x128xi32, #tpu.memory_space<vmem>> -> memref<1x128xi32, #tpu.memory_space<vmem>>
        %dma_start3A_110 = tpu.memref_squeeze %dma_start3A_109 : memref<1x128xi32, #tpu.memory_space<vmem>> -> memref<128xi32, #tpu.memory_space<vmem>>
        %dma_start3A_111 = arith.constant 0 : i32
        %dma_start3A_112 = arith.constant 0 : i32
        %dma_start3A_113 = tpu.memref_slice %arg2[%dma_start3A_111, %dma_start3A_112] : memref<10000x128xf32, #tpu.memory_space<hbm>> -> memref<10000x128xf32, #tpu.memory_space<hbm>>
        tpu.enqueue_indirect_dma source(%dma_start3A_113 : memref<10000x128xf32, #tpu.memory_space<hbm>>) target(%arg9 : memref<128x128xf32, #tpu.memory_space<vmem>>) offsets(%dma_start3A_110 : memref<128xi32, #tpu.memory_space<vmem>>) semaphore(%arg11 : memref<!tpu.dma_semaphore, #tpu.memory_space<semaphore_mem>>)
      } else {
      }
      %dma_start3A_93 = arith.constant 1 : i32
      %dma_start3A_94 = arith.constant 0 : i32
      %dma_start3A_95 = tpu.memref_slice %arg8[%dma_start3A_93, %dma_start3A_94] : memref<2x128xi32, #tpu.memory_space<vmem>> -> memref<1x128xi32, #tpu.memory_space<vmem>>
      %dma_start3A_96 = tpu.memref_squeeze %dma_start3A_95 : memref<1x128xi32, #tpu.memory_space<vmem>> -> memref<128xi32, #tpu.memory_space<vmem>>
      %dma_start3A_97 = arith.constant 0 : i32
      %dma_start3A_98 = arith.constant 0 : i32
      %dma_start3A_99 = tpu.memref_slice %arg6[%dma_start3A_97, %dma_start3A_98] : memref<10112x128xf32, #tpu.memory_space<vmem_shared>> -> memref<10112x128xf32, #tpu.memory_space<vmem_shared>>
      tpu.enqueue_indirect_dma source(%arg10 : memref<128x128xf32, #tpu.memory_space<vmem>>) target(%dma_start3A_99 : memref<10112x128xf32, #tpu.memory_space<vmem_shared>>) offsets(%dma_start3A_96 : memref<128xi32, #tpu.memory_space<vmem>>) semaphore(%arg14 : memref<!tpu.dma_semaphore, #tpu.memory_space<semaphore_mem>>) {add = true}
      %scan3A_100 = arith.constant 0 : i32
      scf.yield %scan3A_100 : i32
    }
    %scan3A_14 = arith.constant 39 : i32
    %dma_wait3A = arith.constant 0 : i32
    %dma_wait3A_15 = arith.constant 0 : i32
    %dma_wait3A_16 = tpu.memref_slice %arg7[%dma_wait3A, %dma_wait3A_15] : memref<2x128xi32, #tpu.memory_space<vmem>> -> memref<1x128xi32, #tpu.memory_space<vmem>>
    %dma_wait3A_17 = tpu.memref_squeeze %dma_wait3A_16 : memref<1x128xi32, #tpu.memory_space<vmem>> -> memref<128xi32, #tpu.memory_space<vmem>>
    %dma_wait3A_18 = arith.constant 0 : i32
    %dma_wait3A_19 = arith.constant 0 : i32
    %dma_wait3A_20 = tpu.memref_slice %arg2[%dma_wait3A_18, %dma_wait3A_19] : memref<10000x128xf32, #tpu.memory_space<hbm>> -> memref<10000x128xf32, #tpu.memory_space<hbm>>
    tpu.wait_indirect_dma semaphore(%arg11 : memref<!tpu.dma_semaphore, #tpu.memory_space<semaphore_mem>>) src(%dma_wait3A_20 : memref<10000x128xf32, #tpu.memory_space<hbm>>) dst(%arg9 : memref<128x128xf32, #tpu.memory_space<vmem>>)
    %lt3A = arith.constant 78 : i32
    %lt3A_21 = arith.constant 78 : i32
    %lt3A_22 = arith.cmpi slt, %lt3A, %lt3A_21 : i32
    %convert_element_type3A = arith.extui %lt3A_22 : i1 to i32
    %cond3A = arith.constant 78 : i32
    %cond3A_23 = arith.constant 0 : i32
    %cond3A_24 = arith.cmpi ne, %convert_element_type3A, %cond3A_23 : i32
    scf.if %cond3A_24 {
      %ge3A = arith.constant 1 : i32
      %ge3A_56 = arith.cmpi sge, %cond3A, %ge3A : i32
      %convert_element_type3A_57 = arith.extui %ge3A_56 : i1 to i32
      %cond3A_58 = arith.constant 0 : i32
      %cond3A_59 = arith.cmpi ne, %convert_element_type3A_57, %cond3A_58 : i32
      scf.if %cond3A_59 {
        %dma_wait3A_69 = arith.constant 1 : i32
        %dma_wait3A_70 = arith.constant 0 : i32
        %dma_wait3A_71 = tpu.memref_slice %arg8[%dma_wait3A_69, %dma_wait3A_70] : memref<2x128xi32, #tpu.memory_space<vmem>> -> memref<1x128xi32, #tpu.memory_space<vmem>>
        %dma_wait3A_72 = tpu.memref_squeeze %dma_wait3A_71 : memref<1x128xi32, #tpu.memory_space<vmem>> -> memref<128xi32, #tpu.memory_space<vmem>>
        %dma_wait3A_73 = arith.constant 0 : i32
        %dma_wait3A_74 = arith.constant 0 : i32
        %dma_wait3A_75 = tpu.memref_slice %arg6[%dma_wait3A_73, %dma_wait3A_74] : memref<10112x128xf32, #tpu.memory_space<vmem_shared>> -> memref<10112x128xf32, #tpu.memory_space<vmem_shared>>
        tpu.wait_indirect_dma semaphore(%arg14 : memref<!tpu.dma_semaphore, #tpu.memory_space<semaphore_mem>>) src(%arg10 : memref<128x128xf32, #tpu.memory_space<vmem>>) dst(%dma_wait3A_75 : memref<10112x128xf32, #tpu.memory_space<vmem_shared>>)
      } else {
      }
      %add3A_60 = arith.constant 1 : i32
      %add3A_61 = arith.addi %cond3A, %add3A_60 : i32
      "tpu.region"() ({
        %run_scoped3A_69 = tpu.sem_alloc : memref<!tpu.dma_semaphore, #tpu.memory_space<semaphore_mem>>
        %dma_start3A_70 = arith.constant 0 : i32
        %dma_start3A_71 = arith.constant 0 : i32
        %dma_start3A_72 = tpu.memref_slice %arg3[%add3A, %add3A_61, %dma_start3A_70, %dma_start3A_71] : memref<32x79x2x128xi32, #tpu.memory_space<hbm>> -> memref<1x1x2x128xi32, #tpu.memory_space<hbm>>
        %dma_start3A_73 = tpu.memref_squeeze %dma_start3A_72 : memref<1x1x2x128xi32, #tpu.memory_space<hbm>> -> memref<2x128xi32, #tpu.memory_space<hbm>>
        %dma_start3A_74 = arith.constant 0 : i32
        %dma_start3A_75 = arith.constant 0 : i32
        %dma_start3A_76 = tpu.memref_slice %arg3[%add3A, %add3A_61, %dma_start3A_74, %dma_start3A_75] : memref<32x79x2x128xi32, #tpu.memory_space<hbm>> -> memref<1x1x2x128xi32, #tpu.memory_space<hbm>>
        %dma_start3A_77 = tpu.memref_squeeze %dma_start3A_76 : memref<1x1x2x128xi32, #tpu.memory_space<hbm>> -> memref<2x128xi32, #tpu.memory_space<hbm>>
        tpu.enqueue_dma source(%dma_start3A_77 : memref<2x128xi32, #tpu.memory_space<hbm>>) target(%arg8 : memref<2x128xi32, #tpu.memory_space<vmem>>) target_semaphore(%run_scoped3A_69 : memref<!tpu.dma_semaphore, #tpu.memory_space<semaphore_mem>>)
        %dma_wait3A_78 = arith.constant 0 : i32
        %dma_wait3A_79 = arith.constant 0 : i32
        %dma_wait3A_80 = tpu.memref_slice %arg3[%add3A, %add3A_61, %dma_wait3A_78, %dma_wait3A_79] : memref<32x79x2x128xi32, #tpu.memory_space<hbm>> -> memref<1x1x2x128xi32, #tpu.memory_space<hbm>>
        %dma_wait3A_81 = tpu.memref_squeeze %dma_wait3A_80 : memref<1x1x2x128xi32, #tpu.memory_space<hbm>> -> memref<2x128xi32, #tpu.memory_space<hbm>>
        %dma_wait3A_82 = arith.constant 0 : i32
        %dma_wait3A_83 = arith.constant 0 : i32
        %dma_wait3A_84 = tpu.memref_slice %arg3[%add3A, %add3A_61, %dma_wait3A_82, %dma_wait3A_83] : memref<32x79x2x128xi32, #tpu.memory_space<hbm>> -> memref<1x1x2x128xi32, #tpu.memory_space<hbm>>
        %dma_wait3A_85 = tpu.memref_squeeze %dma_wait3A_84 : memref<1x1x2x128xi32, #tpu.memory_space<hbm>> -> memref<2x128xi32, #tpu.memory_space<hbm>>
        tpu.wait_dma2 semaphore(%run_scoped3A_69 : memref<!tpu.dma_semaphore, #tpu.memory_space<semaphore_mem>>) src(%dma_wait3A_85 : memref<2x128xi32, #tpu.memory_space<hbm>>) dst(%arg8 : memref<2x128xi32, #tpu.memory_space<vmem>>)
        tpu.yield
      }) : () -> ()
      %dma_start3A_62 = arith.constant 0 : i32
      %dma_start3A_63 = arith.constant 0 : i32
      %dma_start3A_64 = tpu.memref_slice %arg8[%dma_start3A_62, %dma_start3A_63] : memref<2x128xi32, #tpu.memory_space<vmem>> -> memref<1x128xi32, #tpu.memory_space<vmem>>
      %dma_start3A_65 = tpu.memref_squeeze %dma_start3A_64 : memref<1x128xi32, #tpu.memory_space<vmem>> -> memref<128xi32, #tpu.memory_space<vmem>>
      %dma_start3A_66 = arith.constant 0 : i32
      %dma_start3A_67 = arith.constant 0 : i32
      %dma_start3A_68 = tpu.memref_slice %arg2[%dma_start3A_66, %dma_start3A_67] : memref<10000x128xf32, #tpu.memory_space<hbm>> -> memref<10000x128xf32, #tpu.memory_space<hbm>>
      tpu.enqueue_indirect_dma source(%dma_start3A_68 : memref<10000x128xf32, #tpu.memory_space<hbm>>) target(%arg10 : memref<128x128xf32, #tpu.memory_space<vmem>>) offsets(%dma_start3A_65 : memref<128xi32, #tpu.memory_space<vmem>>) semaphore(%arg12 : memref<!tpu.dma_semaphore, #tpu.memory_space<semaphore_mem>>)
    } else {
    }
    %dma_start3A_25 = arith.constant 1 : i32
    %dma_start3A_26 = arith.constant 0 : i32
    %dma_start3A_27 = tpu.memref_slice %arg7[%dma_start3A_25, %dma_start3A_26] : memref<2x128xi32, #tpu.memory_space<vmem>> -> memref<1x128xi32, #tpu.memory_space<vmem>>
    %dma_start3A_28 = tpu.memref_squeeze %dma_start3A_27 : memref<1x128xi32, #tpu.memory_space<vmem>> -> memref<128xi32, #tpu.memory_space<vmem>>
    %dma_start3A_29 = arith.constant 0 : i32
    %dma_start3A_30 = arith.constant 0 : i32
    %dma_start3A_31 = tpu.memref_slice %arg6[%dma_start3A_29, %dma_start3A_30] : memref<10112x128xf32, #tpu.memory_space<vmem_shared>> -> memref<10112x128xf32, #tpu.memory_space<vmem_shared>>
    tpu.enqueue_indirect_dma source(%arg9 : memref<128x128xf32, #tpu.memory_space<vmem>>) target(%dma_start3A_31 : memref<10112x128xf32, #tpu.memory_space<vmem_shared>>) offsets(%dma_start3A_28 : memref<128xi32, #tpu.memory_space<vmem>>) semaphore(%arg13 : memref<!tpu.dma_semaphore, #tpu.memory_space<semaphore_mem>>) {add = true}
    %dma_wait3A_32 = arith.constant 1 : i32
    %dma_wait3A_33 = arith.constant 0 : i32
    %dma_wait3A_34 = tpu.memref_slice %arg7[%dma_wait3A_32, %dma_wait3A_33] : memref<2x128xi32, #tpu.memory_space<vmem>> -> memref<1x128xi32, #tpu.memory_space<vmem>>
    %dma_wait3A_35 = tpu.memref_squeeze %dma_wait3A_34 : memref<1x128xi32, #tpu.memory_space<vmem>> -> memref<128xi32, #tpu.memory_space<vmem>>
    %dma_wait3A_36 = arith.constant 0 : i32
    %dma_wait3A_37 = arith.constant 0 : i32
    %dma_wait3A_38 = tpu.memref_slice %arg6[%dma_wait3A_36, %dma_wait3A_37] : memref<10112x128xf32, #tpu.memory_space<vmem_shared>> -> memref<10112x128xf32, #tpu.memory_space<vmem_shared>>
    tpu.wait_indirect_dma semaphore(%arg13 : memref<!tpu.dma_semaphore, #tpu.memory_space<semaphore_mem>>) src(%arg9 : memref<128x128xf32, #tpu.memory_space<vmem>>) dst(%dma_wait3A_38 : memref<10112x128xf32, #tpu.memory_space<vmem_shared>>)
    %dma_wait3A_39 = arith.constant 1 : i32
    %dma_wait3A_40 = arith.constant 0 : i32
    %dma_wait3A_41 = tpu.memref_slice %arg8[%dma_wait3A_39, %dma_wait3A_40] : memref<2x128xi32, #tpu.memory_space<vmem>> -> memref<1x128xi32, #tpu.memory_space<vmem>>
    %dma_wait3A_42 = tpu.memref_squeeze %dma_wait3A_41 : memref<1x128xi32, #tpu.memory_space<vmem>> -> memref<128xi32, #tpu.memory_space<vmem>>
    %dma_wait3A_43 = arith.constant 0 : i32
    %dma_wait3A_44 = arith.constant 0 : i32
    %dma_wait3A_45 = tpu.memref_slice %arg6[%dma_wait3A_43, %dma_wait3A_44] : memref<10112x128xf32, #tpu.memory_space<vmem_shared>> -> memref<10112x128xf32, #tpu.memory_space<vmem_shared>>
    tpu.wait_indirect_dma semaphore(%arg14 : memref<!tpu.dma_semaphore, #tpu.memory_space<semaphore_mem>>) src(%arg10 : memref<128x128xf32, #tpu.memory_space<vmem>>) dst(%dma_wait3A_45 : memref<10112x128xf32, #tpu.memory_space<vmem_shared>>)
    %barrier3A_46 = arith.constant 0 : index
    tpu.barrier barrier_id(%barrier3A_46)
    %lt3A_47 = arith.constant 15 : i32
    %lt3A_48 = arith.cmpi slt, %arg1, %lt3A_47 : i32
    %convert_element_type3A_49 = arith.extui %lt3A_48 : i1 to i32
    %cond3A_50 = arith.constant 0 : i32
    %cond3A_51 = arith.cmpi ne, %convert_element_type3A_49, %cond3A_50 : i32
    scf.if %cond3A_51 {
      %mul3A_56 = arith.constant 632 : i32
      %mul3A_57 = arith.muli %arg1, %mul3A_56 : i32
      %mul3A_58 = arith.constant 632 : i32
      %mul3A_59 = arith.muli %arg1, %mul3A_58 : i32
      "tpu.region"() ({
        %run_scoped3A_60 = tpu.sem_alloc : memref<!tpu.dma_semaphore, #tpu.memory_space<semaphore_mem>>
        %dma_start3A_61 = arith.constant 0 : i32
        %dma_start3A_62 = tpu.memref_slice %arg5[%arg0, %mul3A_59, %dma_start3A_61] : memref<2x10000x128xf32, #tpu.memory_space<hbm>> -> memref<1x632x128xf32, #tpu.memory_space<hbm>>
        %dma_start3A_63 = tpu.memref_squeeze %dma_start3A_62 : memref<1x632x128xf32, #tpu.memory_space<hbm>> -> memref<632x128xf32, #tpu.memory_space<hbm>>
        %dma_start3A_64 = arith.constant 0 : i32
        %dma_start3A_65 = tpu.memref_slice %arg6[%mul3A_57, %dma_start3A_64] : memref<10112x128xf32, #tpu.memory_space<vmem_shared>> -> memref<632x128xf32, #tpu.memory_space<vmem_shared>>
        tpu.enqueue_dma source(%dma_start3A_65 : memref<632x128xf32, #tpu.memory_space<vmem_shared>>) target(%dma_start3A_63 : memref<632x128xf32, #tpu.memory_space<hbm>>) target_semaphore(%run_scoped3A_60 : memref<!tpu.dma_semaphore, #tpu.memory_space<semaphore_mem>>)
        %dma_wait3A_66 = arith.constant 0 : i32
        %dma_wait3A_67 = tpu.memref_slice %arg5[%arg0, %mul3A_59, %dma_wait3A_66] : memref<2x10000x128xf32, #tpu.memory_space<hbm>> -> memref<1x632x128xf32, #tpu.memory_space<hbm>>
        %dma_wait3A_68 = tpu.memref_squeeze %dma_wait3A_67 : memref<1x632x128xf32, #tpu.memory_space<hbm>> -> memref<632x128xf32, #tpu.memory_space<hbm>>
        %dma_wait3A_69 = arith.constant 0 : i32
        %dma_wait3A_70 = tpu.memref_slice %arg6[%mul3A_57, %dma_wait3A_69] : memref<10112x128xf32, #tpu.memory_space<vmem_shared>> -> memref<632x128xf32, #tpu.memory_space<vmem_shared>>
        tpu.wait_dma2 semaphore(%run_scoped3A_60 : memref<!tpu.dma_semaphore, #tpu.memory_space<semaphore_mem>>) src(%dma_wait3A_70 : memref<632x128xf32, #tpu.memory_space<vmem_shared>>) dst(%dma_wait3A_68 : memref<632x128xf32, #tpu.memory_space<hbm>>)
        tpu.yield
      }) : () -> ()
    } else {
    }
    %eq3A = arith.constant 15 : i32
    %eq3A_52 = arith.cmpi eq, %arg1, %eq3A : i32
    %convert_element_type3A_53 = arith.extui %eq3A_52 : i1 to i32
    %cond3A_54 = arith.constant 0 : i32
    %cond3A_55 = arith.cmpi ne, %convert_element_type3A_53, %cond3A_54 : i32
    scf.if %cond3A_55 {
      "tpu.region"() ({
        %run_scoped3A_56 = tpu.sem_alloc : memref<!tpu.dma_semaphore, #tpu.memory_space<semaphore_mem>>
        %dma_start3A_57 = arith.constant 9480 : i32
        %dma_start3A_58 = arith.constant 0 : i32
        %dma_start3A_59 = tpu.memref_slice %arg5[%arg0, %dma_start3A_57, %dma_start3A_58] : memref<2x10000x128xf32, #tpu.memory_space<hbm>> -> memref<1x520x128xf32, #tpu.memory_space<hbm>>
        %dma_start3A_60 = tpu.memref_squeeze %dma_start3A_59 : memref<1x520x128xf32, #tpu.memory_space<hbm>> -> memref<520x128xf32, #tpu.memory_space<hbm>>
        %dma_start3A_61 = arith.constant 9480 : i32
        %dma_start3A_62 = arith.constant 0 : i32
        %dma_start3A_63 = tpu.memref_slice %arg6[%dma_start3A_61, %dma_start3A_62] : memref<10112x128xf32, #tpu.memory_space<vmem_shared>> -> memref<520x128xf32, #tpu.memory_space<vmem_shared>>
        tpu.enqueue_dma source(%dma_start3A_63 : memref<520x128xf32, #tpu.memory_space<vmem_shared>>) target(%dma_start3A_60 : memref<520x128xf32, #tpu.memory_space<hbm>>) target_semaphore(%run_scoped3A_56 : memref<!tpu.dma_semaphore, #tpu.memory_space<semaphore_mem>>)
        %dma_wait3A_64 = arith.constant 9480 : i32
        %dma_wait3A_65 = arith.constant 0 : i32
        %dma_wait3A_66 = tpu.memref_slice %arg5[%arg0, %dma_wait3A_64, %dma_wait3A_65] : memref<2x10000x128xf32, #tpu.memory_space<hbm>> -> memref<1x520x128xf32, #tpu.memory_space<hbm>>
        %dma_wait3A_67 = tpu.memref_squeeze %dma_wait3A_66 : memref<1x520x128xf32, #tpu.memory_space<hbm>> -> memref<520x128xf32, #tpu.memory_space<hbm>>
        %dma_wait3A_68 = arith.constant 9480 : i32
        %dma_wait3A_69 = arith.constant 0 : i32
        %dma_wait3A_70 = tpu.memref_slice %arg6[%dma_wait3A_68, %dma_wait3A_69] : memref<10112x128xf32, #tpu.memory_space<vmem_shared>> -> memref<520x128xf32, #tpu.memory_space<vmem_shared>>
        tpu.wait_dma2 semaphore(%run_scoped3A_56 : memref<!tpu.dma_semaphore, #tpu.memory_space<semaphore_mem>>) src(%dma_wait3A_70 : memref<520x128xf32, #tpu.memory_space<vmem_shared>>) dst(%dma_wait3A_67 : memref<520x128xf32, #tpu.memory_space<hbm>>)
        tpu.yield
      }) : () -> ()
    } else {
    }
    return
  }
}

module attributes {stable_mosaic.version = 14 : i64} {
  func.func @_gat_build_kernel(%arg0: i32, %arg1: memref<10000x28xf32, #tpu.memory_space<vmem>>, %arg2: memref<28x128xf32, #tpu.memory_space<vmem>>, %arg3: memref<1x1x128xf32, #tpu.memory_space<vmem>>, %arg4: memref<1x1x128xf32, #tpu.memory_space<vmem>>, %arg5: memref<1x10000x144xf32, #tpu.memory_space<vmem>>, %arg6: memref<1x1x10000xf32, #tpu.memory_space<vmem>>) attributes {dimension_semantics = [#tpu.dimension_semantics<arbitrary>], iteration_bounds = array<i64: 4>, scalar_prefetch = 0 : i64, scratch_operands = 0 : i64, tpu.core_type = #tpu.core_type<tc>, window_params = [{pipeline_mode = #tpu.pipeline_mode<synchronous>, transform_indices = @transform_0, window_bounds = array<i64: 10000, 28>}, {transform_indices = @transform_1, window_bounds = array<i64: 28, 128>}, {transform_indices = @transform_2, window_bounds = array<i64: 1, 1, 128>}, {transform_indices = @transform_3, window_bounds = array<i64: 1, 1, 128>}, {transform_indices = @transform_4, window_bounds = array<i64: 1, 10000, 144>}, {transform_indices = @transform_5, window_bounds = array<i64: 1, 1, 10000>}]} {
    %get3A = arith.constant 0 : index
    %get3A_0 = arith.constant 0 : index
    %get3A_1 = vector.load %arg1[%get3A, %get3A_0] : memref<10000x28xf32, #tpu.memory_space<vmem>>, vector<10000x28xf32>
    %get3A_2 = arith.constant 0 : index
    %get3A_3 = arith.constant 0 : index
    %get3A_4 = vector.load %arg2[%get3A_2, %get3A_3] : memref<28x128xf32, #tpu.memory_space<vmem>>, vector<28x128xf32>
    %dot_general3A = arith.constant dense<0.000000e+00> : vector<10000x128xf32>
    %dot_general3A_5 = tpu.matmul %get3A_1, %get3A_4, %dot_general3A {dimension_numbers = #tpu.dot_dimension_numbers<[1], [0], [0], [1], [0, 0, 1, 1], [], []>, transpose_lhs_hint = false} : vector<10000x28xf32>, vector<28x128xf32>, vector<10000x128xf32> -> vector<10000x128xf32>
    %get3A_6 = arith.constant 0 : index
    %get3A_7 = arith.constant 0 : index
    %get3A_8 = arith.constant 0 : index
    %get3A_9 = vector.load %arg3[%get3A_6, %get3A_7, %get3A_8] : memref<1x1x128xf32, #tpu.memory_space<vmem>>, vector<1x1x128xf32>
    %get3A_10 = vector.shape_cast %get3A_9 : vector<1x1x128xf32> to vector<1x128xf32>
    %mul3A = vector.broadcast %get3A_10 : vector<1x128xf32> to vector<10000x128xf32>
    %mul3A_11 = arith.mulf %dot_general3A_5, %mul3A : vector<10000x128xf32>
    %reduce_sum3A = arith.constant dense<0.000000e+00> : vector<10000xf32>
    %reduce_sum3A_12 = vector.multi_reduction <add>, %mul3A_11, %reduce_sum3A [1] : vector<10000x128xf32> to vector<10000xf32>
    %broadcast_in_dim3A = arith.constant 1.000000e+00 : f32
    %broadcast_in_dim3A_13 = vector.broadcast %broadcast_in_dim3A : f32 to vector<10000x1xf32>
    %broadcast_in_dim3A_14 = vector.shape_cast %reduce_sum3A_12 : vector<10000xf32> to vector<10000x1xf32>
    %broadcast_in_dim3A_15 = arith.constant 0.000000e+00 : f32
    %broadcast_in_dim3A_16 = vector.broadcast %broadcast_in_dim3A_15 : f32 to vector<10000x14xf32>
    %concatenate3A = tpu.concatenate %dot_general3A_5, %broadcast_in_dim3A_13, %broadcast_in_dim3A_14, %broadcast_in_dim3A_16 in 1 : vector<10000x128xf32>, vector<10000x1xf32>, vector<10000x1xf32>, vector<10000x14xf32> -> vector<10000x144xf32>
    %swap3A = arith.constant 0 : index
    %swap3A_17 = arith.constant 0 : index
    %swap3A_18 = arith.constant 0 : index
    %swap3A_19 = vector.load %arg5[%swap3A, %swap3A_17, %swap3A_18] : memref<1x10000x144xf32, #tpu.memory_space<vmem>>, vector<1x10000x144xf32>
    %swap3A_20 = vector.shape_cast %swap3A_19 : vector<1x10000x144xf32> to vector<10000x144xf32>
    %swap3A_21 = vector.shape_cast %concatenate3A : vector<10000x144xf32> to vector<1x10000x144xf32>
    tpu.vector_store %arg5[%swap3A, %swap3A_17, %swap3A_18], %swap3A_21 {strides = array<i32>} : memref<1x10000x144xf32, #tpu.memory_space<vmem>>, vector<1x10000x144xf32>,
    %get3A_22 = arith.constant 0 : index
    %get3A_23 = arith.constant 0 : index
    %get3A_24 = arith.constant 0 : index
    %get3A_25 = vector.load %arg4[%get3A_22, %get3A_23, %get3A_24] : memref<1x1x128xf32, #tpu.memory_space<vmem>>, vector<1x1x128xf32>
    %get3A_26 = vector.shape_cast %get3A_25 : vector<1x1x128xf32> to vector<1x128xf32>
    %mul3A_27 = vector.broadcast %get3A_26 : vector<1x128xf32> to vector<10000x128xf32>
    %mul3A_28 = arith.mulf %dot_general3A_5, %mul3A_27 : vector<10000x128xf32>
    %reduce_sum3A_29 = arith.constant dense<0.000000e+00> : vector<10000xf32>
    %reduce_sum3A_30 = vector.multi_reduction <add>, %mul3A_28, %reduce_sum3A_29 [1] : vector<10000x128xf32> to vector<10000xf32>
    %swap3A_31 = arith.constant 0 : index
    %swap3A_32 = arith.constant 0 : index
    %swap3A_33 = arith.constant 0 : index
    %swap3A_34 = vector.load %arg6[%swap3A_31, %swap3A_32, %swap3A_33] : memref<1x1x10000xf32, #tpu.memory_space<vmem>>, vector<1x1x10000xf32>
    %swap3A_35 = vector.shape_cast %swap3A_34 : vector<1x1x10000xf32> to vector<10000xf32>
    %swap3A_36 = vector.shape_cast %reduce_sum3A_30 : vector<10000xf32> to vector<1x1x10000xf32>
    tpu.vector_store %arg6[%swap3A_31, %swap3A_32, %swap3A_33], %swap3A_36 {strides = array<i32>} : memref<1x1x10000xf32, #tpu.memory_space<vmem>>, vector<1x1x10000xf32>,
    return
  }
  func.func @transform_0(%arg0: i32) -> (i32, i32) {
    %c0_i32 = arith.constant 0 : i32
    %c0_i32_0 = arith.constant 0 : i32
    %c0_i32_1 = arith.constant 0 : i32
    return %c0_i32, %c0_i32_0 : i32, i32
  }
  func.func @transform_1(%arg0: i32) -> (i32, i32) {
    %c0_i32 = arith.constant 0 : i32
    %c0_i32_0 = arith.constant 0 : i32
    return %c0_i32, %arg0 : i32, i32
  }
  func.func @transform_2(%arg0: i32) -> (i32, i32, i32) {
    %c0_i32 = arith.constant 0 : i32
    %c0_i32_0 = arith.constant 0 : i32
    %c0_i32_1 = arith.constant 0 : i32
    return %arg0, %c0_i32, %c0_i32_0 : i32, i32, i32
  }
  func.func @transform_3(%arg0: i32) -> (i32, i32, i32) {
    %c0_i32 = arith.constant 0 : i32
    %c0_i32_0 = arith.constant 0 : i32
    %c0_i32_1 = arith.constant 0 : i32
    return %arg0, %c0_i32, %c0_i32_0 : i32, i32, i32
  }
  func.func @transform_4(%arg0: i32) -> (i32, i32, i32) {
    %c0_i32 = arith.constant 0 : i32
    %c0_i32_0 = arith.constant 0 : i32
    %c0_i32_1 = arith.constant 0 : i32
    return %arg0, %c0_i32, %c0_i32_0 : i32, i32, i32
  }
  func.func @transform_5(%arg0: i32) -> (i32, i32, i32) {
    %c0_i32 = arith.constant 0 : i32
    %c0_i32_0 = arith.constant 0 : i32
    %c0_i32_1 = arith.constant 0 : i32
    return %arg0, %c0_i32, %c0_i32_0 : i32, i32, i32
  }
}

module attributes {stable_mosaic.version = 14 : i64} {
  func.func @_gat_finish_kernel(%arg0: i32, %arg1: memref<4x1000x144xf32, #tpu.memory_space<vmem>>, %arg2: memref<128xf32, #tpu.memory_space<vmem>>, %arg3: memref<1000x128xf32, #tpu.memory_space<vmem>>) attributes {dimension_semantics = [#tpu.dimension_semantics<arbitrary>], iteration_bounds = array<i64: 10>, scalar_prefetch = 0 : i64, scratch_operands = 0 : i64, tpu.core_type = #tpu.core_type<tc>, window_params = [{transform_indices = @transform_0, window_bounds = array<i64: 4, 1000, 144>}, {pipeline_mode = #tpu.pipeline_mode<synchronous>, transform_indices = @transform_1, window_bounds = array<i64: 128>}, {transform_indices = @transform_2, window_bounds = array<i64: 1000, 128>}]} {
    %get3A = arith.constant 0 : index
    %get3A_0 = arith.constant 0 : index
    %get3A_1 = arith.constant 0 : index
    %get3A_2 = vector.load %arg1[%get3A, %get3A_0, %get3A_1] : memref<4x1000x144xf32, #tpu.memory_space<vmem>>, vector<4x1000x144xf32>
    %slice3A = vector.extract_strided_slice %get3A_2 {offsets = [0, 0, 0], sizes = [4, 1000, 128], strides = [1, 1, 1]} : vector<4x1000x144xf32> to vector<4x1000x128xf32>
    %slice3A_3 = vector.extract_strided_slice %get3A_2 {offsets = [0, 0, 128], sizes = [4, 1000, 1], strides = [1, 1, 1]} : vector<4x1000x144xf32> to vector<4x1000x1xf32>
    %div3A = vector.broadcast %slice3A_3 : vector<4x1000x1xf32> to vector<4x1000x128xf32>
    %div3A_4 = arith.divf %slice3A, %div3A : vector<4x1000x128xf32>
    %reduce_sum3A = arith.constant dense<0.000000e+00> : vector<1000x128xf32>
    %reduce_sum3A_5 = vector.multi_reduction <add>, %div3A_4, %reduce_sum3A [0] : vector<4x1000x128xf32> to vector<1000x128xf32>
    %div3A_6 = arith.constant 4.000000e+00 : f32
    %div3A_7 = vector.broadcast %div3A_6 : f32 to vector<1000x128xf32>
    %div3A_8 = arith.divf %reduce_sum3A_5, %div3A_7 : vector<1000x128xf32>
    %get3A_9 = arith.constant 0 : index
    %get3A_10 = vector.load %arg2[%get3A_9] : memref<128xf32, #tpu.memory_space<vmem>>, vector<128xf32>
    %broadcast_in_dim3A = vector.shape_cast %get3A_10 : vector<128xf32> to vector<1x128xf32>
    %add3A = vector.broadcast %broadcast_in_dim3A : vector<1x128xf32> to vector<1000x128xf32>
    %add3A_11 = arith.addf %div3A_8, %add3A : vector<1000x128xf32>
    %max3A = arith.constant 0.000000e+00 : f32
    %max3A_12 = vector.broadcast %max3A : f32 to vector<1000x128xf32>
    %max3A_13 = arith.maximumf %add3A_11, %max3A_12 : vector<1000x128xf32>
    %swap3A = arith.constant 0 : index
    %swap3A_14 = arith.constant 0 : index
    %swap3A_15 = vector.load %arg3[%swap3A, %swap3A_14] : memref<1000x128xf32, #tpu.memory_space<vmem>>, vector<1000x128xf32>
    tpu.vector_store %arg3[%swap3A, %swap3A_14], %max3A_13 {strides = array<i32>} : memref<1000x128xf32, #tpu.memory_space<vmem>>, vector<1000x128xf32>,
    return
  }
  func.func @transform_0(%arg0: i32) -> (i32, i32, i32) {
    %c0_i32 = arith.constant 0 : i32
    %c0_i32_0 = arith.constant 0 : i32
    %c0_i32_1 = arith.constant 0 : i32
    return %c0_i32, %arg0, %c0_i32_0 : i32, i32, i32
  }
  func.func @transform_1(%arg0: i32) -> i32 {
    %c0_i32 = arith.constant 0 : i32
    %c0_i32_0 = arith.constant 0 : i32
    return %c0_i32 : i32
  }
  func.func @transform_2(%arg0: i32) -> (i32, i32) {
    %c0_i32 = arith.constant 0 : i32
    %c0_i32_0 = arith.constant 0 : i32
    return %arg0, %c0_i32 : i32, i32
  }
}

module attributes {stable_mosaic.version = 14 : i64} {
  func.func @_gin_block_kernel(%arg0: i32, %arg1: memref<1000x128xf32, #tpu.memory_space<vmem>>, %arg2: memref<2x1000x128xf32, #tpu.memory_space<vmem>>, %arg3: memref<128x128xf32, #tpu.memory_space<vmem>>, %arg4: memref<128xf32, #tpu.memory_space<vmem>>, %arg5: memref<128x128xf32, #tpu.memory_space<vmem>>, %arg6: memref<128xf32, #tpu.memory_space<vmem>>, %arg7: memref<128xf32, #tpu.memory_space<vmem>>, %arg8: memref<128xf32, #tpu.memory_space<vmem>>, %arg9: memref<1000x128xf32, #tpu.memory_space<vmem>>) attributes {dimension_semantics = [#tpu.dimension_semantics<arbitrary>], iteration_bounds = array<i64: 10>, scalar_prefetch = 0 : i64, scratch_operands = 0 : i64, tpu.core_type = #tpu.core_type<tc>, window_params = [{transform_indices = @transform_0, window_bounds = array<i64: 1000, 128>}, {transform_indices = @transform_1, window_bounds = array<i64: 2, 1000, 128>}, {pipeline_mode = #tpu.pipeline_mode<synchronous>, transform_indices = @transform_2, window_bounds = array<i64: 128, 128>}, {pipeline_mode = #tpu.pipeline_mode<synchronous>, transform_indices = @transform_3, window_bounds = array<i64: 128>}, {pipeline_mode = #tpu.pipeline_mode<synchronous>, transform_indices = @transform_4, window_bounds = array<i64: 128, 128>}, {pipeline_mode = #tpu.pipeline_mode<synchronous>, transform_indices = @transform_5, window_bounds = array<i64: 128>}, {pipeline_mode = #tpu.pipeline_mode<synchronous>, transform_indices = @transform_6, window_bounds = array<i64: 128>}, {pipeline_mode = #tpu.pipeline_mode<synchronous>, transform_indices = @transform_7, window_bounds = array<i64: 128>}, {transform_indices = @transform_8, window_bounds = array<i64: 1000, 128>}]} {
    %get3A = arith.constant 0 : index
    %get3A_0 = arith.constant 0 : index
    %get3A_1 = vector.load %arg1[%get3A, %get3A_0] : memref<1000x128xf32, #tpu.memory_space<vmem>>, vector<1000x128xf32>
    %get3A_2 = arith.constant 0 : index
    %get3A_3 = arith.constant 0 : index
    %get3A_4 = arith.constant 0 : index
    %get3A_5 = vector.load %arg2[%get3A_2, %get3A_3, %get3A_4] : memref<2x1000x128xf32, #tpu.memory_space<vmem>>, vector<1x1000x128xf32>
    %get3A_6 = vector.shape_cast %get3A_5 : vector<1x1000x128xf32> to vector<1000x128xf32>
    %get3A_7 = arith.constant 1 : index
    %get3A_8 = arith.constant 0 : index
    %get3A_9 = arith.constant 0 : index
    %get3A_10 = vector.load %arg2[%get3A_7, %get3A_8, %get3A_9] : memref<2x1000x128xf32, #tpu.memory_space<vmem>>, vector<1x1000x128xf32>
    %get3A_11 = vector.shape_cast %get3A_10 : vector<1x1000x128xf32> to vector<1000x128xf32>
    %add3A = arith.addf %get3A_6, %get3A_11 : vector<1000x128xf32>
    %add3A_12 = arith.addf %get3A_1, %add3A : vector<1000x128xf32>
    %get3A_13 = arith.constant 0 : index
    %get3A_14 = arith.constant 0 : index
    %get3A_15 = vector.load %arg3[%get3A_13, %get3A_14] : memref<128x128xf32, #tpu.memory_space<vmem>>, vector<128x128xf32>
    %dot_general3A = arith.constant dense<0.000000e+00> : vector<1000x128xf32>
    %dot_general3A_16 = tpu.matmul %add3A_12, %get3A_15, %dot_general3A {dimension_numbers = #tpu.dot_dimension_numbers<[1], [0], [0], [1], [0, 0, 1, 1], [], []>, transpose_lhs_hint = false} : vector<1000x128xf32>, vector<128x128xf32>, vector<1000x128xf32> -> vector<1000x128xf32>
    %get3A_17 = arith.constant 0 : index
    %get3A_18 = vector.load %arg4[%get3A_17] : memref<128xf32, #tpu.memory_space<vmem>>, vector<128xf32>
    %broadcast_in_dim3A = vector.shape_cast %get3A_18 : vector<128xf32> to vector<1x128xf32>
    %add3A_19 = vector.broadcast %broadcast_in_dim3A : vector<1x128xf32> to vector<1000x128xf32>
    %add3A_20 = arith.addf %dot_general3A_16, %add3A_19 : vector<1000x128xf32>
    %max3A = arith.constant 0.000000e+00 : f32
    %max3A_21 = vector.broadcast %max3A : f32 to vector<1000x128xf32>
    %max3A_22 = arith.maximumf %add3A_20, %max3A_21 : vector<1000x128xf32>
    %get3A_23 = arith.constant 0 : index
    %get3A_24 = arith.constant 0 : index
    %get3A_25 = vector.load %arg5[%get3A_23, %get3A_24] : memref<128x128xf32, #tpu.memory_space<vmem>>, vector<128x128xf32>
    %dot_general3A_26 = arith.constant dense<0.000000e+00> : vector<1000x128xf32>
    %dot_general3A_27 = tpu.matmul %max3A_22, %get3A_25, %dot_general3A_26 {dimension_numbers = #tpu.dot_dimension_numbers<[1], [0], [0], [1], [0, 0, 1, 1], [], []>, transpose_lhs_hint = false} : vector<1000x128xf32>, vector<128x128xf32>, vector<1000x128xf32> -> vector<1000x128xf32>
    %get3A_28 = arith.constant 0 : index
    %get3A_29 = vector.load %arg6[%get3A_28] : memref<128xf32, #tpu.memory_space<vmem>>, vector<128xf32>
    %broadcast_in_dim3A_30 = vector.shape_cast %get3A_29 : vector<128xf32> to vector<1x128xf32>
    %add3A_31 = vector.broadcast %broadcast_in_dim3A_30 : vector<1x128xf32> to vector<1000x128xf32>
    %add3A_32 = arith.addf %dot_general3A_27, %add3A_31 : vector<1000x128xf32>
    %add3A_33 = arith.addf %get3A_1, %add3A_32 : vector<1000x128xf32>
    %reduce_sum3A = arith.constant dense<0.000000e+00> : vector<1000xf32>
    %reduce_sum3A_34 = vector.multi_reduction <add>, %add3A_33, %reduce_sum3A [1] : vector<1000x128xf32> to vector<1000xf32>
    %broadcast_in_dim3A_35 = vector.shape_cast %reduce_sum3A_34 : vector<1000xf32> to vector<1000x1xf32>
    %div3A = arith.constant 1.280000e+02 : f32
    %div3A_36 = vector.broadcast %div3A : f32 to vector<1000x1xf32>
    %div3A_37 = arith.divf %broadcast_in_dim3A_35, %div3A_36 : vector<1000x1xf32>
    %sub3A = vector.broadcast %div3A_37 : vector<1000x1xf32> to vector<1000x128xf32>
    %sub3A_38 = arith.subf %add3A_33, %sub3A : vector<1000x128xf32>
    %integer_pow3A = arith.mulf %sub3A_38, %sub3A_38 : vector<1000x128xf32>
    %reduce_sum3A_39 = arith.constant dense<0.000000e+00> : vector<1000xf32>
    %reduce_sum3A_40 = vector.multi_reduction <add>, %integer_pow3A, %reduce_sum3A_39 [1] : vector<1000x128xf32> to vector<1000xf32>
    %broadcast_in_dim3A_41 = vector.shape_cast %reduce_sum3A_40 : vector<1000xf32> to vector<1000x1xf32>
    %div3A_42 = arith.constant 1.280000e+02 : f32
    %div3A_43 = vector.broadcast %div3A_42 : f32 to vector<1000x1xf32>
    %div3A_44 = arith.divf %broadcast_in_dim3A_41, %div3A_43 : vector<1000x1xf32>
    %sub3A_45 = vector.broadcast %div3A_37 : vector<1000x1xf32> to vector<1000x128xf32>
    %sub3A_46 = arith.subf %add3A_33, %sub3A_45 : vector<1000x128xf32>
    %add3A_47 = arith.constant 9.99999974E-6 : f32
    %add3A_48 = vector.broadcast %add3A_47 : f32 to vector<1000x1xf32>
    %add3A_49 = arith.addf %div3A_44, %add3A_48 : vector<1000x1xf32>
    %sqrt3A = math.sqrt %add3A_49 : vector<1000x1xf32>
    %div3A_50 = vector.broadcast %sqrt3A : vector<1000x1xf32> to vector<1000x128xf32>
    %div3A_51 = arith.divf %sub3A_46, %div3A_50 : vector<1000x128xf32>
    %get3A_52 = arith.constant 0 : index
    %get3A_53 = vector.load %arg7[%get3A_52] : memref<128xf32, #tpu.memory_space<vmem>>, vector<128xf32>
    %broadcast_in_dim3A_54 = vector.shape_cast %get3A_53 : vector<128xf32> to vector<1x128xf32>
    %mul3A = vector.broadcast %broadcast_in_dim3A_54 : vector<1x128xf32> to vector<1000x128xf32>
    %mul3A_55 = arith.mulf %div3A_51, %mul3A : vector<1000x128xf32>
    %get3A_56 = arith.constant 0 : index
    %get3A_57 = vector.load %arg8[%get3A_56] : memref<128xf32, #tpu.memory_space<vmem>>, vector<128xf32>
    %broadcast_in_dim3A_58 = vector.shape_cast %get3A_57 : vector<128xf32> to vector<1x128xf32>
    %add3A_59 = vector.broadcast %broadcast_in_dim3A_58 : vector<1x128xf32> to vector<1000x128xf32>
    %add3A_60 = arith.addf %mul3A_55, %add3A_59 : vector<1000x128xf32>
    %swap3A = arith.constant 0 : index
    %swap3A_61 = arith.constant 0 : index
    %swap3A_62 = vector.load %arg9[%swap3A, %swap3A_61] : memref<1000x128xf32, #tpu.memory_space<vmem>>, vector<1000x128xf32>
    tpu.vector_store %arg9[%swap3A, %swap3A_61], %add3A_60 {strides = array<i32>} : memref<1000x128xf32, #tpu.memory_space<vmem>>, vector<1000x128xf32>,
    return
  }
  func.func @transform_0(%arg0: i32) -> (i32, i32) {
    %c0_i32 = arith.constant 0 : i32
    %c0_i32_0 = arith.constant 0 : i32
    return %arg0, %c0_i32 : i32, i32
  }
  func.func @transform_1(%arg0: i32) -> (i32, i32, i32) {
    %c0_i32 = arith.constant 0 : i32
    %c0_i32_0 = arith.constant 0 : i32
    %c0_i32_1 = arith.constant 0 : i32
    return %c0_i32, %arg0, %c0_i32_0 : i32, i32, i32
  }
  func.func @transform_2(%arg0: i32) -> (i32, i32) {
    %c0_i32 = arith.constant 0 : i32
    %c0_i32_0 = arith.constant 0 : i32
    %c0_i32_1 = arith.constant 0 : i32
    return %c0_i32, %c0_i32_0 : i32, i32
  }
  func.func @transform_3(%arg0: i32) -> i32 {
    %c0_i32 = arith.constant 0 : i32
    %c0_i32_0 = arith.constant 0 : i32
    return %c0_i32 : i32
  }
  func.func @transform_4(%arg0: i32) -> (i32, i32) {
    %c0_i32 = arith.constant 0 : i32
    %c0_i32_0 = arith.constant 0 : i32
    %c0_i32_1 = arith.constant 0 : i32
    return %c0_i32, %c0_i32_0 : i32, i32
  }
  func.func @transform_5(%arg0: i32) -> i32 {
    %c0_i32 = arith.constant 0 : i32
    %c0_i32_0 = arith.constant 0 : i32
    return %c0_i32 : i32
  }
  func.func @transform_6(%arg0: i32) -> i32 {
    %c0_i32 = arith.constant 0 : i32
    %c0_i32_0 = arith.constant 0 : i32
    return %c0_i32 : i32
  }
  func.func @transform_7(%arg0: i32) -> i32 {
    %c0_i32 = arith.constant 0 : i32
    %c0_i32_0 = arith.constant 0 : i32
    return %c0_i32 : i32
  }
  func.func @transform_8(%arg0: i32) -> (i32, i32) {
    %c0_i32 = arith.constant 0 : i32
    %c0_i32_0 = arith.constant 0 : i32
    return %arg0, %c0_i32 : i32, i32
  }
}

module attributes {stable_mosaic.version = 14 : i64} {
  func.func @_gat_build_kernel(%arg0: i32, %arg1: memref<10000x128xf32, #tpu.memory_space<vmem>>, %arg2: memref<128x128xf32, #tpu.memory_space<vmem>>, %arg3: memref<1x1x128xf32, #tpu.memory_space<vmem>>, %arg4: memref<1x1x128xf32, #tpu.memory_space<vmem>>, %arg5: memref<1x10000x144xf32, #tpu.memory_space<vmem>>, %arg6: memref<1x1x10000xf32, #tpu.memory_space<vmem>>) attributes {dimension_semantics = [#tpu.dimension_semantics<arbitrary>], iteration_bounds = array<i64: 4>, scalar_prefetch = 0 : i64, scratch_operands = 0 : i64, tpu.core_type = #tpu.core_type<tc>, window_params = [{pipeline_mode = #tpu.pipeline_mode<synchronous>, transform_indices = @transform_0, window_bounds = array<i64: 10000, 128>}, {transform_indices = @transform_1, window_bounds = array<i64: 128, 128>}, {transform_indices = @transform_2, window_bounds = array<i64: 1, 1, 128>}, {transform_indices = @transform_3, window_bounds = array<i64: 1, 1, 128>}, {transform_indices = @transform_4, window_bounds = array<i64: 1, 10000, 144>}, {transform_indices = @transform_5, window_bounds = array<i64: 1, 1, 10000>}]} {
    %get3A = arith.constant 0 : index
    %get3A_0 = arith.constant 0 : index
    %get3A_1 = vector.load %arg1[%get3A, %get3A_0] : memref<10000x128xf32, #tpu.memory_space<vmem>>, vector<10000x128xf32>
    %get3A_2 = arith.constant 0 : index
    %get3A_3 = arith.constant 0 : index
    %get3A_4 = vector.load %arg2[%get3A_2, %get3A_3] : memref<128x128xf32, #tpu.memory_space<vmem>>, vector<128x128xf32>
    %dot_general3A = arith.constant dense<0.000000e+00> : vector<10000x128xf32>
    %dot_general3A_5 = tpu.matmul %get3A_1, %get3A_4, %dot_general3A {dimension_numbers = #tpu.dot_dimension_numbers<[1], [0], [0], [1], [0, 0, 1, 1], [], []>, transpose_lhs_hint = false} : vector<10000x128xf32>, vector<128x128xf32>, vector<10000x128xf32> -> vector<10000x128xf32>
    %get3A_6 = arith.constant 0 : index
    %get3A_7 = arith.constant 0 : index
    %get3A_8 = arith.constant 0 : index
    %get3A_9 = vector.load %arg3[%get3A_6, %get3A_7, %get3A_8] : memref<1x1x128xf32, #tpu.memory_space<vmem>>, vector<1x1x128xf32>
    %get3A_10 = vector.shape_cast %get3A_9 : vector<1x1x128xf32> to vector<1x128xf32>
    %mul3A = vector.broadcast %get3A_10 : vector<1x128xf32> to vector<10000x128xf32>
    %mul3A_11 = arith.mulf %dot_general3A_5, %mul3A : vector<10000x128xf32>
    %reduce_sum3A = arith.constant dense<0.000000e+00> : vector<10000xf32>
    %reduce_sum3A_12 = vector.multi_reduction <add>, %mul3A_11, %reduce_sum3A [1] : vector<10000x128xf32> to vector<10000xf32>
    %broadcast_in_dim3A = arith.constant 1.000000e+00 : f32
    %broadcast_in_dim3A_13 = vector.broadcast %broadcast_in_dim3A : f32 to vector<10000x1xf32>
    %broadcast_in_dim3A_14 = vector.shape_cast %reduce_sum3A_12 : vector<10000xf32> to vector<10000x1xf32>
    %broadcast_in_dim3A_15 = arith.constant 0.000000e+00 : f32
    %broadcast_in_dim3A_16 = vector.broadcast %broadcast_in_dim3A_15 : f32 to vector<10000x14xf32>
    %concatenate3A = tpu.concatenate %dot_general3A_5, %broadcast_in_dim3A_13, %broadcast_in_dim3A_14, %broadcast_in_dim3A_16 in 1 : vector<10000x128xf32>, vector<10000x1xf32>, vector<10000x1xf32>, vector<10000x14xf32> -> vector<10000x144xf32>
    %swap3A = arith.constant 0 : index
    %swap3A_17 = arith.constant 0 : index
    %swap3A_18 = arith.constant 0 : index
    %swap3A_19 = vector.load %arg5[%swap3A, %swap3A_17, %swap3A_18] : memref<1x10000x144xf32, #tpu.memory_space<vmem>>, vector<1x10000x144xf32>
    %swap3A_20 = vector.shape_cast %swap3A_19 : vector<1x10000x144xf32> to vector<10000x144xf32>
    %swap3A_21 = vector.shape_cast %concatenate3A : vector<10000x144xf32> to vector<1x10000x144xf32>
    tpu.vector_store %arg5[%swap3A, %swap3A_17, %swap3A_18], %swap3A_21 {strides = array<i32>} : memref<1x10000x144xf32, #tpu.memory_space<vmem>>, vector<1x10000x144xf32>,
    %get3A_22 = arith.constant 0 : index
    %get3A_23 = arith.constant 0 : index
    %get3A_24 = arith.constant 0 : index
    %get3A_25 = vector.load %arg4[%get3A_22, %get3A_23, %get3A_24] : memref<1x1x128xf32, #tpu.memory_space<vmem>>, vector<1x1x128xf32>
    %get3A_26 = vector.shape_cast %get3A_25 : vector<1x1x128xf32> to vector<1x128xf32>
    %mul3A_27 = vector.broadcast %get3A_26 : vector<1x128xf32> to vector<10000x128xf32>
    %mul3A_28 = arith.mulf %dot_general3A_5, %mul3A_27 : vector<10000x128xf32>
    %reduce_sum3A_29 = arith.constant dense<0.000000e+00> : vector<10000xf32>
    %reduce_sum3A_30 = vector.multi_reduction <add>, %mul3A_28, %reduce_sum3A_29 [1] : vector<10000x128xf32> to vector<10000xf32>
    %swap3A_31 = arith.constant 0 : index
    %swap3A_32 = arith.constant 0 : index
    %swap3A_33 = arith.constant 0 : index
    %swap3A_34 = vector.load %arg6[%swap3A_31, %swap3A_32, %swap3A_33] : memref<1x1x10000xf32, #tpu.memory_space<vmem>>, vector<1x1x10000xf32>
    %swap3A_35 = vector.shape_cast %swap3A_34 : vector<1x1x10000xf32> to vector<10000xf32>
    %swap3A_36 = vector.shape_cast %reduce_sum3A_30 : vector<10000xf32> to vector<1x1x10000xf32>
    tpu.vector_store %arg6[%swap3A_31, %swap3A_32, %swap3A_33], %swap3A_36 {strides = array<i32>} : memref<1x1x10000xf32, #tpu.memory_space<vmem>>, vector<1x1x10000xf32>,
    return
  }
  func.func @transform_0(%arg0: i32) -> (i32, i32) {
    %c0_i32 = arith.constant 0 : i32
    %c0_i32_0 = arith.constant 0 : i32
    %c0_i32_1 = arith.constant 0 : i32
    return %c0_i32, %c0_i32_0 : i32, i32
  }
  func.func @transform_1(%arg0: i32) -> (i32, i32) {
    %c0_i32 = arith.constant 0 : i32
    %c0_i32_0 = arith.constant 0 : i32
    return %c0_i32, %arg0 : i32, i32
  }
  func.func @transform_2(%arg0: i32) -> (i32, i32, i32) {
    %c0_i32 = arith.constant 0 : i32
    %c0_i32_0 = arith.constant 0 : i32
    %c0_i32_1 = arith.constant 0 : i32
    return %arg0, %c0_i32, %c0_i32_0 : i32, i32, i32
  }
  func.func @transform_3(%arg0: i32) -> (i32, i32, i32) {
    %c0_i32 = arith.constant 0 : i32
    %c0_i32_0 = arith.constant 0 : i32
    %c0_i32_1 = arith.constant 0 : i32
    return %arg0, %c0_i32, %c0_i32_0 : i32, i32, i32
  }
  func.func @transform_4(%arg0: i32) -> (i32, i32, i32) {
    %c0_i32 = arith.constant 0 : i32
    %c0_i32_0 = arith.constant 0 : i32
    %c0_i32_1 = arith.constant 0 : i32
    return %arg0, %c0_i32, %c0_i32_0 : i32, i32, i32
  }
  func.func @transform_5(%arg0: i32) -> (i32, i32, i32) {
    %c0_i32 = arith.constant 0 : i32
    %c0_i32_0 = arith.constant 0 : i32
    %c0_i32_1 = arith.constant 0 : i32
    return %arg0, %c0_i32, %c0_i32_0 : i32, i32, i32
  }
}

module attributes {stable_mosaic.version = 14 : i64} {
  func.func @_pool_kernel(%arg0: i32, %arg1: memref<1000x128xf32, #tpu.memory_space<vmem>>, %arg2: memref<1000x1xi32, #tpu.memory_space<vmem>>, %arg3: memref<128x128xf32, #tpu.memory_space<vmem>>, %arg4: memref<128xf32, #tpu.memory_space<vmem>>, %arg5: memref<128x1xf32, #tpu.memory_space<vmem>>, %arg6: memref<1xf32, #tpu.memory_space<vmem>>, %arg7: memref<64x128xf32, #tpu.memory_space<vmem>>, %arg8: memref<64x1xf32, #tpu.memory_space<vmem>>) attributes {dimension_semantics = [#tpu.dimension_semantics<arbitrary>], iteration_bounds = array<i64: 10>, scalar_prefetch = 0 : i64, scratch_operands = 0 : i64, tpu.core_type = #tpu.core_type<tc>, window_params = [{transform_indices = @transform_0, window_bounds = array<i64: 1000, 128>}, {transform_indices = @transform_1, window_bounds = array<i64: 1000, 1>}, {pipeline_mode = #tpu.pipeline_mode<synchronous>, transform_indices = @transform_2, window_bounds = array<i64: 128, 128>}, {pipeline_mode = #tpu.pipeline_mode<synchronous>, transform_indices = @transform_3, window_bounds = array<i64: 128>}, {pipeline_mode = #tpu.pipeline_mode<synchronous>, transform_indices = @transform_4, window_bounds = array<i64: 128, 1>}, {pipeline_mode = #tpu.pipeline_mode<synchronous>, transform_indices = @transform_5, window_bounds = array<i64: 1>}, {pipeline_mode = #tpu.pipeline_mode<synchronous>, transform_indices = @transform_6, window_bounds = array<i64: 64, 128>}, {pipeline_mode = #tpu.pipeline_mode<synchronous>, transform_indices = @transform_7, window_bounds = array<i64: 64, 1>}]} {
    %get3A = arith.constant 0 : index
    %get3A_0 = arith.constant 0 : index
    %get3A_1 = vector.load %arg1[%get3A, %get3A_0] : memref<1000x128xf32, #tpu.memory_space<vmem>>, vector<1000x128xf32>
    %get3A_2 = arith.constant 0 : index
    %get3A_3 = arith.constant 0 : index
    %get3A_4 = vector.load %arg3[%get3A_2, %get3A_3] : memref<128x128xf32, #tpu.memory_space<vmem>>, vector<128x128xf32>
    %dot_general3A = arith.constant dense<0.000000e+00> : vector<1000x128xf32>
    %dot_general3A_5 = tpu.matmul %get3A_1, %get3A_4, %dot_general3A {dimension_numbers = #tpu.dot_dimension_numbers<[1], [0], [0], [1], [0, 0, 1, 1], [], []>, transpose_lhs_hint = false} : vector<1000x128xf32>, vector<128x128xf32>, vector<1000x128xf32> -> vector<1000x128xf32>
    %get3A_6 = arith.constant 0 : index
    %get3A_7 = vector.load %arg4[%get3A_6] : memref<128xf32, #tpu.memory_space<vmem>>, vector<128xf32>
    %broadcast_in_dim3A = vector.shape_cast %get3A_7 : vector<128xf32> to vector<1x128xf32>
    %add3A = vector.broadcast %broadcast_in_dim3A : vector<1x128xf32> to vector<1000x128xf32>
    %add3A_8 = arith.addf %dot_general3A_5, %add3A : vector<1000x128xf32>
    %max3A = arith.constant 0.000000e+00 : f32
    %max3A_9 = vector.broadcast %max3A : f32 to vector<1000x128xf32>
    %max3A_10 = arith.maximumf %add3A_8, %max3A_9 : vector<1000x128xf32>
    %get3A_11 = arith.constant 0 : index
    %get3A_12 = arith.constant 0 : index
    %get3A_13 = vector.load %arg5[%get3A_11, %get3A_12] : memref<128x1xf32, #tpu.memory_space<vmem>>, vector<128x1xf32>
    %dot_general3A_14 = arith.constant dense<0.000000e+00> : vector<1000x1xf32>
    %dot_general3A_15 = tpu.matmul %max3A_10, %get3A_13, %dot_general3A_14 {dimension_numbers = #tpu.dot_dimension_numbers<[1], [0], [0], [1], [0, 0, 1, 1], [], []>, transpose_lhs_hint = false} : vector<1000x128xf32>, vector<128x1xf32>, vector<1000x1xf32> -> vector<1000x1xf32>
    %get3A_16 = arith.constant 0 : index
    %get3A_17 = vector.load %arg6[%get3A_16] : memref<1xf32, #tpu.memory_space<vmem>>, vector<1xf32>
    %broadcast_in_dim3A_18 = vector.shape_cast %get3A_17 : vector<1xf32> to vector<1x1xf32>
    %add3A_19 = vector.broadcast %broadcast_in_dim3A_18 : vector<1x1xf32> to vector<1000x1xf32>
    %add3A_20 = arith.addf %dot_general3A_15, %add3A_19 : vector<1000x1xf32>
    %squeeze3A = vector.shape_cast %add3A_20 : vector<1000x1xf32> to vector<1000xf32>
    %exp3A = math.exp %squeeze3A : vector<1000xf32>
    %get3A_21 = arith.constant 0 : index
    %get3A_22 = arith.constant 0 : index
    %get3A_23 = vector.load %arg2[%get3A_21, %get3A_22] : memref<1000x1xi32, #tpu.memory_space<vmem>>, vector<1000x1xi32>
    %iota3A = tpu.iota {dimensions = array<i32: 1>} : vector<1x64xi32>
    %eq3A = vector.broadcast %get3A_23 : vector<1000x1xi32> to vector<1000x64xi32>
    %eq3A_24 = vector.broadcast %iota3A : vector<1x64xi32> to vector<1000x64xi32>
    %eq3A_25 = arith.cmpi eq, %eq3A, %eq3A_24 : vector<1000x64xi32>
    %convert_element_type3A = arith.extui %eq3A_25 : vector<1000x64xi1> to vector<1000x64xi32>
    %convert_element_type3A_26 = arith.sitofp %convert_element_type3A : vector<1000x64xi32> to vector<1000x64xf32>
    %transpose3A = tpu.transpose %convert_element_type3A_26, [1, 0] : vector<1000x64xf32> -> vector<64x1000xf32>
    %broadcast_in_dim3A_27 = vector.shape_cast %exp3A : vector<1000xf32> to vector<1000x1xf32>
    %mul3A = vector.broadcast %broadcast_in_dim3A_27 : vector<1000x1xf32> to vector<1000x128xf32>
    %mul3A_28 = arith.mulf %mul3A, %get3A_1 : vector<1000x128xf32>
    %dot_general3A_29 = arith.constant dense<0.000000e+00> : vector<64x128xf32>
    %dot_general3A_30 = tpu.matmul %transpose3A, %mul3A_28, %dot_general3A_29 {dimension_numbers = #tpu.dot_dimension_numbers<[1], [0], [0], [1], [0, 0, 1, 1], [], []>, transpose_lhs_hint = false} : vector<64x1000xf32>, vector<1000x128xf32>, vector<64x128xf32> -> vector<64x128xf32>
    %transpose3A_31 = tpu.transpose %convert_element_type3A_26, [1, 0] : vector<1000x64xf32> -> vector<64x1000xf32>
    %broadcast_in_dim3A_32 = vector.shape_cast %exp3A : vector<1000xf32> to vector<1000x1xf32>
    %dot_general3A_33 = arith.constant dense<0.000000e+00> : vector<64x1xf32>
    %dot_general3A_34 = tpu.matmul %transpose3A_31, %broadcast_in_dim3A_32, %dot_general3A_33 {dimension_numbers = #tpu.dot_dimension_numbers<[1], [0], [0], [1], [0, 0, 1, 1], [], []>, transpose_lhs_hint = false} : vector<64x1000xf32>, vector<1000x1xf32>, vector<64x1xf32> -> vector<64x1xf32>
    %eq3A_35 = arith.constant 0 : i32
    %eq3A_36 = arith.cmpi eq, %arg0, %eq3A_35 : i32
    %convert_element_type3A_37 = arith.extui %eq3A_36 : i1 to i32
    %cond3A = arith.constant 0 : i32
    %cond3A_38 = arith.cmpi ne, %convert_element_type3A_37, %cond3A : i32
    scf.if %cond3A_38 {
      %broadcast_in_dim3A_52 = arith.constant 0.000000e+00 : f32
      %broadcast_in_dim3A_53 = vector.broadcast %broadcast_in_dim3A_52 : f32 to vector<64x128xf32>
      %swap3A_54 = arith.constant 0 : index
      %swap3A_55 = arith.constant 0 : index
      %swap3A_56 = vector.load %arg7[%swap3A_54, %swap3A_55] : memref<64x128xf32, #tpu.memory_space<vmem>>, vector<64x128xf32>
      tpu.vector_store %arg7[%swap3A_54, %swap3A_55], %broadcast_in_dim3A_53 {strides = array<i32>} : memref<64x128xf32, #tpu.memory_space<vmem>>, vector<64x128xf32>,
      %broadcast_in_dim3A_57 = arith.constant 0.000000e+00 : f32
      %broadcast_in_dim3A_58 = vector.broadcast %broadcast_in_dim3A_57 : f32 to vector<64x1xf32>
      %swap3A_59 = arith.constant 0 : index
      %swap3A_60 = arith.constant 0 : index
      %swap3A_61 = vector.load %arg8[%swap3A_59, %swap3A_60] : memref<64x1xf32, #tpu.memory_space<vmem>>, vector<64x1xf32>
      tpu.vector_store %arg8[%swap3A_59, %swap3A_60], %broadcast_in_dim3A_58 {strides = array<i32>} : memref<64x1xf32, #tpu.memory_space<vmem>>, vector<64x1xf32>,
    } else {
    }
    %get3A_39 = arith.constant 0 : index
    %get3A_40 = arith.constant 0 : index
    %get3A_41 = vector.load %arg7[%get3A_39, %get3A_40] : memref<64x128xf32, #tpu.memory_space<vmem>>, vector<64x128xf32>
    %add3A_42 = arith.addf %get3A_41, %dot_general3A_30 : vector<64x128xf32>
    %swap3A = arith.constant 0 : index
    %swap3A_43 = arith.constant 0 : index
    %swap3A_44 = vector.load %arg7[%swap3A, %swap3A_43] : memref<64x128xf32, #tpu.memory_space<vmem>>, vector<64x128xf32>
    tpu.vector_store %arg7[%swap3A, %swap3A_43], %add3A_42 {strides = array<i32>} : memref<64x128xf32, #tpu.memory_space<vmem>>, vector<64x128xf32>,
    %get3A_45 = arith.constant 0 : index
    %get3A_46 = arith.constant 0 : index
    %get3A_47 = vector.load %arg8[%get3A_45, %get3A_46] : memref<64x1xf32, #tpu.memory_space<vmem>>, vector<64x1xf32>
    %add3A_48 = arith.addf %get3A_47, %dot_general3A_34 : vector<64x1xf32>
    %swap3A_49 = arith.constant 0 : index
    %swap3A_50 = arith.constant 0 : index
    %swap3A_51 = vector.load %arg8[%swap3A_49, %swap3A_50] : memref<64x1xf32, #tpu.memory_space<vmem>>, vector<64x1xf32>
    tpu.vector_store %arg8[%swap3A_49, %swap3A_50], %add3A_48 {strides = array<i32>} : memref<64x1xf32, #tpu.memory_space<vmem>>, vector<64x1xf32>,
    return
  }
  func.func @transform_0(%arg0: i32) -> (i32, i32) {
    %c0_i32 = arith.constant 0 : i32
    %c0_i32_0 = arith.constant 0 : i32
    return %arg0, %c0_i32 : i32, i32
  }
  func.func @transform_1(%arg0: i32) -> (i32, i32) {
    %c0_i32 = arith.constant 0 : i32
    %c0_i32_0 = arith.constant 0 : i32
    return %arg0, %c0_i32 : i32, i32
  }
  func.func @transform_2(%arg0: i32) -> (i32, i32) {
    %c0_i32 = arith.constant 0 : i32
    %c0_i32_0 = arith.constant 0 : i32
    %c0_i32_1 = arith.constant 0 : i32
    return %c0_i32, %c0_i32_0 : i32, i32
  }
  func.func @transform_3(%arg0: i32) -> i32 {
    %c0_i32 = arith.constant 0 : i32
    %c0_i32_0 = arith.constant 0 : i32
    return %c0_i32 : i32
  }
  func.func @transform_4(%arg0: i32) -> (i32, i32) {
    %c0_i32 = arith.constant 0 : i32
    %c0_i32_0 = arith.constant 0 : i32
    %c0_i32_1 = arith.constant 0 : i32
    return %c0_i32, %c0_i32_0 : i32, i32
  }
  func.func @transform_5(%arg0: i32) -> i32 {
    %c0_i32 = arith.constant 0 : i32
    %c0_i32_0 = arith.constant 0 : i32
    return %c0_i32 : i32
  }
  func.func @transform_6(%arg0: i32) -> (i32, i32) {
    %c0_i32 = arith.constant 0 : i32
    %c0_i32_0 = arith.constant 0 : i32
    %c0_i32_1 = arith.constant 0 : i32
    return %c0_i32, %c0_i32_0 : i32, i32
  }
  func.func @transform_7(%arg0: i32) -> (i32, i32) {
    %c0_i32 = arith.constant 0 : i32
    %c0_i32_0 = arith.constant 0 : i32
    %c0_i32_1 = arith.constant 0 : i32
    return %c0_i32, %c0_i32_0 : i32, i32
  }
}

module attributes {stable_mosaic.version = 14 : i64} {
  func.func @_final_kernel(%arg0: memref<64x128xf32, #tpu.memory_space<vmem>>, %arg1: memref<64x1xf32, #tpu.memory_space<vmem>>, %arg2: memref<128x256xf32, #tpu.memory_space<vmem>>, %arg3: memref<256xf32, #tpu.memory_space<vmem>>, %arg4: memref<256xf32, #tpu.memory_space<vmem>>, %arg5: memref<256xf32, #tpu.memory_space<vmem>>, %arg6: memref<256x6xf32, #tpu.memory_space<vmem>>, %arg7: memref<6xf32, #tpu.memory_space<vmem>>, %arg8: memref<64x6xf32, #tpu.memory_space<vmem>>) attributes {dimension_semantics = [], scalar_prefetch = 0 : i64, scratch_operands = 0 : i64, tpu.core_type = #tpu.core_type<tc>} {
    %get3A = arith.constant 0 : index
    %get3A_0 = arith.constant 0 : index
    %get3A_1 = vector.load %arg0[%get3A, %get3A_0] : memref<64x128xf32, #tpu.memory_space<vmem>>, vector<64x128xf32>
    %get3A_2 = arith.constant 0 : index
    %get3A_3 = arith.constant 0 : index
    %get3A_4 = vector.load %arg1[%get3A_2, %get3A_3] : memref<64x1xf32, #tpu.memory_space<vmem>>, vector<64x1xf32>
    %add3A = arith.constant 1.000000e-16 : f32
    %add3A_5 = vector.broadcast %add3A : f32 to vector<64x1xf32>
    %add3A_6 = arith.addf %get3A_4, %add3A_5 : vector<64x1xf32>
    %div3A = vector.broadcast %add3A_6 : vector<64x1xf32> to vector<64x128xf32>
    %div3A_7 = arith.divf %get3A_1, %div3A : vector<64x128xf32>
    %get3A_8 = arith.constant 0 : index
    %get3A_9 = arith.constant 0 : index
    %get3A_10 = vector.load %arg2[%get3A_8, %get3A_9] : memref<128x256xf32, #tpu.memory_space<vmem>>, vector<128x256xf32>
    %dot_general3A = arith.constant dense<0.000000e+00> : vector<64x256xf32>
    %dot_general3A_11 = tpu.matmul %div3A_7, %get3A_10, %dot_general3A {dimension_numbers = #tpu.dot_dimension_numbers<[1], [0], [0], [1], [0, 0, 1, 1], [], []>, transpose_lhs_hint = false} : vector<64x128xf32>, vector<128x256xf32>, vector<64x256xf32> -> vector<64x256xf32>
    %get3A_12 = arith.constant 0 : index
    %get3A_13 = vector.load %arg3[%get3A_12] : memref<256xf32, #tpu.memory_space<vmem>>, vector<256xf32>
    %broadcast_in_dim3A = vector.shape_cast %get3A_13 : vector<256xf32> to vector<1x256xf32>
    %add3A_14 = vector.broadcast %broadcast_in_dim3A : vector<1x256xf32> to vector<64x256xf32>
    %add3A_15 = arith.addf %dot_general3A_11, %add3A_14 : vector<64x256xf32>
    %reduce_sum3A = arith.constant dense<0.000000e+00> : vector<64xf32>
    %reduce_sum3A_16 = vector.multi_reduction <add>, %add3A_15, %reduce_sum3A [1] : vector<64x256xf32> to vector<64xf32>
    %broadcast_in_dim3A_17 = vector.shape_cast %reduce_sum3A_16 : vector<64xf32> to vector<64x1xf32>
    %div3A_18 = arith.constant 2.560000e+02 : f32
    %div3A_19 = vector.broadcast %div3A_18 : f32 to vector<64x1xf32>
    %div3A_20 = arith.divf %broadcast_in_dim3A_17, %div3A_19 : vector<64x1xf32>
    %sub3A = vector.broadcast %div3A_20 : vector<64x1xf32> to vector<64x256xf32>
    %sub3A_21 = arith.subf %add3A_15, %sub3A : vector<64x256xf32>
    %integer_pow3A = arith.mulf %sub3A_21, %sub3A_21 : vector<64x256xf32>
    %reduce_sum3A_22 = arith.constant dense<0.000000e+00> : vector<64xf32>
    %reduce_sum3A_23 = vector.multi_reduction <add>, %integer_pow3A, %reduce_sum3A_22 [1] : vector<64x256xf32> to vector<64xf32>
    %broadcast_in_dim3A_24 = vector.shape_cast %reduce_sum3A_23 : vector<64xf32> to vector<64x1xf32>
    %div3A_25 = arith.constant 2.560000e+02 : f32
    %div3A_26 = vector.broadcast %div3A_25 : f32 to vector<64x1xf32>
    %div3A_27 = arith.divf %broadcast_in_dim3A_24, %div3A_26 : vector<64x1xf32>
    %sub3A_28 = vector.broadcast %div3A_20 : vector<64x1xf32> to vector<64x256xf32>
    %sub3A_29 = arith.subf %add3A_15, %sub3A_28 : vector<64x256xf32>
    %add3A_30 = arith.constant 9.99999974E-6 : f32
    %add3A_31 = vector.broadcast %add3A_30 : f32 to vector<64x1xf32>
    %add3A_32 = arith.addf %div3A_27, %add3A_31 : vector<64x1xf32>
    %sqrt3A = math.sqrt %add3A_32 : vector<64x1xf32>
    %div3A_33 = vector.broadcast %sqrt3A : vector<64x1xf32> to vector<64x256xf32>
    %div3A_34 = arith.divf %sub3A_29, %div3A_33 : vector<64x256xf32>
    %get3A_35 = arith.constant 0 : index
    %get3A_36 = vector.load %arg4[%get3A_35] : memref<256xf32, #tpu.memory_space<vmem>>, vector<256xf32>
    %broadcast_in_dim3A_37 = vector.shape_cast %get3A_36 : vector<256xf32> to vector<1x256xf32>
    %mul3A = vector.broadcast %broadcast_in_dim3A_37 : vector<1x256xf32> to vector<64x256xf32>
    %mul3A_38 = arith.mulf %div3A_34, %mul3A : vector<64x256xf32>
    %get3A_39 = arith.constant 0 : index
    %get3A_40 = vector.load %arg5[%get3A_39] : memref<256xf32, #tpu.memory_space<vmem>>, vector<256xf32>
    %broadcast_in_dim3A_41 = vector.shape_cast %get3A_40 : vector<256xf32> to vector<1x256xf32>
    %add3A_42 = vector.broadcast %broadcast_in_dim3A_41 : vector<1x256xf32> to vector<64x256xf32>
    %add3A_43 = arith.addf %mul3A_38, %add3A_42 : vector<64x256xf32>
    %max3A = arith.constant 0.000000e+00 : f32
    %max3A_44 = vector.broadcast %max3A : f32 to vector<64x256xf32>
    %max3A_45 = arith.maximumf %add3A_43, %max3A_44 : vector<64x256xf32>
    %get3A_46 = arith.constant 0 : index
    %get3A_47 = arith.constant 0 : index
    %get3A_48 = vector.load %arg6[%get3A_46, %get3A_47] : memref<256x6xf32, #tpu.memory_space<vmem>>, vector<256x6xf32>
    %dot_general3A_49 = arith.constant dense<0.000000e+00> : vector<64x6xf32>
    %dot_general3A_50 = tpu.matmul %max3A_45, %get3A_48, %dot_general3A_49 {dimension_numbers = #tpu.dot_dimension_numbers<[1], [0], [0], [1], [0, 0, 1, 1], [], []>, transpose_lhs_hint = false} : vector<64x256xf32>, vector<256x6xf32>, vector<64x6xf32> -> vector<64x6xf32>
    %get3A_51 = arith.constant 0 : index
    %get3A_52 = vector.load %arg7[%get3A_51] : memref<6xf32, #tpu.memory_space<vmem>>, vector<6xf32>
    %broadcast_in_dim3A_53 = vector.shape_cast %get3A_52 : vector<6xf32> to vector<1x6xf32>
    %add3A_54 = vector.broadcast %broadcast_in_dim3A_53 : vector<1x6xf32> to vector<64x6xf32>
    %add3A_55 = arith.addf %dot_general3A_50, %add3A_54 : vector<64x6xf32>
    %swap3A = arith.constant 0 : index
    %swap3A_56 = arith.constant 0 : index
    %swap3A_57 = vector.load %arg8[%swap3A, %swap3A_56] : memref<64x6xf32, #tpu.memory_space<vmem>>, vector<64x6xf32>
    tpu.vector_store %arg8[%swap3A, %swap3A_56], %add3A_55 {strides = array<i32>} : memref<64x6xf32, #tpu.memory_space<vmem>>, vector<64x6xf32>,
    return
  }
}

</mosaic_0001>

<sc_bundles>
// kernel: kernel.14.cloned.1.call-start
scs
__scs_entry_jumppad:
0x0: {  	(pc) =	sbr.rel $0x88, $3  }
0x1: {  	(tag) =	ssettag $0x0;
	lr =	simm.s32 $0x1  }
0x2: {  	[smem:$0x3F80] =	sst lr;
	_ =	strace $0xD0000000  }
0x3: {  	_ = 	snop  }
0x4: {  	_ = 	snop  }
0x5: {  	_ = 	snop  }
0x6: {  	_ = 	snop  }
0x7: {  	_ = 	snop  }
__scs_overlays_trampoline_lowered:
0x8: {  	[smem:$0x3F8F] =	sst s0  }
0x9: {  	[smem:$0x3F90] =	sst s1  }
0xa: {  	[smem:$0x3F91] =	sst s2  }
0xb: {  	[smem:$0x3F92] =	sst s3  }
0xc: {  	[smem:$0x3F93] =	sst s4  }
0xd: {  	[smem:$0x3F94] =	sst s5  }
0xe: {  	[smem:$0x3F95] =	sst s6  }
0xf: {  	[smem:$0x3F96] =	sst s7  }
0x10: {  	[smem:$0x3F97] =	sst s8  }
0x11: {  	[smem:$0x3F98] =	sst s9;
	s0 =	simm.s32 @!p0 $0x0  }
0x12: {  	s1 =	sld [smem:$0x3F7E];
	s0 =	simm.s32 @p0 $0x1  }
0x13: {  	[smem:$0x3F99] =	sst s0;
	s0 =	simm.s32 @!p1 $0x0  }
0x14: {  	s2 =	sld [smem:$0x3F7D];
	s0 =	simm.s32 @p1 $0x1  }
0x15: {  	[smem:$0x3F9A] =	sst s0;
	s0 =	simm.s32 @!p2 $0x0  }
0x16: {  	s3 =	sld [smem:$0x3FDB];
	s0 =	simm.s32 @p2 $0x1  }
0x17: {  	s4 =	simm.s32 $0x1BF5;
	[smem:$0x3F9C] =	sst s0  }
0x18: {  	s0 =	sld [smem:$0x3F7F];
	_ =	swait.ge [sflag:s4], $0x0  }
0x19: {  	s7 =	sld [smem:$0x3F80]  }
0x1a: {  	s8 =	sadd.s32 $0xFFFFE003, lr  }
0x1b: {  	s9 =	sadd.s32 $0xFFFFFEF7, lr;
	s5 =	simm.s32 $0xFFFFFFFF;
	p2 =	slt.u32 s8, $0xFFFFF086  }
0x1c: {  	p1 =	slt.u32 s9, $0xF7A;
	s5 =	simm.s32 @!p2 $0x0  }
0x1d: {  	s5 =	simm.s32 @p1 $0x1;
	p0 =	seq.s32 s7, s2  }
0x1e: {  	s7 =	smul.u32 @!p0 $0xF7A, s2;
	p2 =	seq.s32 @!p0 s5, $0x0  }
0x1f: {  	s9 =	smul.u32 $0xF7A, s1;
	s8 =	simm.s32 @!p0 $0x1BF5;
	p2 =	por !p2, p0  }
0x20: {  	[sflag:s8] =	ssyncset.s32 @!p0 $0xFFFFF086;
	s6 =	sadd.s32 @!p0 s3, s7;
	s7 =	simm.s32 @!p0 $0x108  }
0x21: {  	s3 =	sadd.s32 s3, s9;
	s6 =	sadd.s32 @!p0 $0x88, s6;
	s7 =	simm.s32 @p2 $0x1082  }
0x22: {  	[simem:s7], [sflag:s8] =	dma.local @!p0 [hbm:s6], $0xF7A  }
0x23: {  	s9 =	sor.u32 $0xD0000000, s2;
	s6 =	simm.s32 $0x108;
	_ =	swait.ge @!p0 [sflag:s8], $0x0  }
0x24: {  	s3 =	sadd.s32 $0x88, s3;
	s6 =	simm.s32 @!p1 $0x1082;
	[sflag:s4] =	ssyncset.s32 $0xFFFFF086  }
0x25: {  	[simem:s6], [sflag:s4] =	dma.local [hbm:s3], $0xF7A  }
0x26: {  	[smem:$0x3F80] =	sst s1;
	(tag) =	ssettag s2;
	_ =	strace s9  }
0x27: {  	s1 =	sld [smem:$0x3F90]  }
0x28: {  	s2 =	sld [smem:$0x3F91]  }
0x29: {  	s4 =	sld [smem:$0x3F93]  }
0x2a: {  	p0 =	seq.s32 s5, $0x0;
	s5 =	sld [smem:$0x3F94]  }
0x2b: {  	s6 =	sld [smem:$0x3F95]  }
0x2c: {  	s7 =	sld [smem:$0x3F96]  }
0x2d: {  	s3 =	simm.s32 $0x108;
	s8 =	sld [smem:$0x3F97]  }
0x2e: {  	s3 =	simm.s32 @!p0 $0x1082;
	s9 =	sld [smem:$0x3F98]  }
0x2f: {  	lr =	sadd.s32 s0, s3;
	s0 =	sld [smem:$0x3F8F]  }
0x30: {  	s3 =	sld [smem:$0x3F92]  }
0x31: {  	[smem:$0x3F9B] =	sst s10  }
0x32: {  	s10 =	sld [smem:$0x3F99];
	_ =	sdelay $0x3  }
0x33: {  	p0 =	seq.s32 s10, $0x1;
	s10 =	sld [smem:$0x3F9B];
	_ =	sdelay $0x3  }
0x34: {  	[smem:$0x3F9B] =	sst s10  }
0x35: {  	s10 =	sld [smem:$0x3F9A];
	_ =	sdelay $0x3  }
0x36: {  	p1 =	seq.s32 s10, $0x1;
	s10 =	sld [smem:$0x3F9B];
	_ =	sdelay $0x3  }
0x37: {  	[smem:$0x3F9B] =	sst s10  }
0x38: {  	s10 =	sld [smem:$0x3F9C]  }
0x39: {  	_ = 	snop;
	(pc) =	sbr.ind lr, $3  }
0x3a: {  	_ = 	snop  }
0x3b: {  	_ = 	snop  }
0x3c: {  	p2 =	seq.s32 s10, $0x1;
	s10 =	sld [smem:$0x3F9B]  }
0x3d: {  	_ =	shalt  }
0x3e: {  	_ =	shalt  }
0x3f: {  	_ =	shalt  }
0x40: {  	_ =	shalt  }
0x41: {  	_ =	shalt  }
0x42: {  	_ =	shalt  }
0x43: {  	_ =	shalt  }
0x44: {  	_ =	shalt  }
0x45: {  	_ =	shalt  }
0x46: {  	_ =	shalt  }
0x47: {  	_ =	shalt  }
0x48: {  	_ =	shalt  }
0x49: {  	_ =	shalt  }
0x4a: {  	_ =	shalt  }
0x4b: {  	_ =	shalt  }
0x4c: {  	_ =	shalt  }
0x4d: {  	_ =	shalt  }
0x4e: {  	_ =	shalt  }
0x4f: {  	_ =	shalt  }
0x50: {  	_ =	shalt  }
0x51: {  	_ =	shalt  }
0x52: {  	_ =	shalt  }
0x53: {  	_ =	shalt  }
0x54: {  	_ =	shalt  }
0x55: {  	_ =	shalt  }
0x56: {  	_ =	shalt  }
0x57: {  	_ =	shalt  }
0x58: {  	_ =	shalt  }
0x59: {  	_ =	shalt  }
0x5a: {  	_ =	shalt  }
0x5b: {  	_ =	shalt  }
0x5c: {  	_ =	shalt  }
0x5d: {  	_ =	shalt  }
0x5e: {  	_ =	shalt  }
0x5f: {  	_ =	shalt  }
0x60: {  	_ =	shalt  }
0x61: {  	_ =	shalt  }
0x62: {  	_ =	shalt  }
0x63: {  	_ =	shalt  }
0x64: {  	_ =	shalt  }
0x65: {  	_ =	shalt  }
0x66: {  	_ =	shalt  }
0x67: {  	_ =	shalt  }
0x68: {  	_ =	shalt  }
0x69: {  	_ =	shalt  }
0x6a: {  	_ =	shalt  }
0x6b: {  	_ =	shalt  }
0x6c: {  	_ =	shalt  }
0x6d: {  	_ =	shalt  }
0x6e: {  	_ =	shalt  }
0x6f: {  	_ =	shalt  }
0x70: {  	_ =	shalt  }
0x71: {  	_ =	shalt  }
0x72: {  	_ =	shalt  }
0x73: {  	_ =	shalt  }
0x74: {  	_ =	shalt  }
0x75: {  	_ =	shalt  }
0x76: {  	_ =	shalt  }
0x77: {  	_ =	shalt  }
0x78: {  	_ =	shalt  }
0x79: {  	_ =	shalt  }
0x7a: {  	_ =	shalt  }
0x7b: {  	_ =	shalt  }
0x7c: {  	_ =	shalt  }
0x7d: {  	_ =	shalt  }
0x7e: {  	_ =	shalt  }
0x7f: {  	_ =	shalt  }
0x80: {  	_ =	shalt  }
0x81: {  	_ =	shalt  }
0x82: {  	_ =	shalt  }
0x83: {  	_ =	shalt  }
0x84: {  	_ =	shalt  }
0x85: {  	_ =	shalt  }
0x86: {  	_ =	shalt  }
0x87: {  	_ =	shalt  }
.Lfunc_end0:
.L_simem_size_0:
called_computation_lowered:
.L_overlay_start_0:
0x88: {  	s2 =	sld [smem:$0x3FD9]  }
0x89: {  	s3 =	sld [smem:$0x3FFE];
	_ =	sdelay $0x1  }
0x8a: {  	s1 =	srdreg.scid  }
0x8b: {  	s0 =	sand.u32 $0x1, s1  }
0x8c: {  	s16 =	sshll.u32 s0, $0xA;
	s2 =	sadd.s32 s3, s2  }
0x8d: {  	s2 =	sadd.s32 s2, s16  }
0x8e: {  	[smem:$0x3FA7] =	sst s2  }
0x8f: {  	_ = 	snop  }
0x90: {  	(tm) =	ssettm $0x1  }
0x91: {  	s17 =	sld [smem:$0x3FFB];
	_ =	sdelay $0x3  }
0x92: {  	_ =	strace s17  }
0x93: {  	s2 =	sld [smem:$0x3FFC];
	_ =	sdelay $0x3  }
0x94: {  	_ =	strace s2  }
0x95: {  	s2 =	sld [smem:$0x3FFD];
	_ =	sdelay $0x3  }
0x96: {  	_ =	strace s2  }
0x97: {  	_ =	strace $0x8FFFFFFF  }
0x98: {  	s18 =	sld [smem:$0x3FDB];
	_ =	sdelay $0x1  }
0x99: {  	s19 =	simm.s32 $_scs_section_size  }
0x9a: {  	s4 =	simm.s32 $_size__tile_overlayer_lowered;
	s5 =	simm.s32 $_tile_overlayer_lowered  }
0x9b: {  	s22 =	simm.s32 $0x1BFF;
	s21 =	sshll.u32 s5, $0x1;
	s2 =	sadd.s32 s19, s18  }
0x9c: {  	s6 =	simm.s32 $0x0;
	s20 =	sshll.u32 s4, $0x1;
	s4 =	sadd.s32 s21, s2  }
0x9d: {  	[timem:s6], [sflag:s22] =	dma.local [hbm:s4], s20  }
0x9e: {  	_ =	swait.ge [sflag:s22], s20  }
0x9f: {  	s3 =	ssub.s32 $0x0, s20;
	[sflag:s22] =	ssyncset.done $0x0  }
0xa0: {  	[sflag:s22] =	ssyncadd.s32 s3;
	_ =	sdelay $0x1  }
0xa1: {  	s23 =	simm.s32 $0x1B8B  }
0xa2: {  	_ =	swait.ge [sflag:s23], $0x1  }
0xa3: {  	[sflag:s23] =	ssyncset.done $0x0  }
0xa4: {  	s25 =	simm.s32 $0x1B8E;
	s24 =	sld [smem:$0x3FFE];
	[sflag:s23] =	ssyncadd.s32 $0xFFFFFFFF  }
0xa5: {  	s26 =	simm.s32 $execute0_lowered;
	[smem:$0x3FD2] =	sst s25  }
0xa6: {  	s4 =	sshll.u32 s26, $0x1;
	_ =	strace $0x80000046;
	[dreg:$0x1] =	wrdreg $0xFFFFFFFF  }
0xa7: {  	s28 =	simm.s32 $_size_execute0_lowered;
	s2 =	sadd.s32 s2, s4;
	[dreg:$0x0] =	wrdreg $0x0  }
0xa8: {  	s4 =	sshll.u32 s28, $0x1;
	[dreg:$0x2] =	wrdreg s2  }
0xa9: {  	[dreg:$0x3] =	wrdreg s4  }
0xaa: {  	[dreg:$0x4] =	wrdreg $0xC0  }
0xab: {  	_ =	task [dreg:s6], $0x5FFFF  }
0xac: {  	[dreg:$0x1] =	wrdreg $0xFFFFFFFF  }
0xad: {  	[dreg:$0x0] =	wrdreg $0x60  }
0xae: {  	[dreg:$0x2] =	wrdreg s24  }
0xaf: {  	[dreg:$0x3] =	wrdreg $0x0  }
0xb0: {  	[dreg:$0x4] =	wrdreg $0x9  }
0xb1: {  	_ =	task.clear_ibuf [dreg:s6], $0x5FFFF;
	_ =	strace $0x90000046  }
0xb2: {  	s29 =	simm.s32 $0x9;
	_ =	strace $0x80000048  }
0xb3: {  	_ =	swait.ge [sflag:s29], $0x1  }
0xb4: {  	[sflag:s29] =	ssyncadd.s32 $0xFFFFFFFF  }
0xb5: {  	_ =	strace $0x90000048  }
0xb6: {  	_ =	sfence  }
0xb7: {  	s30 =	sld [smem:$0x0];
	_ =	sdelay $0x2  }
0xb8: {  	s31 =	sshll.u32 s1, $0xD;
	s1 =	sshrl.u32 s1, $0x2  }
0xb9: {  	s3 =	sand.u32 $0x4000, s31;
	s1 =	sadd.s32 s1, s30  }
0xba: {  	s0 =	sor.u32 s3, s0;
	s1 =	sshll.u32 s1, $0x11  }
0xbb: {  	s0 =	sor.u32 s1, s0  }
0xbc: {  	s0 =	sadd.s32 $0x8F2B, s0  }
0xbd: {  	[sflag:s0] =	ssyncadd.remote.s32 $0x1  }
0xbe: {  	_ =	sfence.sel $0xFFFF  }
0xbf: {  	[dreg:$0x0] =	wrdreg $0xFFFFFFFF;
	(pc) =	sbr.abs _section_cstart, $3  }
0xc0: {  	[dreg:$0x1] =	wrdreg $0xFFFFFFFF  }
0xc1: {  	_ =	task.clear_ibuf [dreg:s6], $0x2FFFF;
	_ =	strace $0x9FFFFFFF  }
0xc2: {  	(tm) =	ssettm $0x7FFFFFFF  }
0xc3: {  	_ =	shalt  }
tec
execute0_lowered:
.L_overlay_start_1:
0x0: {  	(tag) =	ssettag $0x1  }
0x1: {  	s0 =	rddreg [dreg:$0x0]  }
0x2: {  	s1 =	rddreg [dreg:$0x1];
	s8 =	simm.s32 $0x0  }
0x3: {  	s2 =	srdreg.scid;
	s10 =	stileid.u32;
	s16 =	simm.s32 $0x5  }
0x4: {  	s18 =	simm.s32 $0x80;
	s19 =	simm.s32 $0x16B10;
	s28 =	simm.s32 $0x16480  }
0x5: {  	s29 =	simm.s32 $0x2;
	s30 =	simm.s32 $0x16600;
	s31 =	simm.s32 $0x3  }
0x6: {  	s14 =	simm.s32 $0x0;
	[smem:$0x7FF] =	sst s8;
	s4 =	sadd.s32 $0x13F000, s0  }
0x7: {  	s5 =	sadd.s32 $0xA4800, s0;
	s2 =	sand.u32 $0x1, s2;
	s7 =	sadd.s32 $0x131C00, s0  }
0x8: {  	s6 =	sadd.s32 $0xB8400, s0;
	s11 =	smul.u32 $0x16380, s10;
	s9 =	sadd.s32 $0x1EEE00, s0  }
0x9: {  	s23 =	sshll.u32 s10, $0x6;
	s25 =	smul.u32 $0xF300, s10;
	_ =	strace $0x80000047  }
0xa: {  	v0 =	vlaneseq.u32;
	s3 =	ssub.s32 $0x2, s2;
	[dreg:$0x4] =	wrdreg s7;
	s2 =	sshll.u32 s2, $0x1  }
0xb: {  	v14 =	vmul.u32 $0x90, v0;
	v0 =	vmul.u32 $0x8, v0;
	p0 =	seq.s32 s10, $0xF;
	s12 =	sor.u32 $0x1C05, s23;
	[dreg:$0x6] =	wrdreg s2  }
0xc: {  	s23 =	simm.s32 $0x16500;
	s21 =	sshrl.u32 s3, $0x1;
	[dreg:$0x5] =	wrdreg s11  }
0xd: {  	s24 =	sadd.s32 s11, s1;
	[dreg:$0x7] =	wrdreg s25;
	s2 =	sadd.s32 $0x14D480, s1;
	v1 =	vadd.s32 $0x81, v14;
	v2 =	vadd.s32 $0x981, v14;
	v3 =	vor.u32 $0x80, v0  }
0xe: {  	v4 =	vadd.s32 $0x1281, v14;
	v5 =	vor.u32 $0x100, v0;
	v6 =	vadd.s32 $0x1B81, v14;
	s22 =	ssub.s32 s3, s21;
	s17 =	smov.u32 s24;
	s26 =	sshrl.u32 s24, $0x3  }
0xf: {  	v7 =	vor.u32 $0x180, v0;
	v8 =	vadd.s32 $0x2481, v14;
	v9 =	vor.u32 $0x200, v0;
	s21 =	simm.s32 $0x16680;
	s24 =	simm.s32 $0x1B310;
	s25 =	sshrl.u32 @p0 s2, $0x3  }
0x10: {  	v10 =	vadd.s32 $0x2D81, v14;
	v11 =	vor.u32 $0x280, v0;
	v12 =	vadd.s32 $0x3681, v14;
	s0 =	smax.u32 s22, $0x1;
	[dreg:$0x9] =	wrdreg s26;
	s22 =	simm.s32 $0x1  }
0x11: {  	v13 =	vor.u32 $0x300, v0;
	v14 =	vadd.s32 $0x3F81, v14;
	v15 =	vor.u32 $0x380, v0;
	s26 =	simm.s32 $0x16580;
	[dreg:$0x8] =	wrdreg s0;
	s0 =	simm.s32 $0x4  }
.LBB2_1:
0x12: {  	[dreg:$0x3] =	wrdreg s8;
	p2 =	por $0x1, $0x1;
	s2 =	simm.s32 $0x0  }
.LBB2_2:
0x13: {  	s3 =	rddreg [dreg:$0x6]  }
0x14: {  	s11 =	rddreg [dreg:$0x4]  }
0x15: {  	s7 =	rddreg [dreg:$0x9];
	s3 =	sor.u32 s3, s2  }
0x16: {  	[spmem:s7], [sflag:s12] =	dma.local [hbm:s11], $0x2C70  }
0x17: {  	s13 =	smul.u32 $0xF3000, s3;
	_ =	swait.ge [sflag:s16], $0x2C70  }
0x18: {  	s15 =	rddreg [dreg:$0x7]  }
0x19: {  	[sflag:s16] =	ssyncset.done $0x0;
	s7 =	sadd.s32 s15, s13  }
0x1a: {  	[sflag:s16] =	ssyncadd.s32 $0xFFFFD390;
	s2 =	sshrl.u32 s7, $0x3  }
0x1b: {  	s8 =	simm.s32 $0x16380;
	[bflag:$0x0] =	sbarrier.arrive $0xFFFF;
	s2 =	sadd.s32 s6, s2  }
0x1c: {  	[tilespmem:s8], [sflag:$0x5] =	stream.linear.gather [hbm4b:s2+s14], $0x180, $0x38;
	[tilespmem:$0x1FB10] =	vst v63  }
0x1d: {  	_ =	swait.ge [sflag:s16], $0x180  }
0x1e: {  	[sflag:s16] =	ssyncset.done $0x0  }
0x1f: {  	[sflag:s16] =	ssyncadd.s32 $0xFFFFFE80  }
0x20: {  	[tilespmem:s19], [sflag:$0x1] =	stream.indirect.gather [hbm4b:s4+s18], $0x90, s8, s18, $0xb8;
	[tilespmem:$0x1FB10] =	vst v63  }
0x21: {  	s20 =	simm.s32 $0x16400;
	p1 =	por p2, p2  }
0x22: {  	[tilespmem:s21], [sflag:$0x1] =	stream.indirect.gather [hbm4b:s5+s18], $0x8, s20, s18, $0xb8;
	[tilespmem:$0x1FB10] =	vst v63  }
0x23: {  	s2 =	sadd.s32 $0x180, s7;
	s20 =	sadd.s32 $0x300, s7;
	s7 =	simm.s32 $0x0  }
.LBB2_3:
0x24: {  	_ =	swait.ge [sflag:s22], $0x400  }
0x25: {  	[sflag:s22] =	ssyncset.done $0x0  }
0x26: {  	[sflag:s22] =	ssyncadd.s32 $0xFFFFFC00  }
0x27: {  	_ =	swait.ge [sflag:s22], $0x4800  }
0x28: {  	[sflag:s22] =	ssyncset.done $0x0  }
0x29: {  	[sflag:s22] =	ssyncadd.s32 $0xFFFFB800  }
0x2a: {  	v16 =	vld.idx.msk [tilespmem:v1+s19+$0x0], $0xffff  }
0x2b: {  	v17 =	vld.idx.msk [tilespmem:v0+s21+$0x0], $0xffff;
	_ =	sdelay $0x4  }
0x2c: {  	v16 =	vadd.f32 v17, v16;
	_ =	sdelay $0x1  }
0x2d: {  	v17 =	vmul.f32 $2.000000030e-01, v16;
	_ =	sdelay $0x1  }
0x2e: {  	v16 =	vmax.f32 v16, v17  }
0x2f: {  	v16 =	vmul.f32 $1.442695020e+00, v16;
	_ =	sdelay $0x1  }
0x30: {  	(erf) = vpow2.f32 v16;
	_ =	sdelay $0x8  }
0x31: {  	v16 =	vpop (erf)  }
0x32: {  	[tilespmem:$0x16A80] =	vst v16  }
0x33: {  	v16 =	vld.idx.msk [tilespmem:v2+s19+$0x0], $0xffff  }
0x34: {  	v17 =	vld.idx.msk [tilespmem:v3+s21+$0x0], $0xffff;
	_ =	sdelay $0x4  }
0x35: {  	v16 =	vadd.f32 v17, v16;
	_ =	sdelay $0x1  }
0x36: {  	v17 =	vmul.f32 $2.000000030e-01, v16;
	_ =	sdelay $0x1  }
0x37: {  	v16 =	vmax.f32 v16, v17  }
0x38: {  	v16 =	vmul.f32 $1.442695020e+00, v16;
	_ =	sdelay $0x1  }
0x39: {  	(erf) = vpow2.f32 v16;
	_ =	sdelay $0x8  }
0x3a: {  	v16 =	vpop (erf)  }
0x3b: {  	[tilespmem:$0x16A90] =	vst v16  }
0x3c: {  	v16 =	vld.idx.msk [tilespmem:v4+s19+$0x0], $0xffff  }
0x3d: {  	v17 =	vld.idx.msk [tilespmem:v5+s21+$0x0], $0xffff;
	_ =	sdelay $0x4  }
0x3e: {  	v16 =	vadd.f32 v17, v16;
	_ =	sdelay $0x1  }
0x3f: {  	v17 =	vmul.f32 $2.000000030e-01, v16;
	_ =	sdelay $0x1  }
0x40: {  	v16 =	vmax.f32 v16, v17  }
0x41: {  	v16 =	vmul.f32 $1.442695020e+00, v16;
	_ =	sdelay $0x1  }
0x42: {  	(erf) = vpow2.f32 v16;
	_ =	sdelay $0x8  }
0x43: {  	v16 =	vpop (erf)  }
0x44: {  	[tilespmem:$0x16AA0] =	vst v16  }
0x45: {  	v16 =	vld.idx.msk [tilespmem:v6+s19+$0x0], $0xffff  }
0x46: {  	v17 =	vld.idx.msk [tilespmem:v7+s21+$0x0], $0xffff;
	_ =	sdelay $0x4  }
0x47: {  	v16 =	vadd.f32 v17, v16;
	_ =	sdelay $0x1  }
0x48: {  	v17 =	vmul.f32 $2.000000030e-01, v16;
	_ =	sdelay $0x1  }
0x49: {  	v16 =	vmax.f32 v16, v17  }
0x4a: {  	v16 =	vmul.f32 $1.442695020e+00, v16;
	_ =	sdelay $0x1  }
0x4b: {  	(erf) = vpow2.f32 v16;
	_ =	sdelay $0x8  }
0x4c: {  	v16 =	vpop (erf)  }
0x4d: {  	[tilespmem:$0x16AB0] =	vst v16  }
0x4e: {  	v16 =	vld.idx.msk [tilespmem:v8+s19+$0x0], $0xffff  }
0x4f: {  	v17 =	vld.idx.msk [tilespmem:v9+s21+$0x0], $0xffff;
	_ =	sdelay $0x4  }
0x50: {  	v16 =	vadd.f32 v17, v16;
	_ =	sdelay $0x1  }
0x51: {  	v17 =	vmul.f32 $2.000000030e-01, v16;
	_ =	sdelay $0x1  }
0x52: {  	v16 =	vmax.f32 v16, v17  }
0x53: {  	v16 =	vmul.f32 $1.442695020e+00, v16;
	_ =	sdelay $0x1  }
0x54: {  	(erf) = vpow2.f32 v16;
	_ =	sdelay $0x8  }
0x55: {  	v16 =	vpop (erf)  }
0x56: {  	[tilespmem:$0x16AC0] =	vst v16  }
0x57: {  	v16 =	vld.idx.msk [tilespmem:v10+s19+$0x0], $0xffff  }
0x58: {  	v17 =	vld.idx.msk [tilespmem:v11+s21+$0x0], $0xffff;
	_ =	sdelay $0x4  }
0x59: {  	v16 =	vadd.f32 v17, v16;
	_ =	sdelay $0x1  }
0x5a: {  	v17 =	vmul.f32 $2.000000030e-01, v16;
	_ =	sdelay $0x1  }
0x5b: {  	v16 =	vmax.f32 v16, v17  }
0x5c: {  	v16 =	vmul.f32 $1.442695020e+00, v16;
	_ =	sdelay $0x1  }
0x5d: {  	(erf) = vpow2.f32 v16;
	_ =	sdelay $0x8  }
0x5e: {  	v16 =	vpop (erf)  }
0x5f: {  	[tilespmem:$0x16AD0] =	vst v16  }
0x60: {  	v16 =	vld.idx.msk [tilespmem:v12+s19+$0x0], $0xffff  }
0x61: {  	v17 =	vld.idx.msk [tilespmem:v13+s21+$0x0], $0xffff;
	_ =	sdelay $0x4  }
0x62: {  	v16 =	vadd.f32 v17, v16;
	_ =	sdelay $0x1  }
0x63: {  	v17 =	vmul.f32 $2.000000030e-01, v16;
	_ =	sdelay $0x1  }
0x64: {  	v16 =	vmax.f32 v16, v17  }
0x65: {  	v16 =	vmul.f32 $1.442695020e+00, v16;
	_ =	sdelay $0x1  }
0x66: {  	(erf) = vpow2.f32 v16;
	_ =	sdelay $0x8  }
0x67: {  	v16 =	vpop (erf)  }
0x68: {  	[tilespmem:$0x16AE0] =	vst v16  }
0x69: {  	v16 =	vld.idx.msk [tilespmem:v14+s19+$0x0], $0xffff  }
0x6a: {  	v17 =	vld.idx.msk [tilespmem:v15+s21+$0x0], $0xffff;
	_ =	sdelay $0x4  }
0x6b: {  	v16 =	vadd.f32 v17, v16;
	_ =	sdelay $0x1  }
0x6c: {  	v17 =	vmul.f32 $2.000000030e-01, v16;
	_ =	sdelay $0x1  }
0x6d: {  	v16 =	vmax.f32 v16, v17  }
0x6e: {  	v16 =	vmul.f32 $1.442695020e+00, v16;
	_ =	sdelay $0x1  }
0x6f: {  	(erf) = vpow2.f32 v16;
	_ =	sdelay $0x8  }
0x70: {  	p2 =	seq.s32 s7, $0x0;
	s8 =	smul.u32 $0x300, s7;
	v16 =	vpop (erf)  }
0x71: {  	s10 =	simm.s32 @!p2 $0x4;
	[tilespmem:$0x16AF0] =	vst v16  }
0x72: {  	s11 =	sadd.s32 s8, s2;
	_ =	swait.ge @!p2 [sflag:s10], $0x4800  }
0x73: {  	s11 =	sshrl.u32 s11, $0x3;
	[sflag:s10] =	ssyncset.done @!p2 $0x0  }
0x74: {  	s13 =	sadd.s32 s6, s11;
	[sflag:s10] =	ssyncadd.s32 @!p2 $0xFFFFB800  }
0x75: {  	[tilespmem:s23], [sflag:$0x5] =	stream.linear.gather [hbm4b:s13+s14], $0x180, $0x38;
	[tilespmem:$0x1FB10] =	vst v63  }
0x76: {  	_ =	swait.ge [sflag:s16], $0x180  }
0x77: {  	[sflag:s16] =	ssyncset.done $0x0  }
0x78: {  	[sflag:s16] =	ssyncadd.s32 $0xFFFFFE80  }
0x79: {  	[tilespmem:s24], [sflag:$0x2] =	stream.indirect.gather [hbm4b:s4+s18], $0x90, s23, s18, $0xb8;
	[tilespmem:$0x1FB10] =	vst v63  }
0x7a: {  	s10 =	simm.s32 $0x16BA0  }
0x7b: {  	[tilespmem:s21], [sflag:$0x2] =	stream.indirect.gather [hbm4b:s5+s18], $0x8, s26, s18, $0xb8;
	[tilespmem:$0x1FB10] =	vst v63  }
0x7c: {  	v20 =	vld [tilespmem:s10+$0xFFFFFFF0]  }
0x7d: {  	v26 =	vld [tilespmem:s10+$0xFFFFFFE0]  }
0x7e: {  	v16 =	vld [tilespmem:s10+$0xFFFFFF90]  }
0x7f: {  	v17 =	vld [tilespmem:s10+$0x50]  }
0x80: {  	v28 =	vld [tilespmem:s10+$0xFFFFFF80]  }
0x81: {  	v22 =	vld [tilespmem:s10+$0xFFFFFFA0]  }
0x82: {  	v30 =	vld [tilespmem:s10+$0x0]  }
0x83: {  	v31 =	vld [tilespmem:s10+$0xFFFFFF70]  }
0x84: {  	v21 =	vld [tilespmem:s10+$0x40]  }
0x85: {  	s15 =	simm.s32 $0x0;
	v24 =	vld [tilespmem:s10+$0xFFFFFFD0]  }
0x86: {  	v18 =	vld.msk [tilespmem:s15+$0x16A80 ss:$0x0], $0xffff  }
0x87: {  	v19 =	vld.msk [tilespmem:s15+$0x16A81 ss:$0x0], $0xffff  }
0x88: {  	v29 =	vld [tilespmem:s10+$0x20]  }
0x89: {  	v23 =	vld [tilespmem:s10+$0x80]  }
0x8a: {  	v27 =	vld [tilespmem:s10+$0x10]  }
0x8b: {  	v25 =	vld [tilespmem:s10+$0x30]  }
0x8c: {  	v33 =	vmul.f32 v31, v18;
	v32 =	vmul.f32 v28, v18;
	v28 =	vld [tilespmem:s10+$0x60]  }
0x8d: {  	s11 =	simm.s32 $0x8;
	s13 =	simm.s32 $0x16BA0;
	v31 =	vmul.f32 v26, v18;
	v30 =	vmul.f32 v30, v19;
	v26 =	vld [tilespmem:s10+$0x70]  }
.LBB2_4:
0x8e: {  	p2 =	sne.s32 s11, $0x1F8  }
0x8f: {  	[tilespmem:s10+$0xFFFFFF70] =	vst v33;
	v33 =	vld [tilespmem:s10+$0xFFFFFFC0];
	v20 =	vmul.f32 v20, v18;
	v29 =	vmul.f32 v29, v19;
	s13 =	sadd.s32 $0x120, s13;
	s15 =	smov.u32 s11;
	s11 =	sadd.s32 $0x8, s11  }
0x90: {  	v22 =	vmul.f32 v22, v18;
	[tilespmem:s10+$0xFFFFFF80] =	vst v32;
	v32 =	vld [tilespmem:s10+$0xFFFFFFB0];
	v27 =	vmul.f32 v27, v19  }
0x91: {  	v24 =	vmul.f32 v24, v18;
	[tilespmem:s10+$0xFFFFFFE0] =	vst v31;
	v25 =	vmul.f32 v25, v19  }
0x92: {  	v21 =	vmul.f32 v21, v19;
	[tilespmem:s10+$0x0] =	vst v30;
	v28 =	vmul.f32 v28, v19  }
0x93: {  	v23 =	vmul.f32 v23, v19;
	[tilespmem:s10+$0xFFFFFFF0] =	vst v20;
	v26 =	vmul.f32 v26, v19  }
0x94: {  	v16 =	vmul.f32 v16, v18;
	v17 =	vmul.f32 v17, v19;
	[tilespmem:s10+$0xFFFFFFA0] =	vst v22  }
0x95: {  	v19 =	vmul.f32 v32, v18;
	v18 =	vmul.f32 v33, v18;
	[tilespmem:s10+$0x20] =	vst v29  }
0x96: {  	[tilespmem:s10+$0xFFFFFFD0] =	vst v24  }
0x97: {  	v20 =	vld [tilespmem:s13+$0xFFFFFFF0];
	[tilespmem:s10+$0x40] =	vst v21  }
0x98: {  	v30 =	vld [tilespmem:s13+$0xFFFFFFE0];
	[tilespmem:s10+$0xFFFFFF90] =	vst v16  }
0x99: {  	v16 =	vld [tilespmem:s13+$0xFFFFFF90];
	[tilespmem:s10+$0x50] =	vst v17  }
0x9a: {  	v17 =	vld [tilespmem:s13+$0x50];
	[tilespmem:s10+$0x80] =	vst v23  }
0x9b: {  	v31 =	vld [tilespmem:s13+$0xFFFFFF80];
	[tilespmem:s10+$0x60] =	vst v28  }
0x9c: {  	v22 =	vld [tilespmem:s13+$0xFFFFFFA0];
	[tilespmem:s10+$0x10] =	vst v27  }
0x9d: {  	v34 =	vld [tilespmem:s13+$0x0];
	[tilespmem:s10+$0xFFFFFFC0] =	vst v18  }
0x9e: {  	v28 =	vld [tilespmem:s13+$0xFFFFFF70];
	[tilespmem:s10+$0x30] =	vst v25  }
0x9f: {  	v21 =	vld [tilespmem:s13+$0x40];
	[tilespmem:s10+$0xFFFFFFB0] =	vst v19  }
0xa0: {  	s15 =	sshra.s32 s15, $0x2;
	v24 =	vld [tilespmem:s13+$0xFFFFFFD0];
	[tilespmem:s10+$0x70] =	vst v26;
	s10 =	smov.u32 s13  }
0xa1: {  	v18 =	vld.msk [tilespmem:s15+$0x16A80 ss:$0x0], $0xffff  }
0xa2: {  	v19 =	vld.msk [tilespmem:s15+$0x16A81 ss:$0x0], $0xffff  }
0xa3: {  	v29 =	vld [tilespmem:s13+$0x20]  }
.Ltmp0:
0xa4: {  	v23 =	vld [tilespmem:s13+$0x80];
	(pc) =	sbr.rel @p2 .LBB2_4-.Ltmp0, $4  }
0xa5: {  	v27 =	vld [tilespmem:s13+$0x10]  }
0xa6: {  	v25 =	vld [tilespmem:s13+$0x30]  }
0xa7: {  	v33 =	vmul.f32 v28, v18;
	v32 =	vmul.f32 v31, v18;
	v28 =	vld [tilespmem:s13+$0x60]  }
0xa8: {  	v31 =	vmul.f32 v30, v18;
	v30 =	vmul.f32 v34, v19;
	v26 =	vld [tilespmem:s13+$0x70]  }
0xa9: {  	[tilespmem:s10+$0xFFFFFF70] =	vst v33  }
0xaa: {  	[tilespmem:s10+$0xFFFFFF80] =	vst v32  }
0xab: {  	v20 =	vmul.f32 v20, v18;
	[tilespmem:s10+$0xFFFFFFE0] =	vst v31  }
0xac: {  	v22 =	vmul.f32 v22, v18;
	[tilespmem:s10+$0x0] =	vst v30  }
0xad: {  	v29 =	vmul.f32 v29, v19;
	[tilespmem:s10+$0xFFFFFFF0] =	vst v20  }
0xae: {  	v21 =	vmul.f32 v21, v19;
	[tilespmem:s10+$0xFFFFFFA0] =	vst v22  }
0xaf: {  	v16 =	vmul.f32 v16, v18;
	[tilespmem:s10+$0x20] =	vst v29  }
0xb0: {  	v17 =	vmul.f32 v17, v19;
	[tilespmem:s10+$0x40] =	vst v21  }
0xb1: {  	v63 =	vld [tilespmem:s10+$0xFFFFFFB0];
	v20 =	vmul.f32 v24, v18;
	[tilespmem:s10+$0xFFFFFF90] =	vst v16  }
0xb2: {  	v62 =	vld [tilespmem:s10+$0xFFFFFFC0];
	[tilespmem:s10+$0x50] =	vst v17;
	v17 =	vmul.f32 v27, v19  }
0xb3: {  	v16 =	vmul.f32 v28, v19;
	[tilespmem:s10+$0xFFFFFFD0] =	vst v20  }
0xb4: {  	v20 =	vmul.f32 v23, v19;
	[tilespmem:s10+$0x10] =	vst v17  }
0xb5: {  	[tilespmem:s10+$0x60] =	vst v16;
	v16 =	vmul.f32 v25, v19  }
0xb6: {  	v17 =	vmul.f32 v63, v18;
	[tilespmem:s10+$0x80] =	vst v20  }
0xb7: {  	v20 =	vmul.f32 v62, v18;
	[tilespmem:s10+$0x30] =	vst v16  }
0xb8: {  	v18 =	vmul.f32 v26, v19;
	[tilespmem:s10+$0xFFFFFFB0] =	vst v17  }
0xb9: {  	[tilespmem:s10+$0xFFFFFFC0] =	vst v20  }
0xba: {  	[tilespmem:s10+$0x70] =	vst v18  }
0xbb: {  	[spmem:s1] =	stream.indirect.scatter.add.f32 [tilespmem:s19], [sflag:$0x3], $0x90, s28, s18, $0xb8;
	[tilespmem:$0x1FB10] =	vst v63  }
0xbc: {  	_ =	swait.ge [sflag:s29], $0x400  }
0xbd: {  	[sflag:s29] =	ssyncset.done $0x0  }
0xbe: {  	[sflag:s29] =	ssyncadd.s32 $0xFFFFFC00  }
0xbf: {  	_ =	swait.ge [sflag:s29], $0x4800  }
0xc0: {  	[sflag:s29] =	ssyncset.done $0x0  }
0xc1: {  	[sflag:s29] =	ssyncadd.s32 $0xFFFFB800  }
0xc2: {  	v16 =	vld.idx.msk [tilespmem:v1+s24+$0x0], $0xffff  }
0xc3: {  	v17 =	vld.idx.msk [tilespmem:v0+s21+$0x0], $0xffff;
	_ =	sdelay $0x4  }
0xc4: {  	v16 =	vadd.f32 v17, v16;
	_ =	sdelay $0x1  }
0xc5: {  	v17 =	vmul.f32 $2.000000030e-01, v16;
	_ =	sdelay $0x1  }
0xc6: {  	v16 =	vmax.f32 v16, v17  }
0xc7: {  	v16 =	vmul.f32 $1.442695020e+00, v16;
	_ =	sdelay $0x1  }
0xc8: {  	(erf) = vpow2.f32 v16;
	_ =	sdelay $0x8  }
0xc9: {  	v16 =	vpop (erf)  }
0xca: {  	[tilespmem:$0x16A80] =	vst v16  }
0xcb: {  	v16 =	vld.idx.msk [tilespmem:v2+s24+$0x0], $0xffff  }
0xcc: {  	v17 =	vld.idx.msk [tilespmem:v3+s21+$0x0], $0xffff;
	_ =	sdelay $0x4  }
0xcd: {  	v16 =	vadd.f32 v17, v16;
	_ =	sdelay $0x1  }
0xce: {  	v17 =	vmul.f32 $2.000000030e-01, v16;
	_ =	sdelay $0x1  }
0xcf: {  	v16 =	vmax.f32 v16, v17  }
0xd0: {  	v16 =	vmul.f32 $1.442695020e+00, v16;
	_ =	sdelay $0x1  }
0xd1: {  	(erf) = vpow2.f32 v16;
	_ =	sdelay $0x8  }
0xd2: {  	v16 =	vpop (erf)  }
0xd3: {  	[tilespmem:$0x16A90] =	vst v16  }
0xd4: {  	v16 =	vld.idx.msk [tilespmem:v4+s24+$0x0], $0xffff  }
0xd5: {  	v17 =	vld.idx.msk [tilespmem:v5+s21+$0x0], $0xffff;
	_ =	sdelay $0x4  }
0xd6: {  	v16 =	vadd.f32 v17, v16;
	_ =	sdelay $0x1  }
0xd7: {  	v17 =	vmul.f32 $2.000000030e-01, v16;
	_ =	sdelay $0x1  }
0xd8: {  	v16 =	vmax.f32 v16, v17  }
0xd9: {  	v16 =	vmul.f32 $1.442695020e+00, v16;
	_ =	sdelay $0x1  }
0xda: {  	(erf) = vpow2.f32 v16;
	_ =	sdelay $0x8  }
0xdb: {  	v16 =	vpop (erf)  }
0xdc: {  	[tilespmem:$0x16AA0] =	vst v16  }
0xdd: {  	v16 =	vld.idx.msk [tilespmem:v6+s24+$0x0], $0xffff  }
0xde: {  	v17 =	vld.idx.msk [tilespmem:v7+s21+$0x0], $0xffff;
	_ =	sdelay $0x4  }
0xdf: {  	v16 =	vadd.f32 v17, v16;
	_ =	sdelay $0x1  }
0xe0: {  	v17 =	vmul.f32 $2.000000030e-01, v16;
	_ =	sdelay $0x1  }
0xe1: {  	v16 =	vmax.f32 v16, v17  }
0xe2: {  	v16 =	vmul.f32 $1.442695020e+00, v16;
	_ =	sdelay $0x1  }
0xe3: {  	(erf) = vpow2.f32 v16;
	_ =	sdelay $0x8  }
0xe4: {  	v16 =	vpop (erf)  }
0xe5: {  	[tilespmem:$0x16AB0] =	vst v16  }
0xe6: {  	v16 =	vld.idx.msk [tilespmem:v8+s24+$0x0], $0xffff  }
0xe7: {  	v17 =	vld.idx.msk [tilespmem:v9+s21+$0x0], $0xffff;
	_ =	sdelay $0x4  }
0xe8: {  	v16 =	vadd.f32 v17, v16;
	_ =	sdelay $0x1  }
0xe9: {  	v17 =	vmul.f32 $2.000000030e-01, v16;
	_ =	sdelay $0x1  }
0xea: {  	v16 =	vmax.f32 v16, v17  }
0xeb: {  	v16 =	vmul.f32 $1.442695020e+00, v16;
	_ =	sdelay $0x1  }
0xec: {  	(erf) = vpow2.f32 v16;
	_ =	sdelay $0x8  }
0xed: {  	v16 =	vpop (erf)  }
0xee: {  	[tilespmem:$0x16AC0] =	vst v16  }
0xef: {  	v16 =	vld.idx.msk [tilespmem:v10+s24+$0x0], $0xffff  }
0xf0: {  	v17 =	vld.idx.msk [tilespmem:v11+s21+$0x0], $0xffff;
	_ =	sdelay $0x4  }
0xf1: {  	v16 =	vadd.f32 v17, v16;
	_ =	sdelay $0x1  }
0xf2: {  	v17 =	vmul.f32 $2.000000030e-01, v16;
	_ =	sdelay $0x1  }
0xf3: {  	v16 =	vmax.f32 v16, v17  }
0xf4: {  	v16 =	vmul.f32 $1.442695020e+00, v16;
	_ =	sdelay $0x1  }
0xf5: {  	(erf) = vpow2.f32 v16;
	_ =	sdelay $0x8  }
0xf6: {  	v16 =	vpop (erf)  }
0xf7: {  	[tilespmem:$0x16AD0] =	vst v16  }
0xf8: {  	v16 =	vld.idx.msk [tilespmem:v12+s24+$0x0], $0xffff  }
0xf9: {  	v17 =	vld.idx.msk [tilespmem:v13+s21+$0x0], $0xffff;
	_ =	sdelay $0x4  }
0xfa: {  	v16 =	vadd.f32 v17, v16;
	_ =	sdelay $0x1  }
0xfb: {  	v17 =	vmul.f32 $2.000000030e-01, v16;
	_ =	sdelay $0x1  }
0xfc: {  	v16 =	vmax.f32 v16, v17  }
0xfd: {  	v16 =	vmul.f32 $1.442695020e+00, v16;
	_ =	sdelay $0x1  }
0xfe: {  	(erf) = vpow2.f32 v16;
	_ =	sdelay $0x8  }
0xff: {  	v16 =	vpop (erf)  }
0x100: {  	[tilespmem:$0x16AE0] =	vst v16  }
0x101: {  	v16 =	vld.idx.msk [tilespmem:v14+s24+$0x0], $0xffff  }
0x102: {  	v17 =	vld.idx.msk [tilespmem:v15+s21+$0x0], $0xffff;
	_ =	sdelay $0x4  }
0x103: {  	v16 =	vadd.f32 v17, v16;
	_ =	sdelay $0x1  }
0x104: {  	v17 =	vmul.f32 $2.000000030e-01, v16;
	_ =	sdelay $0x1  }
0x105: {  	v16 =	vmax.f32 v16, v17  }
0x106: {  	v16 =	vmul.f32 $1.442695020e+00, v16;
	_ =	sdelay $0x1  }
0x107: {  	(erf) = vpow2.f32 v16;
	_ =	sdelay $0x8  }
0x108: {  	p2 =	sgt.u32 s7, $0x4F;
	v16 =	vpop (erf)  }
0x109: {  	s10 =	simm.s32 @!p2 $0x3;
	[tilespmem:$0x16AF0] =	vst v16  }
0x10a: {  	s8 =	sadd.s32 @!p2 s8, s20;
	_ =	swait.ge @!p2 [sflag:s10], $0x4800  }
0x10b: {  	s11 =	simm.s32 @!p2 $0x16380;
	s8 =	sshrl.u32 @!p2 s8, $0x3;
	[sflag:s10] =	ssyncset.done @!p2 $0x0  }
0x10c: {  	s8 =	sadd.s32 @!p2 s6, s8;
	[sflag:s10] =	ssyncadd.s32 @!p2 $0xFFFFB800;
	s10 =	simm.s32 @!p2 $0x0  }
0x10d: {  	[tilespmem:s11], [sflag:$0x5] =	stream.linear.gather @!p2 [hbm4b:s8+s10], $0x180, $0x38;
	[tilespmem:$0x1FB10] =	vst v63  }
0x10e: {  	s8 =	simm.s32 @!p2 $0x5  }
0x10f: {  	_ =	swait.ge @!p2 [sflag:s8], $0x180  }
0x110: {  	[sflag:s8] =	ssyncset.done @!p2 $0x0  }
0x111: {  	s10 =	simm.s32 @!p2 $0x16B10;
	[sflag:s8] =	ssyncadd.s32 @!p2 $0xFFFFFE80;
	s8 =	simm.s32 @!p2 $0x80  }
0x112: {  	[tilespmem:s10], [sflag:$0x1] =	stream.indirect.gather @!p2 [hbm4b:s4+s8], $0x90, s11, s8, $0xb8;
	[tilespmem:$0x1FB10] =	vst v63  }
0x113: {  	s10 =	simm.s32 @!p2 $0x16400;
	s11 =	simm.s32 @!p2 $0x16680  }
0x114: {  	[tilespmem:s11], [sflag:$0x1] =	stream.indirect.gather @!p2 [hbm4b:s5+s8], $0x8, s10, s8, $0xb8;
	[tilespmem:$0x1FB10] =	vst v63  }
0x115: {  	s8 =	simm.s32 $0x1B3A0  }
0x116: {  	v20 =	vld [tilespmem:s8+$0xFFFFFFF0]  }
0x117: {  	v26 =	vld [tilespmem:s8+$0xFFFFFFE0]  }
0x118: {  	v16 =	vld [tilespmem:s8+$0xFFFFFF90]  }
0x119: {  	v17 =	vld [tilespmem:s8+$0x50]  }
0x11a: {  	v28 =	vld [tilespmem:s8+$0xFFFFFF80]  }
0x11b: {  	v22 =	vld [tilespmem:s8+$0xFFFFFFA0]  }
0x11c: {  	v30 =	vld [tilespmem:s8+$0x0]  }
0x11d: {  	v31 =	vld [tilespmem:s8+$0xFFFFFF70]  }
0x11e: {  	v21 =	vld [tilespmem:s8+$0x40]  }
0x11f: {  	s15 =	simm.s32 $0x0;
	v24 =	vld [tilespmem:s8+$0xFFFFFFD0]  }
0x120: {  	v18 =	vld.msk [tilespmem:s15+$0x16A80 ss:$0x0], $0xffff  }
0x121: {  	v19 =	vld.msk [tilespmem:s15+$0x16A81 ss:$0x0], $0xffff  }
0x122: {  	v29 =	vld [tilespmem:s8+$0x20]  }
0x123: {  	v23 =	vld [tilespmem:s8+$0x80]  }
0x124: {  	v27 =	vld [tilespmem:s8+$0x10]  }
0x125: {  	v25 =	vld [tilespmem:s8+$0x30]  }
0x126: {  	v33 =	vmul.f32 v31, v18;
	v32 =	vmul.f32 v28, v18;
	v28 =	vld [tilespmem:s8+$0x60]  }
0x127: {  	s10 =	simm.s32 $0x8;
	s11 =	simm.s32 $0x1B3A0;
	v31 =	vmul.f32 v26, v18;
	v30 =	vmul.f32 v30, v19;
	v26 =	vld [tilespmem:s8+$0x70]  }
.LBB2_6:
0x128: {  	p2 =	sne.s32 s10, $0x1F8  }
0x129: {  	[tilespmem:s8+$0xFFFFFF70] =	vst v33;
	v33 =	vld [tilespmem:s8+$0xFFFFFFC0];
	v20 =	vmul.f32 v20, v18;
	v29 =	vmul.f32 v29, v19;
	s11 =	sadd.s32 $0x120, s11;
	s13 =	smov.u32 s10;
	s10 =	sadd.s32 $0x8, s10  }
0x12a: {  	v22 =	vmul.f32 v22, v18;
	[tilespmem:s8+$0xFFFFFF80] =	vst v32;
	v32 =	vld [tilespmem:s8+$0xFFFFFFB0];
	v27 =	vmul.f32 v27, v19  }
0x12b: {  	v24 =	vmul.f32 v24, v18;
	[tilespmem:s8+$0xFFFFFFE0] =	vst v31;
	v25 =	vmul.f32 v25, v19  }
0x12c: {  	v21 =	vmul.f32 v21, v19;
	[tilespmem:s8+$0x0] =	vst v30;
	v28 =	vmul.f32 v28, v19  }
0x12d: {  	v23 =	vmul.f32 v23, v19;
	[tilespmem:s8+$0xFFFFFFF0] =	vst v20;
	v26 =	vmul.f32 v26, v19  }
0x12e: {  	v16 =	vmul.f32 v16, v18;
	v17 =	vmul.f32 v17, v19;
	[tilespmem:s8+$0xFFFFFFA0] =	vst v22  }
0x12f: {  	v19 =	vmul.f32 v32, v18;
	v18 =	vmul.f32 v33, v18;
	[tilespmem:s8+$0x20] =	vst v29  }
0x130: {  	[tilespmem:s8+$0xFFFFFFD0] =	vst v24  }
0x131: {  	v20 =	vld [tilespmem:s11+$0xFFFFFFF0];
	[tilespmem:s8+$0x40] =	vst v21  }
0x132: {  	v30 =	vld [tilespmem:s11+$0xFFFFFFE0];
	[tilespmem:s8+$0xFFFFFF90] =	vst v16  }
0x133: {  	v16 =	vld [tilespmem:s11+$0xFFFFFF90];
	[tilespmem:s8+$0x50] =	vst v17  }
0x134: {  	v17 =	vld [tilespmem:s11+$0x50];
	[tilespmem:s8+$0x80] =	vst v23  }
0x135: {  	v31 =	vld [tilespmem:s11+$0xFFFFFF80];
	[tilespmem:s8+$0x60] =	vst v28  }
0x136: {  	v22 =	vld [tilespmem:s11+$0xFFFFFFA0];
	[tilespmem:s8+$0x10] =	vst v27  }
0x137: {  	v34 =	vld [tilespmem:s11+$0x0];
	[tilespmem:s8+$0xFFFFFFC0] =	vst v18  }
0x138: {  	v28 =	vld [tilespmem:s11+$0xFFFFFF70];
	[tilespmem:s8+$0x30] =	vst v25  }
0x139: {  	v21 =	vld [tilespmem:s11+$0x40];
	[tilespmem:s8+$0xFFFFFFB0] =	vst v19  }
0x13a: {  	s13 =	sshra.s32 s13, $0x2;
	v24 =	vld [tilespmem:s11+$0xFFFFFFD0];
	[tilespmem:s8+$0x70] =	vst v26;
	s8 =	smov.u32 s11  }
0x13b: {  	v18 =	vld.msk [tilespmem:s13+$0x16A80 ss:$0x0], $0xffff  }
0x13c: {  	v19 =	vld.msk [tilespmem:s13+$0x16A81 ss:$0x0], $0xffff  }
0x13d: {  	v29 =	vld [tilespmem:s11+$0x20]  }
.Ltmp1:
0x13e: {  	v23 =	vld [tilespmem:s11+$0x80];
	(pc) =	sbr.rel @p2 .LBB2_6-.Ltmp1, $4  }
0x13f: {  	v27 =	vld [tilespmem:s11+$0x10]  }
0x140: {  	v25 =	vld [tilespmem:s11+$0x30]  }
0x141: {  	v33 =	vmul.f32 v28, v18;
	v32 =	vmul.f32 v31, v18;
	v28 =	vld [tilespmem:s11+$0x60]  }
0x142: {  	v31 =	vmul.f32 v30, v18;
	v30 =	vmul.f32 v34, v19;
	v26 =	vld [tilespmem:s11+$0x70]  }
0x143: {  	[tilespmem:s8+$0xFFFFFF70] =	vst v33  }
0x144: {  	[tilespmem:s8+$0xFFFFFF80] =	vst v32  }
0x145: {  	v20 =	vmul.f32 v20, v18;
	[tilespmem:s8+$0xFFFFFFE0] =	vst v31  }
0x146: {  	v22 =	vmul.f32 v22, v18;
	[tilespmem:s8+$0x0] =	vst v30  }
0x147: {  	v29 =	vmul.f32 v29, v19;
	[tilespmem:s8+$0xFFFFFFF0] =	vst v20  }
0x148: {  	v60 =	vmul.f32 v24, v18;
	[tilespmem:s8+$0xFFFFFFA0] =	vst v22  }
0x149: {  	v21 =	vmul.f32 v21, v19;
	[tilespmem:s8+$0x20] =	vst v29  }
0x14a: {  	v16 =	vmul.f32 v16, v18;
	[tilespmem:s8+$0xFFFFFFD0] =	vst v60  }
0x14b: {  	v58 =	vld [tilespmem:s8+$0xFFFFFFC0];
	v17 =	vmul.f32 v17, v19;
	[tilespmem:s8+$0x40] =	vst v21  }
0x14c: {  	v61 =	vmul.f32 v23, v19;
	[tilespmem:s8+$0xFFFFFF90] =	vst v16  }
0x14d: {  	v59 =	vld [tilespmem:s8+$0xFFFFFFB0];
	[tilespmem:s8+$0x50] =	vst v17;
	v17 =	vmul.f32 v27, v19  }
0x14e: {  	[tilespmem:s8+$0x80] =	vst v61;
	v16 =	vmul.f32 v28, v19  }
0x14f: {  	s7 =	sadd.s32 $0x1, s7;
	[tilespmem:s8+$0x10] =	vst v17;
	v63 =	vmul.f32 v26, v19  }
0x150: {  	p2 =	sne.s32 s7, $0x51;
	v62 =	vmul.f32 v58, v18;
	[tilespmem:s8+$0x60] =	vst v16  }
.Ltmp2:
0x151: {  	v16 =	vmul.f32 v25, v19;
	[tilespmem:s8+$0x70] =	vst v63;
	(pc) =	sbr.rel @p2 .LBB2_3-.Ltmp2, $4  }
0x152: {  	v17 =	vmul.f32 v59, v18;
	[tilespmem:s8+$0xFFFFFFC0] =	vst v62  }
0x153: {  	[tilespmem:s8+$0x30] =	vst v16  }
0x154: {  	[tilespmem:s8+$0xFFFFFFB0] =	vst v17  }
0x155: {  	[spmem:s1] =	stream.indirect.scatter.add.f32 [tilespmem:s24], [sflag:$0x4], $0x90, s30, s18, $0xb8;
	[tilespmem:$0x1FB10] =	vst v63  }
0x156: {  	_ =	swait.ge [sflag:s31], $0x4800  }
0x157: {  	[sflag:s31] =	ssyncset.done $0x0  }
0x158: {  	s2 =	smul.u32 $0x15F900, s3;
	[sflag:s31] =	ssyncadd.s32 $0xFFFFB800  }
0x159: {  	_ =	swait.ge [sflag:s0], $0x4800  }
0x15a: {  	s3 =	sshrl.u32 @p0 s2, $0x3;
	[sflag:s0] =	ssyncset.done $0x0  }
0x15b: {  	s3 =	sadd.s32 @p0 s9, s3;
	[sflag:s0] =	ssyncadd.s32 $0xFFFFB800  }
0x15c: {  	s3 =	sadd.s32 @p0 $0x29A90, s3;
	[bflag:$0x0] =	sbarrier.arrive $0xFFFF  }
0x15d: {  	[hbm:s3], [sflag:s12] =	dma.local @p0 [spmem:s25], $0x2490  }
0x15e: {  	s3 =	simm.s32 @p0 $0x5  }
0x15f: {  	_ =	swait.ge @p0 [sflag:s3], $0x2490  }
0x160: {  	s7 =	rddreg [dreg:$0x5]  }
0x161: {  	s2 =	sadd.s32 @!p0 s7, s2  }
0x162: {  	[sflag:s3] =	ssyncset.done @p0 $0x0;
	s2 =	sshrl.u32 @!p0 s2, $0x3  }
0x163: {  	[sflag:s3] =	ssyncadd.s32 @p0 $0xFFFFDB70;
	s3 =	sshrl.u32 @!p0 s17, $0x3;
	s2 =	sadd.s32 @!p0 s9, s2  }
0x164: {  	[hbm:s2], [sflag:s12] =	dma.local @!p0 [spmem:s3], $0x2C70  }
0x165: {  	s2 =	simm.s32 @!p0 $0x5  }
.Ltmp3:
0x166: {  	_ =	swait.ge @!p0 [sflag:s2], $0x2C70;
	(pc) =	sbr.rel @p1 .LBB2_2-.Ltmp3, $4  }
0x167: {  	[sflag:s2] =	ssyncset.done @!p0 $0x0  }
0x168: {  	[sflag:s2] =	ssyncadd.s32 @!p0 $0xFFFFD390  }
0x169: {  	[bflag:$0x0] =	sbarrier.arrive $0xFFFF  }
0x16a: {  	p2 =	por $0x0, $0x0;
	s2 =	simm.s32 $0x1  }
0x16b: {  	s8 =	rddreg [dreg:$0x3]  }
0x16c: {  	s2 =	rddreg [dreg:$0x8];
	s8 =	sadd.s32 $0x1, s8  }
0x16d: {  	p1 =	sne.s32 s8, s2  }
.Ltmp4:
0x16e: {  	_ = 	snop;
	(pc) =	sbr.rel @p1 .LBB2_1-.Ltmp4, $1  }
0x16f: {  	_ =	sdelay $0x3  }
0x170: {  	_ =	sfence.sel $0x180000  }
0x171: {  	[bflag:$0x0] =	sbarrier.arrive $0xFFFF  }
0x172: {  	_ =	strace $0x90000047  }
0x173: {  	s0 =	stileid.u32;
	[bflag:$0x2] =	sbarrier.arrive $0xFFFF  }
0x174: {  	p0 =	sne.s32 s0, $0x0;
	s0 =	rddreg [dreg:$0x2]  }
0x175: {  	s0 =	sadd.s32 @!p0 $0x100000, s0  }
0x176: {  	[sflag:s0] =	ssyncadd.tile.s32 @!p0 $0x1;
	_ =	shalt  }
.Lfunc_end2:
_tile_overlayer_lowered:
.L_overlay_start_2:
0x177: {  	(tag) =	ssettag $0x2  }
0x178: {  	s0 =	rddreg [dreg:$0x0];
	s2 =	stileid.u32  }
0x179: {  	s1 =	rddreg [dreg:$0x1];
	p0 =	sne.s32 s2, $0x0  }
0x17a: {  	s3 =	rddreg [dreg:$0x2];
	[bflag:$0x3] =	sbarrier.arrive $0xFFFF;
	s2 =	simm.s32 @!p0 $0x1C05  }
0x17b: {  	[timem:s3], [sflag:s2] =	dma.local @!p0 [hbm:s0], s1  }
0x17c: {  	s0 =	simm.s32 @!p0 $0x5  }
0x17d: {  	_ =	swait.ge @!p0 [sflag:s0], s1  }
0x17e: {  	s1 =	ssub.s32 @!p0 $0x0, s1;
	[sflag:s0] =	ssyncset.done @!p0 $0x0  }
0x17f: {  	[sflag:s0] =	ssyncadd.s32 @!p0 s1  }
0x180: {  	[bflag:$0x3] =	sbarrier.arrive $0xFFFF  }
0x181: {  	_ =	shalt  }

// kernel: kernel.17.cloned.1.call-start
scs
__scs_entry_jumppad:
0x0: {  	(pc) =	sbr.rel $0x88, $3  }
0x1: {  	(tag) =	ssettag $0x0;
	lr =	simm.s32 $0x1  }
0x2: {  	[smem:$0x3F80] =	sst lr;
	_ =	strace $0xD0000000  }
0x3: {  	_ = 	snop  }
0x4: {  	_ = 	snop  }
0x5: {  	_ = 	snop  }
0x6: {  	_ = 	snop  }
0x7: {  	_ = 	snop  }
__scs_overlays_trampoline_lowered:
0x8: {  	[smem:$0x3F8F] =	sst s0  }
0x9: {  	[smem:$0x3F90] =	sst s1  }
0xa: {  	[smem:$0x3F91] =	sst s2  }
0xb: {  	[smem:$0x3F92] =	sst s3  }
0xc: {  	[smem:$0x3F93] =	sst s4  }
0xd: {  	[smem:$0x3F94] =	sst s5  }
0xe: {  	[smem:$0x3F95] =	sst s6  }
0xf: {  	[smem:$0x3F96] =	sst s7  }
0x10: {  	[smem:$0x3F97] =	sst s8  }
0x11: {  	[smem:$0x3F98] =	sst s9;
	s0 =	simm.s32 @!p0 $0x0  }
0x12: {  	s1 =	sld [smem:$0x3F7E];
	s0 =	simm.s32 @p0 $0x1  }
0x13: {  	[smem:$0x3F99] =	sst s0;
	s0 =	simm.s32 @!p1 $0x0  }
0x14: {  	s2 =	sld [smem:$0x3F7D];
	s0 =	simm.s32 @p1 $0x1  }
0x15: {  	[smem:$0x3F9A] =	sst s0;
	s0 =	simm.s32 @!p2 $0x0  }
0x16: {  	s3 =	sld [smem:$0x3FDB];
	s0 =	simm.s32 @p2 $0x1  }
0x17: {  	s4 =	simm.s32 $0x1BF5;
	[smem:$0x3F9C] =	sst s0  }
0x18: {  	s0 =	sld [smem:$0x3F7F];
	_ =	swait.ge [sflag:s4], $0x0  }
0x19: {  	s7 =	sld [smem:$0x3F80]  }
0x1a: {  	s8 =	sadd.s32 $0xFFFFE003, lr  }
0x1b: {  	s9 =	sadd.s32 $0xFFFFFEF7, lr;
	s5 =	simm.s32 $0xFFFFFFFF;
	p2 =	slt.u32 s8, $0xFFFFF086  }
0x1c: {  	p1 =	slt.u32 s9, $0xF7A;
	s5 =	simm.s32 @!p2 $0x0  }
0x1d: {  	s5 =	simm.s32 @p1 $0x1;
	p0 =	seq.s32 s7, s2  }
0x1e: {  	s7 =	smul.u32 @!p0 $0xF7A, s2;
	p2 =	seq.s32 @!p0 s5, $0x0  }
0x1f: {  	s9 =	smul.u32 $0xF7A, s1;
	s8 =	simm.s32 @!p0 $0x1BF5;
	p2 =	por !p2, p0  }
0x20: {  	[sflag:s8] =	ssyncset.s32 @!p0 $0xFFFFF086;
	s6 =	sadd.s32 @!p0 s3, s7;
	s7 =	simm.s32 @!p0 $0x108  }
0x21: {  	s3 =	sadd.s32 s3, s9;
	s6 =	sadd.s32 @!p0 $0x88, s6;
	s7 =	simm.s32 @p2 $0x1082  }
0x22: {  	[simem:s7], [sflag:s8] =	dma.local @!p0 [hbm:s6], $0xF7A  }
0x23: {  	s9 =	sor.u32 $0xD0000000, s2;
	s6 =	simm.s32 $0x108;
	_ =	swait.ge @!p0 [sflag:s8], $0x0  }
0x24: {  	s3 =	sadd.s32 $0x88, s3;
	s6 =	simm.s32 @!p1 $0x1082;
	[sflag:s4] =	ssyncset.s32 $0xFFFFF086  }
0x25: {  	[simem:s6], [sflag:s4] =	dma.local [hbm:s3], $0xF7A  }
0x26: {  	[smem:$0x3F80] =	sst s1;
	(tag) =	ssettag s2;
	_ =	strace s9  }
0x27: {  	s1 =	sld [smem:$0x3F90]  }
0x28: {  	s2 =	sld [smem:$0x3F91]  }
0x29: {  	s4 =	sld [smem:$0x3F93]  }
0x2a: {  	p0 =	seq.s32 s5, $0x0;
	s5 =	sld [smem:$0x3F94]  }
0x2b: {  	s6 =	sld [smem:$0x3F95]  }
0x2c: {  	s7 =	sld [smem:$0x3F96]  }
0x2d: {  	s3 =	simm.s32 $0x108;
	s8 =	sld [smem:$0x3F97]  }
0x2e: {  	s3 =	simm.s32 @!p0 $0x1082;
	s9 =	sld [smem:$0x3F98]  }
0x2f: {  	lr =	sadd.s32 s0, s3;
	s0 =	sld [smem:$0x3F8F]  }
0x30: {  	s3 =	sld [smem:$0x3F92]  }
0x31: {  	[smem:$0x3F9B] =	sst s10  }
0x32: {  	s10 =	sld [smem:$0x3F99];
	_ =	sdelay $0x3  }
0x33: {  	p0 =	seq.s32 s10, $0x1;
	s10 =	sld [smem:$0x3F9B];
	_ =	sdelay $0x3  }
0x34: {  	[smem:$0x3F9B] =	sst s10  }
0x35: {  	s10 =	sld [smem:$0x3F9A];
	_ =	sdelay $0x3  }
0x36: {  	p1 =	seq.s32 s10, $0x1;
	s10 =	sld [smem:$0x3F9B];
	_ =	sdelay $0x3  }
0x37: {  	[smem:$0x3F9B] =	sst s10  }
0x38: {  	s10 =	sld [smem:$0x3F9C]  }
0x39: {  	_ = 	snop;
	(pc) =	sbr.ind lr, $3  }
0x3a: {  	_ = 	snop  }
0x3b: {  	_ = 	snop  }
0x3c: {  	p2 =	seq.s32 s10, $0x1;
	s10 =	sld [smem:$0x3F9B]  }
0x3d: {  	_ =	shalt  }
0x3e: {  	_ =	shalt  }
0x3f: {  	_ =	shalt  }
0x40: {  	_ =	shalt  }
0x41: {  	_ =	shalt  }
0x42: {  	_ =	shalt  }
0x43: {  	_ =	shalt  }
0x44: {  	_ =	shalt  }
0x45: {  	_ =	shalt  }
0x46: {  	_ =	shalt  }
0x47: {  	_ =	shalt  }
0x48: {  	_ =	shalt  }
0x49: {  	_ =	shalt  }
0x4a: {  	_ =	shalt  }
0x4b: {  	_ =	shalt  }
0x4c: {  	_ =	shalt  }
0x4d: {  	_ =	shalt  }
0x4e: {  	_ =	shalt  }
0x4f: {  	_ =	shalt  }
0x50: {  	_ =	shalt  }
0x51: {  	_ =	shalt  }
0x52: {  	_ =	shalt  }
0x53: {  	_ =	shalt  }
0x54: {  	_ =	shalt  }
0x55: {  	_ =	shalt  }
0x56: {  	_ =	shalt  }
0x57: {  	_ =	shalt  }
0x58: {  	_ =	shalt  }
0x59: {  	_ =	shalt  }
0x5a: {  	_ =	shalt  }
0x5b: {  	_ =	shalt  }
0x5c: {  	_ =	shalt  }
0x5d: {  	_ =	shalt  }
0x5e: {  	_ =	shalt  }
0x5f: {  	_ =	shalt  }
0x60: {  	_ =	shalt  }
0x61: {  	_ =	shalt  }
0x62: {  	_ =	shalt  }
0x63: {  	_ =	shalt  }
0x64: {  	_ =	shalt  }
0x65: {  	_ =	shalt  }
0x66: {  	_ =	shalt  }
0x67: {  	_ =	shalt  }
0x68: {  	_ =	shalt  }
0x69: {  	_ =	shalt  }
0x6a: {  	_ =	shalt  }
0x6b: {  	_ =	shalt  }
0x6c: {  	_ =	shalt  }
0x6d: {  	_ =	shalt  }
0x6e: {  	_ =	shalt  }
0x6f: {  	_ =	shalt  }
0x70: {  	_ =	shalt  }
0x71: {  	_ =	shalt  }
0x72: {  	_ =	shalt  }
0x73: {  	_ =	shalt  }
0x74: {  	_ =	shalt  }
0x75: {  	_ =	shalt  }
0x76: {  	_ =	shalt  }
0x77: {  	_ =	shalt  }
0x78: {  	_ =	shalt  }
0x79: {  	_ =	shalt  }
0x7a: {  	_ =	shalt  }
0x7b: {  	_ =	shalt  }
0x7c: {  	_ =	shalt  }
0x7d: {  	_ =	shalt  }
0x7e: {  	_ =	shalt  }
0x7f: {  	_ =	shalt  }
0x80: {  	_ =	shalt  }
0x81: {  	_ =	shalt  }
0x82: {  	_ =	shalt  }
0x83: {  	_ =	shalt  }
0x84: {  	_ =	shalt  }
0x85: {  	_ =	shalt  }
0x86: {  	_ =	shalt  }
0x87: {  	_ =	shalt  }
.Lfunc_end0:
.L_simem_size_0:
called_computation.1_lowered:
.L_overlay_start_0:
0x88: {  	s2 =	sld [smem:$0x3FD9]  }
0x89: {  	s3 =	sld [smem:$0x3FFE];
	_ =	sdelay $0x1  }
0x8a: {  	s1 =	srdreg.scid  }
0x8b: {  	s0 =	sand.u32 $0x1, s1  }
0x8c: {  	s16 =	sshll.u32 s0, $0xA;
	s2 =	sadd.s32 s3, s2  }
0x8d: {  	s2 =	sadd.s32 s2, s16  }
0x8e: {  	[smem:$0x3FA7] =	sst s2  }
0x8f: {  	_ = 	snop  }
0x90: {  	(tm) =	ssettm $0x1  }
0x91: {  	s17 =	sld [smem:$0x3FFB];
	_ =	sdelay $0x3  }
0x92: {  	_ =	strace s17  }
0x93: {  	s2 =	sld [smem:$0x3FFC];
	_ =	sdelay $0x3  }
0x94: {  	_ =	strace s2  }
0x95: {  	s2 =	sld [smem:$0x3FFD];
	_ =	sdelay $0x3  }
0x96: {  	_ =	strace s2  }
0x97: {  	_ =	strace $0x8FFFFFFF  }
0x98: {  	s18 =	sld [smem:$0x3FDB];
	_ =	sdelay $0x1  }
0x99: {  	s19 =	simm.s32 $_scs_section_size  }
0x9a: {  	s4 =	simm.s32 $_size__tile_overlayer_lowered;
	s5 =	simm.s32 $_tile_overlayer_lowered  }
0x9b: {  	s22 =	simm.s32 $0x1BFF;
	s21 =	sshll.u32 s5, $0x1;
	s2 =	sadd.s32 s19, s18  }
0x9c: {  	s6 =	simm.s32 $0x0;
	s20 =	sshll.u32 s4, $0x1;
	s4 =	sadd.s32 s21, s2  }
0x9d: {  	[timem:s6], [sflag:s22] =	dma.local [hbm:s4], s20  }
0x9e: {  	_ =	swait.ge [sflag:s22], s20  }
0x9f: {  	s3 =	ssub.s32 $0x0, s20;
	[sflag:s22] =	ssyncset.done $0x0  }
0xa0: {  	[sflag:s22] =	ssyncadd.s32 s3;
	_ =	sdelay $0x1  }
0xa1: {  	s23 =	simm.s32 $0x1B8B  }
0xa2: {  	_ =	swait.ge [sflag:s23], $0x1  }
0xa3: {  	[sflag:s23] =	ssyncset.done $0x0  }
0xa4: {  	s25 =	simm.s32 $0x1B8E;
	s24 =	sld [smem:$0x3FFE];
	[sflag:s23] =	ssyncadd.s32 $0xFFFFFFFF  }
0xa5: {  	s26 =	simm.s32 $execute0_lowered;
	[smem:$0x3FD2] =	sst s25  }
0xa6: {  	s4 =	sshll.u32 s26, $0x1;
	_ =	strace $0x80000049;
	[dreg:$0x1] =	wrdreg $0xFFFFFFFF  }
0xa7: {  	s28 =	simm.s32 $_size_execute0_lowered;
	s2 =	sadd.s32 s2, s4;
	[dreg:$0x0] =	wrdreg $0x0  }
0xa8: {  	s4 =	sshll.u32 s28, $0x1;
	[dreg:$0x2] =	wrdreg s2  }
0xa9: {  	[dreg:$0x3] =	wrdreg s4  }
0xaa: {  	[dreg:$0x4] =	wrdreg $0xC0  }
0xab: {  	_ =	task [dreg:s6], $0x5FFFF  }
0xac: {  	[dreg:$0x1] =	wrdreg $0xFFFFFFFF  }
0xad: {  	[dreg:$0x0] =	wrdreg $0x60  }
0xae: {  	[dreg:$0x2] =	wrdreg s24  }
0xaf: {  	[dreg:$0x3] =	wrdreg $0x0  }
0xb0: {  	[dreg:$0x4] =	wrdreg $0x9  }
0xb1: {  	_ =	task.clear_ibuf [dreg:s6], $0x5FFFF;
	_ =	strace $0x90000049  }
0xb2: {  	s29 =	simm.s32 $0x9;
	_ =	strace $0x8000004B  }
0xb3: {  	_ =	swait.ge [sflag:s29], $0x1  }
0xb4: {  	[sflag:s29] =	ssyncadd.s32 $0xFFFFFFFF  }
0xb5: {  	_ =	strace $0x9000004B  }
0xb6: {  	_ =	sfence  }
0xb7: {  	s30 =	sld [smem:$0x0];
	_ =	sdelay $0x2  }
0xb8: {  	s31 =	sshll.u32 s1, $0xD;
	s1 =	sshrl.u32 s1, $0x2  }
0xb9: {  	s3 =	sand.u32 $0x4000, s31;
	s1 =	sadd.s32 s1, s30  }
0xba: {  	s0 =	sor.u32 s3, s0;
	s1 =	sshll.u32 s1, $0x11  }
0xbb: {  	s0 =	sor.u32 s1, s0  }
0xbc: {  	s0 =	sadd.s32 $0x8F2B, s0  }
0xbd: {  	[sflag:s0] =	ssyncadd.remote.s32 $0x1  }
0xbe: {  	_ =	sfence.sel $0xFFFF  }
0xbf: {  	[dreg:$0x0] =	wrdreg $0xFFFFFFFF;
	(pc) =	sbr.abs _section_cstart, $3  }
0xc0: {  	[dreg:$0x1] =	wrdreg $0xFFFFFFFF  }
0xc1: {  	_ =	task.clear_ibuf [dreg:s6], $0x2FFFF;
	_ =	strace $0x9FFFFFFF  }
0xc2: {  	(tm) =	ssettm $0x7FFFFFFF  }
0xc3: {  	_ =	shalt  }
tec
execute0_lowered:
.L_overlay_start_1:
0x0: {  	(tag) =	ssettag $0x1  }
0x1: {  	s0 =	rddreg [dreg:$0x0]  }
0x2: {  	s1 =	rddreg [dreg:$0x1];
	s2 =	simm.s32 $0x0  }
0x3: {  	s3 =	srdreg.scid;
	s17 =	simm.s32 $0x5;
	s18 =	simm.s32 $0x13C00  }
0x4: {  	s19 =	simm.s32 $0x80;
	s20 =	simm.s32 $0x13E00;
	s21 =	simm.s32 $0x1  }
0x5: {  	s28 =	simm.s32 $0x3;
	s29 =	simm.s32 $0x13D80;
	s30 =	simm.s32 $0x4  }
0x6: {  	s31 =	simm.s32 $0x0;
	s8 =	sand.u32 $0x1, s3;
	s3 =	stileid.u32  }
0x7: {  	[smem:$0x7FF] =	sst s2;
	s4 =	sadd.s32 $0x1A400, s0;
	s9 =	smul.u32 $0x4F000, s3  }
0x8: {  	s15 =	sadd.s32 $0x6800, s0;
	s22 =	sadd.s32 $0x41600, s0;
	s23 =	smul.u32 $0x138800, s8  }
0x9: {  	s0 =	sadd.s32 $0x43E00, s0;
	_ =	strace $0x8000004A;
	s26 =	smul.u32 $0x13C00, s3  }
0xa: {  	s5 =	sshll.u32 s8, $0x4;
	s6 =	ssub.s32 $0x2, s8;
	s13 =	smul.u32 $0x4F000, s8  }
0xb: {  	[dreg:$0x3] =	wrdreg s22;
	s25 =	sshll.u32 s3, $0x6;
	s14 =	smul.u32 $0x4F00, s3  }
0xc: {  	s22 =	simm.s32 $0x13D00;
	s7 =	sor.u32 s3, s5;
	s10 =	sshrl.u32 s6, $0x1  }
0xd: {  	p0 =	seq.s32 s3, $0xF;
	s11 =	smul.u32 $0x4F00, s7;
	s12 =	ssub.s32 s6, s10  }
0xe: {  	s24 =	sshrl.u32 s9, $0x2;
	s7 =	sor.u32 $0x1C05, s25;
	s9 =	sadd.s32 s26, s23  }
0xf: {  	s10 =	sshrl.u32 s23, $0x3;
	s13 =	sadd.s32 s14, s13;
	s23 =	simm.s32 $0x17E00  }
0x10: {  	s26 =	simm.s32 $0x2;
	s6 =	sadd.s32 s24, s1;
	s9 =	sshrl.u32 s9, $0x3  }
0x11: {  	s10 =	sadd.s32 s0, s10;
	s14 =	sadd.s32 $0x400, s13;
	s16 =	sadd.s32 $0x300, s13  }
0x12: {  	s24 =	simm.s32 $0x13C80;
	s11 =	sshrl.u32 s11, $0x3;
	s9 =	sadd.s32 s0, s9  }
0x13: {  	s10 =	sadd.s32 $0x25080, s10;
	s0 =	sadd.s32 $0x128400, s1;
	s14 =	sshrl.u32 s14, $0x3  }
0x14: {  	s16 =	sshrl.u32 s16, $0x3;
	s8 =	sadd.s32 s15, s11;
	s11 =	smax.u32 s12, $0x1  }
0x15: {  	s14 =	sadd.s32 s14, s15;
	s15 =	sadd.s32 s16, s15;
	s16 =	sshrl.u32 s6, $0x3  }
0x16: {  	s25 =	sshrl.u32 @p0 s0, $0x3;
	s12 =	sadd.s32 $0x20, s8;
	s13 =	sadd.s32 $0x40, s8  }
.LBB2_1:
0x17: {  	s0 =	rddreg [dreg:$0x3]  }
0x18: {  	[spmem:s16], [sflag:s7] =	dma.local [hbm:s0], $0x2780  }
0x19: {  	_ =	swait.ge [sflag:s17], $0x2780  }
0x1a: {  	[sflag:s17] =	ssyncset.done $0x0  }
0x1b: {  	[sflag:s17] =	ssyncadd.s32 $0xFFFFD880  }
0x1c: {  	[bflag:$0x0] =	sbarrier.arrive $0xFFFF  }
0x1d: {  	[tilespmem:s18], [sflag:$0x5] =	stream.linear.gather [hbm4b:s8+s2], $0x100, $0x38;
	[tilespmem:$0x1BE00] =	vst v63  }
0x1e: {  	_ =	swait.ge [sflag:s17], $0x100  }
0x1f: {  	[sflag:s17] =	ssyncset.done $0x0  }
0x20: {  	[sflag:s17] =	ssyncadd.s32 $0xFFFFFF00  }
0x21: {  	[tilespmem:s20], [sflag:$0x1] =	stream.indirect.gather [hbm4b:s4+s19], $0x80, s18, s19, $0xb8;
	[tilespmem:$0x1BE00] =	vst v63  }
0x22: {  	_ =	swait.ge [sflag:s21], $0x4000  }
0x23: {  	[sflag:s21] =	ssyncset.done $0x0  }
0x24: {  	[sflag:s21] =	ssyncadd.s32 $0xFFFFC000  }
0x25: {  	[tilespmem:s22], [sflag:$0x5] =	stream.linear.gather [hbm4b:s12+s2], $0x100, $0x38;
	[tilespmem:$0x1BE00] =	vst v63  }
0x26: {  	_ =	swait.ge [sflag:s17], $0x100  }
0x27: {  	[sflag:s17] =	ssyncset.done $0x0  }
0x28: {  	[sflag:s17] =	ssyncadd.s32 $0xFFFFFF00  }
0x29: {  	[tilespmem:s23], [sflag:$0x2] =	stream.indirect.gather [hbm4b:s4+s19], $0x80, s22, s19, $0xb8;
	[tilespmem:$0x1BE00] =	vst v63  }
0x2a: {  	_ = 	snop  }
0x2b: {  	[spmem:s1] =	stream.indirect.scatter.add.f32 [tilespmem:s20], [sflag:$0x3], $0x80, s24, s19, $0xb8;
	[tilespmem:$0x1BE00] =	vst v63  }
0x2c: {  	_ =	swait.ge [sflag:s26], $0x4000  }
0x2d: {  	[sflag:s26] =	ssyncset.done $0x0  }
0x2e: {  	[sflag:s26] =	ssyncadd.s32 $0xFFFFC000  }
0x2f: {  	_ =	swait.ge [sflag:s28], $0x4000  }
0x30: {  	[sflag:s28] =	ssyncset.done $0x0  }
0x31: {  	[sflag:s28] =	ssyncadd.s32 $0xFFFFC000  }
0x32: {  	[tilespmem:s18], [sflag:$0x5] =	stream.linear.gather [hbm4b:s13+s2], $0x100, $0x38;
	[tilespmem:$0x1BE00] =	vst v63  }
0x33: {  	_ =	swait.ge [sflag:s17], $0x100  }
0x34: {  	[sflag:s17] =	ssyncset.done $0x0  }
0x35: {  	[sflag:s17] =	ssyncadd.s32 $0xFFFFFF00  }
0x36: {  	[tilespmem:s20], [sflag:$0x1] =	stream.indirect.gather [hbm4b:s4+s19], $0x80, s18, s19, $0xb8;
	[tilespmem:$0x1BE00] =	vst v63  }
0x37: {  	_ = 	snop  }
0x38: {  	[spmem:s1] =	stream.indirect.scatter.add.f32 [tilespmem:s23], [sflag:$0x4], $0x80, s29, s19, $0xb8;
	[tilespmem:$0x1BE00] =	vst v63  }
0x39: {  	_ =	swait.ge [sflag:s21], $0x4000  }
0x3a: {  	[sflag:s21] =	ssyncset.done $0x0  }
0x3b: {  	[sflag:s21] =	ssyncadd.s32 $0xFFFFC000  }
0x3c: {  	_ =	swait.ge [sflag:s30], $0x4000  }
0x3d: {  	[sflag:s30] =	ssyncset.done $0x0  }
0x3e: {  	s3 =	sadd.s32 $0x0, s15;
	[sflag:s30] =	ssyncadd.s32 $0xFFFFC000  }
0x3f: {  	[tilespmem:s22], [sflag:$0x5] =	stream.linear.gather [hbm4b:s3+s2], $0x100, $0x38;
	[tilespmem:$0x1BE00] =	vst v63  }
0x40: {  	_ =	swait.ge [sflag:s17], $0x100  }
0x41: {  	[sflag:s17] =	ssyncset.done $0x0  }
0x42: {  	[sflag:s17] =	ssyncadd.s32 $0xFFFFFF00  }
0x43: {  	[tilespmem:s23], [sflag:$0x2] =	stream.indirect.gather [hbm4b:s4+s19], $0x80, s22, s19, $0xb8;
	[tilespmem:$0x1BE00] =	vst v63  }
0x44: {  	_ = 	snop  }
0x45: {  	[spmem:s1] =	stream.indirect.scatter.add.f32 [tilespmem:s20], [sflag:$0x3], $0x80, s24, s19, $0xb8;
	[tilespmem:$0x1BE00] =	vst v63  }
0x46: {  	_ =	swait.ge [sflag:s26], $0x4000  }
0x47: {  	[sflag:s26] =	ssyncset.done $0x0  }
0x48: {  	[sflag:s26] =	ssyncadd.s32 $0xFFFFC000  }
0x49: {  	_ =	swait.ge [sflag:s28], $0x4000  }
0x4a: {  	[sflag:s28] =	ssyncset.done $0x0  }
0x4b: {  	s5 =	sadd.s32 $0x0, s14;
	[sflag:s28] =	ssyncadd.s32 $0xFFFFC000  }
0x4c: {  	[tilespmem:s18], [sflag:$0x5] =	stream.linear.gather [hbm4b:s5+s2], $0x100, $0x38;
	[tilespmem:$0x1BE00] =	vst v63  }
0x4d: {  	_ =	swait.ge [sflag:s17], $0x100  }
0x4e: {  	[sflag:s17] =	ssyncset.done $0x0  }
0x4f: {  	s0 =	simm.s32 $0x40;
	[sflag:s17] =	ssyncadd.s32 $0xFFFFFF00  }
0x50: {  	[tilespmem:s20], [sflag:$0x1] =	stream.indirect.gather [hbm4b:s4+s19], $0x80, s18, s19, $0xb8;
	[tilespmem:$0x1BE00] =	vst v63  }
.LBB2_2:
0x51: {  	[spmem:s1] =	stream.indirect.scatter.add.f32 [tilespmem:s23], [sflag:$0x4], $0x80, s29, s19, $0xb8;
	[tilespmem:$0x1BE00] =	vst v63  }
0x52: {  	s3 =	smov.u32 s0  }
0x53: {  	p1 =	sne.s32 s0, $0x940;
	s0 =	sadd.s32 $0x40, s0;
	_ =	swait.ge [sflag:s21], $0x4000  }
0x54: {  	[sflag:s21] =	ssyncset.done $0x0  }
0x55: {  	[sflag:s21] =	ssyncadd.s32 $0xFFFFC000  }
0x56: {  	_ =	swait.ge [sflag:s30], $0x4000  }
0x57: {  	[sflag:s30] =	ssyncset.done $0x0  }
0x58: {  	s5 =	sadd.s32 s3, s15;
	[sflag:s30] =	ssyncadd.s32 $0xFFFFC000  }
0x59: {  	[tilespmem:s22], [sflag:$0x5] =	stream.linear.gather [hbm4b:s5+s2], $0x100, $0x38;
	[tilespmem:$0x1BE00] =	vst v63  }
0x5a: {  	_ =	swait.ge [sflag:s17], $0x100  }
0x5b: {  	[sflag:s17] =	ssyncset.done $0x0  }
0x5c: {  	[sflag:s17] =	ssyncadd.s32 $0xFFFFFF00  }
0x5d: {  	[tilespmem:s23], [sflag:$0x2] =	stream.indirect.gather [hbm4b:s4+s19], $0x80, s22, s19, $0xb8;
	[tilespmem:$0x1BE00] =	vst v63  }
0x5e: {  	_ = 	snop  }
0x5f: {  	[spmem:s1] =	stream.indirect.scatter.add.f32 [tilespmem:s20], [sflag:$0x3], $0x80, s24, s19, $0xb8;
	[tilespmem:$0x1BE00] =	vst v63  }
0x60: {  	_ =	swait.ge [sflag:s26], $0x4000  }
0x61: {  	[sflag:s26] =	ssyncset.done $0x0  }
0x62: {  	[sflag:s26] =	ssyncadd.s32 $0xFFFFC000  }
0x63: {  	_ =	swait.ge [sflag:s28], $0x4000  }
0x64: {  	[sflag:s28] =	ssyncset.done $0x0  }
0x65: {  	s3 =	sadd.s32 s3, s14;
	[sflag:s28] =	ssyncadd.s32 $0xFFFFC000  }
0x66: {  	[tilespmem:s18], [sflag:$0x5] =	stream.linear.gather [hbm4b:s3+s2], $0x100, $0x38;
	[tilespmem:$0x1BE00] =	vst v63  }
.Ltmp0:
0x67: {  	_ = 	snop;
	(pc) =	sbr.rel @p1 .LBB2_2-.Ltmp0, $4  }
0x68: {  	_ =	swait.ge [sflag:s17], $0x100  }
0x69: {  	[sflag:s17] =	ssyncset.done $0x0  }
0x6a: {  	[sflag:s17] =	ssyncadd.s32 $0xFFFFFF00  }
0x6b: {  	[tilespmem:s20], [sflag:$0x1] =	stream.indirect.gather [hbm4b:s4+s19], $0x80, s18, s19, $0xb8;
	[tilespmem:$0x1BE00] =	vst v63  }
0x6c: {  	[spmem:s1] =	stream.indirect.scatter.add.f32 [tilespmem:s23], [sflag:$0x4], $0x80, s29, s19, $0xb8;
	[tilespmem:$0x1BE00] =	vst v63  }
0x6d: {  	_ =	swait.ge [sflag:s21], $0x4000  }
0x6e: {  	[sflag:s21] =	ssyncset.done $0x0  }
0x6f: {  	[sflag:s21] =	ssyncadd.s32 $0xFFFFC000  }
0x70: {  	[spmem:s1] =	stream.indirect.scatter.add.f32 [tilespmem:s20], [sflag:$0x3], $0x80, s24, s19, $0xb8;
	[tilespmem:$0x1BE00] =	vst v63  }
0x71: {  	_ =	swait.ge [sflag:s28], $0x4000  }
0x72: {  	[sflag:s28] =	ssyncset.done $0x0  }
0x73: {  	[sflag:s28] =	ssyncadd.s32 $0xFFFFC000  }
0x74: {  	_ =	swait.ge [sflag:s30], $0x4000  }
0x75: {  	[sflag:s30] =	ssyncset.done $0x0  }
0x76: {  	[sflag:s30] =	ssyncadd.s32 $0xFFFFC000  }
0x77: {  	s0 =	simm.s32 @p0 $0x5;
	[bflag:$0x0] =	sbarrier.arrive $0xFFFF  }
0x78: {  	[hbm:s10], [sflag:s7] =	dma.local @p0 [spmem:s25], $0x2080  }
0x79: {  	_ =	swait.ge @p0 [sflag:s0], $0x2080  }
0x7a: {  	s31 =	sadd.s32 $0x1, s31;
	[sflag:s0] =	ssyncset.done @p0 $0x0  }
0x7b: {  	p1 =	sne.s32 s31, s11;
	[sflag:s0] =	ssyncadd.s32 @p0 $0xFFFFDF80;
	s0 =	sshrl.u32 @!p0 s6, $0x3  }
0x7c: {  	[hbm:s9], [sflag:s7] =	dma.local @!p0 [spmem:s0], $0x2780  }
.Ltmp1:
0x7d: {  	_ = 	snop;
	(pc) =	sbr.rel @p1 .LBB2_1-.Ltmp1, $4  }
0x7e: {  	s0 =	simm.s32 @!p0 $0x5  }
0x7f: {  	_ =	swait.ge @!p0 [sflag:s0], $0x2780  }
0x80: {  	[sflag:s0] =	ssyncset.done @!p0 $0x0  }
0x81: {  	[sflag:s0] =	ssyncadd.s32 @!p0 $0xFFFFD880  }
0x82: {  	_ =	sfence.sel $0x180000  }
0x83: {  	[bflag:$0x0] =	sbarrier.arrive $0xFFFF  }
0x84: {  	_ =	strace $0x9000004A  }
0x85: {  	s0 =	stileid.u32;
	[bflag:$0x2] =	sbarrier.arrive $0xFFFF  }
0x86: {  	p0 =	sne.s32 s0, $0x0;
	s0 =	rddreg [dreg:$0x2]  }
0x87: {  	s0 =	sadd.s32 @!p0 $0x100000, s0  }
0x88: {  	[sflag:s0] =	ssyncadd.tile.s32 @!p0 $0x1;
	_ =	shalt  }
.Lfunc_end2:
_tile_overlayer_lowered:
.L_overlay_start_2:
0x89: {  	(tag) =	ssettag $0x2  }
0x8a: {  	s0 =	rddreg [dreg:$0x0];
	s2 =	stileid.u32  }
0x8b: {  	s1 =	rddreg [dreg:$0x1];
	p0 =	sne.s32 s2, $0x0  }
0x8c: {  	s3 =	rddreg [dreg:$0x2];
	[bflag:$0x3] =	sbarrier.arrive $0xFFFF;
	s2 =	simm.s32 @!p0 $0x1C05  }
0x8d: {  	[timem:s3], [sflag:s2] =	dma.local @!p0 [hbm:s0], s1  }
0x8e: {  	s0 =	simm.s32 @!p0 $0x5  }
0x8f: {  	_ =	swait.ge @!p0 [sflag:s0], s1  }
0x90: {  	s1 =	ssub.s32 @!p0 $0x0, s1;
	[sflag:s0] =	ssyncset.done @!p0 $0x0  }
0x91: {  	[sflag:s0] =	ssyncadd.s32 @!p0 s1  }
0x92: {  	[bflag:$0x3] =	sbarrier.arrive $0xFFFF  }
0x93: {  	_ =	shalt  }

// kernel: kernel.20.cloned.1.call-start
scs
__scs_entry_jumppad:
0x0: {  	(pc) =	sbr.rel $0x88, $3  }
0x1: {  	(tag) =	ssettag $0x0;
	lr =	simm.s32 $0x1  }
0x2: {  	[smem:$0x3F80] =	sst lr;
	_ =	strace $0xD0000000  }
0x3: {  	_ = 	snop  }
0x4: {  	_ = 	snop  }
0x5: {  	_ = 	snop  }
0x6: {  	_ = 	snop  }
0x7: {  	_ = 	snop  }
__scs_overlays_trampoline_lowered:
0x8: {  	[smem:$0x3F8F] =	sst s0  }
0x9: {  	[smem:$0x3F90] =	sst s1  }
0xa: {  	[smem:$0x3F91] =	sst s2  }
0xb: {  	[smem:$0x3F92] =	sst s3  }
0xc: {  	[smem:$0x3F93] =	sst s4  }
0xd: {  	[smem:$0x3F94] =	sst s5  }
0xe: {  	[smem:$0x3F95] =	sst s6  }
0xf: {  	[smem:$0x3F96] =	sst s7  }
0x10: {  	[smem:$0x3F97] =	sst s8  }
0x11: {  	[smem:$0x3F98] =	sst s9;
	s0 =	simm.s32 @!p0 $0x0  }
0x12: {  	s1 =	sld [smem:$0x3F7E];
	s0 =	simm.s32 @p0 $0x1  }
0x13: {  	[smem:$0x3F99] =	sst s0;
	s0 =	simm.s32 @!p1 $0x0  }
0x14: {  	s2 =	sld [smem:$0x3F7D];
	s0 =	simm.s32 @p1 $0x1  }
0x15: {  	[smem:$0x3F9A] =	sst s0;
	s0 =	simm.s32 @!p2 $0x0  }
0x16: {  	s3 =	sld [smem:$0x3FDB];
	s0 =	simm.s32 @p2 $0x1  }
0x17: {  	s4 =	simm.s32 $0x1BF5;
	[smem:$0x3F9C] =	sst s0  }
0x18: {  	s0 =	sld [smem:$0x3F7F];
	_ =	swait.ge [sflag:s4], $0x0  }
0x19: {  	s7 =	sld [smem:$0x3F80]  }
0x1a: {  	s8 =	sadd.s32 $0xFFFFE003, lr  }
0x1b: {  	s9 =	sadd.s32 $0xFFFFFEF7, lr;
	s5 =	simm.s32 $0xFFFFFFFF;
	p2 =	slt.u32 s8, $0xFFFFF086  }
0x1c: {  	p1 =	slt.u32 s9, $0xF7A;
	s5 =	simm.s32 @!p2 $0x0  }
0x1d: {  	s5 =	simm.s32 @p1 $0x1;
	p0 =	seq.s32 s7, s2  }
0x1e: {  	s7 =	smul.u32 @!p0 $0xF7A, s2;
	p2 =	seq.s32 @!p0 s5, $0x0  }
0x1f: {  	s9 =	smul.u32 $0xF7A, s1;
	s8 =	simm.s32 @!p0 $0x1BF5;
	p2 =	por !p2, p0  }
0x20: {  	[sflag:s8] =	ssyncset.s32 @!p0 $0xFFFFF086;
	s6 =	sadd.s32 @!p0 s3, s7;
	s7 =	simm.s32 @!p0 $0x108  }
0x21: {  	s3 =	sadd.s32 s3, s9;
	s6 =	sadd.s32 @!p0 $0x88, s6;
	s7 =	simm.s32 @p2 $0x1082  }
0x22: {  	[simem:s7], [sflag:s8] =	dma.local @!p0 [hbm:s6], $0xF7A  }
0x23: {  	s9 =	sor.u32 $0xD0000000, s2;
	s6 =	simm.s32 $0x108;
	_ =	swait.ge @!p0 [sflag:s8], $0x0  }
0x24: {  	s3 =	sadd.s32 $0x88, s3;
	s6 =	simm.s32 @!p1 $0x1082;
	[sflag:s4] =	ssyncset.s32 $0xFFFFF086  }
0x25: {  	[simem:s6], [sflag:s4] =	dma.local [hbm:s3], $0xF7A  }
0x26: {  	[smem:$0x3F80] =	sst s1;
	(tag) =	ssettag s2;
	_ =	strace s9  }
0x27: {  	s1 =	sld [smem:$0x3F90]  }
0x28: {  	s2 =	sld [smem:$0x3F91]  }
0x29: {  	s4 =	sld [smem:$0x3F93]  }
0x2a: {  	p0 =	seq.s32 s5, $0x0;
	s5 =	sld [smem:$0x3F94]  }
0x2b: {  	s6 =	sld [smem:$0x3F95]  }
0x2c: {  	s7 =	sld [smem:$0x3F96]  }
0x2d: {  	s3 =	simm.s32 $0x108;
	s8 =	sld [smem:$0x3F97]  }
0x2e: {  	s3 =	simm.s32 @!p0 $0x1082;
	s9 =	sld [smem:$0x3F98]  }
0x2f: {  	lr =	sadd.s32 s0, s3;
	s0 =	sld [smem:$0x3F8F]  }
0x30: {  	s3 =	sld [smem:$0x3F92]  }
0x31: {  	[smem:$0x3F9B] =	sst s10  }
0x32: {  	s10 =	sld [smem:$0x3F99];
	_ =	sdelay $0x3  }
0x33: {  	p0 =	seq.s32 s10, $0x1;
	s10 =	sld [smem:$0x3F9B];
	_ =	sdelay $0x3  }
0x34: {  	[smem:$0x3F9B] =	sst s10  }
0x35: {  	s10 =	sld [smem:$0x3F9A];
	_ =	sdelay $0x3  }
0x36: {  	p1 =	seq.s32 s10, $0x1;
	s10 =	sld [smem:$0x3F9B];
	_ =	sdelay $0x3  }
0x37: {  	[smem:$0x3F9B] =	sst s10  }
0x38: {  	s10 =	sld [smem:$0x3F9C]  }
0x39: {  	_ = 	snop;
	(pc) =	sbr.ind lr, $3  }
0x3a: {  	_ = 	snop  }
0x3b: {  	_ = 	snop  }
0x3c: {  	p2 =	seq.s32 s10, $0x1;
	s10 =	sld [smem:$0x3F9B]  }
0x3d: {  	_ =	shalt  }
0x3e: {  	_ =	shalt  }
0x3f: {  	_ =	shalt  }
0x40: {  	_ =	shalt  }
0x41: {  	_ =	shalt  }
0x42: {  	_ =	shalt  }
0x43: {  	_ =	shalt  }
0x44: {  	_ =	shalt  }
0x45: {  	_ =	shalt  }
0x46: {  	_ =	shalt  }
0x47: {  	_ =	shalt  }
0x48: {  	_ =	shalt  }
0x49: {  	_ =	shalt  }
0x4a: {  	_ =	shalt  }
0x4b: {  	_ =	shalt  }
0x4c: {  	_ =	shalt  }
0x4d: {  	_ =	shalt  }
0x4e: {  	_ =	shalt  }
0x4f: {  	_ =	shalt  }
0x50: {  	_ =	shalt  }
0x51: {  	_ =	shalt  }
0x52: {  	_ =	shalt  }
0x53: {  	_ =	shalt  }
0x54: {  	_ =	shalt  }
0x55: {  	_ =	shalt  }
0x56: {  	_ =	shalt  }
0x57: {  	_ =	shalt  }
0x58: {  	_ =	shalt  }
0x59: {  	_ =	shalt  }
0x5a: {  	_ =	shalt  }
0x5b: {  	_ =	shalt  }
0x5c: {  	_ =	shalt  }
0x5d: {  	_ =	shalt  }
0x5e: {  	_ =	shalt  }
0x5f: {  	_ =	shalt  }
0x60: {  	_ =	shalt  }
0x61: {  	_ =	shalt  }
0x62: {  	_ =	shalt  }
0x63: {  	_ =	shalt  }
0x64: {  	_ =	shalt  }
0x65: {  	_ =	shalt  }
0x66: {  	_ =	shalt  }
0x67: {  	_ =	shalt  }
0x68: {  	_ =	shalt  }
0x69: {  	_ =	shalt  }
0x6a: {  	_ =	shalt  }
0x6b: {  	_ =	shalt  }
0x6c: {  	_ =	shalt  }
0x6d: {  	_ =	shalt  }
0x6e: {  	_ =	shalt  }
0x6f: {  	_ =	shalt  }
0x70: {  	_ =	shalt  }
0x71: {  	_ =	shalt  }
0x72: {  	_ =	shalt  }
0x73: {  	_ =	shalt  }
0x74: {  	_ =	shalt  }
0x75: {  	_ =	shalt  }
0x76: {  	_ =	shalt  }
0x77: {  	_ =	shalt  }
0x78: {  	_ =	shalt  }
0x79: {  	_ =	shalt  }
0x7a: {  	_ =	shalt  }
0x7b: {  	_ =	shalt  }
0x7c: {  	_ =	shalt  }
0x7d: {  	_ =	shalt  }
0x7e: {  	_ =	shalt  }
0x7f: {  	_ =	shalt  }
0x80: {  	_ =	shalt  }
0x81: {  	_ =	shalt  }
0x82: {  	_ =	shalt  }
0x83: {  	_ =	shalt  }
0x84: {  	_ =	shalt  }
0x85: {  	_ =	shalt  }
0x86: {  	_ =	shalt  }
0x87: {  	_ =	shalt  }
.Lfunc_end0:
.L_simem_size_0:
called_computation.2_lowered:
.L_overlay_start_0:
0x88: {  	s2 =	sld [smem:$0x3FD9]  }
0x89: {  	s3 =	sld [smem:$0x3FFE];
	_ =	sdelay $0x1  }
0x8a: {  	s1 =	srdreg.scid  }
0x8b: {  	s0 =	sand.u32 $0x1, s1  }
0x8c: {  	s16 =	sshll.u32 s0, $0xA;
	s2 =	sadd.s32 s3, s2  }
0x8d: {  	s2 =	sadd.s32 s2, s16  }
0x8e: {  	[smem:$0x3FA7] =	sst s2  }
0x8f: {  	_ = 	snop  }
0x90: {  	(tm) =	ssettm $0x1  }
0x91: {  	s17 =	sld [smem:$0x3FFB];
	_ =	sdelay $0x3  }
0x92: {  	_ =	strace s17  }
0x93: {  	s2 =	sld [smem:$0x3FFC];
	_ =	sdelay $0x3  }
0x94: {  	_ =	strace s2  }
0x95: {  	s2 =	sld [smem:$0x3FFD];
	_ =	sdelay $0x3  }
0x96: {  	_ =	strace s2  }
0x97: {  	_ =	strace $0x8FFFFFFF  }
0x98: {  	s18 =	sld [smem:$0x3FDB];
	_ =	sdelay $0x1  }
0x99: {  	s19 =	simm.s32 $_scs_section_size  }
0x9a: {  	s4 =	simm.s32 $_size__tile_overlayer_lowered;
	s5 =	simm.s32 $_tile_overlayer_lowered  }
0x9b: {  	s22 =	simm.s32 $0x1BFF;
	s21 =	sshll.u32 s5, $0x1;
	s2 =	sadd.s32 s19, s18  }
0x9c: {  	s6 =	simm.s32 $0x0;
	s20 =	sshll.u32 s4, $0x1;
	s4 =	sadd.s32 s21, s2  }
0x9d: {  	[timem:s6], [sflag:s22] =	dma.local [hbm:s4], s20  }
0x9e: {  	_ =	swait.ge [sflag:s22], s20  }
0x9f: {  	s3 =	ssub.s32 $0x0, s20;
	[sflag:s22] =	ssyncset.done $0x0  }
0xa0: {  	[sflag:s22] =	ssyncadd.s32 s3;
	_ =	sdelay $0x1  }
0xa1: {  	s23 =	simm.s32 $0x1B8B  }
0xa2: {  	_ =	swait.ge [sflag:s23], $0x1  }
0xa3: {  	[sflag:s23] =	ssyncset.done $0x0  }
0xa4: {  	s25 =	simm.s32 $0x1B8E;
	s24 =	sld [smem:$0x3FFE];
	[sflag:s23] =	ssyncadd.s32 $0xFFFFFFFF  }
0xa5: {  	s26 =	simm.s32 $execute0_lowered;
	[smem:$0x3FD2] =	sst s25  }
0xa6: {  	s4 =	sshll.u32 s26, $0x1;
	_ =	strace $0x8000004C;
	[dreg:$0x1] =	wrdreg $0xFFFFFFFF  }
0xa7: {  	s28 =	simm.s32 $_size_execute0_lowered;
	s2 =	sadd.s32 s2, s4;
	[dreg:$0x0] =	wrdreg $0x0  }
0xa8: {  	s4 =	sshll.u32 s28, $0x1;
	[dreg:$0x2] =	wrdreg s2  }
0xa9: {  	[dreg:$0x3] =	wrdreg s4  }
0xaa: {  	[dreg:$0x4] =	wrdreg $0xC0  }
0xab: {  	_ =	task [dreg:s6], $0x5FFFF  }
0xac: {  	[dreg:$0x1] =	wrdreg $0xFFFFFFFF  }
0xad: {  	[dreg:$0x0] =	wrdreg $0x60  }
0xae: {  	[dreg:$0x2] =	wrdreg s24  }
0xaf: {  	[dreg:$0x3] =	wrdreg $0x0  }
0xb0: {  	[dreg:$0x4] =	wrdreg $0x9  }
0xb1: {  	_ =	task.clear_ibuf [dreg:s6], $0x5FFFF;
	_ =	strace $0x9000004C  }
0xb2: {  	s29 =	simm.s32 $0x9;
	_ =	strace $0x8000004E  }
0xb3: {  	_ =	swait.ge [sflag:s29], $0x1  }
0xb4: {  	[sflag:s29] =	ssyncadd.s32 $0xFFFFFFFF  }
0xb5: {  	_ =	strace $0x9000004E  }
0xb6: {  	_ =	sfence  }
0xb7: {  	s30 =	sld [smem:$0x0];
	_ =	sdelay $0x2  }
0xb8: {  	s31 =	sshll.u32 s1, $0xD;
	s1 =	sshrl.u32 s1, $0x2  }
0xb9: {  	s3 =	sand.u32 $0x4000, s31;
	s1 =	sadd.s32 s1, s30  }
0xba: {  	s0 =	sor.u32 s3, s0;
	s1 =	sshll.u32 s1, $0x11  }
0xbb: {  	s0 =	sor.u32 s1, s0  }
0xbc: {  	s0 =	sadd.s32 $0x8F2B, s0  }
0xbd: {  	[sflag:s0] =	ssyncadd.remote.s32 $0x1  }
0xbe: {  	_ =	sfence.sel $0xFFFF  }
0xbf: {  	[dreg:$0x0] =	wrdreg $0xFFFFFFFF;
	(pc) =	sbr.abs _section_cstart, $3  }
0xc0: {  	[dreg:$0x1] =	wrdreg $0xFFFFFFFF  }
0xc1: {  	_ =	task.clear_ibuf [dreg:s6], $0x2FFFF;
	_ =	strace $0x9FFFFFFF  }
0xc2: {  	(tm) =	ssettm $0x7FFFFFFF  }
0xc3: {  	_ =	shalt  }
tec
execute0_lowered:
.L_overlay_start_1:
0x0: {  	(tag) =	ssettag $0x1  }
0x1: {  	s0 =	rddreg [dreg:$0x0]  }
0x2: {  	s1 =	rddreg [dreg:$0x1];
	s8 =	simm.s32 $0x0  }
0x3: {  	s2 =	srdreg.scid;
	s10 =	stileid.u32;
	s16 =	simm.s32 $0x5  }
0x4: {  	s18 =	simm.s32 $0x80;
	s19 =	simm.s32 $0x16B10;
	s28 =	simm.s32 $0x16480  }
0x5: {  	s29 =	simm.s32 $0x2;
	s30 =	simm.s32 $0x16600;
	s31 =	simm.s32 $0x3  }
0x6: {  	s14 =	simm.s32 $0x0;
	[smem:$0x7FF] =	sst s8;
	s4 =	sadd.s32 $0x26D200, s0  }
0x7: {  	s5 =	sadd.s32 $0x1A400, s0;
	s2 =	sand.u32 $0x1, s2;
	s7 =	sadd.s32 $0x131C00, s0  }
0x8: {  	s6 =	sadd.s32 $0xB8400, s0;
	s11 =	smul.u32 $0x16380, s10;
	s9 =	sadd.s32 $0x134A00, s0  }
0x9: {  	s23 =	sshll.u32 s10, $0x6;
	s25 =	smul.u32 $0xF300, s10;
	_ =	strace $0x8000004D  }
0xa: {  	v0 =	vlaneseq.u32;
	s3 =	ssub.s32 $0x2, s2;
	[dreg:$0x4] =	wrdreg s7;
	s2 =	sshll.u32 s2, $0x1  }
0xb: {  	v14 =	vmul.u32 $0x90, v0;
	v0 =	vmul.u32 $0x8, v0;
	p0 =	seq.s32 s10, $0xF;
	s12 =	sor.u32 $0x1C05, s23;
	[dreg:$0x6] =	wrdreg s2  }
0xc: {  	s23 =	simm.s32 $0x16500;
	s21 =	sshrl.u32 s3, $0x1;
	[dreg:$0x5] =	wrdreg s11  }
0xd: {  	s24 =	sadd.s32 s11, s1;
	[dreg:$0x7] =	wrdreg s25;
	s2 =	sadd.s32 $0x14D480, s1;
	v1 =	vadd.s32 $0x81, v14;
	v2 =	vadd.s32 $0x981, v14;
	v3 =	vor.u32 $0x80, v0  }
0xe: {  	v4 =	vadd.s32 $0x1281, v14;
	v5 =	vor.u32 $0x100, v0;
	v6 =	vadd.s32 $0x1B81, v14;
	s22 =	ssub.s32 s3, s21;
	s17 =	smov.u32 s24;
	s26 =	sshrl.u32 s24, $0x3  }
0xf: {  	v7 =	vor.u32 $0x180, v0;
	v8 =	vadd.s32 $0x2481, v14;
	v9 =	vor.u32 $0x200, v0;
	s21 =	simm.s32 $0x16680;
	s24 =	simm.s32 $0x1B310;
	s25 =	sshrl.u32 @p0 s2, $0x3  }
0x10: {  	v10 =	vadd.s32 $0x2D81, v14;
	v11 =	vor.u32 $0x280, v0;
	v12 =	vadd.s32 $0x3681, v14;
	s0 =	smax.u32 s22, $0x1;
	[dreg:$0x9] =	wrdreg s26;
	s22 =	simm.s32 $0x1  }
0x11: {  	v13 =	vor.u32 $0x300, v0;
	v14 =	vadd.s32 $0x3F81, v14;
	v15 =	vor.u32 $0x380, v0;
	s26 =	simm.s32 $0x16580;
	[dreg:$0x8] =	wrdreg s0;
	s0 =	simm.s32 $0x4  }
.LBB2_1:
0x12: {  	[dreg:$0x3] =	wrdreg s8;
	p2 =	por $0x1, $0x1;
	s2 =	simm.s32 $0x0  }
.LBB2_2:
0x13: {  	s3 =	rddreg [dreg:$0x6]  }
0x14: {  	s11 =	rddreg [dreg:$0x4]  }
0x15: {  	s7 =	rddreg [dreg:$0x9];
	s3 =	sor.u32 s3, s2  }
0x16: {  	[spmem:s7], [sflag:s12] =	dma.local [hbm:s11], $0x2C70  }
0x17: {  	s13 =	smul.u32 $0xF3000, s3;
	_ =	swait.ge [sflag:s16], $0x2C70  }
0x18: {  	s15 =	rddreg [dreg:$0x7]  }
0x19: {  	[sflag:s16] =	ssyncset.done $0x0;
	s7 =	sadd.s32 s15, s13  }
0x1a: {  	[sflag:s16] =	ssyncadd.s32 $0xFFFFD390;
	s2 =	sshrl.u32 s7, $0x3  }
0x1b: {  	s8 =	simm.s32 $0x16380;
	[bflag:$0x0] =	sbarrier.arrive $0xFFFF;
	s2 =	sadd.s32 s6, s2  }
0x1c: {  	[tilespmem:s8], [sflag:$0x5] =	stream.linear.gather [hbm4b:s2+s14], $0x180, $0x38;
	[tilespmem:$0x1FB10] =	vst v63  }
0x1d: {  	_ =	swait.ge [sflag:s16], $0x180  }
0x1e: {  	[sflag:s16] =	ssyncset.done $0x0  }
0x1f: {  	[sflag:s16] =	ssyncadd.s32 $0xFFFFFE80  }
0x20: {  	[tilespmem:s19], [sflag:$0x1] =	stream.indirect.gather [hbm4b:s4+s18], $0x90, s8, s18, $0xb8;
	[tilespmem:$0x1FB10] =	vst v63  }
0x21: {  	s20 =	simm.s32 $0x16400;
	p1 =	por p2, p2  }
0x22: {  	[tilespmem:s21], [sflag:$0x1] =	stream.indirect.gather [hbm4b:s5+s18], $0x8, s20, s18, $0xb8;
	[tilespmem:$0x1FB10] =	vst v63  }
0x23: {  	s2 =	sadd.s32 $0x180, s7;
	s20 =	sadd.s32 $0x300, s7;
	s7 =	simm.s32 $0x0  }
.LBB2_3:
0x24: {  	_ =	swait.ge [sflag:s22], $0x400  }
0x25: {  	[sflag:s22] =	ssyncset.done $0x0  }
0x26: {  	[sflag:s22] =	ssyncadd.s32 $0xFFFFFC00  }
0x27: {  	_ =	swait.ge [sflag:s22], $0x4800  }
0x28: {  	[sflag:s22] =	ssyncset.done $0x0  }
0x29: {  	[sflag:s22] =	ssyncadd.s32 $0xFFFFB800  }
0x2a: {  	v16 =	vld.idx.msk [tilespmem:v1+s19+$0x0], $0xffff  }
0x2b: {  	v17 =	vld.idx.msk [tilespmem:v0+s21+$0x0], $0xffff;
	_ =	sdelay $0x4  }
0x2c: {  	v16 =	vadd.f32 v17, v16;
	_ =	sdelay $0x1  }
0x2d: {  	v17 =	vmul.f32 $2.000000030e-01, v16;
	_ =	sdelay $0x1  }
0x2e: {  	v16 =	vmax.f32 v16, v17  }
0x2f: {  	v16 =	vmul.f32 $1.442695020e+00, v16;
	_ =	sdelay $0x1  }
0x30: {  	(erf) = vpow2.f32 v16;
	_ =	sdelay $0x8  }
0x31: {  	v16 =	vpop (erf)  }
0x32: {  	[tilespmem:$0x16A80] =	vst v16  }
0x33: {  	v16 =	vld.idx.msk [tilespmem:v2+s19+$0x0], $0xffff  }
0x34: {  	v17 =	vld.idx.msk [tilespmem:v3+s21+$0x0], $0xffff;
	_ =	sdelay $0x4  }
0x35: {  	v16 =	vadd.f32 v17, v16;
	_ =	sdelay $0x1  }
0x36: {  	v17 =	vmul.f32 $2.000000030e-01, v16;
	_ =	sdelay $0x1  }
0x37: {  	v16 =	vmax.f32 v16, v17  }
0x38: {  	v16 =	vmul.f32 $1.442695020e+00, v16;
	_ =	sdelay $0x1  }
0x39: {  	(erf) = vpow2.f32 v16;
	_ =	sdelay $0x8  }
0x3a: {  	v16 =	vpop (erf)  }
0x3b: {  	[tilespmem:$0x16A90] =	vst v16  }
0x3c: {  	v16 =	vld.idx.msk [tilespmem:v4+s19+$0x0], $0xffff  }
0x3d: {  	v17 =	vld.idx.msk [tilespmem:v5+s21+$0x0], $0xffff;
	_ =	sdelay $0x4  }
0x3e: {  	v16 =	vadd.f32 v17, v16;
	_ =	sdelay $0x1  }
0x3f: {  	v17 =	vmul.f32 $2.000000030e-01, v16;
	_ =	sdelay $0x1  }
0x40: {  	v16 =	vmax.f32 v16, v17  }
0x41: {  	v16 =	vmul.f32 $1.442695020e+00, v16;
	_ =	sdelay $0x1  }
0x42: {  	(erf) = vpow2.f32 v16;
	_ =	sdelay $0x8  }
0x43: {  	v16 =	vpop (erf)  }
0x44: {  	[tilespmem:$0x16AA0] =	vst v16  }
0x45: {  	v16 =	vld.idx.msk [tilespmem:v6+s19+$0x0], $0xffff  }
0x46: {  	v17 =	vld.idx.msk [tilespmem:v7+s21+$0x0], $0xffff;
	_ =	sdelay $0x4  }
0x47: {  	v16 =	vadd.f32 v17, v16;
	_ =	sdelay $0x1  }
0x48: {  	v17 =	vmul.f32 $2.000000030e-01, v16;
	_ =	sdelay $0x1  }
0x49: {  	v16 =	vmax.f32 v16, v17  }
0x4a: {  	v16 =	vmul.f32 $1.442695020e+00, v16;
	_ =	sdelay $0x1  }
0x4b: {  	(erf) = vpow2.f32 v16;
	_ =	sdelay $0x8  }
0x4c: {  	v16 =	vpop (erf)  }
0x4d: {  	[tilespmem:$0x16AB0] =	vst v16  }
0x4e: {  	v16 =	vld.idx.msk [tilespmem:v8+s19+$0x0], $0xffff  }
0x4f: {  	v17 =	vld.idx.msk [tilespmem:v9+s21+$0x0], $0xffff;
	_ =	sdelay $0x4  }
0x50: {  	v16 =	vadd.f32 v17, v16;
	_ =	sdelay $0x1  }
0x51: {  	v17 =	vmul.f32 $2.000000030e-01, v16;
	_ =	sdelay $0x1  }
0x52: {  	v16 =	vmax.f32 v16, v17  }
0x53: {  	v16 =	vmul.f32 $1.442695020e+00, v16;
	_ =	sdelay $0x1  }
0x54: {  	(erf) = vpow2.f32 v16;
	_ =	sdelay $0x8  }
0x55: {  	v16 =	vpop (erf)  }
0x56: {  	[tilespmem:$0x16AC0] =	vst v16  }
0x57: {  	v16 =	vld.idx.msk [tilespmem:v10+s19+$0x0], $0xffff  }
0x58: {  	v17 =	vld.idx.msk [tilespmem:v11+s21+$0x0], $0xffff;
	_ =	sdelay $0x4  }
0x59: {  	v16 =	vadd.f32 v17, v16;
	_ =	sdelay $0x1  }
0x5a: {  	v17 =	vmul.f32 $2.000000030e-01, v16;
	_ =	sdelay $0x1  }
0x5b: {  	v16 =	vmax.f32 v16, v17  }
0x5c: {  	v16 =	vmul.f32 $1.442695020e+00, v16;
	_ =	sdelay $0x1  }
0x5d: {  	(erf) = vpow2.f32 v16;
	_ =	sdelay $0x8  }
0x5e: {  	v16 =	vpop (erf)  }
0x5f: {  	[tilespmem:$0x16AD0] =	vst v16  }
0x60: {  	v16 =	vld.idx.msk [tilespmem:v12+s19+$0x0], $0xffff  }
0x61: {  	v17 =	vld.idx.msk [tilespmem:v13+s21+$0x0], $0xffff;
	_ =	sdelay $0x4  }
0x62: {  	v16 =	vadd.f32 v17, v16;
	_ =	sdelay $0x1  }
0x63: {  	v17 =	vmul.f32 $2.000000030e-01, v16;
	_ =	sdelay $0x1  }
0x64: {  	v16 =	vmax.f32 v16, v17  }
0x65: {  	v16 =	vmul.f32 $1.442695020e+00, v16;
	_ =	sdelay $0x1  }
0x66: {  	(erf) = vpow2.f32 v16;
	_ =	sdelay $0x8  }
0x67: {  	v16 =	vpop (erf)  }
0x68: {  	[tilespmem:$0x16AE0] =	vst v16  }
0x69: {  	v16 =	vld.idx.msk [tilespmem:v14+s19+$0x0], $0xffff  }
0x6a: {  	v17 =	vld.idx.msk [tilespmem:v15+s21+$0x0], $0xffff;
	_ =	sdelay $0x4  }
0x6b: {  	v16 =	vadd.f32 v17, v16;
	_ =	sdelay $0x1  }
0x6c: {  	v17 =	vmul.f32 $2.000000030e-01, v16;
	_ =	sdelay $0x1  }
0x6d: {  	v16 =	vmax.f32 v16, v17  }
0x6e: {  	v16 =	vmul.f32 $1.442695020e+00, v16;
	_ =	sdelay $0x1  }
0x6f: {  	(erf) = vpow2.f32 v16;
	_ =	sdelay $0x8  }
0x70: {  	p2 =	seq.s32 s7, $0x0;
	s8 =	smul.u32 $0x300, s7;
	v16 =	vpop (erf)  }
0x71: {  	s10 =	simm.s32 @!p2 $0x4;
	[tilespmem:$0x16AF0] =	vst v16  }
0x72: {  	s11 =	sadd.s32 s8, s2;
	_ =	swait.ge @!p2 [sflag:s10], $0x4800  }
0x73: {  	s11 =	sshrl.u32 s11, $0x3;
	[sflag:s10] =	ssyncset.done @!p2 $0x0  }
0x74: {  	s13 =	sadd.s32 s6, s11;
	[sflag:s10] =	ssyncadd.s32 @!p2 $0xFFFFB800  }
0x75: {  	[tilespmem:s23], [sflag:$0x5] =	stream.linear.gather [hbm4b:s13+s14], $0x180, $0x38;
	[tilespmem:$0x1FB10] =	vst v63  }
0x76: {  	_ =	swait.ge [sflag:s16], $0x180  }
0x77: {  	[sflag:s16] =	ssyncset.done $0x0  }
0x78: {  	[sflag:s16] =	ssyncadd.s32 $0xFFFFFE80  }
0x79: {  	[tilespmem:s24], [sflag:$0x2] =	stream.indirect.gather [hbm4b:s4+s18], $0x90, s23, s18, $0xb8;
	[tilespmem:$0x1FB10] =	vst v63  }
0x7a: {  	s10 =	simm.s32 $0x16BA0  }
0x7b: {  	[tilespmem:s21], [sflag:$0x2] =	stream.indirect.gather [hbm4b:s5+s18], $0x8, s26, s18, $0xb8;
	[tilespmem:$0x1FB10] =	vst v63  }
0x7c: {  	v20 =	vld [tilespmem:s10+$0xFFFFFFF0]  }
0x7d: {  	v26 =	vld [tilespmem:s10+$0xFFFFFFE0]  }
0x7e: {  	v16 =	vld [tilespmem:s10+$0xFFFFFF90]  }
0x7f: {  	v17 =	vld [tilespmem:s10+$0x50]  }
0x80: {  	v28 =	vld [tilespmem:s10+$0xFFFFFF80]  }
0x81: {  	v22 =	vld [tilespmem:s10+$0xFFFFFFA0]  }
0x82: {  	v30 =	vld [tilespmem:s10+$0x0]  }
0x83: {  	v31 =	vld [tilespmem:s10+$0xFFFFFF70]  }
0x84: {  	v21 =	vld [tilespmem:s10+$0x40]  }
0x85: {  	s15 =	simm.s32 $0x0;
	v24 =	vld [tilespmem:s10+$0xFFFFFFD0]  }
0x86: {  	v18 =	vld.msk [tilespmem:s15+$0x16A80 ss:$0x0], $0xffff  }
0x87: {  	v19 =	vld.msk [tilespmem:s15+$0x16A81 ss:$0x0], $0xffff  }
0x88: {  	v29 =	vld [tilespmem:s10+$0x20]  }
0x89: {  	v23 =	vld [tilespmem:s10+$0x80]  }
0x8a: {  	v27 =	vld [tilespmem:s10+$0x10]  }
0x8b: {  	v25 =	vld [tilespmem:s10+$0x30]  }
0x8c: {  	v33 =	vmul.f32 v31, v18;
	v32 =	vmul.f32 v28, v18;
	v28 =	vld [tilespmem:s10+$0x60]  }
0x8d: {  	s11 =	simm.s32 $0x8;
	s13 =	simm.s32 $0x16BA0;
	v31 =	vmul.f32 v26, v18;
	v30 =	vmul.f32 v30, v19;
	v26 =	vld [tilespmem:s10+$0x70]  }
.LBB2_4:
0x8e: {  	p2 =	sne.s32 s11, $0x1F8  }
0x8f: {  	[tilespmem:s10+$0xFFFFFF70] =	vst v33;
	v33 =	vld [tilespmem:s10+$0xFFFFFFC0];
	v20 =	vmul.f32 v20, v18;
	v29 =	vmul.f32 v29, v19;
	s13 =	sadd.s32 $0x120, s13;
	s15 =	smov.u32 s11;
	s11 =	sadd.s32 $0x8, s11  }
0x90: {  	v22 =	vmul.f32 v22, v18;
	[tilespmem:s10+$0xFFFFFF80] =	vst v32;
	v32 =	vld [tilespmem:s10+$0xFFFFFFB0];
	v27 =	vmul.f32 v27, v19  }
0x91: {  	v24 =	vmul.f32 v24, v18;
	[tilespmem:s10+$0xFFFFFFE0] =	vst v31;
	v25 =	vmul.f32 v25, v19  }
0x92: {  	v21 =	vmul.f32 v21, v19;
	[tilespmem:s10+$0x0] =	vst v30;
	v28 =	vmul.f32 v28, v19  }
0x93: {  	v23 =	vmul.f32 v23, v19;
	[tilespmem:s10+$0xFFFFFFF0] =	vst v20;
	v26 =	vmul.f32 v26, v19  }
0x94: {  	v16 =	vmul.f32 v16, v18;
	v17 =	vmul.f32 v17, v19;
	[tilespmem:s10+$0xFFFFFFA0] =	vst v22  }
0x95: {  	v19 =	vmul.f32 v32, v18;
	v18 =	vmul.f32 v33, v18;
	[tilespmem:s10+$0x20] =	vst v29  }
0x96: {  	[tilespmem:s10+$0xFFFFFFD0] =	vst v24  }
0x97: {  	v20 =	vld [tilespmem:s13+$0xFFFFFFF0];
	[tilespmem:s10+$0x40] =	vst v21  }
0x98: {  	v30 =	vld [tilespmem:s13+$0xFFFFFFE0];
	[tilespmem:s10+$0xFFFFFF90] =	vst v16  }
0x99: {  	v16 =	vld [tilespmem:s13+$0xFFFFFF90];
	[tilespmem:s10+$0x50] =	vst v17  }
0x9a: {  	v17 =	vld [tilespmem:s13+$0x50];
	[tilespmem:s10+$0x80] =	vst v23  }
0x9b: {  	v31 =	vld [tilespmem:s13+$0xFFFFFF80];
	[tilespmem:s10+$0x60] =	vst v28  }
0x9c: {  	v22 =	vld [tilespmem:s13+$0xFFFFFFA0];
	[tilespmem:s10+$0x10] =	vst v27  }
0x9d: {  	v34 =	vld [tilespmem:s13+$0x0];
	[tilespmem:s10+$0xFFFFFFC0] =	vst v18  }
0x9e: {  	v28 =	vld [tilespmem:s13+$0xFFFFFF70];
	[tilespmem:s10+$0x30] =	vst v25  }
0x9f: {  	v21 =	vld [tilespmem:s13+$0x40];
	[tilespmem:s10+$0xFFFFFFB0] =	vst v19  }
0xa0: {  	s15 =	sshra.s32 s15, $0x2;
	v24 =	vld [tilespmem:s13+$0xFFFFFFD0];
	[tilespmem:s10+$0x70] =	vst v26;
	s10 =	smov.u32 s13  }
0xa1: {  	v18 =	vld.msk [tilespmem:s15+$0x16A80 ss:$0x0], $0xffff  }
0xa2: {  	v19 =	vld.msk [tilespmem:s15+$0x16A81 ss:$0x0], $0xffff  }
0xa3: {  	v29 =	vld [tilespmem:s13+$0x20]  }
.Ltmp0:
0xa4: {  	v23 =	vld [tilespmem:s13+$0x80];
	(pc) =	sbr.rel @p2 .LBB2_4-.Ltmp0, $4  }
0xa5: {  	v27 =	vld [tilespmem:s13+$0x10]  }
0xa6: {  	v25 =	vld [tilespmem:s13+$0x30]  }
0xa7: {  	v33 =	vmul.f32 v28, v18;
	v32 =	vmul.f32 v31, v18;
	v28 =	vld [tilespmem:s13+$0x60]  }
0xa8: {  	v31 =	vmul.f32 v30, v18;
	v30 =	vmul.f32 v34, v19;
	v26 =	vld [tilespmem:s13+$0x70]  }
0xa9: {  	[tilespmem:s10+$0xFFFFFF70] =	vst v33  }
0xaa: {  	[tilespmem:s10+$0xFFFFFF80] =	vst v32  }
0xab: {  	v20 =	vmul.f32 v20, v18;
	[tilespmem:s10+$0xFFFFFFE0] =	vst v31  }
0xac: {  	v22 =	vmul.f32 v22, v18;
	[tilespmem:s10+$0x0] =	vst v30  }
0xad: {  	v29 =	vmul.f32 v29, v19;
	[tilespmem:s10+$0xFFFFFFF0] =	vst v20  }
0xae: {  	v21 =	vmul.f32 v21, v19;
	[tilespmem:s10+$0xFFFFFFA0] =	vst v22  }
0xaf: {  	v16 =	vmul.f32 v16, v18;
	[tilespmem:s10+$0x20] =	vst v29  }
0xb0: {  	v17 =	vmul.f32 v17, v19;
	[tilespmem:s10+$0x40] =	vst v21  }
0xb1: {  	v63 =	vld [tilespmem:s10+$0xFFFFFFB0];
	v20 =	vmul.f32 v24, v18;
	[tilespmem:s10+$0xFFFFFF90] =	vst v16  }
0xb2: {  	v62 =	vld [tilespmem:s10+$0xFFFFFFC0];
	[tilespmem:s10+$0x50] =	vst v17;
	v17 =	vmul.f32 v27, v19  }
0xb3: {  	v16 =	vmul.f32 v28, v19;
	[tilespmem:s10+$0xFFFFFFD0] =	vst v20  }
0xb4: {  	v20 =	vmul.f32 v23, v19;
	[tilespmem:s10+$0x10] =	vst v17  }
0xb5: {  	[tilespmem:s10+$0x60] =	vst v16;
	v16 =	vmul.f32 v25, v19  }
0xb6: {  	v17 =	vmul.f32 v63, v18;
	[tilespmem:s10+$0x80] =	vst v20  }
0xb7: {  	v20 =	vmul.f32 v62, v18;
	[tilespmem:s10+$0x30] =	vst v16  }
0xb8: {  	v18 =	vmul.f32 v26, v19;
	[tilespmem:s10+$0xFFFFFFB0] =	vst v17  }
0xb9: {  	[tilespmem:s10+$0xFFFFFFC0] =	vst v20  }
0xba: {  	[tilespmem:s10+$0x70] =	vst v18  }
0xbb: {  	[spmem:s1] =	stream.indirect.scatter.add.f32 [tilespmem:s19], [sflag:$0x3], $0x90, s28, s18, $0xb8;
	[tilespmem:$0x1FB10] =	vst v63  }
0xbc: {  	_ =	swait.ge [sflag:s29], $0x400  }
0xbd: {  	[sflag:s29] =	ssyncset.done $0x0  }
0xbe: {  	[sflag:s29] =	ssyncadd.s32 $0xFFFFFC00  }
0xbf: {  	_ =	swait.ge [sflag:s29], $0x4800  }
0xc0: {  	[sflag:s29] =	ssyncset.done $0x0  }
0xc1: {  	[sflag:s29] =	ssyncadd.s32 $0xFFFFB800  }
0xc2: {  	v16 =	vld.idx.msk [tilespmem:v1+s24+$0x0], $0xffff  }
0xc3: {  	v17 =	vld.idx.msk [tilespmem:v0+s21+$0x0], $0xffff;
	_ =	sdelay $0x4  }
0xc4: {  	v16 =	vadd.f32 v17, v16;
	_ =	sdelay $0x1  }
0xc5: {  	v17 =	vmul.f32 $2.000000030e-01, v16;
	_ =	sdelay $0x1  }
0xc6: {  	v16 =	vmax.f32 v16, v17  }
0xc7: {  	v16 =	vmul.f32 $1.442695020e+00, v16;
	_ =	sdelay $0x1  }
0xc8: {  	(erf) = vpow2.f32 v16;
	_ =	sdelay $0x8  }
0xc9: {  	v16 =	vpop (erf)  }
0xca: {  	[tilespmem:$0x16A80] =	vst v16  }
0xcb: {  	v16 =	vld.idx.msk [tilespmem:v2+s24+$0x0], $0xffff  }
0xcc: {  	v17 =	vld.idx.msk [tilespmem:v3+s21+$0x0], $0xffff;
	_ =	sdelay $0x4  }
0xcd: {  	v16 =	vadd.f32 v17, v16;
	_ =	sdelay $0x1  }
0xce: {  	v17 =	vmul.f32 $2.000000030e-01, v16;
	_ =	sdelay $0x1  }
0xcf: {  	v16 =	vmax.f32 v16, v17  }
0xd0: {  	v16 =	vmul.f32 $1.442695020e+00, v16;
	_ =	sdelay $0x1  }
0xd1: {  	(erf) = vpow2.f32 v16;
	_ =	sdelay $0x8  }
0xd2: {  	v16 =	vpop (erf)  }
0xd3: {  	[tilespmem:$0x16A90] =	vst v16  }
0xd4: {  	v16 =	vld.idx.msk [tilespmem:v4+s24+$0x0], $0xffff  }
0xd5: {  	v17 =	vld.idx.msk [tilespmem:v5+s21+$0x0], $0xffff;
	_ =	sdelay $0x4  }
0xd6: {  	v16 =	vadd.f32 v17, v16;
	_ =	sdelay $0x1  }
0xd7: {  	v17 =	vmul.f32 $2.000000030e-01, v16;
	_ =	sdelay $0x1  }
0xd8: {  	v16 =	vmax.f32 v16, v17  }
0xd9: {  	v16 =	vmul.f32 $1.442695020e+00, v16;
	_ =	sdelay $0x1  }
0xda: {  	(erf) = vpow2.f32 v16;
	_ =	sdelay $0x8  }
0xdb: {  	v16 =	vpop (erf)  }
0xdc: {  	[tilespmem:$0x16AA0] =	vst v16  }
0xdd: {  	v16 =	vld.idx.msk [tilespmem:v6+s24+$0x0], $0xffff  }
0xde: {  	v17 =	vld.idx.msk [tilespmem:v7+s21+$0x0], $0xffff;
	_ =	sdelay $0x4  }
0xdf: {  	v16 =	vadd.f32 v17, v16;
	_ =	sdelay $0x1  }
0xe0: {  	v17 =	vmul.f32 $2.000000030e-01, v16;
	_ =	sdelay $0x1  }
0xe1: {  	v16 =	vmax.f32 v16, v17  }
0xe2: {  	v16 =	vmul.f32 $1.442695020e+00, v16;
	_ =	sdelay $0x1  }
0xe3: {  	(erf) = vpow2.f32 v16;
	_ =	sdelay $0x8  }
0xe4: {  	v16 =	vpop (erf)  }
0xe5: {  	[tilespmem:$0x16AB0] =	vst v16  }
0xe6: {  	v16 =	vld.idx.msk [tilespmem:v8+s24+$0x0], $0xffff  }
0xe7: {  	v17 =	vld.idx.msk [tilespmem:v9+s21+$0x0], $0xffff;
	_ =	sdelay $0x4  }
0xe8: {  	v16 =	vadd.f32 v17, v16;
	_ =	sdelay $0x1  }
0xe9: {  	v17 =	vmul.f32 $2.000000030e-01, v16;
	_ =	sdelay $0x1  }
0xea: {  	v16 =	vmax.f32 v16, v17  }
0xeb: {  	v16 =	vmul.f32 $1.442695020e+00, v16;
	_ =	sdelay $0x1  }
0xec: {  	(erf) = vpow2.f32 v16;
	_ =	sdelay $0x8  }
0xed: {  	v16 =	vpop (erf)  }
0xee: {  	[tilespmem:$0x16AC0] =	vst v16  }
0xef: {  	v16 =	vld.idx.msk [tilespmem:v10+s24+$0x0], $0xffff  }
0xf0: {  	v17 =	vld.idx.msk [tilespmem:v11+s21+$0x0], $0xffff;
	_ =	sdelay $0x4  }
0xf1: {  	v16 =	vadd.f32 v17, v16;
	_ =	sdelay $0x1  }
0xf2: {  	v17 =	vmul.f32 $2.000000030e-01, v16;
	_ =	sdelay $0x1  }
0xf3: {  	v16 =	vmax.f32 v16, v17  }
0xf4: {  	v16 =	vmul.f32 $1.442695020e+00, v16;
	_ =	sdelay $0x1  }
0xf5: {  	(erf) = vpow2.f32 v16;
	_ =	sdelay $0x8  }
0xf6: {  	v16 =	vpop (erf)  }
0xf7: {  	[tilespmem:$0x16AD0] =	vst v16  }
0xf8: {  	v16 =	vld.idx.msk [tilespmem:v12+s24+$0x0], $0xffff  }
0xf9: {  	v17 =	vld.idx.msk [tilespmem:v13+s21+$0x0], $0xffff;
	_ =	sdelay $0x4  }
0xfa: {  	v16 =	vadd.f32 v17, v16;
	_ =	sdelay $0x1  }
0xfb: {  	v17 =	vmul.f32 $2.000000030e-01, v16;
	_ =	sdelay $0x1  }
0xfc: {  	v16 =	vmax.f32 v16, v17  }
0xfd: {  	v16 =	vmul.f32 $1.442695020e+00, v16;
	_ =	sdelay $0x1  }
0xfe: {  	(erf) = vpow2.f32 v16;
	_ =	sdelay $0x8  }
0xff: {  	v16 =	vpop (erf)  }
0x100: {  	[tilespmem:$0x16AE0] =	vst v16  }
0x101: {  	v16 =	vld.idx.msk [tilespmem:v14+s24+$0x0], $0xffff  }
0x102: {  	v17 =	vld.idx.msk [tilespmem:v15+s21+$0x0], $0xffff;
	_ =	sdelay $0x4  }
0x103: {  	v16 =	vadd.f32 v17, v16;
	_ =	sdelay $0x1  }
0x104: {  	v17 =	vmul.f32 $2.000000030e-01, v16;
	_ =	sdelay $0x1  }
0x105: {  	v16 =	vmax.f32 v16, v17  }
0x106: {  	v16 =	vmul.f32 $1.442695020e+00, v16;
	_ =	sdelay $0x1  }
0x107: {  	(erf) = vpow2.f32 v16;
	_ =	sdelay $0x8  }
0x108: {  	p2 =	sgt.u32 s7, $0x4F;
	v16 =	vpop (erf)  }
0x109: {  	s10 =	simm.s32 @!p2 $0x3;
	[tilespmem:$0x16AF0] =	vst v16  }
0x10a: {  	s8 =	sadd.s32 @!p2 s8, s20;
	_ =	swait.ge @!p2 [sflag:s10], $0x4800  }
0x10b: {  	s11 =	simm.s32 @!p2 $0x16380;
	s8 =	sshrl.u32 @!p2 s8, $0x3;
	[sflag:s10] =	ssyncset.done @!p2 $0x0  }
0x10c: {  	s8 =	sadd.s32 @!p2 s6, s8;
	[sflag:s10] =	ssyncadd.s32 @!p2 $0xFFFFB800;
	s10 =	simm.s32 @!p2 $0x0  }
0x10d: {  	[tilespmem:s11], [sflag:$0x5] =	stream.linear.gather @!p2 [hbm4b:s8+s10], $0x180, $0x38;
	[tilespmem:$0x1FB10] =	vst v63  }
0x10e: {  	s8 =	simm.s32 @!p2 $0x5  }
0x10f: {  	_ =	swait.ge @!p2 [sflag:s8], $0x180  }
0x110: {  	[sflag:s8] =	ssyncset.done @!p2 $0x0  }
0x111: {  	s10 =	simm.s32 @!p2 $0x16B10;
	[sflag:s8] =	ssyncadd.s32 @!p2 $0xFFFFFE80;
	s8 =	simm.s32 @!p2 $0x80  }
0x112: {  	[tilespmem:s10], [sflag:$0x1] =	stream.indirect.gather @!p2 [hbm4b:s4+s8], $0x90, s11, s8, $0xb8;
	[tilespmem:$0x1FB10] =	vst v63  }
0x113: {  	s10 =	simm.s32 @!p2 $0x16400;
	s11 =	simm.s32 @!p2 $0x16680  }
0x114: {  	[tilespmem:s11], [sflag:$0x1] =	stream.indirect.gather @!p2 [hbm4b:s5+s8], $0x8, s10, s8, $0xb8;
	[tilespmem:$0x1FB10] =	vst v63  }
0x115: {  	s8 =	simm.s32 $0x1B3A0  }
0x116: {  	v20 =	vld [tilespmem:s8+$0xFFFFFFF0]  }
0x117: {  	v26 =	vld [tilespmem:s8+$0xFFFFFFE0]  }
0x118: {  	v16 =	vld [tilespmem:s8+$0xFFFFFF90]  }
0x119: {  	v17 =	vld [tilespmem:s8+$0x50]  }
0x11a: {  	v28 =	vld [tilespmem:s8+$0xFFFFFF80]  }
0x11b: {  	v22 =	vld [tilespmem:s8+$0xFFFFFFA0]  }
0x11c: {  	v30 =	vld [tilespmem:s8+$0x0]  }
0x11d: {  	v31 =	vld [tilespmem:s8+$0xFFFFFF70]  }
0x11e: {  	v21 =	vld [tilespmem:s8+$0x40]  }
0x11f: {  	s15 =	simm.s32 $0x0;
	v24 =	vld [tilespmem:s8+$0xFFFFFFD0]  }
0x120: {  	v18 =	vld.msk [tilespmem:s15+$0x16A80 ss:$0x0], $0xffff  }
0x121: {  	v19 =	vld.msk [tilespmem:s15+$0x16A81 ss:$0x0], $0xffff  }
0x122: {  	v29 =	vld [tilespmem:s8+$0x20]  }
0x123: {  	v23 =	vld [tilespmem:s8+$0x80]  }
0x124: {  	v27 =	vld [tilespmem:s8+$0x10]  }
0x125: {  	v25 =	vld [tilespmem:s8+$0x30]  }
0x126: {  	v33 =	vmul.f32 v31, v18;
	v32 =	vmul.f32 v28, v18;
	v28 =	vld [tilespmem:s8+$0x60]  }
0x127: {  	s10 =	simm.s32 $0x8;
	s11 =	simm.s32 $0x1B3A0;
	v31 =	vmul.f32 v26, v18;
	v30 =	vmul.f32 v30, v19;
	v26 =	vld [tilespmem:s8+$0x70]  }
.LBB2_6:
0x128: {  	p2 =	sne.s32 s10, $0x1F8  }
0x129: {  	[tilespmem:s8+$0xFFFFFF70] =	vst v33;
	v33 =	vld [tilespmem:s8+$0xFFFFFFC0];
	v20 =	vmul.f32 v20, v18;
	v29 =	vmul.f32 v29, v19;
	s11 =	sadd.s32 $0x120, s11;
	s13 =	smov.u32 s10;
	s10 =	sadd.s32 $0x8, s10  }
0x12a: {  	v22 =	vmul.f32 v22, v18;
	[tilespmem:s8+$0xFFFFFF80] =	vst v32;
	v32 =	vld [tilespmem:s8+$0xFFFFFFB0];
	v27 =	vmul.f32 v27, v19  }
0x12b: {  	v24 =	vmul.f32 v24, v18;
	[tilespmem:s8+$0xFFFFFFE0] =	vst v31;
	v25 =	vmul.f32 v25, v19  }
0x12c: {  	v21 =	vmul.f32 v21, v19;
	[tilespmem:s8+$0x0] =	vst v30;
	v28 =	vmul.f32 v28, v19  }
0x12d: {  	v23 =	vmul.f32 v23, v19;
	[tilespmem:s8+$0xFFFFFFF0] =	vst v20;
	v26 =	vmul.f32 v26, v19  }
0x12e: {  	v16 =	vmul.f32 v16, v18;
	v17 =	vmul.f32 v17, v19;
	[tilespmem:s8+$0xFFFFFFA0] =	vst v22  }
0x12f: {  	v19 =	vmul.f32 v32, v18;
	v18 =	vmul.f32 v33, v18;
	[tilespmem:s8+$0x20] =	vst v29  }
0x130: {  	[tilespmem:s8+$0xFFFFFFD0] =	vst v24  }
0x131: {  	v20 =	vld [tilespmem:s11+$0xFFFFFFF0];
	[tilespmem:s8+$0x40] =	vst v21  }
0x132: {  	v30 =	vld [tilespmem:s11+$0xFFFFFFE0];
	[tilespmem:s8+$0xFFFFFF90] =	vst v16  }
0x133: {  	v16 =	vld [tilespmem:s11+$0xFFFFFF90];
	[tilespmem:s8+$0x50] =	vst v17  }
0x134: {  	v17 =	vld [tilespmem:s11+$0x50];
	[tilespmem:s8+$0x80] =	vst v23  }
0x135: {  	v31 =	vld [tilespmem:s11+$0xFFFFFF80];
	[tilespmem:s8+$0x60] =	vst v28  }
0x136: {  	v22 =	vld [tilespmem:s11+$0xFFFFFFA0];
	[tilespmem:s8+$0x10] =	vst v27  }
0x137: {  	v34 =	vld [tilespmem:s11+$0x0];
	[tilespmem:s8+$0xFFFFFFC0] =	vst v18  }
0x138: {  	v28 =	vld [tilespmem:s11+$0xFFFFFF70];
	[tilespmem:s8+$0x30] =	vst v25  }
0x139: {  	v21 =	vld [tilespmem:s11+$0x40];
	[tilespmem:s8+$0xFFFFFFB0] =	vst v19  }
0x13a: {  	s13 =	sshra.s32 s13, $0x2;
	v24 =	vld [tilespmem:s11+$0xFFFFFFD0];
	[tilespmem:s8+$0x70] =	vst v26;
	s8 =	smov.u32 s11  }
0x13b: {  	v18 =	vld.msk [tilespmem:s13+$0x16A80 ss:$0x0], $0xffff  }
0x13c: {  	v19 =	vld.msk [tilespmem:s13+$0x16A81 ss:$0x0], $0xffff  }
0x13d: {  	v29 =	vld [tilespmem:s11+$0x20]  }
.Ltmp1:
0x13e: {  	v23 =	vld [tilespmem:s11+$0x80];
	(pc) =	sbr.rel @p2 .LBB2_6-.Ltmp1, $4  }
0x13f: {  	v27 =	vld [tilespmem:s11+$0x10]  }
0x140: {  	v25 =	vld [tilespmem:s11+$0x30]  }
0x141: {  	v33 =	vmul.f32 v28, v18;
	v32 =	vmul.f32 v31, v18;
	v28 =	vld [tilespmem:s11+$0x60]  }
0x142: {  	v31 =	vmul.f32 v30, v18;
	v30 =	vmul.f32 v34, v19;
	v26 =	vld [tilespmem:s11+$0x70]  }
0x143: {  	[tilespmem:s8+$0xFFFFFF70] =	vst v33  }
0x144: {  	[tilespmem:s8+$0xFFFFFF80] =	vst v32  }
0x145: {  	v20 =	vmul.f32 v20, v18;
	[tilespmem:s8+$0xFFFFFFE0] =	vst v31  }
0x146: {  	v22 =	vmul.f32 v22, v18;
	[tilespmem:s8+$0x0] =	vst v30  }
0x147: {  	v29 =	vmul.f32 v29, v19;
	[tilespmem:s8+$0xFFFFFFF0] =	vst v20  }
0x148: {  	v60 =	vmul.f32 v24, v18;
	[tilespmem:s8+$0xFFFFFFA0] =	vst v22  }
0x149: {  	v21 =	vmul.f32 v21, v19;
	[tilespmem:s8+$0x20] =	vst v29  }
0x14a: {  	v16 =	vmul.f32 v16, v18;
	[tilespmem:s8+$0xFFFFFFD0] =	vst v60  }
0x14b: {  	v58 =	vld [tilespmem:s8+$0xFFFFFFC0];
	v17 =	vmul.f32 v17, v19;
	[tilespmem:s8+$0x40] =	vst v21  }
0x14c: {  	v61 =	vmul.f32 v23, v19;
	[tilespmem:s8+$0xFFFFFF90] =	vst v16  }
0x14d: {  	v59 =	vld [tilespmem:s8+$0xFFFFFFB0];
	[tilespmem:s8+$0x50] =	vst v17;
	v17 =	vmul.f32 v27, v19  }
0x14e: {  	[tilespmem:s8+$0x80] =	vst v61;
	v16 =	vmul.f32 v28, v19  }
0x14f: {  	s7 =	sadd.s32 $0x1, s7;
	[tilespmem:s8+$0x10] =	vst v17;
	v63 =	vmul.f32 v26, v19  }
0x150: {  	p2 =	sne.s32 s7, $0x51;
	v62 =	vmul.f32 v58, v18;
	[tilespmem:s8+$0x60] =	vst v16  }
.Ltmp2:
0x151: {  	v16 =	vmul.f32 v25, v19;
	[tilespmem:s8+$0x70] =	vst v63;
	(pc) =	sbr.rel @p2 .LBB2_3-.Ltmp2, $4  }
0x152: {  	v17 =	vmul.f32 v59, v18;
	[tilespmem:s8+$0xFFFFFFC0] =	vst v62  }
0x153: {  	[tilespmem:s8+$0x30] =	vst v16  }
0x154: {  	[tilespmem:s8+$0xFFFFFFB0] =	vst v17  }
0x155: {  	[spmem:s1] =	stream.indirect.scatter.add.f32 [tilespmem:s24], [sflag:$0x4], $0x90, s30, s18, $0xb8;
	[tilespmem:$0x1FB10] =	vst v63  }
0x156: {  	_ =	swait.ge [sflag:s31], $0x4800  }
0x157: {  	[sflag:s31] =	ssyncset.done $0x0  }
0x158: {  	s2 =	smul.u32 $0x15F900, s3;
	[sflag:s31] =	ssyncadd.s32 $0xFFFFB800  }
0x159: {  	_ =	swait.ge [sflag:s0], $0x4800  }
0x15a: {  	s3 =	sshrl.u32 @p0 s2, $0x3;
	[sflag:s0] =	ssyncset.done $0x0  }
0x15b: {  	s3 =	sadd.s32 @p0 s9, s3;
	[sflag:s0] =	ssyncadd.s32 $0xFFFFB800  }
0x15c: {  	s3 =	sadd.s32 @p0 $0x29A90, s3;
	[bflag:$0x0] =	sbarrier.arrive $0xFFFF  }
0x15d: {  	[hbm:s3], [sflag:s12] =	dma.local @p0 [spmem:s25], $0x2490  }
0x15e: {  	s3 =	simm.s32 @p0 $0x5  }
0x15f: {  	_ =	swait.ge @p0 [sflag:s3], $0x2490  }
0x160: {  	s7 =	rddreg [dreg:$0x5]  }
0x161: {  	s2 =	sadd.s32 @!p0 s7, s2  }
0x162: {  	[sflag:s3] =	ssyncset.done @p0 $0x0;
	s2 =	sshrl.u32 @!p0 s2, $0x3  }
0x163: {  	[sflag:s3] =	ssyncadd.s32 @p0 $0xFFFFDB70;
	s3 =	sshrl.u32 @!p0 s17, $0x3;
	s2 =	sadd.s32 @!p0 s9, s2  }
0x164: {  	[hbm:s2], [sflag:s12] =	dma.local @!p0 [spmem:s3], $0x2C70  }
0x165: {  	s2 =	simm.s32 @!p0 $0x5  }
.Ltmp3:
0x166: {  	_ =	swait.ge @!p0 [sflag:s2], $0x2C70;
	(pc) =	sbr.rel @p1 .LBB2_2-.Ltmp3, $4  }
0x167: {  	[sflag:s2] =	ssyncset.done @!p0 $0x0  }
0x168: {  	[sflag:s2] =	ssyncadd.s32 @!p0 $0xFFFFD390  }
0x169: {  	[bflag:$0x0] =	sbarrier.arrive $0xFFFF  }
0x16a: {  	p2 =	por $0x0, $0x0;
	s2 =	simm.s32 $0x1  }
0x16b: {  	s8 =	rddreg [dreg:$0x3]  }
0x16c: {  	s2 =	rddreg [dreg:$0x8];
	s8 =	sadd.s32 $0x1, s8  }
0x16d: {  	p1 =	sne.s32 s8, s2  }
.Ltmp4:
0x16e: {  	_ = 	snop;
	(pc) =	sbr.rel @p1 .LBB2_1-.Ltmp4, $1  }
0x16f: {  	_ =	sdelay $0x3  }
0x170: {  	_ =	sfence.sel $0x180000  }
0x171: {  	[bflag:$0x0] =	sbarrier.arrive $0xFFFF  }
0x172: {  	_ =	strace $0x9000004D  }
0x173: {  	s0 =	stileid.u32;
	[bflag:$0x2] =	sbarrier.arrive $0xFFFF  }
0x174: {  	p0 =	sne.s32 s0, $0x0;
	s0 =	rddreg [dreg:$0x2]  }
0x175: {  	s0 =	sadd.s32 @!p0 $0x100000, s0  }
0x176: {  	[sflag:s0] =	ssyncadd.tile.s32 @!p0 $0x1;
	_ =	shalt  }
.Lfunc_end2:
_tile_overlayer_lowered:
.L_overlay_start_2:
0x177: {  	(tag) =	ssettag $0x2  }
0x178: {  	s0 =	rddreg [dreg:$0x0];
	s2 =	stileid.u32  }
0x179: {  	s1 =	rddreg [dreg:$0x1];
	p0 =	sne.s32 s2, $0x0  }
0x17a: {  	s3 =	rddreg [dreg:$0x2];
	[bflag:$0x3] =	sbarrier.arrive $0xFFFF;
	s2 =	simm.s32 @!p0 $0x1C05  }
0x17b: {  	[timem:s3], [sflag:s2] =	dma.local @!p0 [hbm:s0], s1  }
0x17c: {  	s0 =	simm.s32 @!p0 $0x5  }
0x17d: {  	_ =	swait.ge @!p0 [sflag:s0], s1  }
0x17e: {  	s1 =	ssub.s32 @!p0 $0x0, s1;
	[sflag:s0] =	ssyncset.done @!p0 $0x0  }
0x17f: {  	[sflag:s0] =	ssyncadd.s32 @!p0 s1  }
0x180: {  	[bflag:$0x3] =	sbarrier.arrive $0xFFFF  }
0x181: {  	_ =	shalt  }

// kernel: kernel.23.cloned.1.call-start
scs
__scs_entry_jumppad:
0x0: {  	(pc) =	sbr.rel $0x88, $3  }
0x1: {  	(tag) =	ssettag $0x0;
	lr =	simm.s32 $0x1  }
0x2: {  	[smem:$0x3F80] =	sst lr;
	_ =	strace $0xD0000000  }
0x3: {  	_ = 	snop  }
0x4: {  	_ = 	snop  }
0x5: {  	_ = 	snop  }
0x6: {  	_ = 	snop  }
0x7: {  	_ = 	snop  }
__scs_overlays_trampoline_lowered:
0x8: {  	[smem:$0x3F8F] =	sst s0  }
0x9: {  	[smem:$0x3F90] =	sst s1  }
0xa: {  	[smem:$0x3F91] =	sst s2  }
0xb: {  	[smem:$0x3F92] =	sst s3  }
0xc: {  	[smem:$0x3F93] =	sst s4  }
0xd: {  	[smem:$0x3F94] =	sst s5  }
0xe: {  	[smem:$0x3F95] =	sst s6  }
0xf: {  	[smem:$0x3F96] =	sst s7  }
0x10: {  	[smem:$0x3F97] =	sst s8  }
0x11: {  	[smem:$0x3F98] =	sst s9;
	s0 =	simm.s32 @!p0 $0x0  }
0x12: {  	s1 =	sld [smem:$0x3F7E];
	s0 =	simm.s32 @p0 $0x1  }
0x13: {  	[smem:$0x3F99] =	sst s0;
	s0 =	simm.s32 @!p1 $0x0  }
0x14: {  	s2 =	sld [smem:$0x3F7D];
	s0 =	simm.s32 @p1 $0x1  }
0x15: {  	[smem:$0x3F9A] =	sst s0;
	s0 =	simm.s32 @!p2 $0x0  }
0x16: {  	s3 =	sld [smem:$0x3FDB];
	s0 =	simm.s32 @p2 $0x1  }
0x17: {  	s4 =	simm.s32 $0x1BF5;
	[smem:$0x3F9C] =	sst s0  }
0x18: {  	s0 =	sld [smem:$0x3F7F];
	_ =	swait.ge [sflag:s4], $0x0  }
0x19: {  	s7 =	sld [smem:$0x3F80]  }
0x1a: {  	s8 =	sadd.s32 $0xFFFFE003, lr  }
0x1b: {  	s9 =	sadd.s32 $0xFFFFFEF7, lr;
	s5 =	simm.s32 $0xFFFFFFFF;
	p2 =	slt.u32 s8, $0xFFFFF086  }
0x1c: {  	p1 =	slt.u32 s9, $0xF7A;
	s5 =	simm.s32 @!p2 $0x0  }
0x1d: {  	s5 =	simm.s32 @p1 $0x1;
	p0 =	seq.s32 s7, s2  }
0x1e: {  	s7 =	smul.u32 @!p0 $0xF7A, s2;
	p2 =	seq.s32 @!p0 s5, $0x0  }
0x1f: {  	s9 =	smul.u32 $0xF7A, s1;
	s8 =	simm.s32 @!p0 $0x1BF5;
	p2 =	por !p2, p0  }
0x20: {  	[sflag:s8] =	ssyncset.s32 @!p0 $0xFFFFF086;
	s6 =	sadd.s32 @!p0 s3, s7;
	s7 =	simm.s32 @!p0 $0x108  }
0x21: {  	s3 =	sadd.s32 s3, s9;
	s6 =	sadd.s32 @!p0 $0x88, s6;
	s7 =	simm.s32 @p2 $0x1082  }
0x22: {  	[simem:s7], [sflag:s8] =	dma.local @!p0 [hbm:s6], $0xF7A  }
0x23: {  	s9 =	sor.u32 $0xD0000000, s2;
	s6 =	simm.s32 $0x108;
	_ =	swait.ge @!p0 [sflag:s8], $0x0  }
0x24: {  	s3 =	sadd.s32 $0x88, s3;
	s6 =	simm.s32 @!p1 $0x1082;
	[sflag:s4] =	ssyncset.s32 $0xFFFFF086  }
0x25: {  	[simem:s6], [sflag:s4] =	dma.local [hbm:s3], $0xF7A  }
0x26: {  	[smem:$0x3F80] =	sst s1;
	(tag) =	ssettag s2;
	_ =	strace s9  }
0x27: {  	s1 =	sld [smem:$0x3F90]  }
0x28: {  	s2 =	sld [smem:$0x3F91]  }
0x29: {  	s4 =	sld [smem:$0x3F93]  }
0x2a: {  	p0 =	seq.s32 s5, $0x0;
	s5 =	sld [smem:$0x3F94]  }
0x2b: {  	s6 =	sld [smem:$0x3F95]  }
0x2c: {  	s7 =	sld [smem:$0x3F96]  }
0x2d: {  	s3 =	simm.s32 $0x108;
	s8 =	sld [smem:$0x3F97]  }
0x2e: {  	s3 =	simm.s32 @!p0 $0x1082;
	s9 =	sld [smem:$0x3F98]  }
0x2f: {  	lr =	sadd.s32 s0, s3;
	s0 =	sld [smem:$0x3F8F]  }
0x30: {  	s3 =	sld [smem:$0x3F92]  }
0x31: {  	[smem:$0x3F9B] =	sst s10  }
0x32: {  	s10 =	sld [smem:$0x3F99];
	_ =	sdelay $0x3  }
0x33: {  	p0 =	seq.s32 s10, $0x1;
	s10 =	sld [smem:$0x3F9B];
	_ =	sdelay $0x3  }
0x34: {  	[smem:$0x3F9B] =	sst s10  }
0x35: {  	s10 =	sld [smem:$0x3F9A];
	_ =	sdelay $0x3  }
0x36: {  	p1 =	seq.s32 s10, $0x1;
	s10 =	sld [smem:$0x3F9B];
	_ =	sdelay $0x3  }
0x37: {  	[smem:$0x3F9B] =	sst s10  }
0x38: {  	s10 =	sld [smem:$0x3F9C]  }
0x39: {  	_ = 	snop;
	(pc) =	sbr.ind lr, $3  }
0x3a: {  	_ = 	snop  }
0x3b: {  	_ = 	snop  }
0x3c: {  	p2 =	seq.s32 s10, $0x1;
	s10 =	sld [smem:$0x3F9B]  }
0x3d: {  	_ =	shalt  }
0x3e: {  	_ =	shalt  }
0x3f: {  	_ =	shalt  }
0x40: {  	_ =	shalt  }
0x41: {  	_ =	shalt  }
0x42: {  	_ =	shalt  }
0x43: {  	_ =	shalt  }
0x44: {  	_ =	shalt  }
0x45: {  	_ =	shalt  }
0x46: {  	_ =	shalt  }
0x47: {  	_ =	shalt  }
0x48: {  	_ =	shalt  }
0x49: {  	_ =	shalt  }
0x4a: {  	_ =	shalt  }
0x4b: {  	_ =	shalt  }
0x4c: {  	_ =	shalt  }
0x4d: {  	_ =	shalt  }
0x4e: {  	_ =	shalt  }
0x4f: {  	_ =	shalt  }
0x50: {  	_ =	shalt  }
0x51: {  	_ =	shalt  }
0x52: {  	_ =	shalt  }
0x53: {  	_ =	shalt  }
0x54: {  	_ =	shalt  }
0x55: {  	_ =	shalt  }
0x56: {  	_ =	shalt  }
0x57: {  	_ =	shalt  }
0x58: {  	_ =	shalt  }
0x59: {  	_ =	shalt  }
0x5a: {  	_ =	shalt  }
0x5b: {  	_ =	shalt  }
0x5c: {  	_ =	shalt  }
0x5d: {  	_ =	shalt  }
0x5e: {  	_ =	shalt  }
0x5f: {  	_ =	shalt  }
0x60: {  	_ =	shalt  }
0x61: {  	_ =	shalt  }
0x62: {  	_ =	shalt  }
0x63: {  	_ =	shalt  }
0x64: {  	_ =	shalt  }
0x65: {  	_ =	shalt  }
0x66: {  	_ =	shalt  }
0x67: {  	_ =	shalt  }
0x68: {  	_ =	shalt  }
0x69: {  	_ =	shalt  }
0x6a: {  	_ =	shalt  }
0x6b: {  	_ =	shalt  }
0x6c: {  	_ =	shalt  }
0x6d: {  	_ =	shalt  }
0x6e: {  	_ =	shalt  }
0x6f: {  	_ =	shalt  }
0x70: {  	_ =	shalt  }
0x71: {  	_ =	shalt  }
0x72: {  	_ =	shalt  }
0x73: {  	_ =	shalt  }
0x74: {  	_ =	shalt  }
0x75: {  	_ =	shalt  }
0x76: {  	_ =	shalt  }
0x77: {  	_ =	shalt  }
0x78: {  	_ =	shalt  }
0x79: {  	_ =	shalt  }
0x7a: {  	_ =	shalt  }
0x7b: {  	_ =	shalt  }
0x7c: {  	_ =	shalt  }
0x7d: {  	_ =	shalt  }
0x7e: {  	_ =	shalt  }
0x7f: {  	_ =	shalt  }
0x80: {  	_ =	shalt  }
0x81: {  	_ =	shalt  }
0x82: {  	_ =	shalt  }
0x83: {  	_ =	shalt  }
0x84: {  	_ =	shalt  }
0x85: {  	_ =	shalt  }
0x86: {  	_ =	shalt  }
0x87: {  	_ =	shalt  }
.Lfunc_end0:
.L_simem_size_0:
called_computation.3_lowered:
.L_overlay_start_0:
0x88: {  	s2 =	sld [smem:$0x3FD9]  }
0x89: {  	s3 =	sld [smem:$0x3FFE];
	_ =	sdelay $0x1  }
0x8a: {  	s1 =	srdreg.scid  }
0x8b: {  	s0 =	sand.u32 $0x1, s1  }
0x8c: {  	s16 =	sshll.u32 s0, $0xA;
	s2 =	sadd.s32 s3, s2  }
0x8d: {  	s2 =	sadd.s32 s2, s16  }
0x8e: {  	[smem:$0x3FA7] =	sst s2  }
0x8f: {  	_ = 	snop  }
0x90: {  	(tm) =	ssettm $0x1  }
0x91: {  	s17 =	sld [smem:$0x3FFB];
	_ =	sdelay $0x3  }
0x92: {  	_ =	strace s17  }
0x93: {  	s2 =	sld [smem:$0x3FFC];
	_ =	sdelay $0x3  }
0x94: {  	_ =	strace s2  }
0x95: {  	s2 =	sld [smem:$0x3FFD];
	_ =	sdelay $0x3  }
0x96: {  	_ =	strace s2  }
0x97: {  	_ =	strace $0x8FFFFFFF  }
0x98: {  	s18 =	sld [smem:$0x3FDB];
	_ =	sdelay $0x1  }
0x99: {  	s19 =	simm.s32 $_scs_section_size  }
0x9a: {  	s4 =	simm.s32 $_size__tile_overlayer_lowered;
	s5 =	simm.s32 $_tile_overlayer_lowered  }
0x9b: {  	s22 =	simm.s32 $0x1BFF;
	s21 =	sshll.u32 s5, $0x1;
	s2 =	sadd.s32 s19, s18  }
0x9c: {  	s6 =	simm.s32 $0x0;
	s20 =	sshll.u32 s4, $0x1;
	s4 =	sadd.s32 s21, s2  }
0x9d: {  	[timem:s6], [sflag:s22] =	dma.local [hbm:s4], s20  }
0x9e: {  	_ =	swait.ge [sflag:s22], s20  }
0x9f: {  	s3 =	ssub.s32 $0x0, s20;
	[sflag:s22] =	ssyncset.done $0x0  }
0xa0: {  	[sflag:s22] =	ssyncadd.s32 s3;
	_ =	sdelay $0x1  }
0xa1: {  	s23 =	simm.s32 $0x1B8B  }
0xa2: {  	_ =	swait.ge [sflag:s23], $0x1  }
0xa3: {  	[sflag:s23] =	ssyncset.done $0x0  }
0xa4: {  	s25 =	simm.s32 $0x1B8E;
	s24 =	sld [smem:$0x3FFE];
	[sflag:s23] =	ssyncadd.s32 $0xFFFFFFFF  }
0xa5: {  	s26 =	simm.s32 $execute0_lowered;
	[smem:$0x3FD2] =	sst s25  }
0xa6: {  	s4 =	sshll.u32 s26, $0x1;
	_ =	strace $0x8000004F;
	[dreg:$0x1] =	wrdreg $0xFFFFFFFF  }
0xa7: {  	s28 =	simm.s32 $_size_execute0_lowered;
	s2 =	sadd.s32 s2, s4;
	[dreg:$0x0] =	wrdreg $0x0  }
0xa8: {  	s4 =	sshll.u32 s28, $0x1;
	[dreg:$0x2] =	wrdreg s2  }
0xa9: {  	[dreg:$0x3] =	wrdreg s4  }
0xaa: {  	[dreg:$0x4] =	wrdreg $0xC0  }
0xab: {  	_ =	task [dreg:s6], $0x5FFFF  }
0xac: {  	[dreg:$0x1] =	wrdreg $0xFFFFFFFF  }
0xad: {  	[dreg:$0x0] =	wrdreg $0x60  }
0xae: {  	[dreg:$0x2] =	wrdreg s24  }
0xaf: {  	[dreg:$0x3] =	wrdreg $0x0  }
0xb0: {  	[dreg:$0x4] =	wrdreg $0x9  }
0xb1: {  	_ =	task.clear_ibuf [dreg:s6], $0x5FFFF;
	_ =	strace $0x9000004F  }
0xb2: {  	s29 =	simm.s32 $0x9;
	_ =	strace $0x80000051  }
0xb3: {  	_ =	swait.ge [sflag:s29], $0x1  }
0xb4: {  	[sflag:s29] =	ssyncadd.s32 $0xFFFFFFFF  }
0xb5: {  	_ =	strace $0x90000051  }
0xb6: {  	_ =	sfence  }
0xb7: {  	s30 =	sld [smem:$0x0];
	_ =	sdelay $0x2  }
0xb8: {  	s31 =	sshll.u32 s1, $0xD;
	s1 =	sshrl.u32 s1, $0x2  }
0xb9: {  	s3 =	sand.u32 $0x4000, s31;
	s1 =	sadd.s32 s1, s30  }
0xba: {  	s0 =	sor.u32 s3, s0;
	s1 =	sshll.u32 s1, $0x11  }
0xbb: {  	s0 =	sor.u32 s1, s0  }
0xbc: {  	s0 =	sadd.s32 $0x8F2B, s0  }
0xbd: {  	[sflag:s0] =	ssyncadd.remote.s32 $0x1  }
0xbe: {  	_ =	sfence.sel $0xFFFF  }
0xbf: {  	[dreg:$0x0] =	wrdreg $0xFFFFFFFF;
	(pc) =	sbr.abs _section_cstart, $3  }
0xc0: {  	[dreg:$0x1] =	wrdreg $0xFFFFFFFF  }
0xc1: {  	_ =	task.clear_ibuf [dreg:s6], $0x2FFFF;
	_ =	strace $0x9FFFFFFF  }
0xc2: {  	(tm) =	ssettm $0x7FFFFFFF  }
0xc3: {  	_ =	shalt  }
tec
execute0_lowered:
.L_overlay_start_1:
0x0: {  	(tag) =	ssettag $0x1  }
0x1: {  	s0 =	rddreg [dreg:$0x0]  }
0x2: {  	s1 =	rddreg [dreg:$0x1];
	s2 =	simm.s32 $0x0  }
0x3: {  	s3 =	srdreg.scid;
	s17 =	simm.s32 $0x5;
	s18 =	simm.s32 $0x13C00  }
0x4: {  	s19 =	simm.s32 $0x80;
	s20 =	simm.s32 $0x13E00;
	s21 =	simm.s32 $0x1  }
0x5: {  	s28 =	simm.s32 $0x3;
	s29 =	simm.s32 $0x13D80;
	s30 =	simm.s32 $0x4  }
0x6: {  	s31 =	simm.s32 $0x0;
	s8 =	sand.u32 $0x1, s3;
	s3 =	stileid.u32  }
0x7: {  	[smem:$0x7FF] =	sst s2;
	s4 =	sadd.s32 $0x1A400, s0;
	s9 =	smul.u32 $0x4F000, s3  }
0x8: {  	s15 =	sadd.s32 $0x6800, s0;
	s22 =	sadd.s32 $0x41600, s0;
	s23 =	smul.u32 $0x138800, s8  }
0x9: {  	s0 =	sadd.s32 $0x43E00, s0;
	_ =	strace $0x80000050;
	s26 =	smul.u32 $0x13C00, s3  }
0xa: {  	s5 =	sshll.u32 s8, $0x4;
	s6 =	ssub.s32 $0x2, s8;
	s13 =	smul.u32 $0x4F000, s8  }
0xb: {  	[dreg:$0x3] =	wrdreg s22;
	s25 =	sshll.u32 s3, $0x6;
	s14 =	smul.u32 $0x4F00, s3  }
0xc: {  	s22 =	simm.s32 $0x13D00;
	s7 =	sor.u32 s3, s5;
	s10 =	sshrl.u32 s6, $0x1  }
0xd: {  	p0 =	seq.s32 s3, $0xF;
	s11 =	smul.u32 $0x4F00, s7;
	s12 =	ssub.s32 s6, s10  }
0xe: {  	s24 =	sshrl.u32 s9, $0x2;
	s7 =	sor.u32 $0x1C05, s25;
	s9 =	sadd.s32 s26, s23  }
0xf: {  	s10 =	sshrl.u32 s23, $0x3;
	s13 =	sadd.s32 s14, s13;
	s23 =	simm.s32 $0x17E00  }
0x10: {  	s26 =	simm.s32 $0x2;
	s6 =	sadd.s32 s24, s1;
	s9 =	sshrl.u32 s9, $0x3  }
0x11: {  	s10 =	sadd.s32 s0, s10;
	s14 =	sadd.s32 $0x400, s13;
	s16 =	sadd.s32 $0x300, s13  }
0x12: {  	s24 =	simm.s32 $0x13C80;
	s11 =	sshrl.u32 s11, $0x3;
	s9 =	sadd.s32 s0, s9  }
0x13: {  	s10 =	sadd.s32 $0x25080, s10;
	s0 =	sadd.s32 $0x128400, s1;
	s14 =	sshrl.u32 s14, $0x3  }
0x14: {  	s16 =	sshrl.u32 s16, $0x3;
	s8 =	sadd.s32 s15, s11;
	s11 =	smax.u32 s12, $0x1  }
0x15: {  	s14 =	sadd.s32 s14, s15;
	s15 =	sadd.s32 s16, s15;
	s16 =	sshrl.u32 s6, $0x3  }
0x16: {  	s25 =	sshrl.u32 @p0 s0, $0x3;
	s12 =	sadd.s32 $0x20, s8;
	s13 =	sadd.s32 $0x40, s8  }
.LBB2_1:
0x17: {  	s0 =	rddreg [dreg:$0x3]  }
0x18: {  	[spmem:s16], [sflag:s7] =	dma.local [hbm:s0], $0x2780  }
0x19: {  	_ =	swait.ge [sflag:s17], $0x2780  }
0x1a: {  	[sflag:s17] =	ssyncset.done $0x0  }
0x1b: {  	[sflag:s17] =	ssyncadd.s32 $0xFFFFD880  }
0x1c: {  	[bflag:$0x0] =	sbarrier.arrive $0xFFFF  }
0x1d: {  	[tilespmem:s18], [sflag:$0x5] =	stream.linear.gather [hbm4b:s8+s2], $0x100, $0x38;
	[tilespmem:$0x1BE00] =	vst v63  }
0x1e: {  	_ =	swait.ge [sflag:s17], $0x100  }
0x1f: {  	[sflag:s17] =	ssyncset.done $0x0  }
0x20: {  	[sflag:s17] =	ssyncadd.s32 $0xFFFFFF00  }
0x21: {  	[tilespmem:s20], [sflag:$0x1] =	stream.indirect.gather [hbm4b:s4+s19], $0x80, s18, s19, $0xb8;
	[tilespmem:$0x1BE00] =	vst v63  }
0x22: {  	_ =	swait.ge [sflag:s21], $0x4000  }
0x23: {  	[sflag:s21] =	ssyncset.done $0x0  }
0x24: {  	[sflag:s21] =	ssyncadd.s32 $0xFFFFC000  }
0x25: {  	[tilespmem:s22], [sflag:$0x5] =	stream.linear.gather [hbm4b:s12+s2], $0x100, $0x38;
	[tilespmem:$0x1BE00] =	vst v63  }
0x26: {  	_ =	swait.ge [sflag:s17], $0x100  }
0x27: {  	[sflag:s17] =	ssyncset.done $0x0  }
0x28: {  	[sflag:s17] =	ssyncadd.s32 $0xFFFFFF00  }
0x29: {  	[tilespmem:s23], [sflag:$0x2] =	stream.indirect.gather [hbm4b:s4+s19], $0x80, s22, s19, $0xb8;
	[tilespmem:$0x1BE00] =	vst v63  }
0x2a: {  	_ = 	snop  }
0x2b: {  	[spmem:s1] =	stream.indirect.scatter.add.f32 [tilespmem:s20], [sflag:$0x3], $0x80, s24, s19, $0xb8;
	[tilespmem:$0x1BE00] =	vst v63  }
0x2c: {  	_ =	swait.ge [sflag:s26], $0x4000  }
0x2d: {  	[sflag:s26] =	ssyncset.done $0x0  }
0x2e: {  	[sflag:s26] =	ssyncadd.s32 $0xFFFFC000  }
0x2f: {  	_ =	swait.ge [sflag:s28], $0x4000  }
0x30: {  	[sflag:s28] =	ssyncset.done $0x0  }
0x31: {  	[sflag:s28] =	ssyncadd.s32 $0xFFFFC000  }
0x32: {  	[tilespmem:s18], [sflag:$0x5] =	stream.linear.gather [hbm4b:s13+s2], $0x100, $0x38;
	[tilespmem:$0x1BE00] =	vst v63  }
0x33: {  	_ =	swait.ge [sflag:s17], $0x100  }
0x34: {  	[sflag:s17] =	ssyncset.done $0x0  }
0x35: {  	[sflag:s17] =	ssyncadd.s32 $0xFFFFFF00  }
0x36: {  	[tilespmem:s20], [sflag:$0x1] =	stream.indirect.gather [hbm4b:s4+s19], $0x80, s18, s19, $0xb8;
	[tilespmem:$0x1BE00] =	vst v63  }
0x37: {  	_ = 	snop  }
0x38: {  	[spmem:s1] =	stream.indirect.scatter.add.f32 [tilespmem:s23], [sflag:$0x4], $0x80, s29, s19, $0xb8;
	[tilespmem:$0x1BE00] =	vst v63  }
0x39: {  	_ =	swait.ge [sflag:s21], $0x4000  }
0x3a: {  	[sflag:s21] =	ssyncset.done $0x0  }
0x3b: {  	[sflag:s21] =	ssyncadd.s32 $0xFFFFC000  }
0x3c: {  	_ =	swait.ge [sflag:s30], $0x4000  }
0x3d: {  	[sflag:s30] =	ssyncset.done $0x0  }
0x3e: {  	s3 =	sadd.s32 $0x0, s15;
	[sflag:s30] =	ssyncadd.s32 $0xFFFFC000  }
0x3f: {  	[tilespmem:s22], [sflag:$0x5] =	stream.linear.gather [hbm4b:s3+s2], $0x100, $0x38;
	[tilespmem:$0x1BE00] =	vst v63  }
0x40: {  	_ =	swait.ge [sflag:s17], $0x100  }
0x41: {  	[sflag:s17] =	ssyncset.done $0x0  }
0x42: {  	[sflag:s17] =	ssyncadd.s32 $0xFFFFFF00  }
0x43: {  	[tilespmem:s23], [sflag:$0x2] =	stream.indirect.gather [hbm4b:s4+s19], $0x80, s22, s19, $0xb8;
	[tilespmem:$0x1BE00] =	vst v63  }
0x44: {  	_ = 	snop  }
0x45: {  	[spmem:s1] =	stream.indirect.scatter.add.f32 [tilespmem:s20], [sflag:$0x3], $0x80, s24, s19, $0xb8;
	[tilespmem:$0x1BE00] =	vst v63  }
0x46: {  	_ =	swait.ge [sflag:s26], $0x4000  }
0x47: {  	[sflag:s26] =	ssyncset.done $0x0  }
0x48: {  	[sflag:s26] =	ssyncadd.s32 $0xFFFFC000  }
0x49: {  	_ =	swait.ge [sflag:s28], $0x4000  }
0x4a: {  	[sflag:s28] =	ssyncset.done $0x0  }
0x4b: {  	s5 =	sadd.s32 $0x0, s14;
	[sflag:s28] =	ssyncadd.s32 $0xFFFFC000  }
0x4c: {  	[tilespmem:s18], [sflag:$0x5] =	stream.linear.gather [hbm4b:s5+s2], $0x100, $0x38;
	[tilespmem:$0x1BE00] =	vst v63  }
0x4d: {  	_ =	swait.ge [sflag:s17], $0x100  }
0x4e: {  	[sflag:s17] =	ssyncset.done $0x0  }
0x4f: {  	s0 =	simm.s32 $0x40;
	[sflag:s17] =	ssyncadd.s32 $0xFFFFFF00  }
0x50: {  	[tilespmem:s20], [sflag:$0x1] =	stream.indirect.gather [hbm4b:s4+s19], $0x80, s18, s19, $0xb8;
	[tilespmem:$0x1BE00] =	vst v63  }
.LBB2_2:
0x51: {  	[spmem:s1] =	stream.indirect.scatter.add.f32 [tilespmem:s23], [sflag:$0x4], $0x80, s29, s19, $0xb8;
	[tilespmem:$0x1BE00] =	vst v63  }
0x52: {  	s3 =	smov.u32 s0  }
0x53: {  	p1 =	sne.s32 s0, $0x940;
	s0 =	sadd.s32 $0x40, s0;
	_ =	swait.ge [sflag:s21], $0x4000  }
0x54: {  	[sflag:s21] =	ssyncset.done $0x0  }
0x55: {  	[sflag:s21] =	ssyncadd.s32 $0xFFFFC000  }
0x56: {  	_ =	swait.ge [sflag:s30], $0x4000  }
0x57: {  	[sflag:s30] =	ssyncset.done $0x0  }
0x58: {  	s5 =	sadd.s32 s3, s15;
	[sflag:s30] =	ssyncadd.s32 $0xFFFFC000  }
0x59: {  	[tilespmem:s22], [sflag:$0x5] =	stream.linear.gather [hbm4b:s5+s2], $0x100, $0x38;
	[tilespmem:$0x1BE00] =	vst v63  }
0x5a: {  	_ =	swait.ge [sflag:s17], $0x100  }
0x5b: {  	[sflag:s17] =	ssyncset.done $0x0  }
0x5c: {  	[sflag:s17] =	ssyncadd.s32 $0xFFFFFF00  }
0x5d: {  	[tilespmem:s23], [sflag:$0x2] =	stream.indirect.gather [hbm4b:s4+s19], $0x80, s22, s19, $0xb8;
	[tilespmem:$0x1BE00] =	vst v63  }
0x5e: {  	_ = 	snop  }
0x5f: {  	[spmem:s1] =	stream.indirect.scatter.add.f32 [tilespmem:s20], [sflag:$0x3], $0x80, s24, s19, $0xb8;
	[tilespmem:$0x1BE00] =	vst v63  }
0x60: {  	_ =	swait.ge [sflag:s26], $0x4000  }
0x61: {  	[sflag:s26] =	ssyncset.done $0x0  }
0x62: {  	[sflag:s26] =	ssyncadd.s32 $0xFFFFC000  }
0x63: {  	_ =	swait.ge [sflag:s28], $0x4000  }
0x64: {  	[sflag:s28] =	ssyncset.done $0x0  }
0x65: {  	s3 =	sadd.s32 s3, s14;
	[sflag:s28] =	ssyncadd.s32 $0xFFFFC000  }
0x66: {  	[tilespmem:s18], [sflag:$0x5] =	stream.linear.gather [hbm4b:s3+s2], $0x100, $0x38;
	[tilespmem:$0x1BE00] =	vst v63  }
.Ltmp0:
0x67: {  	_ = 	snop;
	(pc) =	sbr.rel @p1 .LBB2_2-.Ltmp0, $4  }
0x68: {  	_ =	swait.ge [sflag:s17], $0x100  }
0x69: {  	[sflag:s17] =	ssyncset.done $0x0  }
0x6a: {  	[sflag:s17] =	ssyncadd.s32 $0xFFFFFF00  }
0x6b: {  	[tilespmem:s20], [sflag:$0x1] =	stream.indirect.gather [hbm4b:s4+s19], $0x80, s18, s19, $0xb8;
	[tilespmem:$0x1BE00] =	vst v63  }
0x6c: {  	[spmem:s1] =	stream.indirect.scatter.add.f32 [tilespmem:s23], [sflag:$0x4], $0x80, s29, s19, $0xb8;
	[tilespmem:$0x1BE00] =	vst v63  }
0x6d: {  	_ =	swait.ge [sflag:s21], $0x4000  }
0x6e: {  	[sflag:s21] =	ssyncset.done $0x0  }
0x6f: {  	[sflag:s21] =	ssyncadd.s32 $0xFFFFC000  }
0x70: {  	[spmem:s1] =	stream.indirect.scatter.add.f32 [tilespmem:s20], [sflag:$0x3], $0x80, s24, s19, $0xb8;
	[tilespmem:$0x1BE00] =	vst v63  }
0x71: {  	_ =	swait.ge [sflag:s28], $0x4000  }
0x72: {  	[sflag:s28] =	ssyncset.done $0x0  }
0x73: {  	[sflag:s28] =	ssyncadd.s32 $0xFFFFC000  }
0x74: {  	_ =	swait.ge [sflag:s30], $0x4000  }
0x75: {  	[sflag:s30] =	ssyncset.done $0x0  }
0x76: {  	[sflag:s30] =	ssyncadd.s32 $0xFFFFC000  }
0x77: {  	s0 =	simm.s32 @p0 $0x5;
	[bflag:$0x0] =	sbarrier.arrive $0xFFFF  }
0x78: {  	[hbm:s10], [sflag:s7] =	dma.local @p0 [spmem:s25], $0x2080  }
0x79: {  	_ =	swait.ge @p0 [sflag:s0], $0x2080  }
0x7a: {  	s31 =	sadd.s32 $0x1, s31;
	[sflag:s0] =	ssyncset.done @p0 $0x0  }
0x7b: {  	p1 =	sne.s32 s31, s11;
	[sflag:s0] =	ssyncadd.s32 @p0 $0xFFFFDF80;
	s0 =	sshrl.u32 @!p0 s6, $0x3  }
0x7c: {  	[hbm:s9], [sflag:s7] =	dma.local @!p0 [spmem:s0], $0x2780  }
.Ltmp1:
0x7d: {  	_ = 	snop;
	(pc) =	sbr.rel @p1 .LBB2_1-.Ltmp1, $4  }
0x7e: {  	s0 =	simm.s32 @!p0 $0x5  }
0x7f: {  	_ =	swait.ge @!p0 [sflag:s0], $0x2780  }
0x80: {  	[sflag:s0] =	ssyncset.done @!p0 $0x0  }
0x81: {  	[sflag:s0] =	ssyncadd.s32 @!p0 $0xFFFFD880  }
0x82: {  	_ =	sfence.sel $0x180000  }
0x83: {  	[bflag:$0x0] =	sbarrier.arrive $0xFFFF  }
0x84: {  	_ =	strace $0x90000050  }
0x85: {  	s0 =	stileid.u32;
	[bflag:$0x2] =	sbarrier.arrive $0xFFFF  }
0x86: {  	p0 =	sne.s32 s0, $0x0;
	s0 =	rddreg [dreg:$0x2]  }
0x87: {  	s0 =	sadd.s32 @!p0 $0x100000, s0  }
0x88: {  	[sflag:s0] =	ssyncadd.tile.s32 @!p0 $0x1;
	_ =	shalt  }
.Lfunc_end2:
_tile_overlayer_lowered:
.L_overlay_start_2:
0x89: {  	(tag) =	ssettag $0x2  }
0x8a: {  	s0 =	rddreg [dreg:$0x0];
	s2 =	stileid.u32  }
0x8b: {  	s1 =	rddreg [dreg:$0x1];
	p0 =	sne.s32 s2, $0x0  }
0x8c: {  	s3 =	rddreg [dreg:$0x2];
	[bflag:$0x3] =	sbarrier.arrive $0xFFFF;
	s2 =	simm.s32 @!p0 $0x1C05  }
0x8d: {  	[timem:s3], [sflag:s2] =	dma.local @!p0 [hbm:s0], s1  }
0x8e: {  	s0 =	simm.s32 @!p0 $0x5  }
0x8f: {  	_ =	swait.ge @!p0 [sflag:s0], s1  }
0x90: {  	s1 =	ssub.s32 @!p0 $0x0, s1;
	[sflag:s0] =	ssyncset.done @!p0 $0x0  }
0x91: {  	[sflag:s0] =	ssyncadd.s32 @!p0 s1  }
0x92: {  	[bflag:$0x3] =	sbarrier.arrive $0xFFFF  }
0x93: {  	_ =	shalt  }

</sc_bundles>
